<compile_context>
chip_gen: v7x
topology: tpu7x:2x2x1
jax: 0.10.2.dev20260603
libtpu: 0.0.44.dev20260713+nightly
codegen_flags: <defaults>
</compile_context>

<pallas_src>
import jax
import jax.numpy as jnp
from jax import lax
from jax.experimental import pallas as pl
from jax.experimental.pallas import tpu as pltpu
from jax.experimental.pallas import tpu_sc as plsc

N_NODES = 10000
D_FEAT = 128
C_OUT = 40
C_PAD = 40
COLS = (0, 16, 24)
E_ORIG = 320000

NC, NS, L = 2, 16, 16
NW = NC * NS

IDX_W = 128
ROWS_E = E_ORIG // IDX_W
RPT = ROWS_E // NW
N_XTRA = ROWS_E - RPT * NW
XBASE = RPT * NW
BLK = 1000
G = 3
NPAIR = RPT // (2 * G)



def _deg_body(ei_hbm, hist_out, dstbuf, histbuf):
    c = lax.axis_index("c")
    s = lax.axis_index("s")
    wid = s * NC + c
    zeros = jnp.zeros((L,), jnp.float32)

    def zbody(i, carry):
        histbuf[i, pl.ds(0, L)] = zeros
        return carry

    lax.fori_loop(0, N_NODES // L, zbody, 0)
    pltpu.sync_copy(ei_hbm.at[1, pl.ds(wid * RPT, RPT)], dstbuf)
    ones = jnp.ones((L,), jnp.float32)
    gpr = IDX_W // L

    def count_row(r, j):
        idx = dstbuf[r, pl.ds(j * L, L)]
        plsc.addupdate_scatter(histbuf, [idx >> 4, idx & 15], ones)

    def body(i, carry):
        count_row(i // gpr, i % gpr)
        return carry

    lax.fori_loop(0, RPT * gpr, body, 0)

    @pl.when(wid < N_XTRA)
    def _():
        pltpu.sync_copy(ei_hbm.at[1, pl.ds(XBASE + wid, 1)],
                        dstbuf.at[pl.ds(0, 1)])

        def xbody(j, carry):
            count_row(0, j)
            return carry

        lax.fori_loop(0, gpr, xbody, 0)

    pltpu.sync_copy(histbuf, hist_out.at[wid])


def _deg_call(ei3):
    mesh = plsc.VectorSubcoreMesh(core_axis_name="c", subcore_axis_name="s")
    return pl.kernel(
        _deg_body,
        out_type=jax.ShapeDtypeStruct((NW, N_NODES // L, L), jnp.float32),
        mesh=mesh,
        scratch_types=[
            pltpu.VMEM((RPT, IDX_W), jnp.int32),
            pltpu.VMEM((N_NODES // L, L), jnp.float32),
        ],
        compiler_params=pltpu.CompilerParams(
            needs_layout_passes=False, use_tc_tiling_on_sc=False),
    )(ei3)


RPS = 320
R16 = RPS // L


def _rsqrt_vec(deg):
    i = plsc.bitcast(deg, jnp.int32)
    y = plsc.bitcast(jnp.int32(0x5F3759DF) - (i >> 1), jnp.float32)
    for _ in range(3):
        y = y * (1.5 - 0.5 * deg * y * y)
    return y


def _g0sc_body(z_hbm, hist_hbm, g0_hbm, dinv_hbm, d2_hbm,
               zv, hv, g0v, dv, d2v, sem):
    c = lax.axis_index("c")
    s = lax.axis_index("s")
    wid = s * NC + c
    base = jnp.minimum(wid * RPS, N_NODES - RPS)
    b16 = jnp.minimum(wid * R16, N_NODES // L - R16)
    cp1 = pltpu.async_copy(hist_hbm.at[:, pl.ds(b16, R16), :], hv, sem)
    cp2 = pltpu.async_copy(z_hbm.at[pl.ds(base, RPS)], zv, sem)
    cp1.wait()
    cp2.wait()

    def dbody(r2, carry):
        acc = hv[0, r2, pl.ds(0, L)]
        for w in range(1, NW):
            acc = acc + hv[w, r2, pl.ds(0, L)]
        deg = acc + 1.0
        y = _rsqrt_vec(deg)
        dv[pl.ds(r2 * L, L)] = y
        d2v[pl.ds(r2 * L, L)] = y * y
        return carry

    lax.fori_loop(0, R16, dbody, 0)

    def rbody(r4, carry):
        for u in range(4):
            r = r4 * 4 + u
            dd = plsc.load_gather(dv, [jnp.full((L,), r, jnp.int32)])
            for o in COLS:
                g0v[r, pl.ds(o, L)] = zv[r, pl.ds(o, L)] * dd
        return carry

    lax.fori_loop(0, RPS // 4, rbody, 0)
    pltpu.sync_copy(g0v, g0_hbm.at[pl.ds(base, RPS)])
    pltpu.sync_copy(dv, dinv_hbm.at[pl.ds(base, RPS)])
    pltpu.sync_copy(d2v, d2_hbm.at[pl.ds(base, RPS)])


def _g0sc_call(z, hist3):
    mesh = plsc.VectorSubcoreMesh(core_axis_name="c", subcore_axis_name="s")
    return pl.kernel(
        _g0sc_body,
        out_type=[
            jax.ShapeDtypeStruct((N_NODES, C_PAD), jnp.float32),
            jax.ShapeDtypeStruct((N_NODES,), jnp.float32),
            jax.ShapeDtypeStruct((N_NODES,), jnp.float32),
        ],
        mesh=mesh,
        scratch_types=[
            pltpu.VMEM((RPS, C_PAD), jnp.float32),
            pltpu.VMEM((NW, R16, L), jnp.float32),
            pltpu.VMEM((RPS, C_PAD), jnp.float32),
            pltpu.VMEM((RPS,), jnp.float32),
            pltpu.VMEM((RPS,), jnp.float32),
            pltpu.SemaphoreType.DMA,
        ],
        compiler_params=pltpu.CompilerParams(
            needs_layout_passes=False, use_tc_tiling_on_sc=False),
    )(z, hist3)


def _scalesc_body(g0_hbm, parts_hbm, d2_hbm, g1_hbm,
                  g0v, pav, pbv, d2v, g1v, sem):
    c = lax.axis_index("c")
    s = lax.axis_index("s")
    wid = s * NC + c
    base = jnp.minimum(wid * RPS, N_NODES - RPS)
    cps = [
        pltpu.async_copy(g0_hbm.at[pl.ds(base, RPS)], g0v, sem),
        pltpu.async_copy(parts_hbm.at[0, pl.ds(base, RPS)], pav, sem),
        pltpu.async_copy(parts_hbm.at[1, pl.ds(base, RPS)], pbv, sem),
        pltpu.async_copy(d2_hbm.at[pl.ds(base, RPS)], d2v, sem),
    ]
    for cp in cps:
        cp.wait()

    def rbody(r4, carry):
        for u in range(4):
            r = r4 * 4 + u
            dd = plsc.load_gather(d2v, [jnp.full((L,), r, jnp.int32)])
            for o in COLS:
                sl = pl.ds(o, L)
                g1v[r, sl] = (g0v[r, sl] + pav[r, sl] + pbv[r, sl]) * dd
        return carry

    lax.fori_loop(0, RPS // 4, rbody, 0)
    pltpu.sync_copy(g1v, g1_hbm.at[pl.ds(base, RPS)])


def _scalesc_call(g0, parts, d2):
    mesh = plsc.VectorSubcoreMesh(core_axis_name="c", subcore_axis_name="s")
    return pl.kernel(
        _scalesc_body,
        out_type=jax.ShapeDtypeStruct((N_NODES, C_PAD), jnp.float32),
        mesh=mesh,
        scratch_types=[
            pltpu.VMEM((RPS, C_PAD), jnp.float32),
            pltpu.VMEM((RPS, C_PAD), jnp.float32),
            pltpu.VMEM((RPS, C_PAD), jnp.float32),
            pltpu.VMEM((RPS,), jnp.float32),
            pltpu.VMEM((RPS, C_PAD), jnp.float32),
            pltpu.SemaphoreType.DMA,
        ],
        compiler_params=pltpu.CompilerParams(
            needs_layout_passes=False, use_tc_tiling_on_sc=False),
    )(g0, parts, d2)


def _prop_body(g_hbm, ei_hbm, out_hbm, srcbuf, dstbuf, *rest):
    bufs_a = rest[:G]
    bufs_b = rest[G:2 * G]
    semga, semgb, semsa, semsb, acc = rest[2 * G:]
    c = lax.axis_index("c")
    s = lax.axis_index("s")
    wid = s * NC + c
    rps = N_NODES // NS

    with jax.named_scope("ldidx"):
        cps = pltpu.async_copy(ei_hbm.at[0, pl.ds(wid * RPT, RPT)], srcbuf,
                               semga)
        cpd = pltpu.async_copy(ei_hbm.at[1, pl.ds(wid * RPT, RPT)], dstbuf,
                               semgb)
    zeros = jnp.zeros((L,), jnp.float32)

    def zbody(r, carry):
        for o in COLS:
            bufs_a[0][r, pl.ds(o, L)] = zeros
        return carry

    lax.fori_loop(0, IDX_W, zbody, 0)

    zch = rps // 5

    def zcopy(i, carry):
        pltpu.sync_copy(bufs_a[0].at[pl.ds(0, zch)],
                        acc.at[pl.ds(s * rps + i * zch, zch)])
        return carry

    with jax.named_scope("acc_zero"):
        lax.fori_loop(0, 5, zcopy, 0)
    cps.wait()
    cpd.wait()

    def gath(j, buf, sem):
        pltpu.async_copy(g_hbm.at[srcbuf.at[j]], buf, sem)

    def gwait(buf, sem):
        pltpu.make_async_copy(g_hbm.at[srcbuf.at[0]], buf, sem).wait()

    def scat(j, buf, sem):
        pltpu.async_copy(buf, acc.at[dstbuf.at[j]], sem, add=True)

    def swait(buf, sem):
        pltpu.make_async_copy(buf, acc.at[dstbuf.at[0]], sem).wait()

    for k in range(G):
        gath(k, bufs_a[k], semga)
    plsc.subcore_barrier()

    def pbody(i, carry):
        ja = (2 * i) * G
        jb = ja + G
        for k in range(G):
            gath(jb + k, bufs_b[k], semgb)
        for k in range(G):
            gwait(bufs_a[k], semga)
        for k in range(G):
            scat(ja + k, bufs_a[k], semsa)

        @pl.when(i < NPAIR - 1)
        def _():
            for k in range(G):
                swait(bufs_a[k], semsa)
            for k in range(G):
                gath(jb + G + k, bufs_a[k], semga)

        for k in range(G):
            gwait(bufs_b[k], semgb)
        for k in range(G):
            scat(jb + k, bufs_b[k], semsb)
        for k in range(G):
            swait(bufs_b[k], semsb)
        return carry

    with jax.named_scope("edges"):
        lax.fori_loop(0, NPAIR, pbody, 0)
        for k in range(G):
            swait(bufs_a[k], semsa)

        @pl.when(wid < N_XTRA)
        def _():
            pltpu.sync_copy(ei_hbm.at[0, pl.ds(XBASE + wid, 1)],
                            srcbuf.at[pl.ds(0, 1)])
            pltpu.sync_copy(ei_hbm.at[1, pl.ds(XBASE + wid, 1)],
                            dstbuf.at[pl.ds(0, 1)])
            gath(0, bufs_a[0], semga)
            gwait(bufs_a[0], semga)
            scat(0, bufs_a[0], semsa)
            swait(bufs_a[0], semsa)

    plsc.subcore_barrier()
    with jax.named_scope("wb"):
        pltpu.sync_copy(acc.at[pl.ds(s * rps, rps)],
                        out_hbm.at[c, pl.ds(s * rps, rps)])


def _prop_call(g, ei3):
    mesh = plsc.VectorSubcoreMesh(core_axis_name="c", subcore_axis_name="s")
    return pl.kernel(
        _prop_body,
        out_type=jax.ShapeDtypeStruct((NC, N_NODES, C_PAD), jnp.float32),
        mesh=mesh,
        scratch_types=(
            [pltpu.VMEM((RPT, IDX_W), jnp.int32),
             pltpu.VMEM((RPT, IDX_W), jnp.int32)]
            + [pltpu.VMEM((IDX_W, C_PAD), jnp.float32)] * (2 * G)
            + [pltpu.SemaphoreType.DMA] * 4
            + [pltpu.VMEM_SHARED((N_NODES, C_PAD), jnp.float32)]
        ),
        compiler_params=pltpu.CompilerParams(
            needs_layout_passes=False, use_tc_tiling_on_sc=False),
    )(g, ei3)



def _mm_body(x_ref, w_ref, z_ref):
    z_ref[...] = jnp.dot(x_ref[...], w_ref[...],
                         preferred_element_type=jnp.float32)


def _mm_call(x, w):
    return pl.pallas_call(
        _mm_body,
        grid=(N_NODES // BLK,),
        in_specs=[
            pl.BlockSpec((BLK, D_FEAT), lambda i: (i, 0)),
            pl.BlockSpec((D_FEAT, C_PAD), lambda i: (0, 0)),
        ],
        out_specs=pl.BlockSpec((BLK, C_PAD), lambda i: (i, 0)),
        out_shape=jax.ShapeDtypeStruct((N_NODES, C_PAD), jnp.float32),
    )(x, w)


def _final_body(g1_ref, q_ref, dinv_ref, b_ref, out_ref):
    t = g1_ref[...] + q_ref[0] + q_ref[1]
    dinv = dinv_ref[pl.program_id(0)]
    logits = t * dinv[:, None] + b_ref[...][None, :]
    m = jnp.max(logits, axis=1, keepdims=True)
    e = jnp.exp(logits - m)
    out_ref[...] = logits - m - jnp.log(jnp.sum(e, axis=1, keepdims=True))


def _final_call(g1, parts, dinv, b):
    return pl.pallas_call(
        _final_body,
        grid=(N_NODES // BLK,),
        in_specs=[
            pl.BlockSpec((BLK, C_PAD), lambda i: (i, 0)),
            pl.BlockSpec((NC, BLK, C_PAD), lambda i: (0, i, 0)),
            pl.BlockSpec((N_NODES // BLK, BLK), lambda i: (0, 0)),
            pl.BlockSpec((C_OUT,), lambda i: (0,)),
        ],
        out_specs=pl.BlockSpec((BLK, C_OUT), lambda i: (i, 0)),
        out_shape=jax.ShapeDtypeStruct((N_NODES, C_OUT), jnp.float32),
    )(g1, parts, dinv.reshape(N_NODES // BLK, BLK), b)



def kernel(x, edge_index, W, b):
    ei3 = edge_index.astype(jnp.int32).reshape(2, ROWS_E, IDX_W)
    z = _mm_call(x, W)
    hist3 = _deg_call(ei3)
    g0, dinv, d2 = _g0sc_call(z, hist3)
    s0 = _prop_call(g0, ei3)
    g1 = _scalesc_call(g0, s0, d2)
    s1 = _prop_call(g1, ei3)
    return _final_call(g1, s1, dinv, b)

# --- scband reference (transcript-rebuilt; emitter-appended) ---
"""Pipeline reference for scband-sgc-24524263260254 (READ-ONLY COPY).

The authoritative reference and input builder live on the scoring server;
editing this copy changes nothing except your own understanding.
"""

import jax, jax.numpy as jnp
import numpy as np

N_NODES = 10000
N_EDGES = 320000
D_FEAT = 128
N_CLASSES = 40
K = 2


def setup_inputs(seed: int = 0) -> dict:
    key = jax.random.key(seed)
    k1, k2, k3, k4 = jax.random.split(key, 4)
    x = jax.random.normal(k1, (N_NODES, D_FEAT), dtype=jnp.float32)
    edge_index = jax.random.randint(k2, (2, N_EDGES), 0, N_NODES, dtype=jnp.int64)
    # Linear layer params of SGConv (in=D_FEAT, out=N_CLASSES)
    limit = 1.0 / np.sqrt(D_FEAT)
    W = jax.random.uniform(k3, (D_FEAT, N_CLASSES), minval=-limit, maxval=limit, dtype=jnp.float32)
    b = jax.random.uniform(k4, (N_CLASSES,), minval=-limit, maxval=limit, dtype=jnp.float32)
    return {"x": x, "edge_index": edge_index, "W": W, "b": b}


def reference(x, edge_index, W, b):
    N = x.shape[0]
    src = edge_index[0]
    dst = edge_index[1]
    # add self loops (gcn_norm default in SGConv)
    loop = jnp.arange(N, dtype=edge_index.dtype)
    src = jnp.concatenate([src, loop])
    dst = jnp.concatenate([dst, loop])
    # symmetric normalization D^-1/2 (A+I) D^-1/2
    deg = jnp.zeros((N,), dtype=x.dtype).at[dst].add(1.0)
    deg_inv_sqrt = jnp.where(deg > 0, deg ** -0.5, 0.0)
    norm = deg_inv_sqrt[src] * deg_inv_sqrt[dst]
    # K propagation steps
    h = x
    for _ in range(K):
        msg = h[src] * norm[:, None]
        h = jnp.zeros_like(h).at[dst].add(msg)
    # linear projection, then log_softmax (SGC forward)
    out = h @ W + b
    return jax.nn.log_softmax(out, axis=1)

if __name__ == "__main__":
    import jax
    _d = setup_inputs()
    print(jax.jit(kernel)(*tuple(_d.values())))

</pallas_src>

<mosaic_0001>
#map = affine_map<(d0, d1) -> (0, 0)>
#map1 = affine_map<(d0, d1) -> (0, 0, 0)>
module attributes {stable_mosaic.version = 14 : i64} {
  func.func @_prop_body(%arg0: i32, %arg1: i32, %arg2: memref<10000x40xf32, #tpu.memory_space<hbm>>, %arg3: memref<2x2500x128xi32, #tpu.memory_space<hbm>>, %arg4: memref<2x10000x40xf32, #tpu.memory_space<hbm>>, %arg5: memref<78x128xi32, #tpu.memory_space<vmem>>, %arg6: memref<78x128xi32, #tpu.memory_space<vmem>>, %arg7: memref<128x40xf32, #tpu.memory_space<vmem>>, %arg8: memref<128x40xf32, #tpu.memory_space<vmem>>, %arg9: memref<128x40xf32, #tpu.memory_space<vmem>>, %arg10: memref<128x40xf32, #tpu.memory_space<vmem>>, %arg11: memref<128x40xf32, #tpu.memory_space<vmem>>, %arg12: memref<128x40xf32, #tpu.memory_space<vmem>>, %arg13: memref<!tpu.dma_semaphore, #tpu.memory_space<semaphore_mem>>, %arg14: memref<!tpu.dma_semaphore, #tpu.memory_space<semaphore_mem>>, %arg15: memref<!tpu.dma_semaphore, #tpu.memory_space<semaphore_mem>>, %arg16: memref<!tpu.dma_semaphore, #tpu.memory_space<semaphore_mem>>, %arg17: memref<10000x40xf32, #tpu.memory_space<vmem_shared>>) attributes {dimension_semantics = [#tpu.dimension_semantics<core_parallel>, #tpu.dimension_semantics<subcore_parallel>], iteration_bounds = array<i64: 2, 16>, scalar_prefetch = 0 : i64, scratch_operands = 13 : i64, tpu.core_type = #tpu.core_type<sc_vector_subcore>, window_params = [{transform_indices = #map}, {transform_indices = #map1}, {transform_indices = #map1}]} {
    %mul3A = arith.constant 2 : i32
    %mul3A_0 = arith.muli %arg1, %mul3A : i32
    %add3A = arith.addi %mul3A_0, %arg0 : i32
    "tpu.trace_start"() <{level = 10 : i32, message = "ldidx"}> : () -> ()
    %mul3A_1 = arith.constant 78 : i32
    %mul3A_2 = arith.muli %add3A, %mul3A_1 : i32
    %dma_start3A = arith.constant 0 : i32
    %dma_start3A_3 = arith.constant 0 : i32
    %dma_start3A_4 = tpu.memref_slice %arg3[%dma_start3A, %mul3A_2, %dma_start3A_3] : memref<2x2500x128xi32, #tpu.memory_space<hbm>> -> memref<1x78x128xi32, #tpu.memory_space<hbm>>
    %dma_start3A_5 = tpu.memref_squeeze %dma_start3A_4 : memref<1x78x128xi32, #tpu.memory_space<hbm>> -> memref<78x128xi32, #tpu.memory_space<hbm>>
    %dma_start3A_6 = arith.constant 0 : i32
    %dma_start3A_7 = tpu.memref_slice %arg3[%dma_start3A, %mul3A_2, %dma_start3A_6] : memref<2x2500x128xi32, #tpu.memory_space<hbm>> -> memref<1x78x128xi32, #tpu.memory_space<hbm>>
    %dma_start3A_8 = tpu.memref_squeeze %dma_start3A_7 : memref<1x78x128xi32, #tpu.memory_space<hbm>> -> memref<78x128xi32, #tpu.memory_space<hbm>>
    tpu.enqueue_dma source(%dma_start3A_8 : memref<78x128xi32, #tpu.memory_space<hbm>>) target(%arg5 : memref<78x128xi32, #tpu.memory_space<vmem>>) target_semaphore(%arg13 : memref<!tpu.dma_semaphore, #tpu.memory_space<semaphore_mem>>)
    %mul3A_9 = arith.constant 78 : i32
    %mul3A_10 = arith.muli %add3A, %mul3A_9 : i32
    %dma_start3A_11 = arith.constant 1 : i32
    %dma_start3A_12 = arith.constant 0 : i32
    %dma_start3A_13 = tpu.memref_slice %arg3[%dma_start3A_11, %mul3A_10, %dma_start3A_12] : memref<2x2500x128xi32, #tpu.memory_space<hbm>> -> memref<1x78x128xi32, #tpu.memory_space<hbm>>
    %dma_start3A_14 = tpu.memref_squeeze %dma_start3A_13 : memref<1x78x128xi32, #tpu.memory_space<hbm>> -> memref<78x128xi32, #tpu.memory_space<hbm>>
    %dma_start3A_15 = arith.constant 0 : i32
    %dma_start3A_16 = tpu.memref_slice %arg3[%dma_start3A_11, %mul3A_10, %dma_start3A_15] : memref<2x2500x128xi32, #tpu.memory_space<hbm>> -> memref<1x78x128xi32, #tpu.memory_space<hbm>>
    %dma_start3A_17 = tpu.memref_squeeze %dma_start3A_16 : memref<1x78x128xi32, #tpu.memory_space<hbm>> -> memref<78x128xi32, #tpu.memory_space<hbm>>
    tpu.enqueue_dma source(%dma_start3A_17 : memref<78x128xi32, #tpu.memory_space<hbm>>) target(%arg6 : memref<78x128xi32, #tpu.memory_space<vmem>>) target_semaphore(%arg14 : memref<!tpu.dma_semaphore, #tpu.memory_space<semaphore_mem>>)
    %broadcast_in_dim3A = arith.constant 0.000000e+00 : f32
    "tpu.trace_stop"() : () -> ()
    %broadcast_in_dim3A_18 = vector.broadcast %broadcast_in_dim3A : f32 to vector<16xf32>
    %scan3A = arith.constant 0 : i32
    %scan3A_19 = arith.constant 0 : i32
    %scan3A_20 = arith.constant 128 : i32
    %scan3A_21 = arith.addi %scan3A_19, %scan3A_20 : i32
    %scan3A_22 = arith.constant 1 : i32
    scf.for %scan3A_98 = %scan3A_19 to %scan3A_21 step %scan3A_22  : i32 {
      %swap3A = arith.index_cast %scan3A_98 : i32 to index
      %swap3A_99 = arith.constant 0 : index
      %swap3A_100 = tpu.vector_load %arg7[%swap3A, %swap3A_99] {strides = array<i32>} : memref<128x40xf32, #tpu.memory_space<vmem>>, vector<16xf32>,
      tpu.vector_store %arg7[%swap3A, %swap3A_99], %broadcast_in_dim3A_18 {strides = array<i32>} : memref<128x40xf32, #tpu.memory_space<vmem>>, vector<16xf32>,
      %swap3A_101 = arith.index_cast %scan3A_98 : i32 to index
      %swap3A_102 = arith.constant 16 : index
      %swap3A_103 = tpu.vector_load %arg7[%swap3A_101, %swap3A_102] {strides = array<i32>} : memref<128x40xf32, #tpu.memory_space<vmem>>, vector<16xf32>,
      tpu.vector_store %arg7[%swap3A_101, %swap3A_102], %broadcast_in_dim3A_18 {strides = array<i32>} : memref<128x40xf32, #tpu.memory_space<vmem>>, vector<16xf32>,
      %swap3A_104 = arith.index_cast %scan3A_98 : i32 to index
      %swap3A_105 = arith.constant 24 : index
      %swap3A_106 = tpu.vector_load %arg7[%swap3A_104, %swap3A_105] {strides = array<i32>} : memref<128x40xf32, #tpu.memory_space<vmem>>, vector<16xf32>,
      tpu.vector_store %arg7[%swap3A_104, %swap3A_105], %broadcast_in_dim3A_18 {strides = array<i32>} : memref<128x40xf32, #tpu.memory_space<vmem>>, vector<16xf32>,
    }
    %scan3A_23 = arith.constant 128 : i32
    "tpu.trace_start"() <{level = 10 : i32, message = "acc_zero"}> : () -> ()
    %scan3A_24 = arith.constant 0 : i32
    %scan3A_25 = arith.constant 0 : i32
    %scan3A_26 = arith.constant 5 : i32
    %scan3A_27 = arith.addi %scan3A_25, %scan3A_26 : i32
    %scan3A_28 = arith.constant 1 : i32
    scf.for %scan3A_98 = %scan3A_25 to %scan3A_27 step %scan3A_28  : i32 {
      %mul3A_99 = arith.constant 625 : i32
      %mul3A_100 = arith.muli %arg1, %mul3A_99 : i32
      %mul3A_101 = arith.constant 125 : i32
      %mul3A_102 = arith.muli %scan3A_98, %mul3A_101 : i32
      %add3A_103 = arith.addi %mul3A_100, %mul3A_102 : i32
      "tpu.region"() ({
        %run_scoped3A = tpu.sem_alloc : memref<!tpu.dma_semaphore, #tpu.memory_space<semaphore_mem>>
        %dma_start3A_104 = arith.constant 0 : i32
        %dma_start3A_105 = arith.constant 0 : i32
        %dma_start3A_106 = tpu.memref_slice %arg7[%dma_start3A_104, %dma_start3A_105] : memref<128x40xf32, #tpu.memory_space<vmem>> -> memref<125x40xf32, #tpu.memory_space<vmem>>
        %dma_start3A_107 = arith.constant 0 : i32
        %dma_start3A_108 = tpu.memref_slice %arg17[%add3A_103, %dma_start3A_107] : memref<10000x40xf32, #tpu.memory_space<vmem_shared>> -> memref<125x40xf32, #tpu.memory_space<vmem_shared>>
        %dma_start3A_109 = arith.constant 0 : i32
        %dma_start3A_110 = tpu.memref_slice %arg17[%add3A_103, %dma_start3A_109] : memref<10000x40xf32, #tpu.memory_space<vmem_shared>> -> memref<125x40xf32, #tpu.memory_space<vmem_shared>>
        %dma_start3A_111 = arith.constant 0 : i32
        %dma_start3A_112 = arith.constant 0 : i32
        %dma_start3A_113 = tpu.memref_slice %arg7[%dma_start3A_111, %dma_start3A_112] : memref<128x40xf32, #tpu.memory_space<vmem>> -> memref<125x40xf32, #tpu.memory_space<vmem>>
        tpu.enqueue_dma source(%dma_start3A_113 : memref<125x40xf32, #tpu.memory_space<vmem>>) target(%dma_start3A_110 : memref<125x40xf32, #tpu.memory_space<vmem_shared>>) target_semaphore(%run_scoped3A : memref<!tpu.dma_semaphore, #tpu.memory_space<semaphore_mem>>)
        %dma_wait3A_114 = arith.constant 0 : i32
        %dma_wait3A_115 = arith.constant 0 : i32
        %dma_wait3A_116 = tpu.memref_slice %arg7[%dma_wait3A_114, %dma_wait3A_115] : memref<128x40xf32, #tpu.memory_space<vmem>> -> memref<125x40xf32, #tpu.memory_space<vmem>>
        %dma_wait3A_117 = arith.constant 0 : i32
        %dma_wait3A_118 = tpu.memref_slice %arg17[%add3A_103, %dma_wait3A_117] : memref<10000x40xf32, #tpu.memory_space<vmem_shared>> -> memref<125x40xf32, #tpu.memory_space<vmem_shared>>
        %dma_wait3A_119 = arith.constant 0 : i32
        %dma_wait3A_120 = tpu.memref_slice %arg17[%add3A_103, %dma_wait3A_119] : memref<10000x40xf32, #tpu.memory_space<vmem_shared>> -> memref<125x40xf32, #tpu.memory_space<vmem_shared>>
        %dma_wait3A_121 = arith.constant 0 : i32
        %dma_wait3A_122 = arith.constant 0 : i32
        %dma_wait3A_123 = tpu.memref_slice %arg7[%dma_wait3A_121, %dma_wait3A_122] : memref<128x40xf32, #tpu.memory_space<vmem>> -> memref<125x40xf32, #tpu.memory_space<vmem>>
        tpu.wait_dma2 semaphore(%run_scoped3A : memref<!tpu.dma_semaphore, #tpu.memory_space<semaphore_mem>>) src(%dma_wait3A_123 : memref<125x40xf32, #tpu.memory_space<vmem>>) dst(%dma_wait3A_120 : memref<125x40xf32, #tpu.memory_space<vmem_shared>>)
        tpu.yield
      }) : () -> ()
    }
    %scan3A_29 = arith.constant 5 : i32
    %dma_wait3A = arith.constant 0 : i32
    "tpu.trace_stop"() : () -> ()
    %dma_wait3A_30 = arith.constant 0 : i32
    %dma_wait3A_31 = tpu.memref_slice %arg3[%dma_wait3A, %mul3A_2, %dma_wait3A_30] : memref<2x2500x128xi32, #tpu.memory_space<hbm>> -> memref<1x78x128xi32, #tpu.memory_space<hbm>>
    %dma_wait3A_32 = tpu.memref_squeeze %dma_wait3A_31 : memref<1x78x128xi32, #tpu.memory_space<hbm>> -> memref<78x128xi32, #tpu.memory_space<hbm>>
    %dma_wait3A_33 = arith.constant 0 : i32
    %dma_wait3A_34 = tpu.memref_slice %arg3[%dma_wait3A, %mul3A_2, %dma_wait3A_33] : memref<2x2500x128xi32, #tpu.memory_space<hbm>> -> memref<1x78x128xi32, #tpu.memory_space<hbm>>
    %dma_wait3A_35 = tpu.memref_squeeze %dma_wait3A_34 : memref<1x78x128xi32, #tpu.memory_space<hbm>> -> memref<78x128xi32, #tpu.memory_space<hbm>>
    tpu.wait_dma2 semaphore(%arg13 : memref<!tpu.dma_semaphore, #tpu.memory_space<semaphore_mem>>) src(%dma_wait3A_35 : memref<78x128xi32, #tpu.memory_space<hbm>>) dst(%arg5 : memref<78x128xi32, #tpu.memory_space<vmem>>)
    %dma_wait3A_36 = arith.constant 1 : i32
    %dma_wait3A_37 = arith.constant 0 : i32
    %dma_wait3A_38 = tpu.memref_slice %arg3[%dma_wait3A_36, %mul3A_10, %dma_wait3A_37] : memref<2x2500x128xi32, #tpu.memory_space<hbm>> -> memref<1x78x128xi32, #tpu.memory_space<hbm>>
    %dma_wait3A_39 = tpu.memref_squeeze %dma_wait3A_38 : memref<1x78x128xi32, #tpu.memory_space<hbm>> -> memref<78x128xi32, #tpu.memory_space<hbm>>
    %dma_wait3A_40 = arith.constant 0 : i32
    %dma_wait3A_41 = tpu.memref_slice %arg3[%dma_wait3A_36, %mul3A_10, %dma_wait3A_40] : memref<2x2500x128xi32, #tpu.memory_space<hbm>> -> memref<1x78x128xi32, #tpu.memory_space<hbm>>
    %dma_wait3A_42 = tpu.memref_squeeze %dma_wait3A_41 : memref<1x78x128xi32, #tpu.memory_space<hbm>> -> memref<78x128xi32, #tpu.memory_space<hbm>>
    tpu.wait_dma2 semaphore(%arg14 : memref<!tpu.dma_semaphore, #tpu.memory_space<semaphore_mem>>) src(%dma_wait3A_42 : memref<78x128xi32, #tpu.memory_space<hbm>>) dst(%arg6 : memref<78x128xi32, #tpu.memory_space<vmem>>)
    %dma_start3A_43 = arith.constant 0 : i32
    %dma_start3A_44 = arith.constant 0 : i32
    %dma_start3A_45 = tpu.memref_slice %arg5[%dma_start3A_43, %dma_start3A_44] : memref<78x128xi32, #tpu.memory_space<vmem>> -> memref<1x128xi32, #tpu.memory_space<vmem>>
    %dma_start3A_46 = tpu.memref_squeeze %dma_start3A_45 : memref<1x128xi32, #tpu.memory_space<vmem>> -> memref<128xi32, #tpu.memory_space<vmem>>
    %dma_start3A_47 = arith.constant 0 : i32
    %dma_start3A_48 = arith.constant 0 : i32
    %dma_start3A_49 = tpu.memref_slice %arg2[%dma_start3A_47, %dma_start3A_48] : memref<10000x40xf32, #tpu.memory_space<hbm>> -> memref<10000x40xf32, #tpu.memory_space<hbm>>
    tpu.enqueue_indirect_dma source(%dma_start3A_49 : memref<10000x40xf32, #tpu.memory_space<hbm>>) target(%arg7 : memref<128x40xf32, #tpu.memory_space<vmem>>) offsets(%dma_start3A_46 : memref<128xi32, #tpu.memory_space<vmem>>) semaphore(%arg13 : memref<!tpu.dma_semaphore, #tpu.memory_space<semaphore_mem>>)
    %dma_start3A_50 = arith.constant 1 : i32
    %dma_start3A_51 = arith.constant 0 : i32
    %dma_start3A_52 = tpu.memref_slice %arg5[%dma_start3A_50, %dma_start3A_51] : memref<78x128xi32, #tpu.memory_space<vmem>> -> memref<1x128xi32, #tpu.memory_space<vmem>>
    %dma_start3A_53 = tpu.memref_squeeze %dma_start3A_52 : memref<1x128xi32, #tpu.memory_space<vmem>> -> memref<128xi32, #tpu.memory_space<vmem>>
    %dma_start3A_54 = arith.constant 0 : i32
    %dma_start3A_55 = arith.constant 0 : i32
    %dma_start3A_56 = tpu.memref_slice %arg2[%dma_start3A_54, %dma_start3A_55] : memref<10000x40xf32, #tpu.memory_space<hbm>> -> memref<10000x40xf32, #tpu.memory_space<hbm>>
    tpu.enqueue_indirect_dma source(%dma_start3A_56 : memref<10000x40xf32, #tpu.memory_space<hbm>>) target(%arg8 : memref<128x40xf32, #tpu.memory_space<vmem>>) offsets(%dma_start3A_53 : memref<128xi32, #tpu.memory_space<vmem>>) semaphore(%arg13 : memref<!tpu.dma_semaphore, #tpu.memory_space<semaphore_mem>>)
    %dma_start3A_57 = arith.constant 2 : i32
    %dma_start3A_58 = arith.constant 0 : i32
    %dma_start3A_59 = tpu.memref_slice %arg5[%dma_start3A_57, %dma_start3A_58] : memref<78x128xi32, #tpu.memory_space<vmem>> -> memref<1x128xi32, #tpu.memory_space<vmem>>
    %dma_start3A_60 = tpu.memref_squeeze %dma_start3A_59 : memref<1x128xi32, #tpu.memory_space<vmem>> -> memref<128xi32, #tpu.memory_space<vmem>>
    %dma_start3A_61 = arith.constant 0 : i32
    %dma_start3A_62 = arith.constant 0 : i32
    %dma_start3A_63 = tpu.memref_slice %arg2[%dma_start3A_61, %dma_start3A_62] : memref<10000x40xf32, #tpu.memory_space<hbm>> -> memref<10000x40xf32, #tpu.memory_space<hbm>>
    tpu.enqueue_indirect_dma source(%dma_start3A_63 : memref<10000x40xf32, #tpu.memory_space<hbm>>) target(%arg9 : memref<128x40xf32, #tpu.memory_space<vmem>>) offsets(%dma_start3A_60 : memref<128xi32, #tpu.memory_space<vmem>>) semaphore(%arg13 : memref<!tpu.dma_semaphore, #tpu.memory_space<semaphore_mem>>)
    %barrier3A = arith.constant 0 : index
    tpu.barrier barrier_id(%barrier3A)
    "tpu.trace_start"() <{level = 10 : i32, message = "edges"}> : () -> ()
    %scan3A_64 = arith.constant 0 : i32
    %scan3A_65 = arith.constant 0 : i32
    %scan3A_66 = arith.constant 13 : i32
    %scan3A_67 = arith.addi %scan3A_65, %scan3A_66 : i32
    %scan3A_68 = arith.constant 1 : i32
    scf.for %scan3A_98 = %scan3A_65 to %scan3A_67 step %scan3A_68  : i32 {
      %mul3A_99 = arith.constant 2 : i32
      %mul3A_100 = arith.muli %mul3A_99, %scan3A_98 : i32
      %mul3A_101 = arith.constant 3 : i32
      %mul3A_102 = arith.muli %mul3A_100, %mul3A_101 : i32
      %add3A_103 = arith.constant 3 : i32
      %add3A_104 = arith.addi %mul3A_102, %add3A_103 : i32
      %add3A_105 = arith.constant 0 : i32
      %add3A_106 = arith.addi %add3A_104, %add3A_105 : i32
      %dma_start3A_107 = arith.constant 0 : i32
      %dma_start3A_108 = tpu.memref_slice %arg5[%add3A_106, %dma_start3A_107] : memref<78x128xi32, #tpu.memory_space<vmem>> -> memref<1x128xi32, #tpu.memory_space<vmem>>
      %dma_start3A_109 = tpu.memref_squeeze %dma_start3A_108 : memref<1x128xi32, #tpu.memory_space<vmem>> -> memref<128xi32, #tpu.memory_space<vmem>>
      %dma_start3A_110 = arith.constant 0 : i32
      %dma_start3A_111 = arith.constant 0 : i32
      %dma_start3A_112 = tpu.memref_slice %arg2[%dma_start3A_110, %dma_start3A_111] : memref<10000x40xf32, #tpu.memory_space<hbm>> -> memref<10000x40xf32, #tpu.memory_space<hbm>>
      tpu.enqueue_indirect_dma source(%dma_start3A_112 : memref<10000x40xf32, #tpu.memory_space<hbm>>) target(%arg10 : memref<128x40xf32, #tpu.memory_space<vmem>>) offsets(%dma_start3A_109 : memref<128xi32, #tpu.memory_space<vmem>>) semaphore(%arg14 : memref<!tpu.dma_semaphore, #tpu.memory_space<semaphore_mem>>)
      %add3A_113 = arith.constant 1 : i32
      %add3A_114 = arith.addi %add3A_104, %add3A_113 : i32
      %dma_start3A_115 = arith.constant 0 : i32
      %dma_start3A_116 = tpu.memref_slice %arg5[%add3A_114, %dma_start3A_115] : memref<78x128xi32, #tpu.memory_space<vmem>> -> memref<1x128xi32, #tpu.memory_space<vmem>>
      %dma_start3A_117 = tpu.memref_squeeze %dma_start3A_116 : memref<1x128xi32, #tpu.memory_space<vmem>> -> memref<128xi32, #tpu.memory_space<vmem>>
      %dma_start3A_118 = arith.constant 0 : i32
      %dma_start3A_119 = arith.constant 0 : i32
      %dma_start3A_120 = tpu.memref_slice %arg2[%dma_start3A_118, %dma_start3A_119] : memref<10000x40xf32, #tpu.memory_space<hbm>> -> memref<10000x40xf32, #tpu.memory_space<hbm>>
      tpu.enqueue_indirect_dma source(%dma_start3A_120 : memref<10000x40xf32, #tpu.memory_space<hbm>>) target(%arg11 : memref<128x40xf32, #tpu.memory_space<vmem>>) offsets(%dma_start3A_117 : memref<128xi32, #tpu.memory_space<vmem>>) semaphore(%arg14 : memref<!tpu.dma_semaphore, #tpu.memory_space<semaphore_mem>>)
      %add3A_121 = arith.constant 2 : i32
      %add3A_122 = arith.addi %add3A_104, %add3A_121 : i32
      %dma_start3A_123 = arith.constant 0 : i32
      %dma_start3A_124 = tpu.memref_slice %arg5[%add3A_122, %dma_start3A_123] : memref<78x128xi32, #tpu.memory_space<vmem>> -> memref<1x128xi32, #tpu.memory_space<vmem>>
      %dma_start3A_125 = tpu.memref_squeeze %dma_start3A_124 : memref<1x128xi32, #tpu.memory_space<vmem>> -> memref<128xi32, #tpu.memory_space<vmem>>
      %dma_start3A_126 = arith.constant 0 : i32
      %dma_start3A_127 = arith.constant 0 : i32
      %dma_start3A_128 = tpu.memref_slice %arg2[%dma_start3A_126, %dma_start3A_127] : memref<10000x40xf32, #tpu.memory_space<hbm>> -> memref<10000x40xf32, #tpu.memory_space<hbm>>
      tpu.enqueue_indirect_dma source(%dma_start3A_128 : memref<10000x40xf32, #tpu.memory_space<hbm>>) target(%arg12 : memref<128x40xf32, #tpu.memory_space<vmem>>) offsets(%dma_start3A_125 : memref<128xi32, #tpu.memory_space<vmem>>) semaphore(%arg14 : memref<!tpu.dma_semaphore, #tpu.memory_space<semaphore_mem>>)
      %dma_wait3A_129 = arith.constant 0 : i32
      %dma_wait3A_130 = arith.constant 0 : i32
      %dma_wait3A_131 = tpu.memref_slice %arg5[%dma_wait3A_129, %dma_wait3A_130] : memref<78x128xi32, #tpu.memory_space<vmem>> -> memref<1x128xi32, #tpu.memory_space<vmem>>
      %dma_wait3A_132 = tpu.memref_squeeze %dma_wait3A_131 : memref<1x128xi32, #tpu.memory_space<vmem>> -> memref<128xi32, #tpu.memory_space<vmem>>
      %dma_wait3A_133 = arith.constant 0 : i32
      %dma_wait3A_134 = arith.constant 0 : i32
      %dma_wait3A_135 = tpu.memref_slice %arg2[%dma_wait3A_133, %dma_wait3A_134] : memref<10000x40xf32, #tpu.memory_space<hbm>> -> memref<10000x40xf32, #tpu.memory_space<hbm>>
      tpu.wait_indirect_dma semaphore(%arg13 : memref<!tpu.dma_semaphore, #tpu.memory_space<semaphore_mem>>) src(%dma_wait3A_135 : memref<10000x40xf32, #tpu.memory_space<hbm>>) dst(%arg7 : memref<128x40xf32, #tpu.memory_space<vmem>>)
      %dma_wait3A_136 = arith.constant 0 : i32
      %dma_wait3A_137 = arith.constant 0 : i32
      %dma_wait3A_138 = tpu.memref_slice %arg5[%dma_wait3A_136, %dma_wait3A_137] : memref<78x128xi32, #tpu.memory_space<vmem>> -> memref<1x128xi32, #tpu.memory_space<vmem>>
      %dma_wait3A_139 = tpu.memref_squeeze %dma_wait3A_138 : memref<1x128xi32, #tpu.memory_space<vmem>> -> memref<128xi32, #tpu.memory_space<vmem>>
      %dma_wait3A_140 = arith.constant 0 : i32
      %dma_wait3A_141 = arith.constant 0 : i32
      %dma_wait3A_142 = tpu.memref_slice %arg2[%dma_wait3A_140, %dma_wait3A_141] : memref<10000x40xf32, #tpu.memory_space<hbm>> -> memref<10000x40xf32, #tpu.memory_space<hbm>>
      tpu.wait_indirect_dma semaphore(%arg13 : memref<!tpu.dma_semaphore, #tpu.memory_space<semaphore_mem>>) src(%dma_wait3A_142 : memref<10000x40xf32, #tpu.memory_space<hbm>>) dst(%arg8 : memref<128x40xf32, #tpu.memory_space<vmem>>)
      %dma_wait3A_143 = arith.constant 0 : i32
      %dma_wait3A_144 = arith.constant 0 : i32
      %dma_wait3A_145 = tpu.memref_slice %arg5[%dma_wait3A_143, %dma_wait3A_144] : memref<78x128xi32, #tpu.memory_space<vmem>> -> memref<1x128xi32, #tpu.memory_space<vmem>>
      %dma_wait3A_146 = tpu.memref_squeeze %dma_wait3A_145 : memref<1x128xi32, #tpu.memory_space<vmem>> -> memref<128xi32, #tpu.memory_space<vmem>>
      %dma_wait3A_147 = arith.constant 0 : i32
      %dma_wait3A_148 = arith.constant 0 : i32
      %dma_wait3A_149 = tpu.memref_slice %arg2[%dma_wait3A_147, %dma_wait3A_148] : memref<10000x40xf32, #tpu.memory_space<hbm>> -> memref<10000x40xf32, #tpu.memory_space<hbm>>
      tpu.wait_indirect_dma semaphore(%arg13 : memref<!tpu.dma_semaphore, #tpu.memory_space<semaphore_mem>>) src(%dma_wait3A_149 : memref<10000x40xf32, #tpu.memory_space<hbm>>) dst(%arg9 : memref<128x40xf32, #tpu.memory_space<vmem>>)
      %add3A_150 = arith.constant 0 : i32
      %add3A_151 = arith.addi %mul3A_102, %add3A_150 : i32
      %dma_start3A_152 = arith.constant 0 : i32
      %dma_start3A_153 = tpu.memref_slice %arg6[%add3A_151, %dma_start3A_152] : memref<78x128xi32, #tpu.memory_space<vmem>> -> memref<1x128xi32, #tpu.memory_space<vmem>>
      %dma_start3A_154 = tpu.memref_squeeze %dma_start3A_153 : memref<1x128xi32, #tpu.memory_space<vmem>> -> memref<128xi32, #tpu.memory_space<vmem>>
      %dma_start3A_155 = arith.constant 0 : i32
      %dma_start3A_156 = arith.constant 0 : i32
      %dma_start3A_157 = tpu.memref_slice %arg17[%dma_start3A_155, %dma_start3A_156] : memref<10000x40xf32, #tpu.memory_space<vmem_shared>> -> memref<10000x40xf32, #tpu.memory_space<vmem_shared>>
      tpu.enqueue_indirect_dma source(%arg7 : memref<128x40xf32, #tpu.memory_space<vmem>>) target(%dma_start3A_157 : memref<10000x40xf32, #tpu.memory_space<vmem_shared>>) offsets(%dma_start3A_154 : memref<128xi32, #tpu.memory_space<vmem>>) semaphore(%arg15 : memref<!tpu.dma_semaphore, #tpu.memory_space<semaphore_mem>>) {add = true}
      %add3A_158 = arith.constant 1 : i32
      %add3A_159 = arith.addi %mul3A_102, %add3A_158 : i32
      %dma_start3A_160 = arith.constant 0 : i32
      %dma_start3A_161 = tpu.memref_slice %arg6[%add3A_159, %dma_start3A_160] : memref<78x128xi32, #tpu.memory_space<vmem>> -> memref<1x128xi32, #tpu.memory_space<vmem>>
      %dma_start3A_162 = tpu.memref_squeeze %dma_start3A_161 : memref<1x128xi32, #tpu.memory_space<vmem>> -> memref<128xi32, #tpu.memory_space<vmem>>
      %dma_start3A_163 = arith.constant 0 : i32
      %dma_start3A_164 = arith.constant 0 : i32
      %dma_start3A_165 = tpu.memref_slice %arg17[%dma_start3A_163, %dma_start3A_164] : memref<10000x40xf32, #tpu.memory_space<vmem_shared>> -> memref<10000x40xf32, #tpu.memory_space<vmem_shared>>
      tpu.enqueue_indirect_dma source(%arg8 : memref<128x40xf32, #tpu.memory_space<vmem>>) target(%dma_start3A_165 : memref<10000x40xf32, #tpu.memory_space<vmem_shared>>) offsets(%dma_start3A_162 : memref<128xi32, #tpu.memory_space<vmem>>) semaphore(%arg15 : memref<!tpu.dma_semaphore, #tpu.memory_space<semaphore_mem>>) {add = true}
      %add3A_166 = arith.constant 2 : i32
      %add3A_167 = arith.addi %mul3A_102, %add3A_166 : i32
      %dma_start3A_168 = arith.constant 0 : i32
      %dma_start3A_169 = tpu.memref_slice %arg6[%add3A_167, %dma_start3A_168] : memref<78x128xi32, #tpu.memory_space<vmem>> -> memref<1x128xi32, #tpu.memory_space<vmem>>
      %dma_start3A_170 = tpu.memref_squeeze %dma_start3A_169 : memref<1x128xi32, #tpu.memory_space<vmem>> -> memref<128xi32, #tpu.memory_space<vmem>>
      %dma_start3A_171 = arith.constant 0 : i32
      %dma_start3A_172 = arith.constant 0 : i32
      %dma_start3A_173 = tpu.memref_slice %arg17[%dma_start3A_171, %dma_start3A_172] : memref<10000x40xf32, #tpu.memory_space<vmem_shared>> -> memref<10000x40xf32, #tpu.memory_space<vmem_shared>>
      tpu.enqueue_indirect_dma source(%arg9 : memref<128x40xf32, #tpu.memory_space<vmem>>) target(%dma_start3A_173 : memref<10000x40xf32, #tpu.memory_space<vmem_shared>>) offsets(%dma_start3A_170 : memref<128xi32, #tpu.memory_space<vmem>>) semaphore(%arg15 : memref<!tpu.dma_semaphore, #tpu.memory_space<semaphore_mem>>) {add = true}
      %lt3A_174 = arith.constant 12 : i32
      %lt3A_175 = arith.cmpi slt, %scan3A_98, %lt3A_174 : i32
      %convert_element_type3A_176 = arith.extui %lt3A_175 : i1 to i32
      %cond3A_177 = arith.constant 0 : i32
      %cond3A_178 = arith.cmpi ne, %convert_element_type3A_176, %cond3A_177 : i32
      scf.if %cond3A_178 {
        %dma_wait3A_245 = arith.constant 0 : i32
        %dma_wait3A_246 = arith.constant 0 : i32
        %dma_wait3A_247 = tpu.memref_slice %arg6[%dma_wait3A_245, %dma_wait3A_246] : memref<78x128xi32, #tpu.memory_space<vmem>> -> memref<1x128xi32, #tpu.memory_space<vmem>>
        %dma_wait3A_248 = tpu.memref_squeeze %dma_wait3A_247 : memref<1x128xi32, #tpu.memory_space<vmem>> -> memref<128xi32, #tpu.memory_space<vmem>>
        %dma_wait3A_249 = arith.constant 0 : i32
        %dma_wait3A_250 = arith.constant 0 : i32
        %dma_wait3A_251 = tpu.memref_slice %arg17[%dma_wait3A_249, %dma_wait3A_250] : memref<10000x40xf32, #tpu.memory_space<vmem_shared>> -> memref<10000x40xf32, #tpu.memory_space<vmem_shared>>
        tpu.wait_indirect_dma semaphore(%arg15 : memref<!tpu.dma_semaphore, #tpu.memory_space<semaphore_mem>>) src(%arg7 : memref<128x40xf32, #tpu.memory_space<vmem>>) dst(%dma_wait3A_251 : memref<10000x40xf32, #tpu.memory_space<vmem_shared>>)
        %dma_wait3A_252 = arith.constant 0 : i32
        %dma_wait3A_253 = arith.constant 0 : i32
        %dma_wait3A_254 = tpu.memref_slice %arg6[%dma_wait3A_252, %dma_wait3A_253] : memref<78x128xi32, #tpu.memory_space<vmem>> -> memref<1x128xi32, #tpu.memory_space<vmem>>
        %dma_wait3A_255 = tpu.memref_squeeze %dma_wait3A_254 : memref<1x128xi32, #tpu.memory_space<vmem>> -> memref<128xi32, #tpu.memory_space<vmem>>
        %dma_wait3A_256 = arith.constant 0 : i32
        %dma_wait3A_257 = arith.constant 0 : i32
        %dma_wait3A_258 = tpu.memref_slice %arg17[%dma_wait3A_256, %dma_wait3A_257] : memref<10000x40xf32, #tpu.memory_space<vmem_shared>> -> memref<10000x40xf32, #tpu.memory_space<vmem_shared>>
        tpu.wait_indirect_dma semaphore(%arg15 : memref<!tpu.dma_semaphore, #tpu.memory_space<semaphore_mem>>) src(%arg8 : memref<128x40xf32, #tpu.memory_space<vmem>>) dst(%dma_wait3A_258 : memref<10000x40xf32, #tpu.memory_space<vmem_shared>>)
        %dma_wait3A_259 = arith.constant 0 : i32
        %dma_wait3A_260 = arith.constant 0 : i32
        %dma_wait3A_261 = tpu.memref_slice %arg6[%dma_wait3A_259, %dma_wait3A_260] : memref<78x128xi32, #tpu.memory_space<vmem>> -> memref<1x128xi32, #tpu.memory_space<vmem>>
        %dma_wait3A_262 = tpu.memref_squeeze %dma_wait3A_261 : memref<1x128xi32, #tpu.memory_space<vmem>> -> memref<128xi32, #tpu.memory_space<vmem>>
        %dma_wait3A_263 = arith.constant 0 : i32
        %dma_wait3A_264 = arith.constant 0 : i32
        %dma_wait3A_265 = tpu.memref_slice %arg17[%dma_wait3A_263, %dma_wait3A_264] : memref<10000x40xf32, #tpu.memory_space<vmem_shared>> -> memref<10000x40xf32, #tpu.memory_space<vmem_shared>>
        tpu.wait_indirect_dma semaphore(%arg15 : memref<!tpu.dma_semaphore, #tpu.memory_space<semaphore_mem>>) src(%arg9 : memref<128x40xf32, #tpu.memory_space<vmem>>) dst(%dma_wait3A_265 : memref<10000x40xf32, #tpu.memory_space<vmem_shared>>)
        %add3A_266 = arith.constant 3 : i32
        %add3A_267 = arith.addi %add3A_104, %add3A_266 : i32
        %add3A_268 = arith.constant 0 : i32
        %add3A_269 = arith.addi %add3A_267, %add3A_268 : i32
        %dma_start3A_270 = arith.constant 0 : i32
        %dma_start3A_271 = tpu.memref_slice %arg5[%add3A_269, %dma_start3A_270] : memref<78x128xi32, #tpu.memory_space<vmem>> -> memref<1x128xi32, #tpu.memory_space<vmem>>
        %dma_start3A_272 = tpu.memref_squeeze %dma_start3A_271 : memref<1x128xi32, #tpu.memory_space<vmem>> -> memref<128xi32, #tpu.memory_space<vmem>>
        %dma_start3A_273 = arith.constant 0 : i32
        %dma_start3A_274 = arith.constant 0 : i32
        %dma_start3A_275 = tpu.memref_slice %arg2[%dma_start3A_273, %dma_start3A_274] : memref<10000x40xf32, #tpu.memory_space<hbm>> -> memref<10000x40xf32, #tpu.memory_space<hbm>>
        tpu.enqueue_indirect_dma source(%dma_start3A_275 : memref<10000x40xf32, #tpu.memory_space<hbm>>) target(%arg7 : memref<128x40xf32, #tpu.memory_space<vmem>>) offsets(%dma_start3A_272 : memref<128xi32, #tpu.memory_space<vmem>>) semaphore(%arg13 : memref<!tpu.dma_semaphore, #tpu.memory_space<semaphore_mem>>)
        %add3A_276 = arith.constant 3 : i32
        %add3A_277 = arith.addi %add3A_104, %add3A_276 : i32
        %add3A_278 = arith.constant 1 : i32
        %add3A_279 = arith.addi %add3A_277, %add3A_278 : i32
        %dma_start3A_280 = arith.constant 0 : i32
        %dma_start3A_281 = tpu.memref_slice %arg5[%add3A_279, %dma_start3A_280] : memref<78x128xi32, #tpu.memory_space<vmem>> -> memref<1x128xi32, #tpu.memory_space<vmem>>
        %dma_start3A_282 = tpu.memref_squeeze %dma_start3A_281 : memref<1x128xi32, #tpu.memory_space<vmem>> -> memref<128xi32, #tpu.memory_space<vmem>>
        %dma_start3A_283 = arith.constant 0 : i32
        %dma_start3A_284 = arith.constant 0 : i32
        %dma_start3A_285 = tpu.memref_slice %arg2[%dma_start3A_283, %dma_start3A_284] : memref<10000x40xf32, #tpu.memory_space<hbm>> -> memref<10000x40xf32, #tpu.memory_space<hbm>>
        tpu.enqueue_indirect_dma source(%dma_start3A_285 : memref<10000x40xf32, #tpu.memory_space<hbm>>) target(%arg8 : memref<128x40xf32, #tpu.memory_space<vmem>>) offsets(%dma_start3A_282 : memref<128xi32, #tpu.memory_space<vmem>>) semaphore(%arg13 : memref<!tpu.dma_semaphore, #tpu.memory_space<semaphore_mem>>)
        %add3A_286 = arith.constant 3 : i32
        %add3A_287 = arith.addi %add3A_104, %add3A_286 : i32
        %add3A_288 = arith.constant 2 : i32
        %add3A_289 = arith.addi %add3A_287, %add3A_288 : i32
        %dma_start3A_290 = arith.constant 0 : i32
        %dma_start3A_291 = tpu.memref_slice %arg5[%add3A_289, %dma_start3A_290] : memref<78x128xi32, #tpu.memory_space<vmem>> -> memref<1x128xi32, #tpu.memory_space<vmem>>
        %dma_start3A_292 = tpu.memref_squeeze %dma_start3A_291 : memref<1x128xi32, #tpu.memory_space<vmem>> -> memref<128xi32, #tpu.memory_space<vmem>>
        %dma_start3A_293 = arith.constant 0 : i32
        %dma_start3A_294 = arith.constant 0 : i32
        %dma_start3A_295 = tpu.memref_slice %arg2[%dma_start3A_293, %dma_start3A_294] : memref<10000x40xf32, #tpu.memory_space<hbm>> -> memref<10000x40xf32, #tpu.memory_space<hbm>>
        tpu.enqueue_indirect_dma source(%dma_start3A_295 : memref<10000x40xf32, #tpu.memory_space<hbm>>) target(%arg9 : memref<128x40xf32, #tpu.memory_space<vmem>>) offsets(%dma_start3A_292 : memref<128xi32, #tpu.memory_space<vmem>>) semaphore(%arg13 : memref<!tpu.dma_semaphore, #tpu.memory_space<semaphore_mem>>)
      } else {
      }
      %dma_wait3A_179 = arith.constant 0 : i32
      %dma_wait3A_180 = arith.constant 0 : i32
      %dma_wait3A_181 = tpu.memref_slice %arg5[%dma_wait3A_179, %dma_wait3A_180] : memref<78x128xi32, #tpu.memory_space<vmem>> -> memref<1x128xi32, #tpu.memory_space<vmem>>
      %dma_wait3A_182 = tpu.memref_squeeze %dma_wait3A_181 : memref<1x128xi32, #tpu.memory_space<vmem>> -> memref<128xi32, #tpu.memory_space<vmem>>
      %dma_wait3A_183 = arith.constant 0 : i32
      %dma_wait3A_184 = arith.constant 0 : i32
      %dma_wait3A_185 = tpu.memref_slice %arg2[%dma_wait3A_183, %dma_wait3A_184] : memref<10000x40xf32, #tpu.memory_space<hbm>> -> memref<10000x40xf32, #tpu.memory_space<hbm>>
      tpu.wait_indirect_dma semaphore(%arg14 : memref<!tpu.dma_semaphore, #tpu.memory_space<semaphore_mem>>) src(%dma_wait3A_185 : memref<10000x40xf32, #tpu.memory_space<hbm>>) dst(%arg10 : memref<128x40xf32, #tpu.memory_space<vmem>>)
      %dma_wait3A_186 = arith.constant 0 : i32
      %dma_wait3A_187 = arith.constant 0 : i32
      %dma_wait3A_188 = tpu.memref_slice %arg5[%dma_wait3A_186, %dma_wait3A_187] : memref<78x128xi32, #tpu.memory_space<vmem>> -> memref<1x128xi32, #tpu.memory_space<vmem>>
      %dma_wait3A_189 = tpu.memref_squeeze %dma_wait3A_188 : memref<1x128xi32, #tpu.memory_space<vmem>> -> memref<128xi32, #tpu.memory_space<vmem>>
      %dma_wait3A_190 = arith.constant 0 : i32
      %dma_wait3A_191 = arith.constant 0 : i32
      %dma_wait3A_192 = tpu.memref_slice %arg2[%dma_wait3A_190, %dma_wait3A_191] : memref<10000x40xf32, #tpu.memory_space<hbm>> -> memref<10000x40xf32, #tpu.memory_space<hbm>>
      tpu.wait_indirect_dma semaphore(%arg14 : memref<!tpu.dma_semaphore, #tpu.memory_space<semaphore_mem>>) src(%dma_wait3A_192 : memref<10000x40xf32, #tpu.memory_space<hbm>>) dst(%arg11 : memref<128x40xf32, #tpu.memory_space<vmem>>)
      %dma_wait3A_193 = arith.constant 0 : i32
      %dma_wait3A_194 = arith.constant 0 : i32
      %dma_wait3A_195 = tpu.memref_slice %arg5[%dma_wait3A_193, %dma_wait3A_194] : memref<78x128xi32, #tpu.memory_space<vmem>> -> memref<1x128xi32, #tpu.memory_space<vmem>>
      %dma_wait3A_196 = tpu.memref_squeeze %dma_wait3A_195 : memref<1x128xi32, #tpu.memory_space<vmem>> -> memref<128xi32, #tpu.memory_space<vmem>>
      %dma_wait3A_197 = arith.constant 0 : i32
      %dma_wait3A_198 = arith.constant 0 : i32
      %dma_wait3A_199 = tpu.memref_slice %arg2[%dma_wait3A_197, %dma_wait3A_198] : memref<10000x40xf32, #tpu.memory_space<hbm>> -> memref<10000x40xf32, #tpu.memory_space<hbm>>
      tpu.wait_indirect_dma semaphore(%arg14 : memref<!tpu.dma_semaphore, #tpu.memory_space<semaphore_mem>>) src(%dma_wait3A_199 : memref<10000x40xf32, #tpu.memory_space<hbm>>) dst(%arg12 : memref<128x40xf32, #tpu.memory_space<vmem>>)
      %add3A_200 = arith.constant 0 : i32
      %add3A_201 = arith.addi %add3A_104, %add3A_200 : i32
      %dma_start3A_202 = arith.constant 0 : i32
      %dma_start3A_203 = tpu.memref_slice %arg6[%add3A_201, %dma_start3A_202] : memref<78x128xi32, #tpu.memory_space<vmem>> -> memref<1x128xi32, #tpu.memory_space<vmem>>
      %dma_start3A_204 = tpu.memref_squeeze %dma_start3A_203 : memref<1x128xi32, #tpu.memory_space<vmem>> -> memref<128xi32, #tpu.memory_space<vmem>>
      %dma_start3A_205 = arith.constant 0 : i32
      %dma_start3A_206 = arith.constant 0 : i32
      %dma_start3A_207 = tpu.memref_slice %arg17[%dma_start3A_205, %dma_start3A_206] : memref<10000x40xf32, #tpu.memory_space<vmem_shared>> -> memref<10000x40xf32, #tpu.memory_space<vmem_shared>>
      tpu.enqueue_indirect_dma source(%arg10 : memref<128x40xf32, #tpu.memory_space<vmem>>) target(%dma_start3A_207 : memref<10000x40xf32, #tpu.memory_space<vmem_shared>>) offsets(%dma_start3A_204 : memref<128xi32, #tpu.memory_space<vmem>>) semaphore(%arg16 : memref<!tpu.dma_semaphore, #tpu.memory_space<semaphore_mem>>) {add = true}
      %add3A_208 = arith.constant 1 : i32
      %add3A_209 = arith.addi %add3A_104, %add3A_208 : i32
      %dma_start3A_210 = arith.constant 0 : i32
      %dma_start3A_211 = tpu.memref_slice %arg6[%add3A_209, %dma_start3A_210] : memref<78x128xi32, #tpu.memory_space<vmem>> -> memref<1x128xi32, #tpu.memory_space<vmem>>
      %dma_start3A_212 = tpu.memref_squeeze %dma_start3A_211 : memref<1x128xi32, #tpu.memory_space<vmem>> -> memref<128xi32, #tpu.memory_space<vmem>>
      %dma_start3A_213 = arith.constant 0 : i32
      %dma_start3A_214 = arith.constant 0 : i32
      %dma_start3A_215 = tpu.memref_slice %arg17[%dma_start3A_213, %dma_start3A_214] : memref<10000x40xf32, #tpu.memory_space<vmem_shared>> -> memref<10000x40xf32, #tpu.memory_space<vmem_shared>>
      tpu.enqueue_indirect_dma source(%arg11 : memref<128x40xf32, #tpu.memory_space<vmem>>) target(%dma_start3A_215 : memref<10000x40xf32, #tpu.memory_space<vmem_shared>>) offsets(%dma_start3A_212 : memref<128xi32, #tpu.memory_space<vmem>>) semaphore(%arg16 : memref<!tpu.dma_semaphore, #tpu.memory_space<semaphore_mem>>) {add = true}
      %add3A_216 = arith.constant 2 : i32
      %add3A_217 = arith.addi %add3A_104, %add3A_216 : i32
      %dma_start3A_218 = arith.constant 0 : i32
      %dma_start3A_219 = tpu.memref_slice %arg6[%add3A_217, %dma_start3A_218] : memref<78x128xi32, #tpu.memory_space<vmem>> -> memref<1x128xi32, #tpu.memory_space<vmem>>
      %dma_start3A_220 = tpu.memref_squeeze %dma_start3A_219 : memref<1x128xi32, #tpu.memory_space<vmem>> -> memref<128xi32, #tpu.memory_space<vmem>>
      %dma_start3A_221 = arith.constant 0 : i32
      %dma_start3A_222 = arith.constant 0 : i32
      %dma_start3A_223 = tpu.memref_slice %arg17[%dma_start3A_221, %dma_start3A_222] : memref<10000x40xf32, #tpu.memory_space<vmem_shared>> -> memref<10000x40xf32, #tpu.memory_space<vmem_shared>>
      tpu.enqueue_indirect_dma source(%arg12 : memref<128x40xf32, #tpu.memory_space<vmem>>) target(%dma_start3A_223 : memref<10000x40xf32, #tpu.memory_space<vmem_shared>>) offsets(%dma_start3A_220 : memref<128xi32, #tpu.memory_space<vmem>>) semaphore(%arg16 : memref<!tpu.dma_semaphore, #tpu.memory_space<semaphore_mem>>) {add = true}
      %dma_wait3A_224 = arith.constant 0 : i32
      %dma_wait3A_225 = arith.constant 0 : i32
      %dma_wait3A_226 = tpu.memref_slice %arg6[%dma_wait3A_224, %dma_wait3A_225] : memref<78x128xi32, #tpu.memory_space<vmem>> -> memref<1x128xi32, #tpu.memory_space<vmem>>
      %dma_wait3A_227 = tpu.memref_squeeze %dma_wait3A_226 : memref<1x128xi32, #tpu.memory_space<vmem>> -> memref<128xi32, #tpu.memory_space<vmem>>
      %dma_wait3A_228 = arith.constant 0 : i32
      %dma_wait3A_229 = arith.constant 0 : i32
      %dma_wait3A_230 = tpu.memref_slice %arg17[%dma_wait3A_228, %dma_wait3A_229] : memref<10000x40xf32, #tpu.memory_space<vmem_shared>> -> memref<10000x40xf32, #tpu.memory_space<vmem_shared>>
      tpu.wait_indirect_dma semaphore(%arg16 : memref<!tpu.dma_semaphore, #tpu.memory_space<semaphore_mem>>) src(%arg10 : memref<128x40xf32, #tpu.memory_space<vmem>>) dst(%dma_wait3A_230 : memref<10000x40xf32, #tpu.memory_space<vmem_shared>>)
      %dma_wait3A_231 = arith.constant 0 : i32
      %dma_wait3A_232 = arith.constant 0 : i32
      %dma_wait3A_233 = tpu.memref_slice %arg6[%dma_wait3A_231, %dma_wait3A_232] : memref<78x128xi32, #tpu.memory_space<vmem>> -> memref<1x128xi32, #tpu.memory_space<vmem>>
      %dma_wait3A_234 = tpu.memref_squeeze %dma_wait3A_233 : memref<1x128xi32, #tpu.memory_space<vmem>> -> memref<128xi32, #tpu.memory_space<vmem>>
      %dma_wait3A_235 = arith.constant 0 : i32
      %dma_wait3A_236 = arith.constant 0 : i32
      %dma_wait3A_237 = tpu.memref_slice %arg17[%dma_wait3A_235, %dma_wait3A_236] : memref<10000x40xf32, #tpu.memory_space<vmem_shared>> -> memref<10000x40xf32, #tpu.memory_space<vmem_shared>>
      tpu.wait_indirect_dma semaphore(%arg16 : memref<!tpu.dma_semaphore, #tpu.memory_space<semaphore_mem>>) src(%arg11 : memref<128x40xf32, #tpu.memory_space<vmem>>) dst(%dma_wait3A_237 : memref<10000x40xf32, #tpu.memory_space<vmem_shared>>)
      %dma_wait3A_238 = arith.constant 0 : i32
      %dma_wait3A_239 = arith.constant 0 : i32
      %dma_wait3A_240 = tpu.memref_slice %arg6[%dma_wait3A_238, %dma_wait3A_239] : memref<78x128xi32, #tpu.memory_space<vmem>> -> memref<1x128xi32, #tpu.memory_space<vmem>>
      %dma_wait3A_241 = tpu.memref_squeeze %dma_wait3A_240 : memref<1x128xi32, #tpu.memory_space<vmem>> -> memref<128xi32, #tpu.memory_space<vmem>>
      %dma_wait3A_242 = arith.constant 0 : i32
      %dma_wait3A_243 = arith.constant 0 : i32
      %dma_wait3A_244 = tpu.memref_slice %arg17[%dma_wait3A_242, %dma_wait3A_243] : memref<10000x40xf32, #tpu.memory_space<vmem_shared>> -> memref<10000x40xf32, #tpu.memory_space<vmem_shared>>
      tpu.wait_indirect_dma semaphore(%arg16 : memref<!tpu.dma_semaphore, #tpu.memory_space<semaphore_mem>>) src(%arg12 : memref<128x40xf32, #tpu.memory_space<vmem>>) dst(%dma_wait3A_244 : memref<10000x40xf32, #tpu.memory_space<vmem_shared>>)
    }
    %scan3A_69 = arith.constant 13 : i32
    %dma_wait3A_70 = arith.constant 0 : i32
    %dma_wait3A_71 = arith.constant 0 : i32
    %dma_wait3A_72 = tpu.memref_slice %arg6[%dma_wait3A_70, %dma_wait3A_71] : memref<78x128xi32, #tpu.memory_space<vmem>> -> memref<1x128xi32, #tpu.memory_space<vmem>>
    %dma_wait3A_73 = tpu.memref_squeeze %dma_wait3A_72 : memref<1x128xi32, #tpu.memory_space<vmem>> -> memref<128xi32, #tpu.memory_space<vmem>>
    %dma_wait3A_74 = arith.constant 0 : i32
    %dma_wait3A_75 = arith.constant 0 : i32
    %dma_wait3A_76 = tpu.memref_slice %arg17[%dma_wait3A_74, %dma_wait3A_75] : memref<10000x40xf32, #tpu.memory_space<vmem_shared>> -> memref<10000x40xf32, #tpu.memory_space<vmem_shared>>
    tpu.wait_indirect_dma semaphore(%arg15 : memref<!tpu.dma_semaphore, #tpu.memory_space<semaphore_mem>>) src(%arg7 : memref<128x40xf32, #tpu.memory_space<vmem>>) dst(%dma_wait3A_76 : memref<10000x40xf32, #tpu.memory_space<vmem_shared>>)
    %dma_wait3A_77 = arith.constant 0 : i32
    %dma_wait3A_78 = arith.constant 0 : i32
    %dma_wait3A_79 = tpu.memref_slice %arg6[%dma_wait3A_77, %dma_wait3A_78] : memref<78x128xi32, #tpu.memory_space<vmem>> -> memref<1x128xi32, #tpu.memory_space<vmem>>
    %dma_wait3A_80 = tpu.memref_squeeze %dma_wait3A_79 : memref<1x128xi32, #tpu.memory_space<vmem>> -> memref<128xi32, #tpu.memory_space<vmem>>
    %dma_wait3A_81 = arith.constant 0 : i32
    %dma_wait3A_82 = arith.constant 0 : i32
    %dma_wait3A_83 = tpu.memref_slice %arg17[%dma_wait3A_81, %dma_wait3A_82] : memref<10000x40xf32, #tpu.memory_space<vmem_shared>> -> memref<10000x40xf32, #tpu.memory_space<vmem_shared>>
    tpu.wait_indirect_dma semaphore(%arg15 : memref<!tpu.dma_semaphore, #tpu.memory_space<semaphore_mem>>) src(%arg8 : memref<128x40xf32, #tpu.memory_space<vmem>>) dst(%dma_wait3A_83 : memref<10000x40xf32, #tpu.memory_space<vmem_shared>>)
    %dma_wait3A_84 = arith.constant 0 : i32
    %dma_wait3A_85 = arith.constant 0 : i32
    %dma_wait3A_86 = tpu.memref_slice %arg6[%dma_wait3A_84, %dma_wait3A_85] : memref<78x128xi32, #tpu.memory_space<vmem>> -> memref<1x128xi32, #tpu.memory_space<vmem>>
    %dma_wait3A_87 = tpu.memref_squeeze %dma_wait3A_86 : memref<1x128xi32, #tpu.memory_space<vmem>> -> memref<128xi32, #tpu.memory_space<vmem>>
    %dma_wait3A_88 = arith.constant 0 : i32
    %dma_wait3A_89 = arith.constant 0 : i32
    %dma_wait3A_90 = tpu.memref_slice %arg17[%dma_wait3A_88, %dma_wait3A_89] : memref<10000x40xf32, #tpu.memory_space<vmem_shared>> -> memref<10000x40xf32, #tpu.memory_space<vmem_shared>>
    tpu.wait_indirect_dma semaphore(%arg15 : memref<!tpu.dma_semaphore, #tpu.memory_space<semaphore_mem>>) src(%arg9 : memref<128x40xf32, #tpu.memory_space<vmem>>) dst(%dma_wait3A_90 : memref<10000x40xf32, #tpu.memory_space<vmem_shared>>)
    %lt3A = arith.constant 4 : i32
    %lt3A_91 = arith.cmpi slt, %add3A, %lt3A : i32
    %convert_element_type3A = arith.extui %lt3A_91 : i1 to i32
    %cond3A = arith.constant 0 : i32
    %cond3A_92 = arith.cmpi ne, %convert_element_type3A, %cond3A : i32
    scf.if %cond3A_92 {
      %add3A_98 = arith.constant 2496 : i32
      %add3A_99 = arith.addi %add3A_98, %add3A : i32
      %run_scoped3A = arith.constant 0 : i32
      "tpu.region"() ({
        %run_scoped3A_131 = tpu.sem_alloc : memref<!tpu.dma_semaphore, #tpu.memory_space<semaphore_mem>>
        %dma_start3A_132 = arith.constant 0 : i32
        %dma_start3A_133 = arith.constant 0 : i32
        %dma_start3A_134 = tpu.memref_slice %arg5[%dma_start3A_132, %dma_start3A_133] : memref<78x128xi32, #tpu.memory_space<vmem>> -> memref<1x128xi32, #tpu.memory_space<vmem>>
        %dma_start3A_135 = arith.constant 0 : i32
        %dma_start3A_136 = tpu.memref_slice %arg3[%run_scoped3A, %add3A_99, %dma_start3A_135] : memref<2x2500x128xi32, #tpu.memory_space<hbm>> -> memref<1x1x128xi32, #tpu.memory_space<hbm>>
        %dma_start3A_137 = tpu.memref_squeeze %dma_start3A_136 : memref<1x1x128xi32, #tpu.memory_space<hbm>> -> memref<1x128xi32, #tpu.memory_space<hbm>>
        %dma_start3A_138 = arith.constant 0 : i32
        %dma_start3A_139 = arith.constant 0 : i32
        %dma_start3A_140 = tpu.memref_slice %arg5[%dma_start3A_138, %dma_start3A_139] : memref<78x128xi32, #tpu.memory_space<vmem>> -> memref<1x128xi32, #tpu.memory_space<vmem>>
        %dma_start3A_141 = arith.constant 0 : i32
        %dma_start3A_142 = tpu.memref_slice %arg3[%run_scoped3A, %add3A_99, %dma_start3A_141] : memref<2x2500x128xi32, #tpu.memory_space<hbm>> -> memref<1x1x128xi32, #tpu.memory_space<hbm>>
        %dma_start3A_143 = tpu.memref_squeeze %dma_start3A_142 : memref<1x1x128xi32, #tpu.memory_space<hbm>> -> memref<1x128xi32, #tpu.memory_space<hbm>>
        tpu.enqueue_dma source(%dma_start3A_143 : memref<1x128xi32, #tpu.memory_space<hbm>>) target(%dma_start3A_140 : memref<1x128xi32, #tpu.memory_space<vmem>>) target_semaphore(%run_scoped3A_131 : memref<!tpu.dma_semaphore, #tpu.memory_space<semaphore_mem>>)
        %dma_wait3A_144 = arith.constant 0 : i32
        %dma_wait3A_145 = arith.constant 0 : i32
        %dma_wait3A_146 = tpu.memref_slice %arg5[%dma_wait3A_144, %dma_wait3A_145] : memref<78x128xi32, #tpu.memory_space<vmem>> -> memref<1x128xi32, #tpu.memory_space<vmem>>
        %dma_wait3A_147 = arith.constant 0 : i32
        %dma_wait3A_148 = tpu.memref_slice %arg3[%run_scoped3A, %add3A_99, %dma_wait3A_147] : memref<2x2500x128xi32, #tpu.memory_space<hbm>> -> memref<1x1x128xi32, #tpu.memory_space<hbm>>
        %dma_wait3A_149 = tpu.memref_squeeze %dma_wait3A_148 : memref<1x1x128xi32, #tpu.memory_space<hbm>> -> memref<1x128xi32, #tpu.memory_space<hbm>>
        %dma_wait3A_150 = arith.constant 0 : i32
        %dma_wait3A_151 = arith.constant 0 : i32
        %dma_wait3A_152 = tpu.memref_slice %arg5[%dma_wait3A_150, %dma_wait3A_151] : memref<78x128xi32, #tpu.memory_space<vmem>> -> memref<1x128xi32, #tpu.memory_space<vmem>>
        %dma_wait3A_153 = arith.constant 0 : i32
        %dma_wait3A_154 = tpu.memref_slice %arg3[%run_scoped3A, %add3A_99, %dma_wait3A_153] : memref<2x2500x128xi32, #tpu.memory_space<hbm>> -> memref<1x1x128xi32, #tpu.memory_space<hbm>>
        %dma_wait3A_155 = tpu.memref_squeeze %dma_wait3A_154 : memref<1x1x128xi32, #tpu.memory_space<hbm>> -> memref<1x128xi32, #tpu.memory_space<hbm>>
        tpu.wait_dma2 semaphore(%run_scoped3A_131 : memref<!tpu.dma_semaphore, #tpu.memory_space<semaphore_mem>>) src(%dma_wait3A_155 : memref<1x128xi32, #tpu.memory_space<hbm>>) dst(%dma_wait3A_152 : memref<1x128xi32, #tpu.memory_space<vmem>>)
        tpu.yield
      }) : () -> ()
      %add3A_100 = arith.constant 2496 : i32
      %add3A_101 = arith.addi %add3A_100, %add3A : i32
      %run_scoped3A_102 = arith.constant 1 : i32
      "tpu.region"() ({
        %run_scoped3A_131 = tpu.sem_alloc : memref<!tpu.dma_semaphore, #tpu.memory_space<semaphore_mem>>
        %dma_start3A_132 = arith.constant 0 : i32
        %dma_start3A_133 = arith.constant 0 : i32
        %dma_start3A_134 = tpu.memref_slice %arg6[%dma_start3A_132, %dma_start3A_133] : memref<78x128xi32, #tpu.memory_space<vmem>> -> memref<1x128xi32, #tpu.memory_space<vmem>>
        %dma_start3A_135 = arith.constant 0 : i32
        %dma_start3A_136 = tpu.memref_slice %arg3[%run_scoped3A_102, %add3A_101, %dma_start3A_135] : memref<2x2500x128xi32, #tpu.memory_space<hbm>> -> memref<1x1x128xi32, #tpu.memory_space<hbm>>
        %dma_start3A_137 = tpu.memref_squeeze %dma_start3A_136 : memref<1x1x128xi32, #tpu.memory_space<hbm>> -> memref<1x128xi32, #tpu.memory_space<hbm>>
        %dma_start3A_138 = arith.constant 0 : i32
        %dma_start3A_139 = arith.constant 0 : i32
        %dma_start3A_140 = tpu.memref_slice %arg6[%dma_start3A_138, %dma_start3A_139] : memref<78x128xi32, #tpu.memory_space<vmem>> -> memref<1x128xi32, #tpu.memory_space<vmem>>
        %dma_start3A_141 = arith.constant 0 : i32
        %dma_start3A_142 = tpu.memref_slice %arg3[%run_scoped3A_102, %add3A_101, %dma_start3A_141] : memref<2x2500x128xi32, #tpu.memory_space<hbm>> -> memref<1x1x128xi32, #tpu.memory_space<hbm>>
        %dma_start3A_143 = tpu.memref_squeeze %dma_start3A_142 : memref<1x1x128xi32, #tpu.memory_space<hbm>> -> memref<1x128xi32, #tpu.memory_space<hbm>>
        tpu.enqueue_dma source(%dma_start3A_143 : memref<1x128xi32, #tpu.memory_space<hbm>>) target(%dma_start3A_140 : memref<1x128xi32, #tpu.memory_space<vmem>>) target_semaphore(%run_scoped3A_131 : memref<!tpu.dma_semaphore, #tpu.memory_space<semaphore_mem>>)
        %dma_wait3A_144 = arith.constant 0 : i32
        %dma_wait3A_145 = arith.constant 0 : i32
        %dma_wait3A_146 = tpu.memref_slice %arg6[%dma_wait3A_144, %dma_wait3A_145] : memref<78x128xi32, #tpu.memory_space<vmem>> -> memref<1x128xi32, #tpu.memory_space<vmem>>
        %dma_wait3A_147 = arith.constant 0 : i32
        %dma_wait3A_148 = tpu.memref_slice %arg3[%run_scoped3A_102, %add3A_101, %dma_wait3A_147] : memref<2x2500x128xi32, #tpu.memory_space<hbm>> -> memref<1x1x128xi32, #tpu.memory_space<hbm>>
        %dma_wait3A_149 = tpu.memref_squeeze %dma_wait3A_148 : memref<1x1x128xi32, #tpu.memory_space<hbm>> -> memref<1x128xi32, #tpu.memory_space<hbm>>
        %dma_wait3A_150 = arith.constant 0 : i32
        %dma_wait3A_151 = arith.constant 0 : i32
        %dma_wait3A_152 = tpu.memref_slice %arg6[%dma_wait3A_150, %dma_wait3A_151] : memref<78x128xi32, #tpu.memory_space<vmem>> -> memref<1x128xi32, #tpu.memory_space<vmem>>
        %dma_wait3A_153 = arith.constant 0 : i32
        %dma_wait3A_154 = tpu.memref_slice %arg3[%run_scoped3A_102, %add3A_101, %dma_wait3A_153] : memref<2x2500x128xi32, #tpu.memory_space<hbm>> -> memref<1x1x128xi32, #tpu.memory_space<hbm>>
        %dma_wait3A_155 = tpu.memref_squeeze %dma_wait3A_154 : memref<1x1x128xi32, #tpu.memory_space<hbm>> -> memref<1x128xi32, #tpu.memory_space<hbm>>
        tpu.wait_dma2 semaphore(%run_scoped3A_131 : memref<!tpu.dma_semaphore, #tpu.memory_space<semaphore_mem>>) src(%dma_wait3A_155 : memref<1x128xi32, #tpu.memory_space<hbm>>) dst(%dma_wait3A_152 : memref<1x128xi32, #tpu.memory_space<vmem>>)
        tpu.yield
      }) : () -> ()
      %dma_start3A_103 = arith.constant 0 : i32
      %dma_start3A_104 = arith.constant 0 : i32
      %dma_start3A_105 = tpu.memref_slice %arg5[%dma_start3A_103, %dma_start3A_104] : memref<78x128xi32, #tpu.memory_space<vmem>> -> memref<1x128xi32, #tpu.memory_space<vmem>>
      %dma_start3A_106 = tpu.memref_squeeze %dma_start3A_105 : memref<1x128xi32, #tpu.memory_space<vmem>> -> memref<128xi32, #tpu.memory_space<vmem>>
      %dma_start3A_107 = arith.constant 0 : i32
      %dma_start3A_108 = arith.constant 0 : i32
      %dma_start3A_109 = tpu.memref_slice %arg2[%dma_start3A_107, %dma_start3A_108] : memref<10000x40xf32, #tpu.memory_space<hbm>> -> memref<10000x40xf32, #tpu.memory_space<hbm>>
      tpu.enqueue_indirect_dma source(%dma_start3A_109 : memref<10000x40xf32, #tpu.memory_space<hbm>>) target(%arg7 : memref<128x40xf32, #tpu.memory_space<vmem>>) offsets(%dma_start3A_106 : memref<128xi32, #tpu.memory_space<vmem>>) semaphore(%arg13 : memref<!tpu.dma_semaphore, #tpu.memory_space<semaphore_mem>>)
      %dma_wait3A_110 = arith.constant 0 : i32
      %dma_wait3A_111 = arith.constant 0 : i32
      %dma_wait3A_112 = tpu.memref_slice %arg5[%dma_wait3A_110, %dma_wait3A_111] : memref<78x128xi32, #tpu.memory_space<vmem>> -> memref<1x128xi32, #tpu.memory_space<vmem>>
      %dma_wait3A_113 = tpu.memref_squeeze %dma_wait3A_112 : memref<1x128xi32, #tpu.memory_space<vmem>> -> memref<128xi32, #tpu.memory_space<vmem>>
      %dma_wait3A_114 = arith.constant 0 : i32
      %dma_wait3A_115 = arith.constant 0 : i32
      %dma_wait3A_116 = tpu.memref_slice %arg2[%dma_wait3A_114, %dma_wait3A_115] : memref<10000x40xf32, #tpu.memory_space<hbm>> -> memref<10000x40xf32, #tpu.memory_space<hbm>>
      tpu.wait_indirect_dma semaphore(%arg13 : memref<!tpu.dma_semaphore, #tpu.memory_space<semaphore_mem>>) src(%dma_wait3A_116 : memref<10000x40xf32, #tpu.memory_space<hbm>>) dst(%arg7 : memref<128x40xf32, #tpu.memory_space<vmem>>)
      %dma_start3A_117 = arith.constant 0 : i32
      %dma_start3A_118 = arith.constant 0 : i32
      %dma_start3A_119 = tpu.memref_slice %arg6[%dma_start3A_117, %dma_start3A_118] : memref<78x128xi32, #tpu.memory_space<vmem>> -> memref<1x128xi32, #tpu.memory_space<vmem>>
      %dma_start3A_120 = tpu.memref_squeeze %dma_start3A_119 : memref<1x128xi32, #tpu.memory_space<vmem>> -> memref<128xi32, #tpu.memory_space<vmem>>
      %dma_start3A_121 = arith.constant 0 : i32
      %dma_start3A_122 = arith.constant 0 : i32
      %dma_start3A_123 = tpu.memref_slice %arg17[%dma_start3A_121, %dma_start3A_122] : memref<10000x40xf32, #tpu.memory_space<vmem_shared>> -> memref<10000x40xf32, #tpu.memory_space<vmem_shared>>
      tpu.enqueue_indirect_dma source(%arg7 : memref<128x40xf32, #tpu.memory_space<vmem>>) target(%dma_start3A_123 : memref<10000x40xf32, #tpu.memory_space<vmem_shared>>) offsets(%dma_start3A_120 : memref<128xi32, #tpu.memory_space<vmem>>) semaphore(%arg15 : memref<!tpu.dma_semaphore, #tpu.memory_space<semaphore_mem>>) {add = true}
      %dma_wait3A_124 = arith.constant 0 : i32
      %dma_wait3A_125 = arith.constant 0 : i32
      %dma_wait3A_126 = tpu.memref_slice %arg6[%dma_wait3A_124, %dma_wait3A_125] : memref<78x128xi32, #tpu.memory_space<vmem>> -> memref<1x128xi32, #tpu.memory_space<vmem>>
      %dma_wait3A_127 = tpu.memref_squeeze %dma_wait3A_126 : memref<1x128xi32, #tpu.memory_space<vmem>> -> memref<128xi32, #tpu.memory_space<vmem>>
      %dma_wait3A_128 = arith.constant 0 : i32
      %dma_wait3A_129 = arith.constant 0 : i32
      %dma_wait3A_130 = tpu.memref_slice %arg17[%dma_wait3A_128, %dma_wait3A_129] : memref<10000x40xf32, #tpu.memory_space<vmem_shared>> -> memref<10000x40xf32, #tpu.memory_space<vmem_shared>>
      tpu.wait_indirect_dma semaphore(%arg15 : memref<!tpu.dma_semaphore, #tpu.memory_space<semaphore_mem>>) src(%arg7 : memref<128x40xf32, #tpu.memory_space<vmem>>) dst(%dma_wait3A_130 : memref<10000x40xf32, #tpu.memory_space<vmem_shared>>)
    } else {
    }
    "tpu.trace_stop"() : () -> ()
    %barrier3A_93 = arith.constant 0 : index
    tpu.barrier barrier_id(%barrier3A_93)
    "tpu.trace_start"() <{level = 10 : i32, message = "wb"}> : () -> ()
    %mul3A_94 = arith.constant 625 : i32
    %mul3A_95 = arith.muli %arg1, %mul3A_94 : i32
    %mul3A_96 = arith.constant 625 : i32
    %mul3A_97 = arith.muli %arg1, %mul3A_96 : i32
    "tpu.region"() ({
      %run_scoped3A = tpu.sem_alloc : memref<!tpu.dma_semaphore, #tpu.memory_space<semaphore_mem>>
      %dma_start3A_98 = arith.constant 0 : i32
      %dma_start3A_99 = tpu.memref_slice %arg4[%arg0, %mul3A_97, %dma_start3A_98] : memref<2x10000x40xf32, #tpu.memory_space<hbm>> -> memref<1x625x40xf32, #tpu.memory_space<hbm>>
      %dma_start3A_100 = tpu.memref_squeeze %dma_start3A_99 : memref<1x625x40xf32, #tpu.memory_space<hbm>> -> memref<625x40xf32, #tpu.memory_space<hbm>>
      %dma_start3A_101 = arith.constant 0 : i32
      %dma_start3A_102 = tpu.memref_slice %arg17[%mul3A_95, %dma_start3A_101] : memref<10000x40xf32, #tpu.memory_space<vmem_shared>> -> memref<625x40xf32, #tpu.memory_space<vmem_shared>>
      tpu.enqueue_dma source(%dma_start3A_102 : memref<625x40xf32, #tpu.memory_space<vmem_shared>>) target(%dma_start3A_100 : memref<625x40xf32, #tpu.memory_space<hbm>>) target_semaphore(%run_scoped3A : memref<!tpu.dma_semaphore, #tpu.memory_space<semaphore_mem>>)
      %dma_wait3A_103 = arith.constant 0 : i32
      %dma_wait3A_104 = tpu.memref_slice %arg4[%arg0, %mul3A_97, %dma_wait3A_103] : memref<2x10000x40xf32, #tpu.memory_space<hbm>> -> memref<1x625x40xf32, #tpu.memory_space<hbm>>
      %dma_wait3A_105 = tpu.memref_squeeze %dma_wait3A_104 : memref<1x625x40xf32, #tpu.memory_space<hbm>> -> memref<625x40xf32, #tpu.memory_space<hbm>>
      %dma_wait3A_106 = arith.constant 0 : i32
      %dma_wait3A_107 = tpu.memref_slice %arg17[%mul3A_95, %dma_wait3A_106] : memref<10000x40xf32, #tpu.memory_space<vmem_shared>> -> memref<625x40xf32, #tpu.memory_space<vmem_shared>>
      tpu.wait_dma2 semaphore(%run_scoped3A : memref<!tpu.dma_semaphore, #tpu.memory_space<semaphore_mem>>) src(%dma_wait3A_107 : memref<625x40xf32, #tpu.memory_space<vmem_shared>>) dst(%dma_wait3A_105 : memref<625x40xf32, #tpu.memory_space<hbm>>)
      tpu.yield
    }) : () -> ()
    "tpu.trace_stop"() : () -> ()
    return
  }
}

#map = affine_map<(d0, d1) -> (0, 0)>
#map1 = affine_map<(d0, d1) -> (0, 0, 0)>
#map2 = affine_map<(d0, d1) -> (0)>
module attributes {stable_mosaic.version = 14 : i64} {
  func.func @_g0sc_body(%arg0: i32, %arg1: i32, %arg2: memref<10000x40xf32, #tpu.memory_space<hbm>>, %arg3: memref<32x625x16xf32, #tpu.memory_space<hbm>>, %arg4: memref<10000x40xf32, #tpu.memory_space<hbm>>, %arg5: memref<10000xf32, #tpu.memory_space<hbm>>, %arg6: memref<10000xf32, #tpu.memory_space<hbm>>, %arg7: memref<320x40xf32, #tpu.memory_space<vmem>>, %arg8: memref<32x20x16xf32, #tpu.memory_space<vmem>>, %arg9: memref<320x40xf32, #tpu.memory_space<vmem>>, %arg10: memref<320xf32, #tpu.memory_space<vmem>>, %arg11: memref<320xf32, #tpu.memory_space<vmem>>, %arg12: memref<!tpu.dma_semaphore, #tpu.memory_space<semaphore_mem>>) attributes {dimension_semantics = [#tpu.dimension_semantics<core_parallel>, #tpu.dimension_semantics<subcore_parallel>], iteration_bounds = array<i64: 2, 16>, scalar_prefetch = 0 : i64, scratch_operands = 6 : i64, tpu.core_type = #tpu.core_type<sc_vector_subcore>, window_params = [{transform_indices = #map}, {transform_indices = #map1}, {transform_indices = #map}, {transform_indices = #map2}, {transform_indices = #map2}]} {
    %mul3A = arith.constant 2 : i32
    %mul3A_0 = arith.muli %arg1, %mul3A : i32
    %add3A = arith.addi %mul3A_0, %arg0 : i32
    %mul3A_1 = arith.constant 320 : i32
    %mul3A_2 = arith.muli %add3A, %mul3A_1 : i32
    %min3A = arith.constant 9680 : i32
    %min3A_3 = arith.minsi %mul3A_2, %min3A : i32
    %mul3A_4 = arith.constant 20 : i32
    %mul3A_5 = arith.muli %add3A, %mul3A_4 : i32
    %min3A_6 = arith.constant 605 : i32
    %min3A_7 = arith.minsi %mul3A_5, %min3A_6 : i32
    %dma_start3A = arith.constant 0 : i32
    %dma_start3A_8 = arith.constant 0 : i32
    %dma_start3A_9 = tpu.memref_slice %arg3[%dma_start3A, %min3A_7, %dma_start3A_8] : memref<32x625x16xf32, #tpu.memory_space<hbm>> -> memref<32x20x16xf32, #tpu.memory_space<hbm>>
    %dma_start3A_10 = arith.constant 0 : i32
    %dma_start3A_11 = arith.constant 0 : i32
    %dma_start3A_12 = tpu.memref_slice %arg3[%dma_start3A_10, %min3A_7, %dma_start3A_11] : memref<32x625x16xf32, #tpu.memory_space<hbm>> -> memref<32x20x16xf32, #tpu.memory_space<hbm>>
    tpu.enqueue_dma source(%dma_start3A_12 : memref<32x20x16xf32, #tpu.memory_space<hbm>>) target(%arg8 : memref<32x20x16xf32, #tpu.memory_space<vmem>>) target_semaphore(%arg12 : memref<!tpu.dma_semaphore, #tpu.memory_space<semaphore_mem>>)
    %dma_start3A_13 = arith.constant 0 : i32
    %dma_start3A_14 = tpu.memref_slice %arg2[%min3A_3, %dma_start3A_13] : memref<10000x40xf32, #tpu.memory_space<hbm>> -> memref<320x40xf32, #tpu.memory_space<hbm>>
    %dma_start3A_15 = arith.constant 0 : i32
    %dma_start3A_16 = tpu.memref_slice %arg2[%min3A_3, %dma_start3A_15] : memref<10000x40xf32, #tpu.memory_space<hbm>> -> memref<320x40xf32, #tpu.memory_space<hbm>>
    tpu.enqueue_dma source(%dma_start3A_16 : memref<320x40xf32, #tpu.memory_space<hbm>>) target(%arg7 : memref<320x40xf32, #tpu.memory_space<vmem>>) target_semaphore(%arg12 : memref<!tpu.dma_semaphore, #tpu.memory_space<semaphore_mem>>)
    %dma_wait3A = arith.constant 0 : i32
    %dma_wait3A_17 = arith.constant 0 : i32
    %dma_wait3A_18 = tpu.memref_slice %arg3[%dma_wait3A, %min3A_7, %dma_wait3A_17] : memref<32x625x16xf32, #tpu.memory_space<hbm>> -> memref<32x20x16xf32, #tpu.memory_space<hbm>>
    %dma_wait3A_19 = arith.constant 0 : i32
    %dma_wait3A_20 = arith.constant 0 : i32
    %dma_wait3A_21 = tpu.memref_slice %arg3[%dma_wait3A_19, %min3A_7, %dma_wait3A_20] : memref<32x625x16xf32, #tpu.memory_space<hbm>> -> memref<32x20x16xf32, #tpu.memory_space<hbm>>
    tpu.wait_dma2 semaphore(%arg12 : memref<!tpu.dma_semaphore, #tpu.memory_space<semaphore_mem>>) src(%dma_wait3A_21 : memref<32x20x16xf32, #tpu.memory_space<hbm>>) dst(%arg8 : memref<32x20x16xf32, #tpu.memory_space<vmem>>)
    %dma_wait3A_22 = arith.constant 0 : i32
    %dma_wait3A_23 = tpu.memref_slice %arg2[%min3A_3, %dma_wait3A_22] : memref<10000x40xf32, #tpu.memory_space<hbm>> -> memref<320x40xf32, #tpu.memory_space<hbm>>
    %dma_wait3A_24 = arith.constant 0 : i32
    %dma_wait3A_25 = tpu.memref_slice %arg2[%min3A_3, %dma_wait3A_24] : memref<10000x40xf32, #tpu.memory_space<hbm>> -> memref<320x40xf32, #tpu.memory_space<hbm>>
    tpu.wait_dma2 semaphore(%arg12 : memref<!tpu.dma_semaphore, #tpu.memory_space<semaphore_mem>>) src(%dma_wait3A_25 : memref<320x40xf32, #tpu.memory_space<hbm>>) dst(%arg7 : memref<320x40xf32, #tpu.memory_space<vmem>>)
    %scan3A = arith.constant 0 : i32
    %scan3A_26 = arith.constant 0 : i32
    %scan3A_27 = arith.constant 20 : i32
    %scan3A_28 = arith.addi %scan3A_26, %scan3A_27 : i32
    %scan3A_29 = arith.constant 1 : i32
    scf.for %scan3A_37 = %scan3A_26 to %scan3A_28 step %scan3A_29  : i32 {
      %get3A = arith.constant 0 : i32
      %get3A_38 = arith.index_cast %get3A : i32 to index
      %get3A_39 = arith.index_cast %scan3A_37 : i32 to index
      %get3A_40 = arith.constant 0 : index
      %get3A_41 = tpu.vector_load %arg8[%get3A_38, %get3A_39, %get3A_40] {strides = array<i32>} : memref<32x20x16xf32, #tpu.memory_space<vmem>>, vector<16xf32>,
      %get3A_42 = arith.constant 1 : i32
      %get3A_43 = arith.index_cast %get3A_42 : i32 to index
      %get3A_44 = arith.index_cast %scan3A_37 : i32 to index
      %get3A_45 = arith.constant 0 : index
      %get3A_46 = tpu.vector_load %arg8[%get3A_43, %get3A_44, %get3A_45] {strides = array<i32>} : memref<32x20x16xf32, #tpu.memory_space<vmem>>, vector<16xf32>,
      %add3A_47 = arith.addf %get3A_41, %get3A_46 : vector<16xf32>
      %get3A_48 = arith.constant 2 : i32
      %get3A_49 = arith.index_cast %get3A_48 : i32 to index
      %get3A_50 = arith.index_cast %scan3A_37 : i32 to index
      %get3A_51 = arith.constant 0 : index
      %get3A_52 = tpu.vector_load %arg8[%get3A_49, %get3A_50, %get3A_51] {strides = array<i32>} : memref<32x20x16xf32, #tpu.memory_space<vmem>>, vector<16xf32>,
      %add3A_53 = arith.addf %add3A_47, %get3A_52 : vector<16xf32>
      %get3A_54 = arith.constant 3 : i32
      %get3A_55 = arith.index_cast %get3A_54 : i32 to index
      %get3A_56 = arith.index_cast %scan3A_37 : i32 to index
      %get3A_57 = arith.constant 0 : index
      %get3A_58 = tpu.vector_load %arg8[%get3A_55, %get3A_56, %get3A_57] {strides = array<i32>} : memref<32x20x16xf32, #tpu.memory_space<vmem>>, vector<16xf32>,
      %add3A_59 = arith.addf %add3A_53, %get3A_58 : vector<16xf32>
      %get3A_60 = arith.constant 4 : i32
      %get3A_61 = arith.index_cast %get3A_60 : i32 to index
      %get3A_62 = arith.index_cast %scan3A_37 : i32 to index
      %get3A_63 = arith.constant 0 : index
      %get3A_64 = tpu.vector_load %arg8[%get3A_61, %get3A_62, %get3A_63] {strides = array<i32>} : memref<32x20x16xf32, #tpu.memory_space<vmem>>, vector<16xf32>,
      %add3A_65 = arith.addf %add3A_59, %get3A_64 : vector<16xf32>
      %get3A_66 = arith.constant 5 : i32
      %get3A_67 = arith.index_cast %get3A_66 : i32 to index
      %get3A_68 = arith.index_cast %scan3A_37 : i32 to index
      %get3A_69 = arith.constant 0 : index
      %get3A_70 = tpu.vector_load %arg8[%get3A_67, %get3A_68, %get3A_69] {strides = array<i32>} : memref<32x20x16xf32, #tpu.memory_space<vmem>>, vector<16xf32>,
      %add3A_71 = arith.addf %add3A_65, %get3A_70 : vector<16xf32>
      %get3A_72 = arith.constant 6 : i32
      %get3A_73 = arith.index_cast %get3A_72 : i32 to index
      %get3A_74 = arith.index_cast %scan3A_37 : i32 to index
      %get3A_75 = arith.constant 0 : index
      %get3A_76 = tpu.vector_load %arg8[%get3A_73, %get3A_74, %get3A_75] {strides = array<i32>} : memref<32x20x16xf32, #tpu.memory_space<vmem>>, vector<16xf32>,
      %add3A_77 = arith.addf %add3A_71, %get3A_76 : vector<16xf32>
      %get3A_78 = arith.constant 7 : i32
      %get3A_79 = arith.index_cast %get3A_78 : i32 to index
      %get3A_80 = arith.index_cast %scan3A_37 : i32 to index
      %get3A_81 = arith.constant 0 : index
      %get3A_82 = tpu.vector_load %arg8[%get3A_79, %get3A_80, %get3A_81] {strides = array<i32>} : memref<32x20x16xf32, #tpu.memory_space<vmem>>, vector<16xf32>,
      %add3A_83 = arith.addf %add3A_77, %get3A_82 : vector<16xf32>
      %get3A_84 = arith.constant 8 : i32
      %get3A_85 = arith.index_cast %get3A_84 : i32 to index
      %get3A_86 = arith.index_cast %scan3A_37 : i32 to index
      %get3A_87 = arith.constant 0 : index
      %get3A_88 = tpu.vector_load %arg8[%get3A_85, %get3A_86, %get3A_87] {strides = array<i32>} : memref<32x20x16xf32, #tpu.memory_space<vmem>>, vector<16xf32>,
      %add3A_89 = arith.addf %add3A_83, %get3A_88 : vector<16xf32>
      %get3A_90 = arith.constant 9 : i32
      %get3A_91 = arith.index_cast %get3A_90 : i32 to index
      %get3A_92 = arith.index_cast %scan3A_37 : i32 to index
      %get3A_93 = arith.constant 0 : index
      %get3A_94 = tpu.vector_load %arg8[%get3A_91, %get3A_92, %get3A_93] {strides = array<i32>} : memref<32x20x16xf32, #tpu.memory_space<vmem>>, vector<16xf32>,
      %add3A_95 = arith.addf %add3A_89, %get3A_94 : vector<16xf32>
      %get3A_96 = arith.constant 10 : i32
      %get3A_97 = arith.index_cast %get3A_96 : i32 to index
      %get3A_98 = arith.index_cast %scan3A_37 : i32 to index
      %get3A_99 = arith.constant 0 : index
      %get3A_100 = tpu.vector_load %arg8[%get3A_97, %get3A_98, %get3A_99] {strides = array<i32>} : memref<32x20x16xf32, #tpu.memory_space<vmem>>, vector<16xf32>,
      %add3A_101 = arith.addf %add3A_95, %get3A_100 : vector<16xf32>
      %get3A_102 = arith.constant 11 : i32
      %get3A_103 = arith.index_cast %get3A_102 : i32 to index
      %get3A_104 = arith.index_cast %scan3A_37 : i32 to index
      %get3A_105 = arith.constant 0 : index
      %get3A_106 = tpu.vector_load %arg8[%get3A_103, %get3A_104, %get3A_105] {strides = array<i32>} : memref<32x20x16xf32, #tpu.memory_space<vmem>>, vector<16xf32>,
      %add3A_107 = arith.addf %add3A_101, %get3A_106 : vector<16xf32>
      %get3A_108 = arith.constant 12 : i32
      %get3A_109 = arith.index_cast %get3A_108 : i32 to index
      %get3A_110 = arith.index_cast %scan3A_37 : i32 to index
      %get3A_111 = arith.constant 0 : index
      %get3A_112 = tpu.vector_load %arg8[%get3A_109, %get3A_110, %get3A_111] {strides = array<i32>} : memref<32x20x16xf32, #tpu.memory_space<vmem>>, vector<16xf32>,
      %add3A_113 = arith.addf %add3A_107, %get3A_112 : vector<16xf32>
      %get3A_114 = arith.constant 13 : i32
      %get3A_115 = arith.index_cast %get3A_114 : i32 to index
      %get3A_116 = arith.index_cast %scan3A_37 : i32 to index
      %get3A_117 = arith.constant 0 : index
      %get3A_118 = tpu.vector_load %arg8[%get3A_115, %get3A_116, %get3A_117] {strides = array<i32>} : memref<32x20x16xf32, #tpu.memory_space<vmem>>, vector<16xf32>,
      %add3A_119 = arith.addf %add3A_113, %get3A_118 : vector<16xf32>
      %get3A_120 = arith.constant 14 : i32
      %get3A_121 = arith.index_cast %get3A_120 : i32 to index
      %get3A_122 = arith.index_cast %scan3A_37 : i32 to index
      %get3A_123 = arith.constant 0 : index
      %get3A_124 = tpu.vector_load %arg8[%get3A_121, %get3A_122, %get3A_123] {strides = array<i32>} : memref<32x20x16xf32, #tpu.memory_space<vmem>>, vector<16xf32>,
      %add3A_125 = arith.addf %add3A_119, %get3A_124 : vector<16xf32>
      %get3A_126 = arith.constant 15 : i32
      %get3A_127 = arith.index_cast %get3A_126 : i32 to index
      %get3A_128 = arith.index_cast %scan3A_37 : i32 to index
      %get3A_129 = arith.constant 0 : index
      %get3A_130 = tpu.vector_load %arg8[%get3A_127, %get3A_128, %get3A_129] {strides = array<i32>} : memref<32x20x16xf32, #tpu.memory_space<vmem>>, vector<16xf32>,
      %add3A_131 = arith.addf %add3A_125, %get3A_130 : vector<16xf32>
      %get3A_132 = arith.constant 16 : i32
      %get3A_133 = arith.index_cast %get3A_132 : i32 to index
      %get3A_134 = arith.index_cast %scan3A_37 : i32 to index
      %get3A_135 = arith.constant 0 : index
      %get3A_136 = tpu.vector_load %arg8[%get3A_133, %get3A_134, %get3A_135] {strides = array<i32>} : memref<32x20x16xf32, #tpu.memory_space<vmem>>, vector<16xf32>,
      %add3A_137 = arith.addf %add3A_131, %get3A_136 : vector<16xf32>
      %get3A_138 = arith.constant 17 : i32
      %get3A_139 = arith.index_cast %get3A_138 : i32 to index
      %get3A_140 = arith.index_cast %scan3A_37 : i32 to index
      %get3A_141 = arith.constant 0 : index
      %get3A_142 = tpu.vector_load %arg8[%get3A_139, %get3A_140, %get3A_141] {strides = array<i32>} : memref<32x20x16xf32, #tpu.memory_space<vmem>>, vector<16xf32>,
      %add3A_143 = arith.addf %add3A_137, %get3A_142 : vector<16xf32>
      %get3A_144 = arith.constant 18 : i32
      %get3A_145 = arith.index_cast %get3A_144 : i32 to index
      %get3A_146 = arith.index_cast %scan3A_37 : i32 to index
      %get3A_147 = arith.constant 0 : index
      %get3A_148 = tpu.vector_load %arg8[%get3A_145, %get3A_146, %get3A_147] {strides = array<i32>} : memref<32x20x16xf32, #tpu.memory_space<vmem>>, vector<16xf32>,
      %add3A_149 = arith.addf %add3A_143, %get3A_148 : vector<16xf32>
      %get3A_150 = arith.constant 19 : i32
      %get3A_151 = arith.index_cast %get3A_150 : i32 to index
      %get3A_152 = arith.index_cast %scan3A_37 : i32 to index
      %get3A_153 = arith.constant 0 : index
      %get3A_154 = tpu.vector_load %arg8[%get3A_151, %get3A_152, %get3A_153] {strides = array<i32>} : memref<32x20x16xf32, #tpu.memory_space<vmem>>, vector<16xf32>,
      %add3A_155 = arith.addf %add3A_149, %get3A_154 : vector<16xf32>
      %get3A_156 = arith.constant 20 : i32
      %get3A_157 = arith.index_cast %get3A_156 : i32 to index
      %get3A_158 = arith.index_cast %scan3A_37 : i32 to index
      %get3A_159 = arith.constant 0 : index
      %get3A_160 = tpu.vector_load %arg8[%get3A_157, %get3A_158, %get3A_159] {strides = array<i32>} : memref<32x20x16xf32, #tpu.memory_space<vmem>>, vector<16xf32>,
      %add3A_161 = arith.addf %add3A_155, %get3A_160 : vector<16xf32>
      %get3A_162 = arith.constant 21 : i32
      %get3A_163 = arith.index_cast %get3A_162 : i32 to index
      %get3A_164 = arith.index_cast %scan3A_37 : i32 to index
      %get3A_165 = arith.constant 0 : index
      %get3A_166 = tpu.vector_load %arg8[%get3A_163, %get3A_164, %get3A_165] {strides = array<i32>} : memref<32x20x16xf32, #tpu.memory_space<vmem>>, vector<16xf32>,
      %add3A_167 = arith.addf %add3A_161, %get3A_166 : vector<16xf32>
      %get3A_168 = arith.constant 22 : i32
      %get3A_169 = arith.index_cast %get3A_168 : i32 to index
      %get3A_170 = arith.index_cast %scan3A_37 : i32 to index
      %get3A_171 = arith.constant 0 : index
      %get3A_172 = tpu.vector_load %arg8[%get3A_169, %get3A_170, %get3A_171] {strides = array<i32>} : memref<32x20x16xf32, #tpu.memory_space<vmem>>, vector<16xf32>,
      %add3A_173 = arith.addf %add3A_167, %get3A_172 : vector<16xf32>
      %get3A_174 = arith.constant 23 : i32
      %get3A_175 = arith.index_cast %get3A_174 : i32 to index
      %get3A_176 = arith.index_cast %scan3A_37 : i32 to index
      %get3A_177 = arith.constant 0 : index
      %get3A_178 = tpu.vector_load %arg8[%get3A_175, %get3A_176, %get3A_177] {strides = array<i32>} : memref<32x20x16xf32, #tpu.memory_space<vmem>>, vector<16xf32>,
      %add3A_179 = arith.addf %add3A_173, %get3A_178 : vector<16xf32>
      %get3A_180 = arith.constant 24 : i32
      %get3A_181 = arith.index_cast %get3A_180 : i32 to index
      %get3A_182 = arith.index_cast %scan3A_37 : i32 to index
      %get3A_183 = arith.constant 0 : index
      %get3A_184 = tpu.vector_load %arg8[%get3A_181, %get3A_182, %get3A_183] {strides = array<i32>} : memref<32x20x16xf32, #tpu.memory_space<vmem>>, vector<16xf32>,
      %add3A_185 = arith.addf %add3A_179, %get3A_184 : vector<16xf32>
      %get3A_186 = arith.constant 25 : i32
      %get3A_187 = arith.index_cast %get3A_186 : i32 to index
      %get3A_188 = arith.index_cast %scan3A_37 : i32 to index
      %get3A_189 = arith.constant 0 : index
      %get3A_190 = tpu.vector_load %arg8[%get3A_187, %get3A_188, %get3A_189] {strides = array<i32>} : memref<32x20x16xf32, #tpu.memory_space<vmem>>, vector<16xf32>,
      %add3A_191 = arith.addf %add3A_185, %get3A_190 : vector<16xf32>
      %get3A_192 = arith.constant 26 : i32
      %get3A_193 = arith.index_cast %get3A_192 : i32 to index
      %get3A_194 = arith.index_cast %scan3A_37 : i32 to index
      %get3A_195 = arith.constant 0 : index
      %get3A_196 = tpu.vector_load %arg8[%get3A_193, %get3A_194, %get3A_195] {strides = array<i32>} : memref<32x20x16xf32, #tpu.memory_space<vmem>>, vector<16xf32>,
      %add3A_197 = arith.addf %add3A_191, %get3A_196 : vector<16xf32>
      %get3A_198 = arith.constant 27 : i32
      %get3A_199 = arith.index_cast %get3A_198 : i32 to index
      %get3A_200 = arith.index_cast %scan3A_37 : i32 to index
      %get3A_201 = arith.constant 0 : index
      %get3A_202 = tpu.vector_load %arg8[%get3A_199, %get3A_200, %get3A_201] {strides = array<i32>} : memref<32x20x16xf32, #tpu.memory_space<vmem>>, vector<16xf32>,
      %add3A_203 = arith.addf %add3A_197, %get3A_202 : vector<16xf32>
      %get3A_204 = arith.constant 28 : i32
      %get3A_205 = arith.index_cast %get3A_204 : i32 to index
      %get3A_206 = arith.index_cast %scan3A_37 : i32 to index
      %get3A_207 = arith.constant 0 : index
      %get3A_208 = tpu.vector_load %arg8[%get3A_205, %get3A_206, %get3A_207] {strides = array<i32>} : memref<32x20x16xf32, #tpu.memory_space<vmem>>, vector<16xf32>,
      %add3A_209 = arith.addf %add3A_203, %get3A_208 : vector<16xf32>
      %get3A_210 = arith.constant 29 : i32
      %get3A_211 = arith.index_cast %get3A_210 : i32 to index
      %get3A_212 = arith.index_cast %scan3A_37 : i32 to index
      %get3A_213 = arith.constant 0 : index
      %get3A_214 = tpu.vector_load %arg8[%get3A_211, %get3A_212, %get3A_213] {strides = array<i32>} : memref<32x20x16xf32, #tpu.memory_space<vmem>>, vector<16xf32>,
      %add3A_215 = arith.addf %add3A_209, %get3A_214 : vector<16xf32>
      %get3A_216 = arith.constant 30 : i32
      %get3A_217 = arith.index_cast %get3A_216 : i32 to index
      %get3A_218 = arith.index_cast %scan3A_37 : i32 to index
      %get3A_219 = arith.constant 0 : index
      %get3A_220 = tpu.vector_load %arg8[%get3A_217, %get3A_218, %get3A_219] {strides = array<i32>} : memref<32x20x16xf32, #tpu.memory_space<vmem>>, vector<16xf32>,
      %add3A_221 = arith.addf %add3A_215, %get3A_220 : vector<16xf32>
      %get3A_222 = arith.constant 31 : i32
      %get3A_223 = arith.index_cast %get3A_222 : i32 to index
      %get3A_224 = arith.index_cast %scan3A_37 : i32 to index
      %get3A_225 = arith.constant 0 : index
      %get3A_226 = tpu.vector_load %arg8[%get3A_223, %get3A_224, %get3A_225] {strides = array<i32>} : memref<32x20x16xf32, #tpu.memory_space<vmem>>, vector<16xf32>,
      %add3A_227 = arith.addf %add3A_221, %get3A_226 : vector<16xf32>
      %add3A_228 = arith.constant 1.000000e+00 : f32
      %add3A_229 = vector.broadcast %add3A_228 : f32 to vector<16xf32>
      %add3A_230 = arith.addf %add3A_227, %add3A_229 : vector<16xf32>
      %bitcast3A = vector.bitcast %add3A_230 : vector<16xf32> to vector<16xi32>
      %shift_right_arithmetic3A = arith.constant 1 : i32
      %shift_right_arithmetic3A_231 = vector.broadcast %shift_right_arithmetic3A : i32 to vector<16xi32>
      %shift_right_arithmetic3A_232 = arith.shrsi %bitcast3A, %shift_right_arithmetic3A_231 : vector<16xi32>
      %sub3A = arith.constant 1597463007 : i32
      %sub3A_233 = vector.broadcast %sub3A : i32 to vector<16xi32>
      %sub3A_234 = arith.subi %sub3A_233, %shift_right_arithmetic3A_232 : vector<16xi32>
      %bitcast3A_235 = vector.bitcast %sub3A_234 : vector<16xi32> to vector<16xf32>
      %mul3A_236 = arith.constant 5.000000e-01 : f32
      %mul3A_237 = vector.broadcast %mul3A_236 : f32 to vector<16xf32>
      %mul3A_238 = arith.mulf %mul3A_237, %add3A_230 : vector<16xf32>
      %mul3A_239 = arith.mulf %mul3A_238, %bitcast3A_235 : vector<16xf32>
      %mul3A_240 = arith.mulf %mul3A_239, %bitcast3A_235 : vector<16xf32>
      %sub3A_241 = arith.constant 1.500000e+00 : f32
      %sub3A_242 = vector.broadcast %sub3A_241 : f32 to vector<16xf32>
      %sub3A_243 = arith.subf %sub3A_242, %mul3A_240 : vector<16xf32>
      %mul3A_244 = arith.mulf %bitcast3A_235, %sub3A_243 : vector<16xf32>
      %mul3A_245 = arith.constant 5.000000e-01 : f32
      %mul3A_246 = vector.broadcast %mul3A_245 : f32 to vector<16xf32>
      %mul3A_247 = arith.mulf %mul3A_246, %add3A_230 : vector<16xf32>
      %mul3A_248 = arith.mulf %mul3A_247, %mul3A_244 : vector<16xf32>
      %mul3A_249 = arith.mulf %mul3A_248, %mul3A_244 : vector<16xf32>
      %sub3A_250 = arith.constant 1.500000e+00 : f32
      %sub3A_251 = vector.broadcast %sub3A_250 : f32 to vector<16xf32>
      %sub3A_252 = arith.subf %sub3A_251, %mul3A_249 : vector<16xf32>
      %mul3A_253 = arith.mulf %mul3A_244, %sub3A_252 : vector<16xf32>
      %mul3A_254 = arith.constant 5.000000e-01 : f32
      %mul3A_255 = vector.broadcast %mul3A_254 : f32 to vector<16xf32>
      %mul3A_256 = arith.mulf %mul3A_255, %add3A_230 : vector<16xf32>
      %mul3A_257 = arith.mulf %mul3A_256, %mul3A_253 : vector<16xf32>
      %mul3A_258 = arith.mulf %mul3A_257, %mul3A_253 : vector<16xf32>
      %sub3A_259 = arith.constant 1.500000e+00 : f32
      %sub3A_260 = vector.broadcast %sub3A_259 : f32 to vector<16xf32>
      %sub3A_261 = arith.subf %sub3A_260, %mul3A_258 : vector<16xf32>
      %mul3A_262 = arith.mulf %mul3A_253, %sub3A_261 : vector<16xf32>
      %mul3A_263 = arith.constant 16 : i32
      %mul3A_264 = arith.muli %scan3A_37, %mul3A_263 : i32
      %swap3A = arith.index_cast %mul3A_264 : i32 to index
      %swap3A_265 = tpu.vector_load %arg10[%swap3A] {strides = array<i32>} : memref<320xf32, #tpu.memory_space<vmem>>, vector<16xf32>,
      tpu.vector_store %arg10[%swap3A], %mul3A_262 {strides = array<i32>} : memref<320xf32, #tpu.memory_space<vmem>>, vector<16xf32>,
      %mul3A_266 = arith.mulf %mul3A_262, %mul3A_262 : vector<16xf32>
      %mul3A_267 = arith.constant 16 : i32
      %mul3A_268 = arith.muli %scan3A_37, %mul3A_267 : i32
      %swap3A_269 = arith.index_cast %mul3A_268 : i32 to index
      %swap3A_270 = tpu.vector_load %arg11[%swap3A_269] {strides = array<i32>} : memref<320xf32, #tpu.memory_space<vmem>>, vector<16xf32>,
      tpu.vector_store %arg11[%swap3A_269], %mul3A_266 {strides = array<i32>} : memref<320xf32, #tpu.memory_space<vmem>>, vector<16xf32>,
    }
    %scan3A_30 = arith.constant 20 : i32
    %scan3A_31 = arith.constant 0 : i32
    %scan3A_32 = arith.constant 0 : i32
    %scan3A_33 = arith.constant 80 : i32
    %scan3A_34 = arith.addi %scan3A_32, %scan3A_33 : i32
    %scan3A_35 = arith.constant 1 : i32
    scf.for %scan3A_37 = %scan3A_32 to %scan3A_34 step %scan3A_35  : i32 {
      %mul3A_38 = arith.constant 4 : i32
      %mul3A_39 = arith.muli %scan3A_37, %mul3A_38 : i32
      %add3A_40 = arith.constant 0 : i32
      %add3A_41 = arith.addi %mul3A_39, %add3A_40 : i32
      %broadcast_in_dim3A = vector.broadcast %add3A_41 : i32 to vector<16xi32>
      %gather3A = tpu.vector_load_idx %arg10[%broadcast_in_dim3A] : memref<320xf32, #tpu.memory_space<vmem>>[vector<16xi32>], vector<16xf32>,
      %get3A = arith.index_cast %add3A_41 : i32 to index
      %get3A_42 = arith.constant 0 : index
      %get3A_43 = tpu.vector_load %arg7[%get3A, %get3A_42] {strides = array<i32>} : memref<320x40xf32, #tpu.memory_space<vmem>>, vector<16xf32>,
      %mul3A_44 = arith.mulf %get3A_43, %gather3A : vector<16xf32>
      %swap3A = arith.index_cast %add3A_41 : i32 to index
      %swap3A_45 = arith.constant 0 : index
      %swap3A_46 = tpu.vector_load %arg9[%swap3A, %swap3A_45] {strides = array<i32>} : memref<320x40xf32, #tpu.memory_space<vmem>>, vector<16xf32>,
      tpu.vector_store %arg9[%swap3A, %swap3A_45], %mul3A_44 {strides = array<i32>} : memref<320x40xf32, #tpu.memory_space<vmem>>, vector<16xf32>,
      %get3A_47 = arith.index_cast %add3A_41 : i32 to index
      %get3A_48 = arith.constant 16 : index
      %get3A_49 = tpu.vector_load %arg7[%get3A_47, %get3A_48] {strides = array<i32>} : memref<320x40xf32, #tpu.memory_space<vmem>>, vector<16xf32>,
      %mul3A_50 = arith.mulf %get3A_49, %gather3A : vector<16xf32>
      %swap3A_51 = arith.index_cast %add3A_41 : i32 to index
      %swap3A_52 = arith.constant 16 : index
      %swap3A_53 = tpu.vector_load %arg9[%swap3A_51, %swap3A_52] {strides = array<i32>} : memref<320x40xf32, #tpu.memory_space<vmem>>, vector<16xf32>,
      tpu.vector_store %arg9[%swap3A_51, %swap3A_52], %mul3A_50 {strides = array<i32>} : memref<320x40xf32, #tpu.memory_space<vmem>>, vector<16xf32>,
      %get3A_54 = arith.index_cast %add3A_41 : i32 to index
      %get3A_55 = arith.constant 24 : index
      %get3A_56 = tpu.vector_load %arg7[%get3A_54, %get3A_55] {strides = array<i32>} : memref<320x40xf32, #tpu.memory_space<vmem>>, vector<16xf32>,
      %mul3A_57 = arith.mulf %get3A_56, %gather3A : vector<16xf32>
      %swap3A_58 = arith.index_cast %add3A_41 : i32 to index
      %swap3A_59 = arith.constant 24 : index
      %swap3A_60 = tpu.vector_load %arg9[%swap3A_58, %swap3A_59] {strides = array<i32>} : memref<320x40xf32, #tpu.memory_space<vmem>>, vector<16xf32>,
      tpu.vector_store %arg9[%swap3A_58, %swap3A_59], %mul3A_57 {strides = array<i32>} : memref<320x40xf32, #tpu.memory_space<vmem>>, vector<16xf32>,
      %mul3A_61 = arith.constant 4 : i32
      %mul3A_62 = arith.muli %scan3A_37, %mul3A_61 : i32
      %add3A_63 = arith.constant 1 : i32
      %add3A_64 = arith.addi %mul3A_62, %add3A_63 : i32
      %broadcast_in_dim3A_65 = vector.broadcast %add3A_64 : i32 to vector<16xi32>
      %gather3A_66 = tpu.vector_load_idx %arg10[%broadcast_in_dim3A_65] : memref<320xf32, #tpu.memory_space<vmem>>[vector<16xi32>], vector<16xf32>,
      %get3A_67 = arith.index_cast %add3A_64 : i32 to index
      %get3A_68 = arith.constant 0 : index
      %get3A_69 = tpu.vector_load %arg7[%get3A_67, %get3A_68] {strides = array<i32>} : memref<320x40xf32, #tpu.memory_space<vmem>>, vector<16xf32>,
      %mul3A_70 = arith.mulf %get3A_69, %gather3A_66 : vector<16xf32>
      %swap3A_71 = arith.index_cast %add3A_64 : i32 to index
      %swap3A_72 = arith.constant 0 : index
      %swap3A_73 = tpu.vector_load %arg9[%swap3A_71, %swap3A_72] {strides = array<i32>} : memref<320x40xf32, #tpu.memory_space<vmem>>, vector<16xf32>,
      tpu.vector_store %arg9[%swap3A_71, %swap3A_72], %mul3A_70 {strides = array<i32>} : memref<320x40xf32, #tpu.memory_space<vmem>>, vector<16xf32>,
      %get3A_74 = arith.index_cast %add3A_64 : i32 to index
      %get3A_75 = arith.constant 16 : index
      %get3A_76 = tpu.vector_load %arg7[%get3A_74, %get3A_75] {strides = array<i32>} : memref<320x40xf32, #tpu.memory_space<vmem>>, vector<16xf32>,
      %mul3A_77 = arith.mulf %get3A_76, %gather3A_66 : vector<16xf32>
      %swap3A_78 = arith.index_cast %add3A_64 : i32 to index
      %swap3A_79 = arith.constant 16 : index
      %swap3A_80 = tpu.vector_load %arg9[%swap3A_78, %swap3A_79] {strides = array<i32>} : memref<320x40xf32, #tpu.memory_space<vmem>>, vector<16xf32>,
      tpu.vector_store %arg9[%swap3A_78, %swap3A_79], %mul3A_77 {strides = array<i32>} : memref<320x40xf32, #tpu.memory_space<vmem>>, vector<16xf32>,
      %get3A_81 = arith.index_cast %add3A_64 : i32 to index
      %get3A_82 = arith.constant 24 : index
      %get3A_83 = tpu.vector_load %arg7[%get3A_81, %get3A_82] {strides = array<i32>} : memref<320x40xf32, #tpu.memory_space<vmem>>, vector<16xf32>,
      %mul3A_84 = arith.mulf %get3A_83, %gather3A_66 : vector<16xf32>
      %swap3A_85 = arith.index_cast %add3A_64 : i32 to index
      %swap3A_86 = arith.constant 24 : index
      %swap3A_87 = tpu.vector_load %arg9[%swap3A_85, %swap3A_86] {strides = array<i32>} : memref<320x40xf32, #tpu.memory_space<vmem>>, vector<16xf32>,
      tpu.vector_store %arg9[%swap3A_85, %swap3A_86], %mul3A_84 {strides = array<i32>} : memref<320x40xf32, #tpu.memory_space<vmem>>, vector<16xf32>,
      %mul3A_88 = arith.constant 4 : i32
      %mul3A_89 = arith.muli %scan3A_37, %mul3A_88 : i32
      %add3A_90 = arith.constant 2 : i32
      %add3A_91 = arith.addi %mul3A_89, %add3A_90 : i32
      %broadcast_in_dim3A_92 = vector.broadcast %add3A_91 : i32 to vector<16xi32>
      %gather3A_93 = tpu.vector_load_idx %arg10[%broadcast_in_dim3A_92] : memref<320xf32, #tpu.memory_space<vmem>>[vector<16xi32>], vector<16xf32>,
      %get3A_94 = arith.index_cast %add3A_91 : i32 to index
      %get3A_95 = arith.constant 0 : index
      %get3A_96 = tpu.vector_load %arg7[%get3A_94, %get3A_95] {strides = array<i32>} : memref<320x40xf32, #tpu.memory_space<vmem>>, vector<16xf32>,
      %mul3A_97 = arith.mulf %get3A_96, %gather3A_93 : vector<16xf32>
      %swap3A_98 = arith.index_cast %add3A_91 : i32 to index
      %swap3A_99 = arith.constant 0 : index
      %swap3A_100 = tpu.vector_load %arg9[%swap3A_98, %swap3A_99] {strides = array<i32>} : memref<320x40xf32, #tpu.memory_space<vmem>>, vector<16xf32>,
      tpu.vector_store %arg9[%swap3A_98, %swap3A_99], %mul3A_97 {strides = array<i32>} : memref<320x40xf32, #tpu.memory_space<vmem>>, vector<16xf32>,
      %get3A_101 = arith.index_cast %add3A_91 : i32 to index
      %get3A_102 = arith.constant 16 : index
      %get3A_103 = tpu.vector_load %arg7[%get3A_101, %get3A_102] {strides = array<i32>} : memref<320x40xf32, #tpu.memory_space<vmem>>, vector<16xf32>,
      %mul3A_104 = arith.mulf %get3A_103, %gather3A_93 : vector<16xf32>
      %swap3A_105 = arith.index_cast %add3A_91 : i32 to index
      %swap3A_106 = arith.constant 16 : index
      %swap3A_107 = tpu.vector_load %arg9[%swap3A_105, %swap3A_106] {strides = array<i32>} : memref<320x40xf32, #tpu.memory_space<vmem>>, vector<16xf32>,
      tpu.vector_store %arg9[%swap3A_105, %swap3A_106], %mul3A_104 {strides = array<i32>} : memref<320x40xf32, #tpu.memory_space<vmem>>, vector<16xf32>,
      %get3A_108 = arith.index_cast %add3A_91 : i32 to index
      %get3A_109 = arith.constant 24 : index
      %get3A_110 = tpu.vector_load %arg7[%get3A_108, %get3A_109] {strides = array<i32>} : memref<320x40xf32, #tpu.memory_space<vmem>>, vector<16xf32>,
      %mul3A_111 = arith.mulf %get3A_110, %gather3A_93 : vector<16xf32>
      %swap3A_112 = arith.index_cast %add3A_91 : i32 to index
      %swap3A_113 = arith.constant 24 : index
      %swap3A_114 = tpu.vector_load %arg9[%swap3A_112, %swap3A_113] {strides = array<i32>} : memref<320x40xf32, #tpu.memory_space<vmem>>, vector<16xf32>,
      tpu.vector_store %arg9[%swap3A_112, %swap3A_113], %mul3A_111 {strides = array<i32>} : memref<320x40xf32, #tpu.memory_space<vmem>>, vector<16xf32>,
      %mul3A_115 = arith.constant 4 : i32
      %mul3A_116 = arith.muli %scan3A_37, %mul3A_115 : i32
      %add3A_117 = arith.constant 3 : i32
      %add3A_118 = arith.addi %mul3A_116, %add3A_117 : i32
      %broadcast_in_dim3A_119 = vector.broadcast %add3A_118 : i32 to vector<16xi32>
      %gather3A_120 = tpu.vector_load_idx %arg10[%broadcast_in_dim3A_119] : memref<320xf32, #tpu.memory_space<vmem>>[vector<16xi32>], vector<16xf32>,
      %get3A_121 = arith.index_cast %add3A_118 : i32 to index
      %get3A_122 = arith.constant 0 : index
      %get3A_123 = tpu.vector_load %arg7[%get3A_121, %get3A_122] {strides = array<i32>} : memref<320x40xf32, #tpu.memory_space<vmem>>, vector<16xf32>,
      %mul3A_124 = arith.mulf %get3A_123, %gather3A_120 : vector<16xf32>
      %swap3A_125 = arith.index_cast %add3A_118 : i32 to index
      %swap3A_126 = arith.constant 0 : index
      %swap3A_127 = tpu.vector_load %arg9[%swap3A_125, %swap3A_126] {strides = array<i32>} : memref<320x40xf32, #tpu.memory_space<vmem>>, vector<16xf32>,
      tpu.vector_store %arg9[%swap3A_125, %swap3A_126], %mul3A_124 {strides = array<i32>} : memref<320x40xf32, #tpu.memory_space<vmem>>, vector<16xf32>,
      %get3A_128 = arith.index_cast %add3A_118 : i32 to index
      %get3A_129 = arith.constant 16 : index
      %get3A_130 = tpu.vector_load %arg7[%get3A_128, %get3A_129] {strides = array<i32>} : memref<320x40xf32, #tpu.memory_space<vmem>>, vector<16xf32>,
      %mul3A_131 = arith.mulf %get3A_130, %gather3A_120 : vector<16xf32>
      %swap3A_132 = arith.index_cast %add3A_118 : i32 to index
      %swap3A_133 = arith.constant 16 : index
      %swap3A_134 = tpu.vector_load %arg9[%swap3A_132, %swap3A_133] {strides = array<i32>} : memref<320x40xf32, #tpu.memory_space<vmem>>, vector<16xf32>,
      tpu.vector_store %arg9[%swap3A_132, %swap3A_133], %mul3A_131 {strides = array<i32>} : memref<320x40xf32, #tpu.memory_space<vmem>>, vector<16xf32>,
      %get3A_135 = arith.index_cast %add3A_118 : i32 to index
      %get3A_136 = arith.constant 24 : index
      %get3A_137 = tpu.vector_load %arg7[%get3A_135, %get3A_136] {strides = array<i32>} : memref<320x40xf32, #tpu.memory_space<vmem>>, vector<16xf32>,
      %mul3A_138 = arith.mulf %get3A_137, %gather3A_120 : vector<16xf32>
      %swap3A_139 = arith.index_cast %add3A_118 : i32 to index
      %swap3A_140 = arith.constant 24 : index
      %swap3A_141 = tpu.vector_load %arg9[%swap3A_139, %swap3A_140] {strides = array<i32>} : memref<320x40xf32, #tpu.memory_space<vmem>>, vector<16xf32>,
      tpu.vector_store %arg9[%swap3A_139, %swap3A_140], %mul3A_138 {strides = array<i32>} : memref<320x40xf32, #tpu.memory_space<vmem>>, vector<16xf32>,
    }
    %scan3A_36 = arith.constant 80 : i32
    "tpu.region"() ({
      %run_scoped3A = tpu.sem_alloc : memref<!tpu.dma_semaphore, #tpu.memory_space<semaphore_mem>>
      %dma_start3A_37 = arith.constant 0 : i32
      %dma_start3A_38 = tpu.memref_slice %arg4[%min3A_3, %dma_start3A_37] : memref<10000x40xf32, #tpu.memory_space<hbm>> -> memref<320x40xf32, #tpu.memory_space<hbm>>
      %dma_start3A_39 = arith.constant 0 : i32
      %dma_start3A_40 = tpu.memref_slice %arg4[%min3A_3, %dma_start3A_39] : memref<10000x40xf32, #tpu.memory_space<hbm>> -> memref<320x40xf32, #tpu.memory_space<hbm>>
      tpu.enqueue_dma source(%arg9 : memref<320x40xf32, #tpu.memory_space<vmem>>) target(%dma_start3A_40 : memref<320x40xf32, #tpu.memory_space<hbm>>) target_semaphore(%run_scoped3A : memref<!tpu.dma_semaphore, #tpu.memory_space<semaphore_mem>>)
      %dma_wait3A_41 = arith.constant 0 : i32
      %dma_wait3A_42 = tpu.memref_slice %arg4[%min3A_3, %dma_wait3A_41] : memref<10000x40xf32, #tpu.memory_space<hbm>> -> memref<320x40xf32, #tpu.memory_space<hbm>>
      %dma_wait3A_43 = arith.constant 0 : i32
      %dma_wait3A_44 = tpu.memref_slice %arg4[%min3A_3, %dma_wait3A_43] : memref<10000x40xf32, #tpu.memory_space<hbm>> -> memref<320x40xf32, #tpu.memory_space<hbm>>
      tpu.wait_dma2 semaphore(%run_scoped3A : memref<!tpu.dma_semaphore, #tpu.memory_space<semaphore_mem>>) src(%arg9 : memref<320x40xf32, #tpu.memory_space<vmem>>) dst(%dma_wait3A_44 : memref<320x40xf32, #tpu.memory_space<hbm>>)
      tpu.yield
    }) : () -> ()
    "tpu.region"() ({
      %run_scoped3A = tpu.sem_alloc : memref<!tpu.dma_semaphore, #tpu.memory_space<semaphore_mem>>
      %dma_start3A_37 = tpu.memref_slice %arg5[%min3A_3] : memref<10000xf32, #tpu.memory_space<hbm>> -> memref<320xf32, #tpu.memory_space<hbm>>
      %dma_start3A_38 = tpu.memref_slice %arg5[%min3A_3] : memref<10000xf32, #tpu.memory_space<hbm>> -> memref<320xf32, #tpu.memory_space<hbm>>
      tpu.enqueue_dma source(%arg10 : memref<320xf32, #tpu.memory_space<vmem>>) target(%dma_start3A_38 : memref<320xf32, #tpu.memory_space<hbm>>) target_semaphore(%run_scoped3A : memref<!tpu.dma_semaphore, #tpu.memory_space<semaphore_mem>>)
      %dma_wait3A_39 = tpu.memref_slice %arg5[%min3A_3] : memref<10000xf32, #tpu.memory_space<hbm>> -> memref<320xf32, #tpu.memory_space<hbm>>
      %dma_wait3A_40 = tpu.memref_slice %arg5[%min3A_3] : memref<10000xf32, #tpu.memory_space<hbm>> -> memref<320xf32, #tpu.memory_space<hbm>>
      tpu.wait_dma2 semaphore(%run_scoped3A : memref<!tpu.dma_semaphore, #tpu.memory_space<semaphore_mem>>) src(%arg10 : memref<320xf32, #tpu.memory_space<vmem>>) dst(%dma_wait3A_40 : memref<320xf32, #tpu.memory_space<hbm>>)
      tpu.yield
    }) : () -> ()
    "tpu.region"() ({
      %run_scoped3A = tpu.sem_alloc : memref<!tpu.dma_semaphore, #tpu.memory_space<semaphore_mem>>
      %dma_start3A_37 = tpu.memref_slice %arg6[%min3A_3] : memref<10000xf32, #tpu.memory_space<hbm>> -> memref<320xf32, #tpu.memory_space<hbm>>
      %dma_start3A_38 = tpu.memref_slice %arg6[%min3A_3] : memref<10000xf32, #tpu.memory_space<hbm>> -> memref<320xf32, #tpu.memory_space<hbm>>
      tpu.enqueue_dma source(%arg11 : memref<320xf32, #tpu.memory_space<vmem>>) target(%dma_start3A_38 : memref<320xf32, #tpu.memory_space<hbm>>) target_semaphore(%run_scoped3A : memref<!tpu.dma_semaphore, #tpu.memory_space<semaphore_mem>>)
      %dma_wait3A_39 = tpu.memref_slice %arg6[%min3A_3] : memref<10000xf32, #tpu.memory_space<hbm>> -> memref<320xf32, #tpu.memory_space<hbm>>
      %dma_wait3A_40 = tpu.memref_slice %arg6[%min3A_3] : memref<10000xf32, #tpu.memory_space<hbm>> -> memref<320xf32, #tpu.memory_space<hbm>>
      tpu.wait_dma2 semaphore(%run_scoped3A : memref<!tpu.dma_semaphore, #tpu.memory_space<semaphore_mem>>) src(%arg11 : memref<320xf32, #tpu.memory_space<vmem>>) dst(%dma_wait3A_40 : memref<320xf32, #tpu.memory_space<hbm>>)
      tpu.yield
    }) : () -> ()
    return
  }
}

#map = affine_map<(d0, d1) -> (0, 0, 0)>
module attributes {stable_mosaic.version = 14 : i64} {
  func.func @_deg_body(%arg0: i32, %arg1: i32, %arg2: memref<2x2500x128xi32, #tpu.memory_space<hbm>>, %arg3: memref<32x625x16xf32, #tpu.memory_space<hbm>>, %arg4: memref<78x128xi32, #tpu.memory_space<vmem>>, %arg5: memref<625x16xf32, #tpu.memory_space<vmem>>) attributes {dimension_semantics = [#tpu.dimension_semantics<core_parallel>, #tpu.dimension_semantics<subcore_parallel>], iteration_bounds = array<i64: 2, 16>, scalar_prefetch = 0 : i64, scratch_operands = 2 : i64, tpu.core_type = #tpu.core_type<sc_vector_subcore>, window_params = [{transform_indices = #map}, {transform_indices = #map}]} {
    %mul3A = arith.constant 2 : i32
    %mul3A_0 = arith.muli %arg1, %mul3A : i32
    %add3A = arith.addi %mul3A_0, %arg0 : i32
    %broadcast_in_dim3A = arith.constant 0.000000e+00 : f32
    %broadcast_in_dim3A_1 = vector.broadcast %broadcast_in_dim3A : f32 to vector<16xf32>
    %scan3A = arith.constant 0 : i32
    %scan3A_2 = arith.constant 0 : i32
    %scan3A_3 = arith.constant 625 : i32
    %scan3A_4 = arith.addi %scan3A_2, %scan3A_3 : i32
    %scan3A_5 = arith.constant 1 : i32
    scf.for %scan3A_19 = %scan3A_2 to %scan3A_4 step %scan3A_5  : i32 {
      %swap3A = arith.index_cast %scan3A_19 : i32 to index
      %swap3A_20 = arith.constant 0 : index
      %swap3A_21 = tpu.vector_load %arg5[%swap3A, %swap3A_20] {strides = array<i32>} : memref<625x16xf32, #tpu.memory_space<vmem>>, vector<16xf32>,
      tpu.vector_store %arg5[%swap3A, %swap3A_20], %broadcast_in_dim3A_1 {strides = array<i32>} : memref<625x16xf32, #tpu.memory_space<vmem>>, vector<16xf32>,
    }
    %scan3A_6 = arith.constant 625 : i32
    %mul3A_7 = arith.constant 78 : i32
    %mul3A_8 = arith.muli %add3A, %mul3A_7 : i32
    %run_scoped3A = arith.constant 1 : i32
    "tpu.region"() ({
      %run_scoped3A_19 = tpu.sem_alloc : memref<!tpu.dma_semaphore, #tpu.memory_space<semaphore_mem>>
      %dma_start3A = arith.constant 0 : i32
      %dma_start3A_20 = tpu.memref_slice %arg2[%run_scoped3A, %mul3A_8, %dma_start3A] : memref<2x2500x128xi32, #tpu.memory_space<hbm>> -> memref<1x78x128xi32, #tpu.memory_space<hbm>>
      %dma_start3A_21 = tpu.memref_squeeze %dma_start3A_20 : memref<1x78x128xi32, #tpu.memory_space<hbm>> -> memref<78x128xi32, #tpu.memory_space<hbm>>
      %dma_start3A_22 = arith.constant 0 : i32
      %dma_start3A_23 = tpu.memref_slice %arg2[%run_scoped3A, %mul3A_8, %dma_start3A_22] : memref<2x2500x128xi32, #tpu.memory_space<hbm>> -> memref<1x78x128xi32, #tpu.memory_space<hbm>>
      %dma_start3A_24 = tpu.memref_squeeze %dma_start3A_23 : memref<1x78x128xi32, #tpu.memory_space<hbm>> -> memref<78x128xi32, #tpu.memory_space<hbm>>
      tpu.enqueue_dma source(%dma_start3A_24 : memref<78x128xi32, #tpu.memory_space<hbm>>) target(%arg4 : memref<78x128xi32, #tpu.memory_space<vmem>>) target_semaphore(%run_scoped3A_19 : memref<!tpu.dma_semaphore, #tpu.memory_space<semaphore_mem>>)
      %dma_wait3A = arith.constant 0 : i32
      %dma_wait3A_25 = tpu.memref_slice %arg2[%run_scoped3A, %mul3A_8, %dma_wait3A] : memref<2x2500x128xi32, #tpu.memory_space<hbm>> -> memref<1x78x128xi32, #tpu.memory_space<hbm>>
      %dma_wait3A_26 = tpu.memref_squeeze %dma_wait3A_25 : memref<1x78x128xi32, #tpu.memory_space<hbm>> -> memref<78x128xi32, #tpu.memory_space<hbm>>
      %dma_wait3A_27 = arith.constant 0 : i32
      %dma_wait3A_28 = tpu.memref_slice %arg2[%run_scoped3A, %mul3A_8, %dma_wait3A_27] : memref<2x2500x128xi32, #tpu.memory_space<hbm>> -> memref<1x78x128xi32, #tpu.memory_space<hbm>>
      %dma_wait3A_29 = tpu.memref_squeeze %dma_wait3A_28 : memref<1x78x128xi32, #tpu.memory_space<hbm>> -> memref<78x128xi32, #tpu.memory_space<hbm>>
      tpu.wait_dma2 semaphore(%run_scoped3A_19 : memref<!tpu.dma_semaphore, #tpu.memory_space<semaphore_mem>>) src(%dma_wait3A_29 : memref<78x128xi32, #tpu.memory_space<hbm>>) dst(%arg4 : memref<78x128xi32, #tpu.memory_space<vmem>>)
      tpu.yield
    }) : () -> ()
    %broadcast_in_dim3A_9 = arith.constant 1.000000e+00 : f32
    %broadcast_in_dim3A_10 = vector.broadcast %broadcast_in_dim3A_9 : f32 to vector<16xf32>
    %scan3A_11 = arith.constant 0 : i32
    %scan3A_12 = arith.constant 0 : i32
    %scan3A_13 = arith.constant 624 : i32
    %scan3A_14 = arith.addi %scan3A_12, %scan3A_13 : i32
    %scan3A_15 = arith.constant 1 : i32
    scf.for %scan3A_19 = %scan3A_12 to %scan3A_14 step %scan3A_15  : i32 {
      %jit3A = arith.constant 8 : i32
      %div3A = arith.divsi %scan3A_19, %jit3A : i32
      %sign3A = arith.constant 0 : i32
      %sign3A_20 = arith.cmpi sgt, %scan3A_19, %sign3A : i32
      %sign3A_21 = arith.extui %sign3A_20 : i1 to i32
      %sign3A_22 = arith.constant 0 : i32
      %sign3A_23 = arith.cmpi slt, %scan3A_19, %sign3A_22 : i32
      %sign3A_24 = arith.extui %sign3A_23 : i1 to i32
      %sign3A_25 = arith.subi %sign3A_21, %sign3A_24 : i32
      %sign3A_26 = arith.constant 0 : i32
      %sign3A_27 = arith.cmpi sgt, %jit3A, %sign3A_26 : i32
      %sign3A_28 = arith.extui %sign3A_27 : i1 to i32
      %sign3A_29 = arith.constant 0 : i32
      %sign3A_30 = arith.cmpi slt, %jit3A, %sign3A_29 : i32
      %sign3A_31 = arith.extui %sign3A_30 : i1 to i32
      %sign3A_32 = arith.subi %sign3A_28, %sign3A_31 : i32
      %ne3A = arith.cmpi ne, %sign3A_25, %sign3A_32 : i32
      %rem3A = arith.remsi %scan3A_19, %jit3A : i32
      %ne3A_33 = arith.constant 0 : i32
      %ne3A_34 = arith.cmpi ne, %rem3A, %ne3A_33 : i32
      %and3A = arith.andi %ne3A, %ne3A_34 : i1
      %sub3A = arith.constant 1 : i32
      %sub3A_35 = arith.subi %div3A, %sub3A : i32
      %select_n3A = arith.select %and3A, %sub3A_35, %div3A : i32
      %jit3A_36 = arith.constant 8 : i32
      %eq3A = arith.constant 0 : i32
      %eq3A_37 = arith.cmpi eq, %jit3A_36, %eq3A : i32
      %jit3A_38 = arith.constant 1 : i32
      %select_n3A_39 = arith.select %eq3A_37, %jit3A_38, %jit3A_36 : i32
      %rem3A_40 = arith.remsi %scan3A_19, %select_n3A_39 : i32
      %ne3A_41 = arith.constant 0 : i32
      %ne3A_42 = arith.cmpi ne, %rem3A_40, %ne3A_41 : i32
      %lt3A_43 = arith.constant 0 : i32
      %lt3A_44 = arith.cmpi slt, %rem3A_40, %lt3A_43 : i32
      %lt3A_45 = arith.constant 0 : i32
      %lt3A_46 = arith.cmpi slt, %select_n3A_39, %lt3A_45 : i32
      %ne3A_47 = arith.xori %lt3A_44, %lt3A_46 : i1
      %and3A_48 = arith.andi %ne3A_47, %ne3A_42 : i1
      %add3A_49 = arith.addi %rem3A_40, %select_n3A_39 : i32
      %select_n3A_50 = arith.select %and3A_48, %add3A_49, %rem3A_40 : i32
      %mul3A_51 = arith.constant 16 : i32
      %mul3A_52 = arith.muli %select_n3A_50, %mul3A_51 : i32
      %get3A = arith.index_cast %select_n3A : i32 to index
      %get3A_53 = arith.index_cast %mul3A_52 : i32 to index
      %get3A_54 = tpu.vector_load %arg4[%get3A, %get3A_53] {strides = array<i32>} : memref<78x128xi32, #tpu.memory_space<vmem>>, vector<16xi32>,
      %shift_right_arithmetic3A = arith.constant 4 : i32
      %shift_right_arithmetic3A_55 = vector.broadcast %shift_right_arithmetic3A : i32 to vector<16xi32>
      %shift_right_arithmetic3A_56 = arith.shrsi %get3A_54, %shift_right_arithmetic3A_55 : vector<16xi32>
      %and3A_57 = arith.constant 15 : i32
      %and3A_58 = vector.broadcast %and3A_57 : i32 to vector<16xi32>
      %and3A_59 = arith.andi %get3A_54, %and3A_58 : vector<16xi32>
      tpu.vector_store_idx %arg5[%shift_right_arithmetic3A_56, %and3A_59], %broadcast_in_dim3A_10 {add = true} : memref<625x16xf32, #tpu.memory_space<vmem>>[vector<16xi32>, vector<16xi32>], vector<16xf32>,
    }
    %scan3A_16 = arith.constant 624 : i32
    %lt3A = arith.constant 4 : i32
    %lt3A_17 = arith.cmpi slt, %add3A, %lt3A : i32
    %convert_element_type3A = arith.extui %lt3A_17 : i1 to i32
    %cond3A = arith.constant 0 : i32
    %cond3A_18 = arith.cmpi ne, %convert_element_type3A, %cond3A : i32
    scf.if %cond3A_18 {
      %add3A_19 = arith.constant 2496 : i32
      %add3A_20 = arith.addi %add3A_19, %add3A : i32
      %run_scoped3A_21 = arith.constant 1 : i32
      "tpu.region"() ({
        %run_scoped3A_28 = tpu.sem_alloc : memref<!tpu.dma_semaphore, #tpu.memory_space<semaphore_mem>>
        %dma_start3A = arith.constant 0 : i32
        %dma_start3A_29 = arith.constant 0 : i32
        %dma_start3A_30 = tpu.memref_slice %arg4[%dma_start3A, %dma_start3A_29] : memref<78x128xi32, #tpu.memory_space<vmem>> -> memref<1x128xi32, #tpu.memory_space<vmem>>
        %dma_start3A_31 = arith.constant 0 : i32
        %dma_start3A_32 = tpu.memref_slice %arg2[%run_scoped3A_21, %add3A_20, %dma_start3A_31] : memref<2x2500x128xi32, #tpu.memory_space<hbm>> -> memref<1x1x128xi32, #tpu.memory_space<hbm>>
        %dma_start3A_33 = tpu.memref_squeeze %dma_start3A_32 : memref<1x1x128xi32, #tpu.memory_space<hbm>> -> memref<1x128xi32, #tpu.memory_space<hbm>>
        %dma_start3A_34 = arith.constant 0 : i32
        %dma_start3A_35 = arith.constant 0 : i32
        %dma_start3A_36 = tpu.memref_slice %arg4[%dma_start3A_34, %dma_start3A_35] : memref<78x128xi32, #tpu.memory_space<vmem>> -> memref<1x128xi32, #tpu.memory_space<vmem>>
        %dma_start3A_37 = arith.constant 0 : i32
        %dma_start3A_38 = tpu.memref_slice %arg2[%run_scoped3A_21, %add3A_20, %dma_start3A_37] : memref<2x2500x128xi32, #tpu.memory_space<hbm>> -> memref<1x1x128xi32, #tpu.memory_space<hbm>>
        %dma_start3A_39 = tpu.memref_squeeze %dma_start3A_38 : memref<1x1x128xi32, #tpu.memory_space<hbm>> -> memref<1x128xi32, #tpu.memory_space<hbm>>
        tpu.enqueue_dma source(%dma_start3A_39 : memref<1x128xi32, #tpu.memory_space<hbm>>) target(%dma_start3A_36 : memref<1x128xi32, #tpu.memory_space<vmem>>) target_semaphore(%run_scoped3A_28 : memref<!tpu.dma_semaphore, #tpu.memory_space<semaphore_mem>>)
        %dma_wait3A = arith.constant 0 : i32
        %dma_wait3A_40 = arith.constant 0 : i32
        %dma_wait3A_41 = tpu.memref_slice %arg4[%dma_wait3A, %dma_wait3A_40] : memref<78x128xi32, #tpu.memory_space<vmem>> -> memref<1x128xi32, #tpu.memory_space<vmem>>
        %dma_wait3A_42 = arith.constant 0 : i32
        %dma_wait3A_43 = tpu.memref_slice %arg2[%run_scoped3A_21, %add3A_20, %dma_wait3A_42] : memref<2x2500x128xi32, #tpu.memory_space<hbm>> -> memref<1x1x128xi32, #tpu.memory_space<hbm>>
        %dma_wait3A_44 = tpu.memref_squeeze %dma_wait3A_43 : memref<1x1x128xi32, #tpu.memory_space<hbm>> -> memref<1x128xi32, #tpu.memory_space<hbm>>
        %dma_wait3A_45 = arith.constant 0 : i32
        %dma_wait3A_46 = arith.constant 0 : i32
        %dma_wait3A_47 = tpu.memref_slice %arg4[%dma_wait3A_45, %dma_wait3A_46] : memref<78x128xi32, #tpu.memory_space<vmem>> -> memref<1x128xi32, #tpu.memory_space<vmem>>
        %dma_wait3A_48 = arith.constant 0 : i32
        %dma_wait3A_49 = tpu.memref_slice %arg2[%run_scoped3A_21, %add3A_20, %dma_wait3A_48] : memref<2x2500x128xi32, #tpu.memory_space<hbm>> -> memref<1x1x128xi32, #tpu.memory_space<hbm>>
        %dma_wait3A_50 = tpu.memref_squeeze %dma_wait3A_49 : memref<1x1x128xi32, #tpu.memory_space<hbm>> -> memref<1x128xi32, #tpu.memory_space<hbm>>
        tpu.wait_dma2 semaphore(%run_scoped3A_28 : memref<!tpu.dma_semaphore, #tpu.memory_space<semaphore_mem>>) src(%dma_wait3A_50 : memref<1x128xi32, #tpu.memory_space<hbm>>) dst(%dma_wait3A_47 : memref<1x128xi32, #tpu.memory_space<vmem>>)
        tpu.yield
      }) : () -> ()
      %scan3A_22 = arith.constant 0 : i32
      %scan3A_23 = arith.constant 0 : i32
      %scan3A_24 = arith.constant 8 : i32
      %scan3A_25 = arith.addi %scan3A_23, %scan3A_24 : i32
      %scan3A_26 = arith.constant 1 : i32
      scf.for %scan3A_28 = %scan3A_23 to %scan3A_25 step %scan3A_26  : i32 {
        %mul3A_29 = arith.constant 16 : i32
        %mul3A_30 = arith.muli %scan3A_28, %mul3A_29 : i32
        %get3A = arith.constant 0 : i32
        %get3A_31 = arith.index_cast %get3A : i32 to index
        %get3A_32 = arith.index_cast %mul3A_30 : i32 to index
        %get3A_33 = tpu.vector_load %arg4[%get3A_31, %get3A_32] {strides = array<i32>} : memref<78x128xi32, #tpu.memory_space<vmem>>, vector<16xi32>,
        %shift_right_arithmetic3A = arith.constant 4 : i32
        %shift_right_arithmetic3A_34 = vector.broadcast %shift_right_arithmetic3A : i32 to vector<16xi32>
        %shift_right_arithmetic3A_35 = arith.shrsi %get3A_33, %shift_right_arithmetic3A_34 : vector<16xi32>
        %and3A = arith.constant 15 : i32
        %and3A_36 = vector.broadcast %and3A : i32 to vector<16xi32>
        %and3A_37 = arith.andi %get3A_33, %and3A_36 : vector<16xi32>
        tpu.vector_store_idx %arg5[%shift_right_arithmetic3A_35, %and3A_37], %broadcast_in_dim3A_10 {add = true} : memref<625x16xf32, #tpu.memory_space<vmem>>[vector<16xi32>, vector<16xi32>], vector<16xf32>,
      }
      %scan3A_27 = arith.constant 8 : i32
    } else {
    }
    "tpu.region"() ({
      %run_scoped3A_19 = tpu.sem_alloc : memref<!tpu.dma_semaphore, #tpu.memory_space<semaphore_mem>>
      %dma_start3A = arith.constant 0 : i32
      %dma_start3A_20 = arith.constant 0 : i32
      %dma_start3A_21 = tpu.memref_slice %arg3[%add3A, %dma_start3A, %dma_start3A_20] : memref<32x625x16xf32, #tpu.memory_space<hbm>> -> memref<1x625x16xf32, #tpu.memory_space<hbm>>
      %dma_start3A_22 = tpu.memref_squeeze %dma_start3A_21 : memref<1x625x16xf32, #tpu.memory_space<hbm>> -> memref<625x16xf32, #tpu.memory_space<hbm>>
      %dma_start3A_23 = arith.constant 0 : i32
      %dma_start3A_24 = arith.constant 0 : i32
      %dma_start3A_25 = tpu.memref_slice %arg3[%add3A, %dma_start3A_23, %dma_start3A_24] : memref<32x625x16xf32, #tpu.memory_space<hbm>> -> memref<1x625x16xf32, #tpu.memory_space<hbm>>
      %dma_start3A_26 = tpu.memref_squeeze %dma_start3A_25 : memref<1x625x16xf32, #tpu.memory_space<hbm>> -> memref<625x16xf32, #tpu.memory_space<hbm>>
      tpu.enqueue_dma source(%arg5 : memref<625x16xf32, #tpu.memory_space<vmem>>) target(%dma_start3A_26 : memref<625x16xf32, #tpu.memory_space<hbm>>) target_semaphore(%run_scoped3A_19 : memref<!tpu.dma_semaphore, #tpu.memory_space<semaphore_mem>>)
      %dma_wait3A = arith.constant 0 : i32
      %dma_wait3A_27 = arith.constant 0 : i32
      %dma_wait3A_28 = tpu.memref_slice %arg3[%add3A, %dma_wait3A, %dma_wait3A_27] : memref<32x625x16xf32, #tpu.memory_space<hbm>> -> memref<1x625x16xf32, #tpu.memory_space<hbm>>
      %dma_wait3A_29 = tpu.memref_squeeze %dma_wait3A_28 : memref<1x625x16xf32, #tpu.memory_space<hbm>> -> memref<625x16xf32, #tpu.memory_space<hbm>>
      %dma_wait3A_30 = arith.constant 0 : i32
      %dma_wait3A_31 = arith.constant 0 : i32
      %dma_wait3A_32 = tpu.memref_slice %arg3[%add3A, %dma_wait3A_30, %dma_wait3A_31] : memref<32x625x16xf32, #tpu.memory_space<hbm>> -> memref<1x625x16xf32, #tpu.memory_space<hbm>>
      %dma_wait3A_33 = tpu.memref_squeeze %dma_wait3A_32 : memref<1x625x16xf32, #tpu.memory_space<hbm>> -> memref<625x16xf32, #tpu.memory_space<hbm>>
      tpu.wait_dma2 semaphore(%run_scoped3A_19 : memref<!tpu.dma_semaphore, #tpu.memory_space<semaphore_mem>>) src(%arg5 : memref<625x16xf32, #tpu.memory_space<vmem>>) dst(%dma_wait3A_33 : memref<625x16xf32, #tpu.memory_space<hbm>>)
      tpu.yield
    }) : () -> ()
    return
  }
}

#map = affine_map<(d0, d1) -> (0, 0)>
#map1 = affine_map<(d0, d1) -> (0, 0, 0)>
#map2 = affine_map<(d0, d1) -> (0)>
module attributes {stable_mosaic.version = 14 : i64} {
  func.func @_scalesc_body(%arg0: i32, %arg1: i32, %arg2: memref<10000x40xf32, #tpu.memory_space<hbm>>, %arg3: memref<2x10000x40xf32, #tpu.memory_space<hbm>>, %arg4: memref<10000xf32, #tpu.memory_space<hbm>>, %arg5: memref<10000x40xf32, #tpu.memory_space<hbm>>, %arg6: memref<320x40xf32, #tpu.memory_space<vmem>>, %arg7: memref<320x40xf32, #tpu.memory_space<vmem>>, %arg8: memref<320x40xf32, #tpu.memory_space<vmem>>, %arg9: memref<320xf32, #tpu.memory_space<vmem>>, %arg10: memref<320x40xf32, #tpu.memory_space<vmem>>, %arg11: memref<!tpu.dma_semaphore, #tpu.memory_space<semaphore_mem>>) attributes {dimension_semantics = [#tpu.dimension_semantics<core_parallel>, #tpu.dimension_semantics<subcore_parallel>], iteration_bounds = array<i64: 2, 16>, scalar_prefetch = 0 : i64, scratch_operands = 6 : i64, tpu.core_type = #tpu.core_type<sc_vector_subcore>, window_params = [{transform_indices = #map}, {transform_indices = #map1}, {transform_indices = #map2}, {transform_indices = #map}]} {
    %mul3A = arith.constant 2 : i32
    %mul3A_0 = arith.muli %arg1, %mul3A : i32
    %add3A = arith.addi %mul3A_0, %arg0 : i32
    %mul3A_1 = arith.constant 320 : i32
    %mul3A_2 = arith.muli %add3A, %mul3A_1 : i32
    %min3A = arith.constant 9680 : i32
    %min3A_3 = arith.minsi %mul3A_2, %min3A : i32
    %dma_start3A = arith.constant 0 : i32
    %dma_start3A_4 = tpu.memref_slice %arg2[%min3A_3, %dma_start3A] : memref<10000x40xf32, #tpu.memory_space<hbm>> -> memref<320x40xf32, #tpu.memory_space<hbm>>
    %dma_start3A_5 = arith.constant 0 : i32
    %dma_start3A_6 = tpu.memref_slice %arg2[%min3A_3, %dma_start3A_5] : memref<10000x40xf32, #tpu.memory_space<hbm>> -> memref<320x40xf32, #tpu.memory_space<hbm>>
    tpu.enqueue_dma source(%dma_start3A_6 : memref<320x40xf32, #tpu.memory_space<hbm>>) target(%arg6 : memref<320x40xf32, #tpu.memory_space<vmem>>) target_semaphore(%arg11 : memref<!tpu.dma_semaphore, #tpu.memory_space<semaphore_mem>>)
    %dma_start3A_7 = arith.constant 0 : i32
    %dma_start3A_8 = arith.constant 0 : i32
    %dma_start3A_9 = tpu.memref_slice %arg3[%dma_start3A_7, %min3A_3, %dma_start3A_8] : memref<2x10000x40xf32, #tpu.memory_space<hbm>> -> memref<1x320x40xf32, #tpu.memory_space<hbm>>
    %dma_start3A_10 = tpu.memref_squeeze %dma_start3A_9 : memref<1x320x40xf32, #tpu.memory_space<hbm>> -> memref<320x40xf32, #tpu.memory_space<hbm>>
    %dma_start3A_11 = arith.constant 0 : i32
    %dma_start3A_12 = tpu.memref_slice %arg3[%dma_start3A_7, %min3A_3, %dma_start3A_11] : memref<2x10000x40xf32, #tpu.memory_space<hbm>> -> memref<1x320x40xf32, #tpu.memory_space<hbm>>
    %dma_start3A_13 = tpu.memref_squeeze %dma_start3A_12 : memref<1x320x40xf32, #tpu.memory_space<hbm>> -> memref<320x40xf32, #tpu.memory_space<hbm>>
    tpu.enqueue_dma source(%dma_start3A_13 : memref<320x40xf32, #tpu.memory_space<hbm>>) target(%arg7 : memref<320x40xf32, #tpu.memory_space<vmem>>) target_semaphore(%arg11 : memref<!tpu.dma_semaphore, #tpu.memory_space<semaphore_mem>>)
    %dma_start3A_14 = arith.constant 1 : i32
    %dma_start3A_15 = arith.constant 0 : i32
    %dma_start3A_16 = tpu.memref_slice %arg3[%dma_start3A_14, %min3A_3, %dma_start3A_15] : memref<2x10000x40xf32, #tpu.memory_space<hbm>> -> memref<1x320x40xf32, #tpu.memory_space<hbm>>
    %dma_start3A_17 = tpu.memref_squeeze %dma_start3A_16 : memref<1x320x40xf32, #tpu.memory_space<hbm>> -> memref<320x40xf32, #tpu.memory_space<hbm>>
    %dma_start3A_18 = arith.constant 0 : i32
    %dma_start3A_19 = tpu.memref_slice %arg3[%dma_start3A_14, %min3A_3, %dma_start3A_18] : memref<2x10000x40xf32, #tpu.memory_space<hbm>> -> memref<1x320x40xf32, #tpu.memory_space<hbm>>
    %dma_start3A_20 = tpu.memref_squeeze %dma_start3A_19 : memref<1x320x40xf32, #tpu.memory_space<hbm>> -> memref<320x40xf32, #tpu.memory_space<hbm>>
    tpu.enqueue_dma source(%dma_start3A_20 : memref<320x40xf32, #tpu.memory_space<hbm>>) target(%arg8 : memref<320x40xf32, #tpu.memory_space<vmem>>) target_semaphore(%arg11 : memref<!tpu.dma_semaphore, #tpu.memory_space<semaphore_mem>>)
    %dma_start3A_21 = tpu.memref_slice %arg4[%min3A_3] : memref<10000xf32, #tpu.memory_space<hbm>> -> memref<320xf32, #tpu.memory_space<hbm>>
    %dma_start3A_22 = tpu.memref_slice %arg4[%min3A_3] : memref<10000xf32, #tpu.memory_space<hbm>> -> memref<320xf32, #tpu.memory_space<hbm>>
    tpu.enqueue_dma source(%dma_start3A_22 : memref<320xf32, #tpu.memory_space<hbm>>) target(%arg9 : memref<320xf32, #tpu.memory_space<vmem>>) target_semaphore(%arg11 : memref<!tpu.dma_semaphore, #tpu.memory_space<semaphore_mem>>)
    %dma_wait3A = arith.constant 0 : i32
    %dma_wait3A_23 = tpu.memref_slice %arg2[%min3A_3, %dma_wait3A] : memref<10000x40xf32, #tpu.memory_space<hbm>> -> memref<320x40xf32, #tpu.memory_space<hbm>>
    %dma_wait3A_24 = arith.constant 0 : i32
    %dma_wait3A_25 = tpu.memref_slice %arg2[%min3A_3, %dma_wait3A_24] : memref<10000x40xf32, #tpu.memory_space<hbm>> -> memref<320x40xf32, #tpu.memory_space<hbm>>
    tpu.wait_dma2 semaphore(%arg11 : memref<!tpu.dma_semaphore, #tpu.memory_space<semaphore_mem>>) src(%dma_wait3A_25 : memref<320x40xf32, #tpu.memory_space<hbm>>) dst(%arg6 : memref<320x40xf32, #tpu.memory_space<vmem>>)
    %dma_wait3A_26 = arith.constant 0 : i32
    %dma_wait3A_27 = arith.constant 0 : i32
    %dma_wait3A_28 = tpu.memref_slice %arg3[%dma_wait3A_26, %min3A_3, %dma_wait3A_27] : memref<2x10000x40xf32, #tpu.memory_space<hbm>> -> memref<1x320x40xf32, #tpu.memory_space<hbm>>
    %dma_wait3A_29 = tpu.memref_squeeze %dma_wait3A_28 : memref<1x320x40xf32, #tpu.memory_space<hbm>> -> memref<320x40xf32, #tpu.memory_space<hbm>>
    %dma_wait3A_30 = arith.constant 0 : i32
    %dma_wait3A_31 = tpu.memref_slice %arg3[%dma_wait3A_26, %min3A_3, %dma_wait3A_30] : memref<2x10000x40xf32, #tpu.memory_space<hbm>> -> memref<1x320x40xf32, #tpu.memory_space<hbm>>
    %dma_wait3A_32 = tpu.memref_squeeze %dma_wait3A_31 : memref<1x320x40xf32, #tpu.memory_space<hbm>> -> memref<320x40xf32, #tpu.memory_space<hbm>>
    tpu.wait_dma2 semaphore(%arg11 : memref<!tpu.dma_semaphore, #tpu.memory_space<semaphore_mem>>) src(%dma_wait3A_32 : memref<320x40xf32, #tpu.memory_space<hbm>>) dst(%arg7 : memref<320x40xf32, #tpu.memory_space<vmem>>)
    %dma_wait3A_33 = arith.constant 1 : i32
    %dma_wait3A_34 = arith.constant 0 : i32
    %dma_wait3A_35 = tpu.memref_slice %arg3[%dma_wait3A_33, %min3A_3, %dma_wait3A_34] : memref<2x10000x40xf32, #tpu.memory_space<hbm>> -> memref<1x320x40xf32, #tpu.memory_space<hbm>>
    %dma_wait3A_36 = tpu.memref_squeeze %dma_wait3A_35 : memref<1x320x40xf32, #tpu.memory_space<hbm>> -> memref<320x40xf32, #tpu.memory_space<hbm>>
    %dma_wait3A_37 = arith.constant 0 : i32
    %dma_wait3A_38 = tpu.memref_slice %arg3[%dma_wait3A_33, %min3A_3, %dma_wait3A_37] : memref<2x10000x40xf32, #tpu.memory_space<hbm>> -> memref<1x320x40xf32, #tpu.memory_space<hbm>>
    %dma_wait3A_39 = tpu.memref_squeeze %dma_wait3A_38 : memref<1x320x40xf32, #tpu.memory_space<hbm>> -> memref<320x40xf32, #tpu.memory_space<hbm>>
    tpu.wait_dma2 semaphore(%arg11 : memref<!tpu.dma_semaphore, #tpu.memory_space<semaphore_mem>>) src(%dma_wait3A_39 : memref<320x40xf32, #tpu.memory_space<hbm>>) dst(%arg8 : memref<320x40xf32, #tpu.memory_space<vmem>>)
    %dma_wait3A_40 = tpu.memref_slice %arg4[%min3A_3] : memref<10000xf32, #tpu.memory_space<hbm>> -> memref<320xf32, #tpu.memory_space<hbm>>
    %dma_wait3A_41 = tpu.memref_slice %arg4[%min3A_3] : memref<10000xf32, #tpu.memory_space<hbm>> -> memref<320xf32, #tpu.memory_space<hbm>>
    tpu.wait_dma2 semaphore(%arg11 : memref<!tpu.dma_semaphore, #tpu.memory_space<semaphore_mem>>) src(%dma_wait3A_41 : memref<320xf32, #tpu.memory_space<hbm>>) dst(%arg9 : memref<320xf32, #tpu.memory_space<vmem>>)
    %scan3A = arith.constant 0 : i32
    %scan3A_42 = arith.constant 0 : i32
    %scan3A_43 = arith.constant 80 : i32
    %scan3A_44 = arith.addi %scan3A_42, %scan3A_43 : i32
    %scan3A_45 = arith.constant 1 : i32
    scf.for %scan3A_47 = %scan3A_42 to %scan3A_44 step %scan3A_45  : i32 {
      %mul3A_48 = arith.constant 4 : i32
      %mul3A_49 = arith.muli %scan3A_47, %mul3A_48 : i32
      %add3A_50 = arith.constant 0 : i32
      %add3A_51 = arith.addi %mul3A_49, %add3A_50 : i32
      %broadcast_in_dim3A = vector.broadcast %add3A_51 : i32 to vector<16xi32>
      %gather3A = tpu.vector_load_idx %arg9[%broadcast_in_dim3A] : memref<320xf32, #tpu.memory_space<vmem>>[vector<16xi32>], vector<16xf32>,
      %get3A = arith.index_cast %add3A_51 : i32 to index
      %get3A_52 = arith.constant 0 : index
      %get3A_53 = tpu.vector_load %arg6[%get3A, %get3A_52] {strides = array<i32>} : memref<320x40xf32, #tpu.memory_space<vmem>>, vector<16xf32>,
      %get3A_54 = arith.index_cast %add3A_51 : i32 to index
      %get3A_55 = arith.constant 0 : index
      %get3A_56 = tpu.vector_load %arg7[%get3A_54, %get3A_55] {strides = array<i32>} : memref<320x40xf32, #tpu.memory_space<vmem>>, vector<16xf32>,
      %add3A_57 = arith.addf %get3A_53, %get3A_56 : vector<16xf32>
      %get3A_58 = arith.index_cast %add3A_51 : i32 to index
      %get3A_59 = arith.constant 0 : index
      %get3A_60 = tpu.vector_load %arg8[%get3A_58, %get3A_59] {strides = array<i32>} : memref<320x40xf32, #tpu.memory_space<vmem>>, vector<16xf32>,
      %add3A_61 = arith.addf %add3A_57, %get3A_60 : vector<16xf32>
      %mul3A_62 = arith.mulf %add3A_61, %gather3A : vector<16xf32>
      %swap3A = arith.index_cast %add3A_51 : i32 to index
      %swap3A_63 = arith.constant 0 : index
      %swap3A_64 = tpu.vector_load %arg10[%swap3A, %swap3A_63] {strides = array<i32>} : memref<320x40xf32, #tpu.memory_space<vmem>>, vector<16xf32>,
      tpu.vector_store %arg10[%swap3A, %swap3A_63], %mul3A_62 {strides = array<i32>} : memref<320x40xf32, #tpu.memory_space<vmem>>, vector<16xf32>,
      %get3A_65 = arith.index_cast %add3A_51 : i32 to index
      %get3A_66 = arith.constant 16 : index
      %get3A_67 = tpu.vector_load %arg6[%get3A_65, %get3A_66] {strides = array<i32>} : memref<320x40xf32, #tpu.memory_space<vmem>>, vector<16xf32>,
      %get3A_68 = arith.index_cast %add3A_51 : i32 to index
      %get3A_69 = arith.constant 16 : index
      %get3A_70 = tpu.vector_load %arg7[%get3A_68, %get3A_69] {strides = array<i32>} : memref<320x40xf32, #tpu.memory_space<vmem>>, vector<16xf32>,
      %add3A_71 = arith.addf %get3A_67, %get3A_70 : vector<16xf32>
      %get3A_72 = arith.index_cast %add3A_51 : i32 to index
      %get3A_73 = arith.constant 16 : index
      %get3A_74 = tpu.vector_load %arg8[%get3A_72, %get3A_73] {strides = array<i32>} : memref<320x40xf32, #tpu.memory_space<vmem>>, vector<16xf32>,
      %add3A_75 = arith.addf %add3A_71, %get3A_74 : vector<16xf32>
      %mul3A_76 = arith.mulf %add3A_75, %gather3A : vector<16xf32>
      %swap3A_77 = arith.index_cast %add3A_51 : i32 to index
      %swap3A_78 = arith.constant 16 : index
      %swap3A_79 = tpu.vector_load %arg10[%swap3A_77, %swap3A_78] {strides = array<i32>} : memref<320x40xf32, #tpu.memory_space<vmem>>, vector<16xf32>,
      tpu.vector_store %arg10[%swap3A_77, %swap3A_78], %mul3A_76 {strides = array<i32>} : memref<320x40xf32, #tpu.memory_space<vmem>>, vector<16xf32>,
      %get3A_80 = arith.index_cast %add3A_51 : i32 to index
      %get3A_81 = arith.constant 24 : index
      %get3A_82 = tpu.vector_load %arg6[%get3A_80, %get3A_81] {strides = array<i32>} : memref<320x40xf32, #tpu.memory_space<vmem>>, vector<16xf32>,
      %get3A_83 = arith.index_cast %add3A_51 : i32 to index
      %get3A_84 = arith.constant 24 : index
      %get3A_85 = tpu.vector_load %arg7[%get3A_83, %get3A_84] {strides = array<i32>} : memref<320x40xf32, #tpu.memory_space<vmem>>, vector<16xf32>,
      %add3A_86 = arith.addf %get3A_82, %get3A_85 : vector<16xf32>
      %get3A_87 = arith.index_cast %add3A_51 : i32 to index
      %get3A_88 = arith.constant 24 : index
      %get3A_89 = tpu.vector_load %arg8[%get3A_87, %get3A_88] {strides = array<i32>} : memref<320x40xf32, #tpu.memory_space<vmem>>, vector<16xf32>,
      %add3A_90 = arith.addf %add3A_86, %get3A_89 : vector<16xf32>
      %mul3A_91 = arith.mulf %add3A_90, %gather3A : vector<16xf32>
      %swap3A_92 = arith.index_cast %add3A_51 : i32 to index
      %swap3A_93 = arith.constant 24 : index
      %swap3A_94 = tpu.vector_load %arg10[%swap3A_92, %swap3A_93] {strides = array<i32>} : memref<320x40xf32, #tpu.memory_space<vmem>>, vector<16xf32>,
      tpu.vector_store %arg10[%swap3A_92, %swap3A_93], %mul3A_91 {strides = array<i32>} : memref<320x40xf32, #tpu.memory_space<vmem>>, vector<16xf32>,
      %mul3A_95 = arith.constant 4 : i32
      %mul3A_96 = arith.muli %scan3A_47, %mul3A_95 : i32
      %add3A_97 = arith.constant 1 : i32
      %add3A_98 = arith.addi %mul3A_96, %add3A_97 : i32
      %broadcast_in_dim3A_99 = vector.broadcast %add3A_98 : i32 to vector<16xi32>
      %gather3A_100 = tpu.vector_load_idx %arg9[%broadcast_in_dim3A_99] : memref<320xf32, #tpu.memory_space<vmem>>[vector<16xi32>], vector<16xf32>,
      %get3A_101 = arith.index_cast %add3A_98 : i32 to index
      %get3A_102 = arith.constant 0 : index
      %get3A_103 = tpu.vector_load %arg6[%get3A_101, %get3A_102] {strides = array<i32>} : memref<320x40xf32, #tpu.memory_space<vmem>>, vector<16xf32>,
      %get3A_104 = arith.index_cast %add3A_98 : i32 to index
      %get3A_105 = arith.constant 0 : index
      %get3A_106 = tpu.vector_load %arg7[%get3A_104, %get3A_105] {strides = array<i32>} : memref<320x40xf32, #tpu.memory_space<vmem>>, vector<16xf32>,
      %add3A_107 = arith.addf %get3A_103, %get3A_106 : vector<16xf32>
      %get3A_108 = arith.index_cast %add3A_98 : i32 to index
      %get3A_109 = arith.constant 0 : index
      %get3A_110 = tpu.vector_load %arg8[%get3A_108, %get3A_109] {strides = array<i32>} : memref<320x40xf32, #tpu.memory_space<vmem>>, vector<16xf32>,
      %add3A_111 = arith.addf %add3A_107, %get3A_110 : vector<16xf32>
      %mul3A_112 = arith.mulf %add3A_111, %gather3A_100 : vector<16xf32>
      %swap3A_113 = arith.index_cast %add3A_98 : i32 to index
      %swap3A_114 = arith.constant 0 : index
      %swap3A_115 = tpu.vector_load %arg10[%swap3A_113, %swap3A_114] {strides = array<i32>} : memref<320x40xf32, #tpu.memory_space<vmem>>, vector<16xf32>,
      tpu.vector_store %arg10[%swap3A_113, %swap3A_114], %mul3A_112 {strides = array<i32>} : memref<320x40xf32, #tpu.memory_space<vmem>>, vector<16xf32>,
      %get3A_116 = arith.index_cast %add3A_98 : i32 to index
      %get3A_117 = arith.constant 16 : index
      %get3A_118 = tpu.vector_load %arg6[%get3A_116, %get3A_117] {strides = array<i32>} : memref<320x40xf32, #tpu.memory_space<vmem>>, vector<16xf32>,
      %get3A_119 = arith.index_cast %add3A_98 : i32 to index
      %get3A_120 = arith.constant 16 : index
      %get3A_121 = tpu.vector_load %arg7[%get3A_119, %get3A_120] {strides = array<i32>} : memref<320x40xf32, #tpu.memory_space<vmem>>, vector<16xf32>,
      %add3A_122 = arith.addf %get3A_118, %get3A_121 : vector<16xf32>
      %get3A_123 = arith.index_cast %add3A_98 : i32 to index
      %get3A_124 = arith.constant 16 : index
      %get3A_125 = tpu.vector_load %arg8[%get3A_123, %get3A_124] {strides = array<i32>} : memref<320x40xf32, #tpu.memory_space<vmem>>, vector<16xf32>,
      %add3A_126 = arith.addf %add3A_122, %get3A_125 : vector<16xf32>
      %mul3A_127 = arith.mulf %add3A_126, %gather3A_100 : vector<16xf32>
      %swap3A_128 = arith.index_cast %add3A_98 : i32 to index
      %swap3A_129 = arith.constant 16 : index
      %swap3A_130 = tpu.vector_load %arg10[%swap3A_128, %swap3A_129] {strides = array<i32>} : memref<320x40xf32, #tpu.memory_space<vmem>>, vector<16xf32>,
      tpu.vector_store %arg10[%swap3A_128, %swap3A_129], %mul3A_127 {strides = array<i32>} : memref<320x40xf32, #tpu.memory_space<vmem>>, vector<16xf32>,
      %get3A_131 = arith.index_cast %add3A_98 : i32 to index
      %get3A_132 = arith.constant 24 : index
      %get3A_133 = tpu.vector_load %arg6[%get3A_131, %get3A_132] {strides = array<i32>} : memref<320x40xf32, #tpu.memory_space<vmem>>, vector<16xf32>,
      %get3A_134 = arith.index_cast %add3A_98 : i32 to index
      %get3A_135 = arith.constant 24 : index
      %get3A_136 = tpu.vector_load %arg7[%get3A_134, %get3A_135] {strides = array<i32>} : memref<320x40xf32, #tpu.memory_space<vmem>>, vector<16xf32>,
      %add3A_137 = arith.addf %get3A_133, %get3A_136 : vector<16xf32>
      %get3A_138 = arith.index_cast %add3A_98 : i32 to index
      %get3A_139 = arith.constant 24 : index
      %get3A_140 = tpu.vector_load %arg8[%get3A_138, %get3A_139] {strides = array<i32>} : memref<320x40xf32, #tpu.memory_space<vmem>>, vector<16xf32>,
      %add3A_141 = arith.addf %add3A_137, %get3A_140 : vector<16xf32>
      %mul3A_142 = arith.mulf %add3A_141, %gather3A_100 : vector<16xf32>
      %swap3A_143 = arith.index_cast %add3A_98 : i32 to index
      %swap3A_144 = arith.constant 24 : index
      %swap3A_145 = tpu.vector_load %arg10[%swap3A_143, %swap3A_144] {strides = array<i32>} : memref<320x40xf32, #tpu.memory_space<vmem>>, vector<16xf32>,
      tpu.vector_store %arg10[%swap3A_143, %swap3A_144], %mul3A_142 {strides = array<i32>} : memref<320x40xf32, #tpu.memory_space<vmem>>, vector<16xf32>,
      %mul3A_146 = arith.constant 4 : i32
      %mul3A_147 = arith.muli %scan3A_47, %mul3A_146 : i32
      %add3A_148 = arith.constant 2 : i32
      %add3A_149 = arith.addi %mul3A_147, %add3A_148 : i32
      %broadcast_in_dim3A_150 = vector.broadcast %add3A_149 : i32 to vector<16xi32>
      %gather3A_151 = tpu.vector_load_idx %arg9[%broadcast_in_dim3A_150] : memref<320xf32, #tpu.memory_space<vmem>>[vector<16xi32>], vector<16xf32>,
      %get3A_152 = arith.index_cast %add3A_149 : i32 to index
      %get3A_153 = arith.constant 0 : index
      %get3A_154 = tpu.vector_load %arg6[%get3A_152, %get3A_153] {strides = array<i32>} : memref<320x40xf32, #tpu.memory_space<vmem>>, vector<16xf32>,
      %get3A_155 = arith.index_cast %add3A_149 : i32 to index
      %get3A_156 = arith.constant 0 : index
      %get3A_157 = tpu.vector_load %arg7[%get3A_155, %get3A_156] {strides = array<i32>} : memref<320x40xf32, #tpu.memory_space<vmem>>, vector<16xf32>,
      %add3A_158 = arith.addf %get3A_154, %get3A_157 : vector<16xf32>
      %get3A_159 = arith.index_cast %add3A_149 : i32 to index
      %get3A_160 = arith.constant 0 : index
      %get3A_161 = tpu.vector_load %arg8[%get3A_159, %get3A_160] {strides = array<i32>} : memref<320x40xf32, #tpu.memory_space<vmem>>, vector<16xf32>,
      %add3A_162 = arith.addf %add3A_158, %get3A_161 : vector<16xf32>
      %mul3A_163 = arith.mulf %add3A_162, %gather3A_151 : vector<16xf32>
      %swap3A_164 = arith.index_cast %add3A_149 : i32 to index
      %swap3A_165 = arith.constant 0 : index
      %swap3A_166 = tpu.vector_load %arg10[%swap3A_164, %swap3A_165] {strides = array<i32>} : memref<320x40xf32, #tpu.memory_space<vmem>>, vector<16xf32>,
      tpu.vector_store %arg10[%swap3A_164, %swap3A_165], %mul3A_163 {strides = array<i32>} : memref<320x40xf32, #tpu.memory_space<vmem>>, vector<16xf32>,
      %get3A_167 = arith.index_cast %add3A_149 : i32 to index
      %get3A_168 = arith.constant 16 : index
      %get3A_169 = tpu.vector_load %arg6[%get3A_167, %get3A_168] {strides = array<i32>} : memref<320x40xf32, #tpu.memory_space<vmem>>, vector<16xf32>,
      %get3A_170 = arith.index_cast %add3A_149 : i32 to index
      %get3A_171 = arith.constant 16 : index
      %get3A_172 = tpu.vector_load %arg7[%get3A_170, %get3A_171] {strides = array<i32>} : memref<320x40xf32, #tpu.memory_space<vmem>>, vector<16xf32>,
      %add3A_173 = arith.addf %get3A_169, %get3A_172 : vector<16xf32>
      %get3A_174 = arith.index_cast %add3A_149 : i32 to index
      %get3A_175 = arith.constant 16 : index
      %get3A_176 = tpu.vector_load %arg8[%get3A_174, %get3A_175] {strides = array<i32>} : memref<320x40xf32, #tpu.memory_space<vmem>>, vector<16xf32>,
      %add3A_177 = arith.addf %add3A_173, %get3A_176 : vector<16xf32>
      %mul3A_178 = arith.mulf %add3A_177, %gather3A_151 : vector<16xf32>
      %swap3A_179 = arith.index_cast %add3A_149 : i32 to index
      %swap3A_180 = arith.constant 16 : index
      %swap3A_181 = tpu.vector_load %arg10[%swap3A_179, %swap3A_180] {strides = array<i32>} : memref<320x40xf32, #tpu.memory_space<vmem>>, vector<16xf32>,
      tpu.vector_store %arg10[%swap3A_179, %swap3A_180], %mul3A_178 {strides = array<i32>} : memref<320x40xf32, #tpu.memory_space<vmem>>, vector<16xf32>,
      %get3A_182 = arith.index_cast %add3A_149 : i32 to index
      %get3A_183 = arith.constant 24 : index
      %get3A_184 = tpu.vector_load %arg6[%get3A_182, %get3A_183] {strides = array<i32>} : memref<320x40xf32, #tpu.memory_space<vmem>>, vector<16xf32>,
      %get3A_185 = arith.index_cast %add3A_149 : i32 to index
      %get3A_186 = arith.constant 24 : index
      %get3A_187 = tpu.vector_load %arg7[%get3A_185, %get3A_186] {strides = array<i32>} : memref<320x40xf32, #tpu.memory_space<vmem>>, vector<16xf32>,
      %add3A_188 = arith.addf %get3A_184, %get3A_187 : vector<16xf32>
      %get3A_189 = arith.index_cast %add3A_149 : i32 to index
      %get3A_190 = arith.constant 24 : index
      %get3A_191 = tpu.vector_load %arg8[%get3A_189, %get3A_190] {strides = array<i32>} : memref<320x40xf32, #tpu.memory_space<vmem>>, vector<16xf32>,
      %add3A_192 = arith.addf %add3A_188, %get3A_191 : vector<16xf32>
      %mul3A_193 = arith.mulf %add3A_192, %gather3A_151 : vector<16xf32>
      %swap3A_194 = arith.index_cast %add3A_149 : i32 to index
      %swap3A_195 = arith.constant 24 : index
      %swap3A_196 = tpu.vector_load %arg10[%swap3A_194, %swap3A_195] {strides = array<i32>} : memref<320x40xf32, #tpu.memory_space<vmem>>, vector<16xf32>,
      tpu.vector_store %arg10[%swap3A_194, %swap3A_195], %mul3A_193 {strides = array<i32>} : memref<320x40xf32, #tpu.memory_space<vmem>>, vector<16xf32>,
      %mul3A_197 = arith.constant 4 : i32
      %mul3A_198 = arith.muli %scan3A_47, %mul3A_197 : i32
      %add3A_199 = arith.constant 3 : i32
      %add3A_200 = arith.addi %mul3A_198, %add3A_199 : i32
      %broadcast_in_dim3A_201 = vector.broadcast %add3A_200 : i32 to vector<16xi32>
      %gather3A_202 = tpu.vector_load_idx %arg9[%broadcast_in_dim3A_201] : memref<320xf32, #tpu.memory_space<vmem>>[vector<16xi32>], vector<16xf32>,
      %get3A_203 = arith.index_cast %add3A_200 : i32 to index
      %get3A_204 = arith.constant 0 : index
      %get3A_205 = tpu.vector_load %arg6[%get3A_203, %get3A_204] {strides = array<i32>} : memref<320x40xf32, #tpu.memory_space<vmem>>, vector<16xf32>,
      %get3A_206 = arith.index_cast %add3A_200 : i32 to index
      %get3A_207 = arith.constant 0 : index
      %get3A_208 = tpu.vector_load %arg7[%get3A_206, %get3A_207] {strides = array<i32>} : memref<320x40xf32, #tpu.memory_space<vmem>>, vector<16xf32>,
      %add3A_209 = arith.addf %get3A_205, %get3A_208 : vector<16xf32>
      %get3A_210 = arith.index_cast %add3A_200 : i32 to index
      %get3A_211 = arith.constant 0 : index
      %get3A_212 = tpu.vector_load %arg8[%get3A_210, %get3A_211] {strides = array<i32>} : memref<320x40xf32, #tpu.memory_space<vmem>>, vector<16xf32>,
      %add3A_213 = arith.addf %add3A_209, %get3A_212 : vector<16xf32>
      %mul3A_214 = arith.mulf %add3A_213, %gather3A_202 : vector<16xf32>
      %swap3A_215 = arith.index_cast %add3A_200 : i32 to index
      %swap3A_216 = arith.constant 0 : index
      %swap3A_217 = tpu.vector_load %arg10[%swap3A_215, %swap3A_216] {strides = array<i32>} : memref<320x40xf32, #tpu.memory_space<vmem>>, vector<16xf32>,
      tpu.vector_store %arg10[%swap3A_215, %swap3A_216], %mul3A_214 {strides = array<i32>} : memref<320x40xf32, #tpu.memory_space<vmem>>, vector<16xf32>,
      %get3A_218 = arith.index_cast %add3A_200 : i32 to index
      %get3A_219 = arith.constant 16 : index
      %get3A_220 = tpu.vector_load %arg6[%get3A_218, %get3A_219] {strides = array<i32>} : memref<320x40xf32, #tpu.memory_space<vmem>>, vector<16xf32>,
      %get3A_221 = arith.index_cast %add3A_200 : i32 to index
      %get3A_222 = arith.constant 16 : index
      %get3A_223 = tpu.vector_load %arg7[%get3A_221, %get3A_222] {strides = array<i32>} : memref<320x40xf32, #tpu.memory_space<vmem>>, vector<16xf32>,
      %add3A_224 = arith.addf %get3A_220, %get3A_223 : vector<16xf32>
      %get3A_225 = arith.index_cast %add3A_200 : i32 to index
      %get3A_226 = arith.constant 16 : index
      %get3A_227 = tpu.vector_load %arg8[%get3A_225, %get3A_226] {strides = array<i32>} : memref<320x40xf32, #tpu.memory_space<vmem>>, vector<16xf32>,
      %add3A_228 = arith.addf %add3A_224, %get3A_227 : vector<16xf32>
      %mul3A_229 = arith.mulf %add3A_228, %gather3A_202 : vector<16xf32>
      %swap3A_230 = arith.index_cast %add3A_200 : i32 to index
      %swap3A_231 = arith.constant 16 : index
      %swap3A_232 = tpu.vector_load %arg10[%swap3A_230, %swap3A_231] {strides = array<i32>} : memref<320x40xf32, #tpu.memory_space<vmem>>, vector<16xf32>,
      tpu.vector_store %arg10[%swap3A_230, %swap3A_231], %mul3A_229 {strides = array<i32>} : memref<320x40xf32, #tpu.memory_space<vmem>>, vector<16xf32>,
      %get3A_233 = arith.index_cast %add3A_200 : i32 to index
      %get3A_234 = arith.constant 24 : index
      %get3A_235 = tpu.vector_load %arg6[%get3A_233, %get3A_234] {strides = array<i32>} : memref<320x40xf32, #tpu.memory_space<vmem>>, vector<16xf32>,
      %get3A_236 = arith.index_cast %add3A_200 : i32 to index
      %get3A_237 = arith.constant 24 : index
      %get3A_238 = tpu.vector_load %arg7[%get3A_236, %get3A_237] {strides = array<i32>} : memref<320x40xf32, #tpu.memory_space<vmem>>, vector<16xf32>,
      %add3A_239 = arith.addf %get3A_235, %get3A_238 : vector<16xf32>
      %get3A_240 = arith.index_cast %add3A_200 : i32 to index
      %get3A_241 = arith.constant 24 : index
      %get3A_242 = tpu.vector_load %arg8[%get3A_240, %get3A_241] {strides = array<i32>} : memref<320x40xf32, #tpu.memory_space<vmem>>, vector<16xf32>,
      %add3A_243 = arith.addf %add3A_239, %get3A_242 : vector<16xf32>
      %mul3A_244 = arith.mulf %add3A_243, %gather3A_202 : vector<16xf32>
      %swap3A_245 = arith.index_cast %add3A_200 : i32 to index
      %swap3A_246 = arith.constant 24 : index
      %swap3A_247 = tpu.vector_load %arg10[%swap3A_245, %swap3A_246] {strides = array<i32>} : memref<320x40xf32, #tpu.memory_space<vmem>>, vector<16xf32>,
      tpu.vector_store %arg10[%swap3A_245, %swap3A_246], %mul3A_244 {strides = array<i32>} : memref<320x40xf32, #tpu.memory_space<vmem>>, vector<16xf32>,
    }
    %scan3A_46 = arith.constant 80 : i32
    "tpu.region"() ({
      %run_scoped3A = tpu.sem_alloc : memref<!tpu.dma_semaphore, #tpu.memory_space<semaphore_mem>>
      %dma_start3A_47 = arith.constant 0 : i32
      %dma_start3A_48 = tpu.memref_slice %arg5[%min3A_3, %dma_start3A_47] : memref<10000x40xf32, #tpu.memory_space<hbm>> -> memref<320x40xf32, #tpu.memory_space<hbm>>
      %dma_start3A_49 = arith.constant 0 : i32
      %dma_start3A_50 = tpu.memref_slice %arg5[%min3A_3, %dma_start3A_49] : memref<10000x40xf32, #tpu.memory_space<hbm>> -> memref<320x40xf32, #tpu.memory_space<hbm>>
      tpu.enqueue_dma source(%arg10 : memref<320x40xf32, #tpu.memory_space<vmem>>) target(%dma_start3A_50 : memref<320x40xf32, #tpu.memory_space<hbm>>) target_semaphore(%run_scoped3A : memref<!tpu.dma_semaphore, #tpu.memory_space<semaphore_mem>>)
      %dma_wait3A_51 = arith.constant 0 : i32
      %dma_wait3A_52 = tpu.memref_slice %arg5[%min3A_3, %dma_wait3A_51] : memref<10000x40xf32, #tpu.memory_space<hbm>> -> memref<320x40xf32, #tpu.memory_space<hbm>>
      %dma_wait3A_53 = arith.constant 0 : i32
      %dma_wait3A_54 = tpu.memref_slice %arg5[%min3A_3, %dma_wait3A_53] : memref<10000x40xf32, #tpu.memory_space<hbm>> -> memref<320x40xf32, #tpu.memory_space<hbm>>
      tpu.wait_dma2 semaphore(%run_scoped3A : memref<!tpu.dma_semaphore, #tpu.memory_space<semaphore_mem>>) src(%arg10 : memref<320x40xf32, #tpu.memory_space<vmem>>) dst(%dma_wait3A_54 : memref<320x40xf32, #tpu.memory_space<hbm>>)
      tpu.yield
    }) : () -> ()
    return
  }
}

#map = affine_map<(d0, d1) -> (0, 0)>
#map1 = affine_map<(d0, d1) -> (0, 0, 0)>
module attributes {stable_mosaic.version = 14 : i64} {
  func.func @_prop_body(%arg0: i32, %arg1: i32, %arg2: memref<10000x40xf32, #tpu.memory_space<hbm>>, %arg3: memref<2x2500x128xi32, #tpu.memory_space<hbm>>, %arg4: memref<2x10000x40xf32, #tpu.memory_space<hbm>>, %arg5: memref<78x128xi32, #tpu.memory_space<vmem>>, %arg6: memref<78x128xi32, #tpu.memory_space<vmem>>, %arg7: memref<128x40xf32, #tpu.memory_space<vmem>>, %arg8: memref<128x40xf32, #tpu.memory_space<vmem>>, %arg9: memref<128x40xf32, #tpu.memory_space<vmem>>, %arg10: memref<128x40xf32, #tpu.memory_space<vmem>>, %arg11: memref<128x40xf32, #tpu.memory_space<vmem>>, %arg12: memref<128x40xf32, #tpu.memory_space<vmem>>, %arg13: memref<!tpu.dma_semaphore, #tpu.memory_space<semaphore_mem>>, %arg14: memref<!tpu.dma_semaphore, #tpu.memory_space<semaphore_mem>>, %arg15: memref<!tpu.dma_semaphore, #tpu.memory_space<semaphore_mem>>, %arg16: memref<!tpu.dma_semaphore, #tpu.memory_space<semaphore_mem>>, %arg17: memref<10000x40xf32, #tpu.memory_space<vmem_shared>>) attributes {dimension_semantics = [#tpu.dimension_semantics<core_parallel>, #tpu.dimension_semantics<subcore_parallel>], iteration_bounds = array<i64: 2, 16>, scalar_prefetch = 0 : i64, scratch_operands = 13 : i64, tpu.core_type = #tpu.core_type<sc_vector_subcore>, window_params = [{transform_indices = #map}, {transform_indices = #map1}, {transform_indices = #map1}]} {
    %mul3A = arith.constant 2 : i32
    %mul3A_0 = arith.muli %arg1, %mul3A : i32
    %add3A = arith.addi %mul3A_0, %arg0 : i32
    "tpu.trace_start"() <{level = 10 : i32, message = "ldidx"}> : () -> ()
    %mul3A_1 = arith.constant 78 : i32
    %mul3A_2 = arith.muli %add3A, %mul3A_1 : i32
    %dma_start3A = arith.constant 0 : i32
    %dma_start3A_3 = arith.constant 0 : i32
    %dma_start3A_4 = tpu.memref_slice %arg3[%dma_start3A, %mul3A_2, %dma_start3A_3] : memref<2x2500x128xi32, #tpu.memory_space<hbm>> -> memref<1x78x128xi32, #tpu.memory_space<hbm>>
    %dma_start3A_5 = tpu.memref_squeeze %dma_start3A_4 : memref<1x78x128xi32, #tpu.memory_space<hbm>> -> memref<78x128xi32, #tpu.memory_space<hbm>>
    %dma_start3A_6 = arith.constant 0 : i32
    %dma_start3A_7 = tpu.memref_slice %arg3[%dma_start3A, %mul3A_2, %dma_start3A_6] : memref<2x2500x128xi32, #tpu.memory_space<hbm>> -> memref<1x78x128xi32, #tpu.memory_space<hbm>>
    %dma_start3A_8 = tpu.memref_squeeze %dma_start3A_7 : memref<1x78x128xi32, #tpu.memory_space<hbm>> -> memref<78x128xi32, #tpu.memory_space<hbm>>
    tpu.enqueue_dma source(%dma_start3A_8 : memref<78x128xi32, #tpu.memory_space<hbm>>) target(%arg5 : memref<78x128xi32, #tpu.memory_space<vmem>>) target_semaphore(%arg13 : memref<!tpu.dma_semaphore, #tpu.memory_space<semaphore_mem>>)
    %mul3A_9 = arith.constant 78 : i32
    %mul3A_10 = arith.muli %add3A, %mul3A_9 : i32
    %dma_start3A_11 = arith.constant 1 : i32
    %dma_start3A_12 = arith.constant 0 : i32
    %dma_start3A_13 = tpu.memref_slice %arg3[%dma_start3A_11, %mul3A_10, %dma_start3A_12] : memref<2x2500x128xi32, #tpu.memory_space<hbm>> -> memref<1x78x128xi32, #tpu.memory_space<hbm>>
    %dma_start3A_14 = tpu.memref_squeeze %dma_start3A_13 : memref<1x78x128xi32, #tpu.memory_space<hbm>> -> memref<78x128xi32, #tpu.memory_space<hbm>>
    %dma_start3A_15 = arith.constant 0 : i32
    %dma_start3A_16 = tpu.memref_slice %arg3[%dma_start3A_11, %mul3A_10, %dma_start3A_15] : memref<2x2500x128xi32, #tpu.memory_space<hbm>> -> memref<1x78x128xi32, #tpu.memory_space<hbm>>
    %dma_start3A_17 = tpu.memref_squeeze %dma_start3A_16 : memref<1x78x128xi32, #tpu.memory_space<hbm>> -> memref<78x128xi32, #tpu.memory_space<hbm>>
    tpu.enqueue_dma source(%dma_start3A_17 : memref<78x128xi32, #tpu.memory_space<hbm>>) target(%arg6 : memref<78x128xi32, #tpu.memory_space<vmem>>) target_semaphore(%arg14 : memref<!tpu.dma_semaphore, #tpu.memory_space<semaphore_mem>>)
    %broadcast_in_dim3A = arith.constant 0.000000e+00 : f32
    "tpu.trace_stop"() : () -> ()
    %broadcast_in_dim3A_18 = vector.broadcast %broadcast_in_dim3A : f32 to vector<16xf32>
    %scan3A = arith.constant 0 : i32
    %scan3A_19 = arith.constant 0 : i32
    %scan3A_20 = arith.constant 128 : i32
    %scan3A_21 = arith.addi %scan3A_19, %scan3A_20 : i32
    %scan3A_22 = arith.constant 1 : i32
    scf.for %scan3A_98 = %scan3A_19 to %scan3A_21 step %scan3A_22  : i32 {
      %swap3A = arith.index_cast %scan3A_98 : i32 to index
      %swap3A_99 = arith.constant 0 : index
      %swap3A_100 = tpu.vector_load %arg7[%swap3A, %swap3A_99] {strides = array<i32>} : memref<128x40xf32, #tpu.memory_space<vmem>>, vector<16xf32>,
      tpu.vector_store %arg7[%swap3A, %swap3A_99], %broadcast_in_dim3A_18 {strides = array<i32>} : memref<128x40xf32, #tpu.memory_space<vmem>>, vector<16xf32>,
      %swap3A_101 = arith.index_cast %scan3A_98 : i32 to index
      %swap3A_102 = arith.constant 16 : index
      %swap3A_103 = tpu.vector_load %arg7[%swap3A_101, %swap3A_102] {strides = array<i32>} : memref<128x40xf32, #tpu.memory_space<vmem>>, vector<16xf32>,
      tpu.vector_store %arg7[%swap3A_101, %swap3A_102], %broadcast_in_dim3A_18 {strides = array<i32>} : memref<128x40xf32, #tpu.memory_space<vmem>>, vector<16xf32>,
      %swap3A_104 = arith.index_cast %scan3A_98 : i32 to index
      %swap3A_105 = arith.constant 24 : index
      %swap3A_106 = tpu.vector_load %arg7[%swap3A_104, %swap3A_105] {strides = array<i32>} : memref<128x40xf32, #tpu.memory_space<vmem>>, vector<16xf32>,
      tpu.vector_store %arg7[%swap3A_104, %swap3A_105], %broadcast_in_dim3A_18 {strides = array<i32>} : memref<128x40xf32, #tpu.memory_space<vmem>>, vector<16xf32>,
    }
    %scan3A_23 = arith.constant 128 : i32
    "tpu.trace_start"() <{level = 10 : i32, message = "acc_zero"}> : () -> ()
    %scan3A_24 = arith.constant 0 : i32
    %scan3A_25 = arith.constant 0 : i32
    %scan3A_26 = arith.constant 5 : i32
    %scan3A_27 = arith.addi %scan3A_25, %scan3A_26 : i32
    %scan3A_28 = arith.constant 1 : i32
    scf.for %scan3A_98 = %scan3A_25 to %scan3A_27 step %scan3A_28  : i32 {
      %mul3A_99 = arith.constant 625 : i32
      %mul3A_100 = arith.muli %arg1, %mul3A_99 : i32
      %mul3A_101 = arith.constant 125 : i32
      %mul3A_102 = arith.muli %scan3A_98, %mul3A_101 : i32
      %add3A_103 = arith.addi %mul3A_100, %mul3A_102 : i32
      "tpu.region"() ({
        %run_scoped3A = tpu.sem_alloc : memref<!tpu.dma_semaphore, #tpu.memory_space<semaphore_mem>>
        %dma_start3A_104 = arith.constant 0 : i32
        %dma_start3A_105 = arith.constant 0 : i32
        %dma_start3A_106 = tpu.memref_slice %arg7[%dma_start3A_104, %dma_start3A_105] : memref<128x40xf32, #tpu.memory_space<vmem>> -> memref<125x40xf32, #tpu.memory_space<vmem>>
        %dma_start3A_107 = arith.constant 0 : i32
        %dma_start3A_108 = tpu.memref_slice %arg17[%add3A_103, %dma_start3A_107] : memref<10000x40xf32, #tpu.memory_space<vmem_shared>> -> memref<125x40xf32, #tpu.memory_space<vmem_shared>>
        %dma_start3A_109 = arith.constant 0 : i32
        %dma_start3A_110 = tpu.memref_slice %arg17[%add3A_103, %dma_start3A_109] : memref<10000x40xf32, #tpu.memory_space<vmem_shared>> -> memref<125x40xf32, #tpu.memory_space<vmem_shared>>
        %dma_start3A_111 = arith.constant 0 : i32
        %dma_start3A_112 = arith.constant 0 : i32
        %dma_start3A_113 = tpu.memref_slice %arg7[%dma_start3A_111, %dma_start3A_112] : memref<128x40xf32, #tpu.memory_space<vmem>> -> memref<125x40xf32, #tpu.memory_space<vmem>>
        tpu.enqueue_dma source(%dma_start3A_113 : memref<125x40xf32, #tpu.memory_space<vmem>>) target(%dma_start3A_110 : memref<125x40xf32, #tpu.memory_space<vmem_shared>>) target_semaphore(%run_scoped3A : memref<!tpu.dma_semaphore, #tpu.memory_space<semaphore_mem>>)
        %dma_wait3A_114 = arith.constant 0 : i32
        %dma_wait3A_115 = arith.constant 0 : i32
        %dma_wait3A_116 = tpu.memref_slice %arg7[%dma_wait3A_114, %dma_wait3A_115] : memref<128x40xf32, #tpu.memory_space<vmem>> -> memref<125x40xf32, #tpu.memory_space<vmem>>
        %dma_wait3A_117 = arith.constant 0 : i32
        %dma_wait3A_118 = tpu.memref_slice %arg17[%add3A_103, %dma_wait3A_117] : memref<10000x40xf32, #tpu.memory_space<vmem_shared>> -> memref<125x40xf32, #tpu.memory_space<vmem_shared>>
        %dma_wait3A_119 = arith.constant 0 : i32
        %dma_wait3A_120 = tpu.memref_slice %arg17[%add3A_103, %dma_wait3A_119] : memref<10000x40xf32, #tpu.memory_space<vmem_shared>> -> memref<125x40xf32, #tpu.memory_space<vmem_shared>>
        %dma_wait3A_121 = arith.constant 0 : i32
        %dma_wait3A_122 = arith.constant 0 : i32
        %dma_wait3A_123 = tpu.memref_slice %arg7[%dma_wait3A_121, %dma_wait3A_122] : memref<128x40xf32, #tpu.memory_space<vmem>> -> memref<125x40xf32, #tpu.memory_space<vmem>>
        tpu.wait_dma2 semaphore(%run_scoped3A : memref<!tpu.dma_semaphore, #tpu.memory_space<semaphore_mem>>) src(%dma_wait3A_123 : memref<125x40xf32, #tpu.memory_space<vmem>>) dst(%dma_wait3A_120 : memref<125x40xf32, #tpu.memory_space<vmem_shared>>)
        tpu.yield
      }) : () -> ()
    }
    %scan3A_29 = arith.constant 5 : i32
    %dma_wait3A = arith.constant 0 : i32
    "tpu.trace_stop"() : () -> ()
    %dma_wait3A_30 = arith.constant 0 : i32
    %dma_wait3A_31 = tpu.memref_slice %arg3[%dma_wait3A, %mul3A_2, %dma_wait3A_30] : memref<2x2500x128xi32, #tpu.memory_space<hbm>> -> memref<1x78x128xi32, #tpu.memory_space<hbm>>
    %dma_wait3A_32 = tpu.memref_squeeze %dma_wait3A_31 : memref<1x78x128xi32, #tpu.memory_space<hbm>> -> memref<78x128xi32, #tpu.memory_space<hbm>>
    %dma_wait3A_33 = arith.constant 0 : i32
    %dma_wait3A_34 = tpu.memref_slice %arg3[%dma_wait3A, %mul3A_2, %dma_wait3A_33] : memref<2x2500x128xi32, #tpu.memory_space<hbm>> -> memref<1x78x128xi32, #tpu.memory_space<hbm>>
    %dma_wait3A_35 = tpu.memref_squeeze %dma_wait3A_34 : memref<1x78x128xi32, #tpu.memory_space<hbm>> -> memref<78x128xi32, #tpu.memory_space<hbm>>
    tpu.wait_dma2 semaphore(%arg13 : memref<!tpu.dma_semaphore, #tpu.memory_space<semaphore_mem>>) src(%dma_wait3A_35 : memref<78x128xi32, #tpu.memory_space<hbm>>) dst(%arg5 : memref<78x128xi32, #tpu.memory_space<vmem>>)
    %dma_wait3A_36 = arith.constant 1 : i32
    %dma_wait3A_37 = arith.constant 0 : i32
    %dma_wait3A_38 = tpu.memref_slice %arg3[%dma_wait3A_36, %mul3A_10, %dma_wait3A_37] : memref<2x2500x128xi32, #tpu.memory_space<hbm>> -> memref<1x78x128xi32, #tpu.memory_space<hbm>>
    %dma_wait3A_39 = tpu.memref_squeeze %dma_wait3A_38 : memref<1x78x128xi32, #tpu.memory_space<hbm>> -> memref<78x128xi32, #tpu.memory_space<hbm>>
    %dma_wait3A_40 = arith.constant 0 : i32
    %dma_wait3A_41 = tpu.memref_slice %arg3[%dma_wait3A_36, %mul3A_10, %dma_wait3A_40] : memref<2x2500x128xi32, #tpu.memory_space<hbm>> -> memref<1x78x128xi32, #tpu.memory_space<hbm>>
    %dma_wait3A_42 = tpu.memref_squeeze %dma_wait3A_41 : memref<1x78x128xi32, #tpu.memory_space<hbm>> -> memref<78x128xi32, #tpu.memory_space<hbm>>
    tpu.wait_dma2 semaphore(%arg14 : memref<!tpu.dma_semaphore, #tpu.memory_space<semaphore_mem>>) src(%dma_wait3A_42 : memref<78x128xi32, #tpu.memory_space<hbm>>) dst(%arg6 : memref<78x128xi32, #tpu.memory_space<vmem>>)
    %dma_start3A_43 = arith.constant 0 : i32
    %dma_start3A_44 = arith.constant 0 : i32
    %dma_start3A_45 = tpu.memref_slice %arg5[%dma_start3A_43, %dma_start3A_44] : memref<78x128xi32, #tpu.memory_space<vmem>> -> memref<1x128xi32, #tpu.memory_space<vmem>>
    %dma_start3A_46 = tpu.memref_squeeze %dma_start3A_45 : memref<1x128xi32, #tpu.memory_space<vmem>> -> memref<128xi32, #tpu.memory_space<vmem>>
    %dma_start3A_47 = arith.constant 0 : i32
    %dma_start3A_48 = arith.constant 0 : i32
    %dma_start3A_49 = tpu.memref_slice %arg2[%dma_start3A_47, %dma_start3A_48] : memref<10000x40xf32, #tpu.memory_space<hbm>> -> memref<10000x40xf32, #tpu.memory_space<hbm>>
    tpu.enqueue_indirect_dma source(%dma_start3A_49 : memref<10000x40xf32, #tpu.memory_space<hbm>>) target(%arg7 : memref<128x40xf32, #tpu.memory_space<vmem>>) offsets(%dma_start3A_46 : memref<128xi32, #tpu.memory_space<vmem>>) semaphore(%arg13 : memref<!tpu.dma_semaphore, #tpu.memory_space<semaphore_mem>>)
    %dma_start3A_50 = arith.constant 1 : i32
    %dma_start3A_51 = arith.constant 0 : i32
    %dma_start3A_52 = tpu.memref_slice %arg5[%dma_start3A_50, %dma_start3A_51] : memref<78x128xi32, #tpu.memory_space<vmem>> -> memref<1x128xi32, #tpu.memory_space<vmem>>
    %dma_start3A_53 = tpu.memref_squeeze %dma_start3A_52 : memref<1x128xi32, #tpu.memory_space<vmem>> -> memref<128xi32, #tpu.memory_space<vmem>>
    %dma_start3A_54 = arith.constant 0 : i32
    %dma_start3A_55 = arith.constant 0 : i32
    %dma_start3A_56 = tpu.memref_slice %arg2[%dma_start3A_54, %dma_start3A_55] : memref<10000x40xf32, #tpu.memory_space<hbm>> -> memref<10000x40xf32, #tpu.memory_space<hbm>>
    tpu.enqueue_indirect_dma source(%dma_start3A_56 : memref<10000x40xf32, #tpu.memory_space<hbm>>) target(%arg8 : memref<128x40xf32, #tpu.memory_space<vmem>>) offsets(%dma_start3A_53 : memref<128xi32, #tpu.memory_space<vmem>>) semaphore(%arg13 : memref<!tpu.dma_semaphore, #tpu.memory_space<semaphore_mem>>)
    %dma_start3A_57 = arith.constant 2 : i32
    %dma_start3A_58 = arith.constant 0 : i32
    %dma_start3A_59 = tpu.memref_slice %arg5[%dma_start3A_57, %dma_start3A_58] : memref<78x128xi32, #tpu.memory_space<vmem>> -> memref<1x128xi32, #tpu.memory_space<vmem>>
    %dma_start3A_60 = tpu.memref_squeeze %dma_start3A_59 : memref<1x128xi32, #tpu.memory_space<vmem>> -> memref<128xi32, #tpu.memory_space<vmem>>
    %dma_start3A_61 = arith.constant 0 : i32
    %dma_start3A_62 = arith.constant 0 : i32
    %dma_start3A_63 = tpu.memref_slice %arg2[%dma_start3A_61, %dma_start3A_62] : memref<10000x40xf32, #tpu.memory_space<hbm>> -> memref<10000x40xf32, #tpu.memory_space<hbm>>
    tpu.enqueue_indirect_dma source(%dma_start3A_63 : memref<10000x40xf32, #tpu.memory_space<hbm>>) target(%arg9 : memref<128x40xf32, #tpu.memory_space<vmem>>) offsets(%dma_start3A_60 : memref<128xi32, #tpu.memory_space<vmem>>) semaphore(%arg13 : memref<!tpu.dma_semaphore, #tpu.memory_space<semaphore_mem>>)
    %barrier3A = arith.constant 0 : index
    tpu.barrier barrier_id(%barrier3A)
    "tpu.trace_start"() <{level = 10 : i32, message = "edges"}> : () -> ()
    %scan3A_64 = arith.constant 0 : i32
    %scan3A_65 = arith.constant 0 : i32
    %scan3A_66 = arith.constant 13 : i32
    %scan3A_67 = arith.addi %scan3A_65, %scan3A_66 : i32
    %scan3A_68 = arith.constant 1 : i32
    scf.for %scan3A_98 = %scan3A_65 to %scan3A_67 step %scan3A_68  : i32 {
      %mul3A_99 = arith.constant 2 : i32
      %mul3A_100 = arith.muli %mul3A_99, %scan3A_98 : i32
      %mul3A_101 = arith.constant 3 : i32
      %mul3A_102 = arith.muli %mul3A_100, %mul3A_101 : i32
      %add3A_103 = arith.constant 3 : i32
      %add3A_104 = arith.addi %mul3A_102, %add3A_103 : i32
      %add3A_105 = arith.constant 0 : i32
      %add3A_106 = arith.addi %add3A_104, %add3A_105 : i32
      %dma_start3A_107 = arith.constant 0 : i32
      %dma_start3A_108 = tpu.memref_slice %arg5[%add3A_106, %dma_start3A_107] : memref<78x128xi32, #tpu.memory_space<vmem>> -> memref<1x128xi32, #tpu.memory_space<vmem>>
      %dma_start3A_109 = tpu.memref_squeeze %dma_start3A_108 : memref<1x128xi32, #tpu.memory_space<vmem>> -> memref<128xi32, #tpu.memory_space<vmem>>
      %dma_start3A_110 = arith.constant 0 : i32
      %dma_start3A_111 = arith.constant 0 : i32
      %dma_start3A_112 = tpu.memref_slice %arg2[%dma_start3A_110, %dma_start3A_111] : memref<10000x40xf32, #tpu.memory_space<hbm>> -> memref<10000x40xf32, #tpu.memory_space<hbm>>
      tpu.enqueue_indirect_dma source(%dma_start3A_112 : memref<10000x40xf32, #tpu.memory_space<hbm>>) target(%arg10 : memref<128x40xf32, #tpu.memory_space<vmem>>) offsets(%dma_start3A_109 : memref<128xi32, #tpu.memory_space<vmem>>) semaphore(%arg14 : memref<!tpu.dma_semaphore, #tpu.memory_space<semaphore_mem>>)
      %add3A_113 = arith.constant 1 : i32
      %add3A_114 = arith.addi %add3A_104, %add3A_113 : i32
      %dma_start3A_115 = arith.constant 0 : i32
      %dma_start3A_116 = tpu.memref_slice %arg5[%add3A_114, %dma_start3A_115] : memref<78x128xi32, #tpu.memory_space<vmem>> -> memref<1x128xi32, #tpu.memory_space<vmem>>
      %dma_start3A_117 = tpu.memref_squeeze %dma_start3A_116 : memref<1x128xi32, #tpu.memory_space<vmem>> -> memref<128xi32, #tpu.memory_space<vmem>>
      %dma_start3A_118 = arith.constant 0 : i32
      %dma_start3A_119 = arith.constant 0 : i32
      %dma_start3A_120 = tpu.memref_slice %arg2[%dma_start3A_118, %dma_start3A_119] : memref<10000x40xf32, #tpu.memory_space<hbm>> -> memref<10000x40xf32, #tpu.memory_space<hbm>>
      tpu.enqueue_indirect_dma source(%dma_start3A_120 : memref<10000x40xf32, #tpu.memory_space<hbm>>) target(%arg11 : memref<128x40xf32, #tpu.memory_space<vmem>>) offsets(%dma_start3A_117 : memref<128xi32, #tpu.memory_space<vmem>>) semaphore(%arg14 : memref<!tpu.dma_semaphore, #tpu.memory_space<semaphore_mem>>)
      %add3A_121 = arith.constant 2 : i32
      %add3A_122 = arith.addi %add3A_104, %add3A_121 : i32
      %dma_start3A_123 = arith.constant 0 : i32
      %dma_start3A_124 = tpu.memref_slice %arg5[%add3A_122, %dma_start3A_123] : memref<78x128xi32, #tpu.memory_space<vmem>> -> memref<1x128xi32, #tpu.memory_space<vmem>>
      %dma_start3A_125 = tpu.memref_squeeze %dma_start3A_124 : memref<1x128xi32, #tpu.memory_space<vmem>> -> memref<128xi32, #tpu.memory_space<vmem>>
      %dma_start3A_126 = arith.constant 0 : i32
      %dma_start3A_127 = arith.constant 0 : i32
      %dma_start3A_128 = tpu.memref_slice %arg2[%dma_start3A_126, %dma_start3A_127] : memref<10000x40xf32, #tpu.memory_space<hbm>> -> memref<10000x40xf32, #tpu.memory_space<hbm>>
      tpu.enqueue_indirect_dma source(%dma_start3A_128 : memref<10000x40xf32, #tpu.memory_space<hbm>>) target(%arg12 : memref<128x40xf32, #tpu.memory_space<vmem>>) offsets(%dma_start3A_125 : memref<128xi32, #tpu.memory_space<vmem>>) semaphore(%arg14 : memref<!tpu.dma_semaphore, #tpu.memory_space<semaphore_mem>>)
      %dma_wait3A_129 = arith.constant 0 : i32
      %dma_wait3A_130 = arith.constant 0 : i32
      %dma_wait3A_131 = tpu.memref_slice %arg5[%dma_wait3A_129, %dma_wait3A_130] : memref<78x128xi32, #tpu.memory_space<vmem>> -> memref<1x128xi32, #tpu.memory_space<vmem>>
      %dma_wait3A_132 = tpu.memref_squeeze %dma_wait3A_131 : memref<1x128xi32, #tpu.memory_space<vmem>> -> memref<128xi32, #tpu.memory_space<vmem>>
      %dma_wait3A_133 = arith.constant 0 : i32
      %dma_wait3A_134 = arith.constant 0 : i32
      %dma_wait3A_135 = tpu.memref_slice %arg2[%dma_wait3A_133, %dma_wait3A_134] : memref<10000x40xf32, #tpu.memory_space<hbm>> -> memref<10000x40xf32, #tpu.memory_space<hbm>>
      tpu.wait_indirect_dma semaphore(%arg13 : memref<!tpu.dma_semaphore, #tpu.memory_space<semaphore_mem>>) src(%dma_wait3A_135 : memref<10000x40xf32, #tpu.memory_space<hbm>>) dst(%arg7 : memref<128x40xf32, #tpu.memory_space<vmem>>)
      %dma_wait3A_136 = arith.constant 0 : i32
      %dma_wait3A_137 = arith.constant 0 : i32
      %dma_wait3A_138 = tpu.memref_slice %arg5[%dma_wait3A_136, %dma_wait3A_137] : memref<78x128xi32, #tpu.memory_space<vmem>> -> memref<1x128xi32, #tpu.memory_space<vmem>>
      %dma_wait3A_139 = tpu.memref_squeeze %dma_wait3A_138 : memref<1x128xi32, #tpu.memory_space<vmem>> -> memref<128xi32, #tpu.memory_space<vmem>>
      %dma_wait3A_140 = arith.constant 0 : i32
      %dma_wait3A_141 = arith.constant 0 : i32
      %dma_wait3A_142 = tpu.memref_slice %arg2[%dma_wait3A_140, %dma_wait3A_141] : memref<10000x40xf32, #tpu.memory_space<hbm>> -> memref<10000x40xf32, #tpu.memory_space<hbm>>
      tpu.wait_indirect_dma semaphore(%arg13 : memref<!tpu.dma_semaphore, #tpu.memory_space<semaphore_mem>>) src(%dma_wait3A_142 : memref<10000x40xf32, #tpu.memory_space<hbm>>) dst(%arg8 : memref<128x40xf32, #tpu.memory_space<vmem>>)
      %dma_wait3A_143 = arith.constant 0 : i32
      %dma_wait3A_144 = arith.constant 0 : i32
      %dma_wait3A_145 = tpu.memref_slice %arg5[%dma_wait3A_143, %dma_wait3A_144] : memref<78x128xi32, #tpu.memory_space<vmem>> -> memref<1x128xi32, #tpu.memory_space<vmem>>
      %dma_wait3A_146 = tpu.memref_squeeze %dma_wait3A_145 : memref<1x128xi32, #tpu.memory_space<vmem>> -> memref<128xi32, #tpu.memory_space<vmem>>
      %dma_wait3A_147 = arith.constant 0 : i32
      %dma_wait3A_148 = arith.constant 0 : i32
      %dma_wait3A_149 = tpu.memref_slice %arg2[%dma_wait3A_147, %dma_wait3A_148] : memref<10000x40xf32, #tpu.memory_space<hbm>> -> memref<10000x40xf32, #tpu.memory_space<hbm>>
      tpu.wait_indirect_dma semaphore(%arg13 : memref<!tpu.dma_semaphore, #tpu.memory_space<semaphore_mem>>) src(%dma_wait3A_149 : memref<10000x40xf32, #tpu.memory_space<hbm>>) dst(%arg9 : memref<128x40xf32, #tpu.memory_space<vmem>>)
      %add3A_150 = arith.constant 0 : i32
      %add3A_151 = arith.addi %mul3A_102, %add3A_150 : i32
      %dma_start3A_152 = arith.constant 0 : i32
      %dma_start3A_153 = tpu.memref_slice %arg6[%add3A_151, %dma_start3A_152] : memref<78x128xi32, #tpu.memory_space<vmem>> -> memref<1x128xi32, #tpu.memory_space<vmem>>
      %dma_start3A_154 = tpu.memref_squeeze %dma_start3A_153 : memref<1x128xi32, #tpu.memory_space<vmem>> -> memref<128xi32, #tpu.memory_space<vmem>>
      %dma_start3A_155 = arith.constant 0 : i32
      %dma_start3A_156 = arith.constant 0 : i32
      %dma_start3A_157 = tpu.memref_slice %arg17[%dma_start3A_155, %dma_start3A_156] : memref<10000x40xf32, #tpu.memory_space<vmem_shared>> -> memref<10000x40xf32, #tpu.memory_space<vmem_shared>>
      tpu.enqueue_indirect_dma source(%arg7 : memref<128x40xf32, #tpu.memory_space<vmem>>) target(%dma_start3A_157 : memref<10000x40xf32, #tpu.memory_space<vmem_shared>>) offsets(%dma_start3A_154 : memref<128xi32, #tpu.memory_space<vmem>>) semaphore(%arg15 : memref<!tpu.dma_semaphore, #tpu.memory_space<semaphore_mem>>) {add = true}
      %add3A_158 = arith.constant 1 : i32
      %add3A_159 = arith.addi %mul3A_102, %add3A_158 : i32
      %dma_start3A_160 = arith.constant 0 : i32
      %dma_start3A_161 = tpu.memref_slice %arg6[%add3A_159, %dma_start3A_160] : memref<78x128xi32, #tpu.memory_space<vmem>> -> memref<1x128xi32, #tpu.memory_space<vmem>>
      %dma_start3A_162 = tpu.memref_squeeze %dma_start3A_161 : memref<1x128xi32, #tpu.memory_space<vmem>> -> memref<128xi32, #tpu.memory_space<vmem>>
      %dma_start3A_163 = arith.constant 0 : i32
      %dma_start3A_164 = arith.constant 0 : i32
      %dma_start3A_165 = tpu.memref_slice %arg17[%dma_start3A_163, %dma_start3A_164] : memref<10000x40xf32, #tpu.memory_space<vmem_shared>> -> memref<10000x40xf32, #tpu.memory_space<vmem_shared>>
      tpu.enqueue_indirect_dma source(%arg8 : memref<128x40xf32, #tpu.memory_space<vmem>>) target(%dma_start3A_165 : memref<10000x40xf32, #tpu.memory_space<vmem_shared>>) offsets(%dma_start3A_162 : memref<128xi32, #tpu.memory_space<vmem>>) semaphore(%arg15 : memref<!tpu.dma_semaphore, #tpu.memory_space<semaphore_mem>>) {add = true}
      %add3A_166 = arith.constant 2 : i32
      %add3A_167 = arith.addi %mul3A_102, %add3A_166 : i32
      %dma_start3A_168 = arith.constant 0 : i32
      %dma_start3A_169 = tpu.memref_slice %arg6[%add3A_167, %dma_start3A_168] : memref<78x128xi32, #tpu.memory_space<vmem>> -> memref<1x128xi32, #tpu.memory_space<vmem>>
      %dma_start3A_170 = tpu.memref_squeeze %dma_start3A_169 : memref<1x128xi32, #tpu.memory_space<vmem>> -> memref<128xi32, #tpu.memory_space<vmem>>
      %dma_start3A_171 = arith.constant 0 : i32
      %dma_start3A_172 = arith.constant 0 : i32
      %dma_start3A_173 = tpu.memref_slice %arg17[%dma_start3A_171, %dma_start3A_172] : memref<10000x40xf32, #tpu.memory_space<vmem_shared>> -> memref<10000x40xf32, #tpu.memory_space<vmem_shared>>
      tpu.enqueue_indirect_dma source(%arg9 : memref<128x40xf32, #tpu.memory_space<vmem>>) target(%dma_start3A_173 : memref<10000x40xf32, #tpu.memory_space<vmem_shared>>) offsets(%dma_start3A_170 : memref<128xi32, #tpu.memory_space<vmem>>) semaphore(%arg15 : memref<!tpu.dma_semaphore, #tpu.memory_space<semaphore_mem>>) {add = true}
      %lt3A_174 = arith.constant 12 : i32
      %lt3A_175 = arith.cmpi slt, %scan3A_98, %lt3A_174 : i32
      %convert_element_type3A_176 = arith.extui %lt3A_175 : i1 to i32
      %cond3A_177 = arith.constant 0 : i32
      %cond3A_178 = arith.cmpi ne, %convert_element_type3A_176, %cond3A_177 : i32
      scf.if %cond3A_178 {
        %dma_wait3A_245 = arith.constant 0 : i32
        %dma_wait3A_246 = arith.constant 0 : i32
        %dma_wait3A_247 = tpu.memref_slice %arg6[%dma_wait3A_245, %dma_wait3A_246] : memref<78x128xi32, #tpu.memory_space<vmem>> -> memref<1x128xi32, #tpu.memory_space<vmem>>
        %dma_wait3A_248 = tpu.memref_squeeze %dma_wait3A_247 : memref<1x128xi32, #tpu.memory_space<vmem>> -> memref<128xi32, #tpu.memory_space<vmem>>
        %dma_wait3A_249 = arith.constant 0 : i32
        %dma_wait3A_250 = arith.constant 0 : i32
        %dma_wait3A_251 = tpu.memref_slice %arg17[%dma_wait3A_249, %dma_wait3A_250] : memref<10000x40xf32, #tpu.memory_space<vmem_shared>> -> memref<10000x40xf32, #tpu.memory_space<vmem_shared>>
        tpu.wait_indirect_dma semaphore(%arg15 : memref<!tpu.dma_semaphore, #tpu.memory_space<semaphore_mem>>) src(%arg7 : memref<128x40xf32, #tpu.memory_space<vmem>>) dst(%dma_wait3A_251 : memref<10000x40xf32, #tpu.memory_space<vmem_shared>>)
        %dma_wait3A_252 = arith.constant 0 : i32
        %dma_wait3A_253 = arith.constant 0 : i32
        %dma_wait3A_254 = tpu.memref_slice %arg6[%dma_wait3A_252, %dma_wait3A_253] : memref<78x128xi32, #tpu.memory_space<vmem>> -> memref<1x128xi32, #tpu.memory_space<vmem>>
        %dma_wait3A_255 = tpu.memref_squeeze %dma_wait3A_254 : memref<1x128xi32, #tpu.memory_space<vmem>> -> memref<128xi32, #tpu.memory_space<vmem>>
        %dma_wait3A_256 = arith.constant 0 : i32
        %dma_wait3A_257 = arith.constant 0 : i32
        %dma_wait3A_258 = tpu.memref_slice %arg17[%dma_wait3A_256, %dma_wait3A_257] : memref<10000x40xf32, #tpu.memory_space<vmem_shared>> -> memref<10000x40xf32, #tpu.memory_space<vmem_shared>>
        tpu.wait_indirect_dma semaphore(%arg15 : memref<!tpu.dma_semaphore, #tpu.memory_space<semaphore_mem>>) src(%arg8 : memref<128x40xf32, #tpu.memory_space<vmem>>) dst(%dma_wait3A_258 : memref<10000x40xf32, #tpu.memory_space<vmem_shared>>)
        %dma_wait3A_259 = arith.constant 0 : i32
        %dma_wait3A_260 = arith.constant 0 : i32
        %dma_wait3A_261 = tpu.memref_slice %arg6[%dma_wait3A_259, %dma_wait3A_260] : memref<78x128xi32, #tpu.memory_space<vmem>> -> memref<1x128xi32, #tpu.memory_space<vmem>>
        %dma_wait3A_262 = tpu.memref_squeeze %dma_wait3A_261 : memref<1x128xi32, #tpu.memory_space<vmem>> -> memref<128xi32, #tpu.memory_space<vmem>>
        %dma_wait3A_263 = arith.constant 0 : i32
        %dma_wait3A_264 = arith.constant 0 : i32
        %dma_wait3A_265 = tpu.memref_slice %arg17[%dma_wait3A_263, %dma_wait3A_264] : memref<10000x40xf32, #tpu.memory_space<vmem_shared>> -> memref<10000x40xf32, #tpu.memory_space<vmem_shared>>
        tpu.wait_indirect_dma semaphore(%arg15 : memref<!tpu.dma_semaphore, #tpu.memory_space<semaphore_mem>>) src(%arg9 : memref<128x40xf32, #tpu.memory_space<vmem>>) dst(%dma_wait3A_265 : memref<10000x40xf32, #tpu.memory_space<vmem_shared>>)
        %add3A_266 = arith.constant 3 : i32
        %add3A_267 = arith.addi %add3A_104, %add3A_266 : i32
        %add3A_268 = arith.constant 0 : i32
        %add3A_269 = arith.addi %add3A_267, %add3A_268 : i32
        %dma_start3A_270 = arith.constant 0 : i32
        %dma_start3A_271 = tpu.memref_slice %arg5[%add3A_269, %dma_start3A_270] : memref<78x128xi32, #tpu.memory_space<vmem>> -> memref<1x128xi32, #tpu.memory_space<vmem>>
        %dma_start3A_272 = tpu.memref_squeeze %dma_start3A_271 : memref<1x128xi32, #tpu.memory_space<vmem>> -> memref<128xi32, #tpu.memory_space<vmem>>
        %dma_start3A_273 = arith.constant 0 : i32
        %dma_start3A_274 = arith.constant 0 : i32
        %dma_start3A_275 = tpu.memref_slice %arg2[%dma_start3A_273, %dma_start3A_274] : memref<10000x40xf32, #tpu.memory_space<hbm>> -> memref<10000x40xf32, #tpu.memory_space<hbm>>
        tpu.enqueue_indirect_dma source(%dma_start3A_275 : memref<10000x40xf32, #tpu.memory_space<hbm>>) target(%arg7 : memref<128x40xf32, #tpu.memory_space<vmem>>) offsets(%dma_start3A_272 : memref<128xi32, #tpu.memory_space<vmem>>) semaphore(%arg13 : memref<!tpu.dma_semaphore, #tpu.memory_space<semaphore_mem>>)
        %add3A_276 = arith.constant 3 : i32
        %add3A_277 = arith.addi %add3A_104, %add3A_276 : i32
        %add3A_278 = arith.constant 1 : i32
        %add3A_279 = arith.addi %add3A_277, %add3A_278 : i32
        %dma_start3A_280 = arith.constant 0 : i32
        %dma_start3A_281 = tpu.memref_slice %arg5[%add3A_279, %dma_start3A_280] : memref<78x128xi32, #tpu.memory_space<vmem>> -> memref<1x128xi32, #tpu.memory_space<vmem>>
        %dma_start3A_282 = tpu.memref_squeeze %dma_start3A_281 : memref<1x128xi32, #tpu.memory_space<vmem>> -> memref<128xi32, #tpu.memory_space<vmem>>
        %dma_start3A_283 = arith.constant 0 : i32
        %dma_start3A_284 = arith.constant 0 : i32
        %dma_start3A_285 = tpu.memref_slice %arg2[%dma_start3A_283, %dma_start3A_284] : memref<10000x40xf32, #tpu.memory_space<hbm>> -> memref<10000x40xf32, #tpu.memory_space<hbm>>
        tpu.enqueue_indirect_dma source(%dma_start3A_285 : memref<10000x40xf32, #tpu.memory_space<hbm>>) target(%arg8 : memref<128x40xf32, #tpu.memory_space<vmem>>) offsets(%dma_start3A_282 : memref<128xi32, #tpu.memory_space<vmem>>) semaphore(%arg13 : memref<!tpu.dma_semaphore, #tpu.memory_space<semaphore_mem>>)
        %add3A_286 = arith.constant 3 : i32
        %add3A_287 = arith.addi %add3A_104, %add3A_286 : i32
        %add3A_288 = arith.constant 2 : i32
        %add3A_289 = arith.addi %add3A_287, %add3A_288 : i32
        %dma_start3A_290 = arith.constant 0 : i32
        %dma_start3A_291 = tpu.memref_slice %arg5[%add3A_289, %dma_start3A_290] : memref<78x128xi32, #tpu.memory_space<vmem>> -> memref<1x128xi32, #tpu.memory_space<vmem>>
        %dma_start3A_292 = tpu.memref_squeeze %dma_start3A_291 : memref<1x128xi32, #tpu.memory_space<vmem>> -> memref<128xi32, #tpu.memory_space<vmem>>
        %dma_start3A_293 = arith.constant 0 : i32
        %dma_start3A_294 = arith.constant 0 : i32
        %dma_start3A_295 = tpu.memref_slice %arg2[%dma_start3A_293, %dma_start3A_294] : memref<10000x40xf32, #tpu.memory_space<hbm>> -> memref<10000x40xf32, #tpu.memory_space<hbm>>
        tpu.enqueue_indirect_dma source(%dma_start3A_295 : memref<10000x40xf32, #tpu.memory_space<hbm>>) target(%arg9 : memref<128x40xf32, #tpu.memory_space<vmem>>) offsets(%dma_start3A_292 : memref<128xi32, #tpu.memory_space<vmem>>) semaphore(%arg13 : memref<!tpu.dma_semaphore, #tpu.memory_space<semaphore_mem>>)
      } else {
      }
      %dma_wait3A_179 = arith.constant 0 : i32
      %dma_wait3A_180 = arith.constant 0 : i32
      %dma_wait3A_181 = tpu.memref_slice %arg5[%dma_wait3A_179, %dma_wait3A_180] : memref<78x128xi32, #tpu.memory_space<vmem>> -> memref<1x128xi32, #tpu.memory_space<vmem>>
      %dma_wait3A_182 = tpu.memref_squeeze %dma_wait3A_181 : memref<1x128xi32, #tpu.memory_space<vmem>> -> memref<128xi32, #tpu.memory_space<vmem>>
      %dma_wait3A_183 = arith.constant 0 : i32
      %dma_wait3A_184 = arith.constant 0 : i32
      %dma_wait3A_185 = tpu.memref_slice %arg2[%dma_wait3A_183, %dma_wait3A_184] : memref<10000x40xf32, #tpu.memory_space<hbm>> -> memref<10000x40xf32, #tpu.memory_space<hbm>>
      tpu.wait_indirect_dma semaphore(%arg14 : memref<!tpu.dma_semaphore, #tpu.memory_space<semaphore_mem>>) src(%dma_wait3A_185 : memref<10000x40xf32, #tpu.memory_space<hbm>>) dst(%arg10 : memref<128x40xf32, #tpu.memory_space<vmem>>)
      %dma_wait3A_186 = arith.constant 0 : i32
      %dma_wait3A_187 = arith.constant 0 : i32
      %dma_wait3A_188 = tpu.memref_slice %arg5[%dma_wait3A_186, %dma_wait3A_187] : memref<78x128xi32, #tpu.memory_space<vmem>> -> memref<1x128xi32, #tpu.memory_space<vmem>>
      %dma_wait3A_189 = tpu.memref_squeeze %dma_wait3A_188 : memref<1x128xi32, #tpu.memory_space<vmem>> -> memref<128xi32, #tpu.memory_space<vmem>>
      %dma_wait3A_190 = arith.constant 0 : i32
      %dma_wait3A_191 = arith.constant 0 : i32
      %dma_wait3A_192 = tpu.memref_slice %arg2[%dma_wait3A_190, %dma_wait3A_191] : memref<10000x40xf32, #tpu.memory_space<hbm>> -> memref<10000x40xf32, #tpu.memory_space<hbm>>
      tpu.wait_indirect_dma semaphore(%arg14 : memref<!tpu.dma_semaphore, #tpu.memory_space<semaphore_mem>>) src(%dma_wait3A_192 : memref<10000x40xf32, #tpu.memory_space<hbm>>) dst(%arg11 : memref<128x40xf32, #tpu.memory_space<vmem>>)
      %dma_wait3A_193 = arith.constant 0 : i32
      %dma_wait3A_194 = arith.constant 0 : i32
      %dma_wait3A_195 = tpu.memref_slice %arg5[%dma_wait3A_193, %dma_wait3A_194] : memref<78x128xi32, #tpu.memory_space<vmem>> -> memref<1x128xi32, #tpu.memory_space<vmem>>
      %dma_wait3A_196 = tpu.memref_squeeze %dma_wait3A_195 : memref<1x128xi32, #tpu.memory_space<vmem>> -> memref<128xi32, #tpu.memory_space<vmem>>
      %dma_wait3A_197 = arith.constant 0 : i32
      %dma_wait3A_198 = arith.constant 0 : i32
      %dma_wait3A_199 = tpu.memref_slice %arg2[%dma_wait3A_197, %dma_wait3A_198] : memref<10000x40xf32, #tpu.memory_space<hbm>> -> memref<10000x40xf32, #tpu.memory_space<hbm>>
      tpu.wait_indirect_dma semaphore(%arg14 : memref<!tpu.dma_semaphore, #tpu.memory_space<semaphore_mem>>) src(%dma_wait3A_199 : memref<10000x40xf32, #tpu.memory_space<hbm>>) dst(%arg12 : memref<128x40xf32, #tpu.memory_space<vmem>>)
      %add3A_200 = arith.constant 0 : i32
      %add3A_201 = arith.addi %add3A_104, %add3A_200 : i32
      %dma_start3A_202 = arith.constant 0 : i32
      %dma_start3A_203 = tpu.memref_slice %arg6[%add3A_201, %dma_start3A_202] : memref<78x128xi32, #tpu.memory_space<vmem>> -> memref<1x128xi32, #tpu.memory_space<vmem>>
      %dma_start3A_204 = tpu.memref_squeeze %dma_start3A_203 : memref<1x128xi32, #tpu.memory_space<vmem>> -> memref<128xi32, #tpu.memory_space<vmem>>
      %dma_start3A_205 = arith.constant 0 : i32
      %dma_start3A_206 = arith.constant 0 : i32
      %dma_start3A_207 = tpu.memref_slice %arg17[%dma_start3A_205, %dma_start3A_206] : memref<10000x40xf32, #tpu.memory_space<vmem_shared>> -> memref<10000x40xf32, #tpu.memory_space<vmem_shared>>
      tpu.enqueue_indirect_dma source(%arg10 : memref<128x40xf32, #tpu.memory_space<vmem>>) target(%dma_start3A_207 : memref<10000x40xf32, #tpu.memory_space<vmem_shared>>) offsets(%dma_start3A_204 : memref<128xi32, #tpu.memory_space<vmem>>) semaphore(%arg16 : memref<!tpu.dma_semaphore, #tpu.memory_space<semaphore_mem>>) {add = true}
      %add3A_208 = arith.constant 1 : i32
      %add3A_209 = arith.addi %add3A_104, %add3A_208 : i32
      %dma_start3A_210 = arith.constant 0 : i32
      %dma_start3A_211 = tpu.memref_slice %arg6[%add3A_209, %dma_start3A_210] : memref<78x128xi32, #tpu.memory_space<vmem>> -> memref<1x128xi32, #tpu.memory_space<vmem>>
      %dma_start3A_212 = tpu.memref_squeeze %dma_start3A_211 : memref<1x128xi32, #tpu.memory_space<vmem>> -> memref<128xi32, #tpu.memory_space<vmem>>
      %dma_start3A_213 = arith.constant 0 : i32
      %dma_start3A_214 = arith.constant 0 : i32
      %dma_start3A_215 = tpu.memref_slice %arg17[%dma_start3A_213, %dma_start3A_214] : memref<10000x40xf32, #tpu.memory_space<vmem_shared>> -> memref<10000x40xf32, #tpu.memory_space<vmem_shared>>
      tpu.enqueue_indirect_dma source(%arg11 : memref<128x40xf32, #tpu.memory_space<vmem>>) target(%dma_start3A_215 : memref<10000x40xf32, #tpu.memory_space<vmem_shared>>) offsets(%dma_start3A_212 : memref<128xi32, #tpu.memory_space<vmem>>) semaphore(%arg16 : memref<!tpu.dma_semaphore, #tpu.memory_space<semaphore_mem>>) {add = true}
      %add3A_216 = arith.constant 2 : i32
      %add3A_217 = arith.addi %add3A_104, %add3A_216 : i32
      %dma_start3A_218 = arith.constant 0 : i32
      %dma_start3A_219 = tpu.memref_slice %arg6[%add3A_217, %dma_start3A_218] : memref<78x128xi32, #tpu.memory_space<vmem>> -> memref<1x128xi32, #tpu.memory_space<vmem>>
      %dma_start3A_220 = tpu.memref_squeeze %dma_start3A_219 : memref<1x128xi32, #tpu.memory_space<vmem>> -> memref<128xi32, #tpu.memory_space<vmem>>
      %dma_start3A_221 = arith.constant 0 : i32
      %dma_start3A_222 = arith.constant 0 : i32
      %dma_start3A_223 = tpu.memref_slice %arg17[%dma_start3A_221, %dma_start3A_222] : memref<10000x40xf32, #tpu.memory_space<vmem_shared>> -> memref<10000x40xf32, #tpu.memory_space<vmem_shared>>
      tpu.enqueue_indirect_dma source(%arg12 : memref<128x40xf32, #tpu.memory_space<vmem>>) target(%dma_start3A_223 : memref<10000x40xf32, #tpu.memory_space<vmem_shared>>) offsets(%dma_start3A_220 : memref<128xi32, #tpu.memory_space<vmem>>) semaphore(%arg16 : memref<!tpu.dma_semaphore, #tpu.memory_space<semaphore_mem>>) {add = true}
      %dma_wait3A_224 = arith.constant 0 : i32
      %dma_wait3A_225 = arith.constant 0 : i32
      %dma_wait3A_226 = tpu.memref_slice %arg6[%dma_wait3A_224, %dma_wait3A_225] : memref<78x128xi32, #tpu.memory_space<vmem>> -> memref<1x128xi32, #tpu.memory_space<vmem>>
      %dma_wait3A_227 = tpu.memref_squeeze %dma_wait3A_226 : memref<1x128xi32, #tpu.memory_space<vmem>> -> memref<128xi32, #tpu.memory_space<vmem>>
      %dma_wait3A_228 = arith.constant 0 : i32
      %dma_wait3A_229 = arith.constant 0 : i32
      %dma_wait3A_230 = tpu.memref_slice %arg17[%dma_wait3A_228, %dma_wait3A_229] : memref<10000x40xf32, #tpu.memory_space<vmem_shared>> -> memref<10000x40xf32, #tpu.memory_space<vmem_shared>>
      tpu.wait_indirect_dma semaphore(%arg16 : memref<!tpu.dma_semaphore, #tpu.memory_space<semaphore_mem>>) src(%arg10 : memref<128x40xf32, #tpu.memory_space<vmem>>) dst(%dma_wait3A_230 : memref<10000x40xf32, #tpu.memory_space<vmem_shared>>)
      %dma_wait3A_231 = arith.constant 0 : i32
      %dma_wait3A_232 = arith.constant 0 : i32
      %dma_wait3A_233 = tpu.memref_slice %arg6[%dma_wait3A_231, %dma_wait3A_232] : memref<78x128xi32, #tpu.memory_space<vmem>> -> memref<1x128xi32, #tpu.memory_space<vmem>>
      %dma_wait3A_234 = tpu.memref_squeeze %dma_wait3A_233 : memref<1x128xi32, #tpu.memory_space<vmem>> -> memref<128xi32, #tpu.memory_space<vmem>>
      %dma_wait3A_235 = arith.constant 0 : i32
      %dma_wait3A_236 = arith.constant 0 : i32
      %dma_wait3A_237 = tpu.memref_slice %arg17[%dma_wait3A_235, %dma_wait3A_236] : memref<10000x40xf32, #tpu.memory_space<vmem_shared>> -> memref<10000x40xf32, #tpu.memory_space<vmem_shared>>
      tpu.wait_indirect_dma semaphore(%arg16 : memref<!tpu.dma_semaphore, #tpu.memory_space<semaphore_mem>>) src(%arg11 : memref<128x40xf32, #tpu.memory_space<vmem>>) dst(%dma_wait3A_237 : memref<10000x40xf32, #tpu.memory_space<vmem_shared>>)
      %dma_wait3A_238 = arith.constant 0 : i32
      %dma_wait3A_239 = arith.constant 0 : i32
      %dma_wait3A_240 = tpu.memref_slice %arg6[%dma_wait3A_238, %dma_wait3A_239] : memref<78x128xi32, #tpu.memory_space<vmem>> -> memref<1x128xi32, #tpu.memory_space<vmem>>
      %dma_wait3A_241 = tpu.memref_squeeze %dma_wait3A_240 : memref<1x128xi32, #tpu.memory_space<vmem>> -> memref<128xi32, #tpu.memory_space<vmem>>
      %dma_wait3A_242 = arith.constant 0 : i32
      %dma_wait3A_243 = arith.constant 0 : i32
      %dma_wait3A_244 = tpu.memref_slice %arg17[%dma_wait3A_242, %dma_wait3A_243] : memref<10000x40xf32, #tpu.memory_space<vmem_shared>> -> memref<10000x40xf32, #tpu.memory_space<vmem_shared>>
      tpu.wait_indirect_dma semaphore(%arg16 : memref<!tpu.dma_semaphore, #tpu.memory_space<semaphore_mem>>) src(%arg12 : memref<128x40xf32, #tpu.memory_space<vmem>>) dst(%dma_wait3A_244 : memref<10000x40xf32, #tpu.memory_space<vmem_shared>>)
    }
    %scan3A_69 = arith.constant 13 : i32
    %dma_wait3A_70 = arith.constant 0 : i32
    %dma_wait3A_71 = arith.constant 0 : i32
    %dma_wait3A_72 = tpu.memref_slice %arg6[%dma_wait3A_70, %dma_wait3A_71] : memref<78x128xi32, #tpu.memory_space<vmem>> -> memref<1x128xi32, #tpu.memory_space<vmem>>
    %dma_wait3A_73 = tpu.memref_squeeze %dma_wait3A_72 : memref<1x128xi32, #tpu.memory_space<vmem>> -> memref<128xi32, #tpu.memory_space<vmem>>
    %dma_wait3A_74 = arith.constant 0 : i32
    %dma_wait3A_75 = arith.constant 0 : i32
    %dma_wait3A_76 = tpu.memref_slice %arg17[%dma_wait3A_74, %dma_wait3A_75] : memref<10000x40xf32, #tpu.memory_space<vmem_shared>> -> memref<10000x40xf32, #tpu.memory_space<vmem_shared>>
    tpu.wait_indirect_dma semaphore(%arg15 : memref<!tpu.dma_semaphore, #tpu.memory_space<semaphore_mem>>) src(%arg7 : memref<128x40xf32, #tpu.memory_space<vmem>>) dst(%dma_wait3A_76 : memref<10000x40xf32, #tpu.memory_space<vmem_shared>>)
    %dma_wait3A_77 = arith.constant 0 : i32
    %dma_wait3A_78 = arith.constant 0 : i32
    %dma_wait3A_79 = tpu.memref_slice %arg6[%dma_wait3A_77, %dma_wait3A_78] : memref<78x128xi32, #tpu.memory_space<vmem>> -> memref<1x128xi32, #tpu.memory_space<vmem>>
    %dma_wait3A_80 = tpu.memref_squeeze %dma_wait3A_79 : memref<1x128xi32, #tpu.memory_space<vmem>> -> memref<128xi32, #tpu.memory_space<vmem>>
    %dma_wait3A_81 = arith.constant 0 : i32
    %dma_wait3A_82 = arith.constant 0 : i32
    %dma_wait3A_83 = tpu.memref_slice %arg17[%dma_wait3A_81, %dma_wait3A_82] : memref<10000x40xf32, #tpu.memory_space<vmem_shared>> -> memref<10000x40xf32, #tpu.memory_space<vmem_shared>>
    tpu.wait_indirect_dma semaphore(%arg15 : memref<!tpu.dma_semaphore, #tpu.memory_space<semaphore_mem>>) src(%arg8 : memref<128x40xf32, #tpu.memory_space<vmem>>) dst(%dma_wait3A_83 : memref<10000x40xf32, #tpu.memory_space<vmem_shared>>)
    %dma_wait3A_84 = arith.constant 0 : i32
    %dma_wait3A_85 = arith.constant 0 : i32
    %dma_wait3A_86 = tpu.memref_slice %arg6[%dma_wait3A_84, %dma_wait3A_85] : memref<78x128xi32, #tpu.memory_space<vmem>> -> memref<1x128xi32, #tpu.memory_space<vmem>>
    %dma_wait3A_87 = tpu.memref_squeeze %dma_wait3A_86 : memref<1x128xi32, #tpu.memory_space<vmem>> -> memref<128xi32, #tpu.memory_space<vmem>>
    %dma_wait3A_88 = arith.constant 0 : i32
    %dma_wait3A_89 = arith.constant 0 : i32
    %dma_wait3A_90 = tpu.memref_slice %arg17[%dma_wait3A_88, %dma_wait3A_89] : memref<10000x40xf32, #tpu.memory_space<vmem_shared>> -> memref<10000x40xf32, #tpu.memory_space<vmem_shared>>
    tpu.wait_indirect_dma semaphore(%arg15 : memref<!tpu.dma_semaphore, #tpu.memory_space<semaphore_mem>>) src(%arg9 : memref<128x40xf32, #tpu.memory_space<vmem>>) dst(%dma_wait3A_90 : memref<10000x40xf32, #tpu.memory_space<vmem_shared>>)
    %lt3A = arith.constant 4 : i32
    %lt3A_91 = arith.cmpi slt, %add3A, %lt3A : i32
    %convert_element_type3A = arith.extui %lt3A_91 : i1 to i32
    %cond3A = arith.constant 0 : i32
    %cond3A_92 = arith.cmpi ne, %convert_element_type3A, %cond3A : i32
    scf.if %cond3A_92 {
      %add3A_98 = arith.constant 2496 : i32
      %add3A_99 = arith.addi %add3A_98, %add3A : i32
      %run_scoped3A = arith.constant 0 : i32
      "tpu.region"() ({
        %run_scoped3A_131 = tpu.sem_alloc : memref<!tpu.dma_semaphore, #tpu.memory_space<semaphore_mem>>
        %dma_start3A_132 = arith.constant 0 : i32
        %dma_start3A_133 = arith.constant 0 : i32
        %dma_start3A_134 = tpu.memref_slice %arg5[%dma_start3A_132, %dma_start3A_133] : memref<78x128xi32, #tpu.memory_space<vmem>> -> memref<1x128xi32, #tpu.memory_space<vmem>>
        %dma_start3A_135 = arith.constant 0 : i32
        %dma_start3A_136 = tpu.memref_slice %arg3[%run_scoped3A, %add3A_99, %dma_start3A_135] : memref<2x2500x128xi32, #tpu.memory_space<hbm>> -> memref<1x1x128xi32, #tpu.memory_space<hbm>>
        %dma_start3A_137 = tpu.memref_squeeze %dma_start3A_136 : memref<1x1x128xi32, #tpu.memory_space<hbm>> -> memref<1x128xi32, #tpu.memory_space<hbm>>
        %dma_start3A_138 = arith.constant 0 : i32
        %dma_start3A_139 = arith.constant 0 : i32
        %dma_start3A_140 = tpu.memref_slice %arg5[%dma_start3A_138, %dma_start3A_139] : memref<78x128xi32, #tpu.memory_space<vmem>> -> memref<1x128xi32, #tpu.memory_space<vmem>>
        %dma_start3A_141 = arith.constant 0 : i32
        %dma_start3A_142 = tpu.memref_slice %arg3[%run_scoped3A, %add3A_99, %dma_start3A_141] : memref<2x2500x128xi32, #tpu.memory_space<hbm>> -> memref<1x1x128xi32, #tpu.memory_space<hbm>>
        %dma_start3A_143 = tpu.memref_squeeze %dma_start3A_142 : memref<1x1x128xi32, #tpu.memory_space<hbm>> -> memref<1x128xi32, #tpu.memory_space<hbm>>
        tpu.enqueue_dma source(%dma_start3A_143 : memref<1x128xi32, #tpu.memory_space<hbm>>) target(%dma_start3A_140 : memref<1x128xi32, #tpu.memory_space<vmem>>) target_semaphore(%run_scoped3A_131 : memref<!tpu.dma_semaphore, #tpu.memory_space<semaphore_mem>>)
        %dma_wait3A_144 = arith.constant 0 : i32
        %dma_wait3A_145 = arith.constant 0 : i32
        %dma_wait3A_146 = tpu.memref_slice %arg5[%dma_wait3A_144, %dma_wait3A_145] : memref<78x128xi32, #tpu.memory_space<vmem>> -> memref<1x128xi32, #tpu.memory_space<vmem>>
        %dma_wait3A_147 = arith.constant 0 : i32
        %dma_wait3A_148 = tpu.memref_slice %arg3[%run_scoped3A, %add3A_99, %dma_wait3A_147] : memref<2x2500x128xi32, #tpu.memory_space<hbm>> -> memref<1x1x128xi32, #tpu.memory_space<hbm>>
        %dma_wait3A_149 = tpu.memref_squeeze %dma_wait3A_148 : memref<1x1x128xi32, #tpu.memory_space<hbm>> -> memref<1x128xi32, #tpu.memory_space<hbm>>
        %dma_wait3A_150 = arith.constant 0 : i32
        %dma_wait3A_151 = arith.constant 0 : i32
        %dma_wait3A_152 = tpu.memref_slice %arg5[%dma_wait3A_150, %dma_wait3A_151] : memref<78x128xi32, #tpu.memory_space<vmem>> -> memref<1x128xi32, #tpu.memory_space<vmem>>
        %dma_wait3A_153 = arith.constant 0 : i32
        %dma_wait3A_154 = tpu.memref_slice %arg3[%run_scoped3A, %add3A_99, %dma_wait3A_153] : memref<2x2500x128xi32, #tpu.memory_space<hbm>> -> memref<1x1x128xi32, #tpu.memory_space<hbm>>
        %dma_wait3A_155 = tpu.memref_squeeze %dma_wait3A_154 : memref<1x1x128xi32, #tpu.memory_space<hbm>> -> memref<1x128xi32, #tpu.memory_space<hbm>>
        tpu.wait_dma2 semaphore(%run_scoped3A_131 : memref<!tpu.dma_semaphore, #tpu.memory_space<semaphore_mem>>) src(%dma_wait3A_155 : memref<1x128xi32, #tpu.memory_space<hbm>>) dst(%dma_wait3A_152 : memref<1x128xi32, #tpu.memory_space<vmem>>)
        tpu.yield
      }) : () -> ()
      %add3A_100 = arith.constant 2496 : i32
      %add3A_101 = arith.addi %add3A_100, %add3A : i32
      %run_scoped3A_102 = arith.constant 1 : i32
      "tpu.region"() ({
        %run_scoped3A_131 = tpu.sem_alloc : memref<!tpu.dma_semaphore, #tpu.memory_space<semaphore_mem>>
        %dma_start3A_132 = arith.constant 0 : i32
        %dma_start3A_133 = arith.constant 0 : i32
        %dma_start3A_134 = tpu.memref_slice %arg6[%dma_start3A_132, %dma_start3A_133] : memref<78x128xi32, #tpu.memory_space<vmem>> -> memref<1x128xi32, #tpu.memory_space<vmem>>
        %dma_start3A_135 = arith.constant 0 : i32
        %dma_start3A_136 = tpu.memref_slice %arg3[%run_scoped3A_102, %add3A_101, %dma_start3A_135] : memref<2x2500x128xi32, #tpu.memory_space<hbm>> -> memref<1x1x128xi32, #tpu.memory_space<hbm>>
        %dma_start3A_137 = tpu.memref_squeeze %dma_start3A_136 : memref<1x1x128xi32, #tpu.memory_space<hbm>> -> memref<1x128xi32, #tpu.memory_space<hbm>>
        %dma_start3A_138 = arith.constant 0 : i32
        %dma_start3A_139 = arith.constant 0 : i32
        %dma_start3A_140 = tpu.memref_slice %arg6[%dma_start3A_138, %dma_start3A_139] : memref<78x128xi32, #tpu.memory_space<vmem>> -> memref<1x128xi32, #tpu.memory_space<vmem>>
        %dma_start3A_141 = arith.constant 0 : i32
        %dma_start3A_142 = tpu.memref_slice %arg3[%run_scoped3A_102, %add3A_101, %dma_start3A_141] : memref<2x2500x128xi32, #tpu.memory_space<hbm>> -> memref<1x1x128xi32, #tpu.memory_space<hbm>>
        %dma_start3A_143 = tpu.memref_squeeze %dma_start3A_142 : memref<1x1x128xi32, #tpu.memory_space<hbm>> -> memref<1x128xi32, #tpu.memory_space<hbm>>
        tpu.enqueue_dma source(%dma_start3A_143 : memref<1x128xi32, #tpu.memory_space<hbm>>) target(%dma_start3A_140 : memref<1x128xi32, #tpu.memory_space<vmem>>) target_semaphore(%run_scoped3A_131 : memref<!tpu.dma_semaphore, #tpu.memory_space<semaphore_mem>>)
        %dma_wait3A_144 = arith.constant 0 : i32
        %dma_wait3A_145 = arith.constant 0 : i32
        %dma_wait3A_146 = tpu.memref_slice %arg6[%dma_wait3A_144, %dma_wait3A_145] : memref<78x128xi32, #tpu.memory_space<vmem>> -> memref<1x128xi32, #tpu.memory_space<vmem>>
        %dma_wait3A_147 = arith.constant 0 : i32
        %dma_wait3A_148 = tpu.memref_slice %arg3[%run_scoped3A_102, %add3A_101, %dma_wait3A_147] : memref<2x2500x128xi32, #tpu.memory_space<hbm>> -> memref<1x1x128xi32, #tpu.memory_space<hbm>>
        %dma_wait3A_149 = tpu.memref_squeeze %dma_wait3A_148 : memref<1x1x128xi32, #tpu.memory_space<hbm>> -> memref<1x128xi32, #tpu.memory_space<hbm>>
        %dma_wait3A_150 = arith.constant 0 : i32
        %dma_wait3A_151 = arith.constant 0 : i32
        %dma_wait3A_152 = tpu.memref_slice %arg6[%dma_wait3A_150, %dma_wait3A_151] : memref<78x128xi32, #tpu.memory_space<vmem>> -> memref<1x128xi32, #tpu.memory_space<vmem>>
        %dma_wait3A_153 = arith.constant 0 : i32
        %dma_wait3A_154 = tpu.memref_slice %arg3[%run_scoped3A_102, %add3A_101, %dma_wait3A_153] : memref<2x2500x128xi32, #tpu.memory_space<hbm>> -> memref<1x1x128xi32, #tpu.memory_space<hbm>>
        %dma_wait3A_155 = tpu.memref_squeeze %dma_wait3A_154 : memref<1x1x128xi32, #tpu.memory_space<hbm>> -> memref<1x128xi32, #tpu.memory_space<hbm>>
        tpu.wait_dma2 semaphore(%run_scoped3A_131 : memref<!tpu.dma_semaphore, #tpu.memory_space<semaphore_mem>>) src(%dma_wait3A_155 : memref<1x128xi32, #tpu.memory_space<hbm>>) dst(%dma_wait3A_152 : memref<1x128xi32, #tpu.memory_space<vmem>>)
        tpu.yield
      }) : () -> ()
      %dma_start3A_103 = arith.constant 0 : i32
      %dma_start3A_104 = arith.constant 0 : i32
      %dma_start3A_105 = tpu.memref_slice %arg5[%dma_start3A_103, %dma_start3A_104] : memref<78x128xi32, #tpu.memory_space<vmem>> -> memref<1x128xi32, #tpu.memory_space<vmem>>
      %dma_start3A_106 = tpu.memref_squeeze %dma_start3A_105 : memref<1x128xi32, #tpu.memory_space<vmem>> -> memref<128xi32, #tpu.memory_space<vmem>>
      %dma_start3A_107 = arith.constant 0 : i32
      %dma_start3A_108 = arith.constant 0 : i32
      %dma_start3A_109 = tpu.memref_slice %arg2[%dma_start3A_107, %dma_start3A_108] : memref<10000x40xf32, #tpu.memory_space<hbm>> -> memref<10000x40xf32, #tpu.memory_space<hbm>>
      tpu.enqueue_indirect_dma source(%dma_start3A_109 : memref<10000x40xf32, #tpu.memory_space<hbm>>) target(%arg7 : memref<128x40xf32, #tpu.memory_space<vmem>>) offsets(%dma_start3A_106 : memref<128xi32, #tpu.memory_space<vmem>>) semaphore(%arg13 : memref<!tpu.dma_semaphore, #tpu.memory_space<semaphore_mem>>)
      %dma_wait3A_110 = arith.constant 0 : i32
      %dma_wait3A_111 = arith.constant 0 : i32
      %dma_wait3A_112 = tpu.memref_slice %arg5[%dma_wait3A_110, %dma_wait3A_111] : memref<78x128xi32, #tpu.memory_space<vmem>> -> memref<1x128xi32, #tpu.memory_space<vmem>>
      %dma_wait3A_113 = tpu.memref_squeeze %dma_wait3A_112 : memref<1x128xi32, #tpu.memory_space<vmem>> -> memref<128xi32, #tpu.memory_space<vmem>>
      %dma_wait3A_114 = arith.constant 0 : i32
      %dma_wait3A_115 = arith.constant 0 : i32
      %dma_wait3A_116 = tpu.memref_slice %arg2[%dma_wait3A_114, %dma_wait3A_115] : memref<10000x40xf32, #tpu.memory_space<hbm>> -> memref<10000x40xf32, #tpu.memory_space<hbm>>
      tpu.wait_indirect_dma semaphore(%arg13 : memref<!tpu.dma_semaphore, #tpu.memory_space<semaphore_mem>>) src(%dma_wait3A_116 : memref<10000x40xf32, #tpu.memory_space<hbm>>) dst(%arg7 : memref<128x40xf32, #tpu.memory_space<vmem>>)
      %dma_start3A_117 = arith.constant 0 : i32
      %dma_start3A_118 = arith.constant 0 : i32
      %dma_start3A_119 = tpu.memref_slice %arg6[%dma_start3A_117, %dma_start3A_118] : memref<78x128xi32, #tpu.memory_space<vmem>> -> memref<1x128xi32, #tpu.memory_space<vmem>>
      %dma_start3A_120 = tpu.memref_squeeze %dma_start3A_119 : memref<1x128xi32, #tpu.memory_space<vmem>> -> memref<128xi32, #tpu.memory_space<vmem>>
      %dma_start3A_121 = arith.constant 0 : i32
      %dma_start3A_122 = arith.constant 0 : i32
      %dma_start3A_123 = tpu.memref_slice %arg17[%dma_start3A_121, %dma_start3A_122] : memref<10000x40xf32, #tpu.memory_space<vmem_shared>> -> memref<10000x40xf32, #tpu.memory_space<vmem_shared>>
      tpu.enqueue_indirect_dma source(%arg7 : memref<128x40xf32, #tpu.memory_space<vmem>>) target(%dma_start3A_123 : memref<10000x40xf32, #tpu.memory_space<vmem_shared>>) offsets(%dma_start3A_120 : memref<128xi32, #tpu.memory_space<vmem>>) semaphore(%arg15 : memref<!tpu.dma_semaphore, #tpu.memory_space<semaphore_mem>>) {add = true}
      %dma_wait3A_124 = arith.constant 0 : i32
      %dma_wait3A_125 = arith.constant 0 : i32
      %dma_wait3A_126 = tpu.memref_slice %arg6[%dma_wait3A_124, %dma_wait3A_125] : memref<78x128xi32, #tpu.memory_space<vmem>> -> memref<1x128xi32, #tpu.memory_space<vmem>>
      %dma_wait3A_127 = tpu.memref_squeeze %dma_wait3A_126 : memref<1x128xi32, #tpu.memory_space<vmem>> -> memref<128xi32, #tpu.memory_space<vmem>>
      %dma_wait3A_128 = arith.constant 0 : i32
      %dma_wait3A_129 = arith.constant 0 : i32
      %dma_wait3A_130 = tpu.memref_slice %arg17[%dma_wait3A_128, %dma_wait3A_129] : memref<10000x40xf32, #tpu.memory_space<vmem_shared>> -> memref<10000x40xf32, #tpu.memory_space<vmem_shared>>
      tpu.wait_indirect_dma semaphore(%arg15 : memref<!tpu.dma_semaphore, #tpu.memory_space<semaphore_mem>>) src(%arg7 : memref<128x40xf32, #tpu.memory_space<vmem>>) dst(%dma_wait3A_130 : memref<10000x40xf32, #tpu.memory_space<vmem_shared>>)
    } else {
    }
    "tpu.trace_stop"() : () -> ()
    %barrier3A_93 = arith.constant 0 : index
    tpu.barrier barrier_id(%barrier3A_93)
    "tpu.trace_start"() <{level = 10 : i32, message = "wb"}> : () -> ()
    %mul3A_94 = arith.constant 625 : i32
    %mul3A_95 = arith.muli %arg1, %mul3A_94 : i32
    %mul3A_96 = arith.constant 625 : i32
    %mul3A_97 = arith.muli %arg1, %mul3A_96 : i32
    "tpu.region"() ({
      %run_scoped3A = tpu.sem_alloc : memref<!tpu.dma_semaphore, #tpu.memory_space<semaphore_mem>>
      %dma_start3A_98 = arith.constant 0 : i32
      %dma_start3A_99 = tpu.memref_slice %arg4[%arg0, %mul3A_97, %dma_start3A_98] : memref<2x10000x40xf32, #tpu.memory_space<hbm>> -> memref<1x625x40xf32, #tpu.memory_space<hbm>>
      %dma_start3A_100 = tpu.memref_squeeze %dma_start3A_99 : memref<1x625x40xf32, #tpu.memory_space<hbm>> -> memref<625x40xf32, #tpu.memory_space<hbm>>
      %dma_start3A_101 = arith.constant 0 : i32
      %dma_start3A_102 = tpu.memref_slice %arg17[%mul3A_95, %dma_start3A_101] : memref<10000x40xf32, #tpu.memory_space<vmem_shared>> -> memref<625x40xf32, #tpu.memory_space<vmem_shared>>
      tpu.enqueue_dma source(%dma_start3A_102 : memref<625x40xf32, #tpu.memory_space<vmem_shared>>) target(%dma_start3A_100 : memref<625x40xf32, #tpu.memory_space<hbm>>) target_semaphore(%run_scoped3A : memref<!tpu.dma_semaphore, #tpu.memory_space<semaphore_mem>>)
      %dma_wait3A_103 = arith.constant 0 : i32
      %dma_wait3A_104 = tpu.memref_slice %arg4[%arg0, %mul3A_97, %dma_wait3A_103] : memref<2x10000x40xf32, #tpu.memory_space<hbm>> -> memref<1x625x40xf32, #tpu.memory_space<hbm>>
      %dma_wait3A_105 = tpu.memref_squeeze %dma_wait3A_104 : memref<1x625x40xf32, #tpu.memory_space<hbm>> -> memref<625x40xf32, #tpu.memory_space<hbm>>
      %dma_wait3A_106 = arith.constant 0 : i32
      %dma_wait3A_107 = tpu.memref_slice %arg17[%mul3A_95, %dma_wait3A_106] : memref<10000x40xf32, #tpu.memory_space<vmem_shared>> -> memref<625x40xf32, #tpu.memory_space<vmem_shared>>
      tpu.wait_dma2 semaphore(%run_scoped3A : memref<!tpu.dma_semaphore, #tpu.memory_space<semaphore_mem>>) src(%dma_wait3A_107 : memref<625x40xf32, #tpu.memory_space<vmem_shared>>) dst(%dma_wait3A_105 : memref<625x40xf32, #tpu.memory_space<hbm>>)
      tpu.yield
    }) : () -> ()
    "tpu.trace_stop"() : () -> ()
    return
  }
}

module attributes {stable_mosaic.version = 14 : i64} {
  func.func @_mm_body(%arg0: i32, %arg1: memref<1000x128xf32, #tpu.memory_space<vmem>>, %arg2: memref<128x40xf32, #tpu.memory_space<vmem>>, %arg3: memref<1000x40xf32, #tpu.memory_space<vmem>>) attributes {dimension_semantics = [#tpu.dimension_semantics<arbitrary>], iteration_bounds = array<i64: 10>, scalar_prefetch = 0 : i64, scratch_operands = 0 : i64, tpu.core_type = #tpu.core_type<tc>, window_params = [{transform_indices = @transform_0, window_bounds = array<i64: 1000, 128>}, {pipeline_mode = #tpu.pipeline_mode<synchronous>, transform_indices = @transform_1, window_bounds = array<i64: 128, 40>}, {transform_indices = @transform_2, window_bounds = array<i64: 1000, 40>}]} {
    %get3A = arith.constant 0 : index
    %get3A_0 = arith.constant 0 : index
    %get3A_1 = vector.load %arg1[%get3A, %get3A_0] : memref<1000x128xf32, #tpu.memory_space<vmem>>, vector<1000x128xf32>
    %get3A_2 = arith.constant 0 : index
    %get3A_3 = arith.constant 0 : index
    %get3A_4 = vector.load %arg2[%get3A_2, %get3A_3] : memref<128x40xf32, #tpu.memory_space<vmem>>, vector<128x40xf32>
    %dot_general3A = arith.constant dense<0.000000e+00> : vector<1000x40xf32>
    %dot_general3A_5 = tpu.matmul %get3A_1, %get3A_4, %dot_general3A {dimension_numbers = #tpu.dot_dimension_numbers<[1], [0], [0], [1], [0, 0, 1, 1], [], []>, transpose_lhs_hint = false} : vector<1000x128xf32>, vector<128x40xf32>, vector<1000x40xf32> -> vector<1000x40xf32>
    %swap3A = arith.constant 0 : index
    %swap3A_6 = arith.constant 0 : index
    %swap3A_7 = vector.load %arg3[%swap3A, %swap3A_6] : memref<1000x40xf32, #tpu.memory_space<vmem>>, vector<1000x40xf32>
    tpu.vector_store %arg3[%swap3A, %swap3A_6], %dot_general3A_5 {strides = array<i32>} : memref<1000x40xf32, #tpu.memory_space<vmem>>, vector<1000x40xf32>,
    return
  }
  func.func @transform_0(%arg0: i32) -> (i32, i32) {
    %c0_i32 = arith.constant 0 : i32
    %c0_i32_0 = arith.constant 0 : i32
    return %arg0, %c0_i32 : i32, i32
  }
  func.func @transform_1(%arg0: i32) -> (i32, i32) {
    %c0_i32 = arith.constant 0 : i32
    %c0_i32_0 = arith.constant 0 : i32
    %c0_i32_1 = arith.constant 0 : i32
    return %c0_i32, %c0_i32_0 : i32, i32
  }
  func.func @transform_2(%arg0: i32) -> (i32, i32) {
    %c0_i32 = arith.constant 0 : i32
    %c0_i32_0 = arith.constant 0 : i32
    return %arg0, %c0_i32 : i32, i32
  }
}

module attributes {stable_mosaic.version = 14 : i64} {
  func.func @_final_body(%arg0: i32, %arg1: memref<1000x40xf32, #tpu.memory_space<vmem>>, %arg2: memref<2x1000x40xf32, #tpu.memory_space<vmem>>, %arg3: memref<10x1000xf32, #tpu.memory_space<vmem>>, %arg4: memref<40xf32, #tpu.memory_space<vmem>>, %arg5: memref<1000x40xf32, #tpu.memory_space<vmem>>) attributes {dimension_semantics = [#tpu.dimension_semantics<arbitrary>], iteration_bounds = array<i64: 10>, scalar_prefetch = 0 : i64, scratch_operands = 0 : i64, tpu.core_type = #tpu.core_type<tc>, window_params = [{transform_indices = @transform_0, window_bounds = array<i64: 1000, 40>}, {transform_indices = @transform_1, window_bounds = array<i64: 2, 1000, 40>}, {pipeline_mode = #tpu.pipeline_mode<synchronous>, transform_indices = @transform_2, window_bounds = array<i64: 10, 1000>}, {pipeline_mode = #tpu.pipeline_mode<synchronous>, transform_indices = @transform_3, window_bounds = array<i64: 40>}, {transform_indices = @transform_4, window_bounds = array<i64: 1000, 40>}]} {
    %get3A = arith.constant 0 : index
    %get3A_0 = arith.constant 0 : index
    %get3A_1 = vector.load %arg1[%get3A, %get3A_0] : memref<1000x40xf32, #tpu.memory_space<vmem>>, vector<1000x40xf32>
    %get3A_2 = arith.constant 0 : index
    %get3A_3 = arith.constant 0 : index
    %get3A_4 = arith.constant 0 : index
    %get3A_5 = vector.load %arg2[%get3A_2, %get3A_3, %get3A_4] : memref<2x1000x40xf32, #tpu.memory_space<vmem>>, vector<1x1000x40xf32>
    %get3A_6 = vector.shape_cast %get3A_5 : vector<1x1000x40xf32> to vector<1000x40xf32>
    %add3A = arith.addf %get3A_1, %get3A_6 : vector<1000x40xf32>
    %get3A_7 = arith.constant 1 : index
    %get3A_8 = arith.constant 0 : index
    %get3A_9 = arith.constant 0 : index
    %get3A_10 = vector.load %arg2[%get3A_7, %get3A_8, %get3A_9] : memref<2x1000x40xf32, #tpu.memory_space<vmem>>, vector<1x1000x40xf32>
    %get3A_11 = vector.shape_cast %get3A_10 : vector<1x1000x40xf32> to vector<1000x40xf32>
    %add3A_12 = arith.addf %add3A, %get3A_11 : vector<1000x40xf32>
    %get3A_13 = arith.index_cast %arg0 : i32 to index
    %get3A_14 = arith.constant 0 : index
    %get3A_15 = vector.load %arg3[%get3A_13, %get3A_14] : memref<10x1000xf32, #tpu.memory_space<vmem>>, vector<1x1000xf32>
    %get3A_16 = vector.shape_cast %get3A_15 : vector<1x1000xf32> to vector<1000xf32>
    %broadcast_in_dim3A = vector.shape_cast %get3A_16 : vector<1000xf32> to vector<1000x1xf32>
    %mul3A = vector.broadcast %broadcast_in_dim3A : vector<1000x1xf32> to vector<1000x40xf32>
    %mul3A_17 = arith.mulf %add3A_12, %mul3A : vector<1000x40xf32>
    %get3A_18 = arith.constant 0 : index
    %get3A_19 = vector.load %arg4[%get3A_18] : memref<40xf32, #tpu.memory_space<vmem>>, vector<40xf32>
    %broadcast_in_dim3A_20 = vector.shape_cast %get3A_19 : vector<40xf32> to vector<1x40xf32>
    %add3A_21 = vector.broadcast %broadcast_in_dim3A_20 : vector<1x40xf32> to vector<1000x40xf32>
    %add3A_22 = arith.addf %mul3A_17, %add3A_21 : vector<1000x40xf32>
    %reduce_max3A = arith.constant dense<0xFF800000> : vector<1000xf32>
    %reduce_max3A_23 = vector.multi_reduction <maximumf>, %add3A_22, %reduce_max3A [1] : vector<1000x40xf32> to vector<1000xf32>
    %broadcast_in_dim3A_24 = vector.shape_cast %reduce_max3A_23 : vector<1000xf32> to vector<1000x1xf32>
    %sub3A = vector.broadcast %broadcast_in_dim3A_24 : vector<1000x1xf32> to vector<1000x40xf32>
    %sub3A_25 = arith.subf %add3A_22, %sub3A : vector<1000x40xf32>
    %exp3A = math.exp %sub3A_25 : vector<1000x40xf32>
    %sub3A_26 = vector.broadcast %broadcast_in_dim3A_24 : vector<1000x1xf32> to vector<1000x40xf32>
    %sub3A_27 = arith.subf %add3A_22, %sub3A_26 : vector<1000x40xf32>
    %reduce_sum3A = arith.constant dense<0.000000e+00> : vector<1000xf32>
    %reduce_sum3A_28 = vector.multi_reduction <add>, %exp3A, %reduce_sum3A [1] : vector<1000x40xf32> to vector<1000xf32>
    %broadcast_in_dim3A_29 = vector.shape_cast %reduce_sum3A_28 : vector<1000xf32> to vector<1000x1xf32>
    %log3A = math.log %broadcast_in_dim3A_29 : vector<1000x1xf32>
    %sub3A_30 = vector.broadcast %log3A : vector<1000x1xf32> to vector<1000x40xf32>
    %sub3A_31 = arith.subf %sub3A_27, %sub3A_30 : vector<1000x40xf32>
    %swap3A = arith.constant 0 : index
    %swap3A_32 = arith.constant 0 : index
    %swap3A_33 = vector.load %arg5[%swap3A, %swap3A_32] : memref<1000x40xf32, #tpu.memory_space<vmem>>, vector<1000x40xf32>
    tpu.vector_store %arg5[%swap3A, %swap3A_32], %sub3A_31 {strides = array<i32>} : memref<1000x40xf32, #tpu.memory_space<vmem>>, vector<1000x40xf32>,
    return
  }
  func.func @transform_0(%arg0: i32) -> (i32, i32) {
    %c0_i32 = arith.constant 0 : i32
    %c0_i32_0 = arith.constant 0 : i32
    return %arg0, %c0_i32 : i32, i32
  }
  func.func @transform_1(%arg0: i32) -> (i32, i32, i32) {
    %c0_i32 = arith.constant 0 : i32
    %c0_i32_0 = arith.constant 0 : i32
    %c0_i32_1 = arith.constant 0 : i32
    return %c0_i32, %arg0, %c0_i32_0 : i32, i32, i32
  }
  func.func @transform_2(%arg0: i32) -> (i32, i32) {
    %c0_i32 = arith.constant 0 : i32
    %c0_i32_0 = arith.constant 0 : i32
    %c0_i32_1 = arith.constant 0 : i32
    return %c0_i32, %c0_i32_0 : i32, i32
  }
  func.func @transform_3(%arg0: i32) -> i32 {
    %c0_i32 = arith.constant 0 : i32
    %c0_i32_0 = arith.constant 0 : i32
    return %c0_i32 : i32
  }
  func.func @transform_4(%arg0: i32) -> (i32, i32) {
    %c0_i32 = arith.constant 0 : i32
    %c0_i32_0 = arith.constant 0 : i32
    return %arg0, %c0_i32 : i32, i32
  }
}

</mosaic_0001>

<sc_bundles>
// kernel: kernel.12.cloned.1.call-start
scs
__scs_entry_jumppad:
0x0: {  	(pc) =	sbr.rel $0x88, $3  }
0x1: {  	(tag) =	ssettag $0x0;
	lr =	simm.s32 $0x1  }
0x2: {  	[smem:$0x3F9D] =	sst lr;
	_ =	strace $0xD0000000  }
0x3: {  	_ = 	snop  }
0x4: {  	_ = 	snop  }
0x5: {  	_ = 	snop  }
0x6: {  	_ = 	snop  }
0x7: {  	_ = 	snop  }
__scs_overlays_trampoline_lowered:
0x8: {  	[smem:$0x3FAC] =	sst s0  }
0x9: {  	[smem:$0x3FAD] =	sst s1  }
0xa: {  	[smem:$0x3FAE] =	sst s2  }
0xb: {  	[smem:$0x3FAF] =	sst s3  }
0xc: {  	[smem:$0x3FB0] =	sst s4  }
0xd: {  	[smem:$0x3FB1] =	sst s5  }
0xe: {  	[smem:$0x3FB2] =	sst s6  }
0xf: {  	[smem:$0x3FB3] =	sst s7  }
0x10: {  	[smem:$0x3FB4] =	sst s8  }
0x11: {  	[smem:$0x3FB5] =	sst s9;
	s0 =	simm.s32 @!p0 $0x0  }
0x12: {  	s1 =	sld [smem:$0x3F9B];
	s0 =	simm.s32 @p0 $0x1  }
0x13: {  	[smem:$0x3FB6] =	sst s0;
	s0 =	simm.s32 @!p1 $0x0  }
0x14: {  	s2 =	sld [smem:$0x3F9A];
	s0 =	simm.s32 @p1 $0x1  }
0x15: {  	[smem:$0x3FB7] =	sst s0;
	s0 =	simm.s32 @!p2 $0x0  }
0x16: {  	s3 =	sld [smem:$0x3FDB];
	s0 =	simm.s32 @p2 $0x1  }
0x17: {  	s4 =	simm.s32 $0x1BF5;
	[smem:$0x3FB9] =	sst s0  }
0x18: {  	s0 =	sld [smem:$0x3F9C];
	_ =	swait.ge [sflag:s4], $0x0  }
0x19: {  	s7 =	sld [smem:$0x3F9D]  }
0x1a: {  	s8 =	sadd.s32 $0xFFFFE003, lr  }
0x1b: {  	s9 =	sadd.s32 $0xFFFFFEF7, lr;
	s5 =	simm.s32 $0xFFFFFFFF;
	p2 =	slt.u32 s8, $0xFFFFF086  }
0x1c: {  	p1 =	slt.u32 s9, $0xF7A;
	s5 =	simm.s32 @!p2 $0x0  }
0x1d: {  	s5 =	simm.s32 @p1 $0x1;
	p0 =	seq.s32 s7, s2  }
0x1e: {  	s7 =	smul.u32 @!p0 $0xF7A, s2;
	p2 =	seq.s32 @!p0 s5, $0x0  }
0x1f: {  	s9 =	smul.u32 $0xF7A, s1;
	s8 =	simm.s32 @!p0 $0x1BF5;
	p2 =	por !p2, p0  }
0x20: {  	[sflag:s8] =	ssyncset.s32 @!p0 $0xFFFFF086;
	s6 =	sadd.s32 @!p0 s3, s7;
	s7 =	simm.s32 @!p0 $0x108  }
0x21: {  	s3 =	sadd.s32 s3, s9;
	s6 =	sadd.s32 @!p0 $0x88, s6;
	s7 =	simm.s32 @p2 $0x1082  }
0x22: {  	[simem:s7], [sflag:s8] =	dma.local @!p0 [hbm:s6], $0xF7A  }
0x23: {  	s9 =	sor.u32 $0xD0000000, s2;
	s6 =	simm.s32 $0x108;
	_ =	swait.ge @!p0 [sflag:s8], $0x0  }
0x24: {  	s3 =	sadd.s32 $0x88, s3;
	s6 =	simm.s32 @!p1 $0x1082;
	[sflag:s4] =	ssyncset.s32 $0xFFFFF086  }
0x25: {  	[simem:s6], [sflag:s4] =	dma.local [hbm:s3], $0xF7A  }
0x26: {  	[smem:$0x3F9D] =	sst s1;
	(tag) =	ssettag s2;
	_ =	strace s9  }
0x27: {  	s1 =	sld [smem:$0x3FAD]  }
0x28: {  	s2 =	sld [smem:$0x3FAE]  }
0x29: {  	s4 =	sld [smem:$0x3FB0]  }
0x2a: {  	p0 =	seq.s32 s5, $0x0;
	s5 =	sld [smem:$0x3FB1]  }
0x2b: {  	s6 =	sld [smem:$0x3FB2]  }
0x2c: {  	s7 =	sld [smem:$0x3FB3]  }
0x2d: {  	s3 =	simm.s32 $0x108;
	s8 =	sld [smem:$0x3FB4]  }
0x2e: {  	s3 =	simm.s32 @!p0 $0x1082;
	s9 =	sld [smem:$0x3FB5]  }
0x2f: {  	lr =	sadd.s32 s0, s3;
	s0 =	sld [smem:$0x3FAC]  }
0x30: {  	s3 =	sld [smem:$0x3FAF]  }
0x31: {  	[smem:$0x3FB8] =	sst s10  }
0x32: {  	s10 =	sld [smem:$0x3FB6];
	_ =	sdelay $0x3  }
0x33: {  	p0 =	seq.s32 s10, $0x1;
	s10 =	sld [smem:$0x3FB8];
	_ =	sdelay $0x3  }
0x34: {  	[smem:$0x3FB8] =	sst s10  }
0x35: {  	s10 =	sld [smem:$0x3FB7];
	_ =	sdelay $0x3  }
0x36: {  	p1 =	seq.s32 s10, $0x1;
	s10 =	sld [smem:$0x3FB8];
	_ =	sdelay $0x3  }
0x37: {  	[smem:$0x3FB8] =	sst s10  }
0x38: {  	s10 =	sld [smem:$0x3FB9]  }
0x39: {  	_ = 	snop;
	(pc) =	sbr.ind lr, $3  }
0x3a: {  	_ = 	snop  }
0x3b: {  	_ = 	snop  }
0x3c: {  	p2 =	seq.s32 s10, $0x1;
	s10 =	sld [smem:$0x3FB8]  }
0x3d: {  	_ =	shalt  }
0x3e: {  	_ =	shalt  }
0x3f: {  	_ =	shalt  }
0x40: {  	_ =	shalt  }
0x41: {  	_ =	shalt  }
0x42: {  	_ =	shalt  }
0x43: {  	_ =	shalt  }
0x44: {  	_ =	shalt  }
0x45: {  	_ =	shalt  }
0x46: {  	_ =	shalt  }
0x47: {  	_ =	shalt  }
0x48: {  	_ =	shalt  }
0x49: {  	_ =	shalt  }
0x4a: {  	_ =	shalt  }
0x4b: {  	_ =	shalt  }
0x4c: {  	_ =	shalt  }
0x4d: {  	_ =	shalt  }
0x4e: {  	_ =	shalt  }
0x4f: {  	_ =	shalt  }
0x50: {  	_ =	shalt  }
0x51: {  	_ =	shalt  }
0x52: {  	_ =	shalt  }
0x53: {  	_ =	shalt  }
0x54: {  	_ =	shalt  }
0x55: {  	_ =	shalt  }
0x56: {  	_ =	shalt  }
0x57: {  	_ =	shalt  }
0x58: {  	_ =	shalt  }
0x59: {  	_ =	shalt  }
0x5a: {  	_ =	shalt  }
0x5b: {  	_ =	shalt  }
0x5c: {  	_ =	shalt  }
0x5d: {  	_ =	shalt  }
0x5e: {  	_ =	shalt  }
0x5f: {  	_ =	shalt  }
0x60: {  	_ =	shalt  }
0x61: {  	_ =	shalt  }
0x62: {  	_ =	shalt  }
0x63: {  	_ =	shalt  }
0x64: {  	_ =	shalt  }
0x65: {  	_ =	shalt  }
0x66: {  	_ =	shalt  }
0x67: {  	_ =	shalt  }
0x68: {  	_ =	shalt  }
0x69: {  	_ =	shalt  }
0x6a: {  	_ =	shalt  }
0x6b: {  	_ =	shalt  }
0x6c: {  	_ =	shalt  }
0x6d: {  	_ =	shalt  }
0x6e: {  	_ =	shalt  }
0x6f: {  	_ =	shalt  }
0x70: {  	_ =	shalt  }
0x71: {  	_ =	shalt  }
0x72: {  	_ =	shalt  }
0x73: {  	_ =	shalt  }
0x74: {  	_ =	shalt  }
0x75: {  	_ =	shalt  }
0x76: {  	_ =	shalt  }
0x77: {  	_ =	shalt  }
0x78: {  	_ =	shalt  }
0x79: {  	_ =	shalt  }
0x7a: {  	_ =	shalt  }
0x7b: {  	_ =	shalt  }
0x7c: {  	_ =	shalt  }
0x7d: {  	_ =	shalt  }
0x7e: {  	_ =	shalt  }
0x7f: {  	_ =	shalt  }
0x80: {  	_ =	shalt  }
0x81: {  	_ =	shalt  }
0x82: {  	_ =	shalt  }
0x83: {  	_ =	shalt  }
0x84: {  	_ =	shalt  }
0x85: {  	_ =	shalt  }
0x86: {  	_ =	shalt  }
0x87: {  	_ =	shalt  }
.Lfunc_end0:
.L_simem_size_0:
called_computation.1_lowered:
.L_overlay_start_0:
0x88: {  	s2 =	sld [smem:$0x3FD9]  }
0x89: {  	s3 =	sld [smem:$0x3FFE];
	_ =	sdelay $0x1  }
0x8a: {  	s1 =	srdreg.scid  }
0x8b: {  	s0 =	sand.u32 $0x1, s1  }
0x8c: {  	s17 =	sshll.u32 s0, $0xA;
	s2 =	sadd.s32 s3, s2  }
0x8d: {  	s2 =	sadd.s32 s2, s17  }
0x8e: {  	[smem:$0x3FC4] =	sst s2  }
0x8f: {  	_ = 	snop  }
0x90: {  	s2 =	sld [smem:$0x3FD0];
	(tm) =	ssettm $0x1  }
0x91: {  	s18 =	sld [smem:$0x3FFB];
	_ =	sdelay $0x3  }
0x92: {  	_ =	strace s18  }
0x93: {  	s3 =	sld [smem:$0x3FFC];
	_ =	sdelay $0x3  }
0x94: {  	_ =	strace s3  }
0x95: {  	s3 =	sld [smem:$0x3FFD];
	_ =	sdelay $0x3  }
0x96: {  	_ =	strace s3  }
0x97: {  	_ =	strace $0x8FFFFFFF  }
0x98: {  	s19 =	sld [smem:$0x3FDB];
	_ =	sdelay $0x1  }
0x99: {  	s4 =	simm.s32 $_scs_section_size  }
0x9a: {  	s5 =	simm.s32 $_size__tile_overlayer_lowered;
	s6 =	simm.s32 $_tile_overlayer_lowered  }
0x9b: {  	s22 =	simm.s32 $0x1BFF;
	s21 =	sshll.u32 s6, $0x1;
	s3 =	sadd.s32 s4, s19  }
0x9c: {  	s7 =	simm.s32 $0x0;
	s20 =	sshll.u32 s5, $0x1;
	s5 =	sadd.s32 s21, s3  }
0x9d: {  	[timem:s7], [sflag:s22] =	dma.local [hbm:s5], s20  }
0x9e: {  	_ =	swait.ge [sflag:s22], s20  }
0x9f: {  	s4 =	ssub.s32 $0x0, s20;
	[sflag:s22] =	ssyncset.done $0x0  }
0xa0: {  	[sflag:s22] =	ssyncadd.s32 s4;
	_ =	sdelay $0x1  }
0xa1: {  	s23 =	simm.s32 $0x1B8B  }
0xa2: {  	_ =	swait.ge [sflag:s23], $0x1  }
0xa3: {  	[sflag:s23] =	ssyncset.done $0x0  }
0xa4: {  	s25 =	simm.s32 $0x1B8E;
	s24 =	sld [smem:$0x3FFE];
	[sflag:s23] =	ssyncadd.s32 $0xFFFFFFFF  }
0xa5: {  	s26 =	simm.s32 $execute0_lowered;
	[smem:$0x3FD2] =	sst s25  }
0xa6: {  	s5 =	sshll.u32 s26, $0x1;
	_ =	strace $0x80000049;
	[dreg:$0x1] =	wrdreg $0xFFFFFFFF  }
0xa7: {  	s28 =	simm.s32 $_size_execute0_lowered;
	s3 =	sadd.s32 s3, s5;
	[dreg:$0x0] =	wrdreg $0x0  }
0xa8: {  	s5 =	sshll.u32 s28, $0x1;
	[dreg:$0x2] =	wrdreg s3  }
0xa9: {  	[dreg:$0x3] =	wrdreg s5  }
0xaa: {  	[dreg:$0x4] =	wrdreg $0xC0  }
0xab: {  	_ =	task [dreg:s7], $0x5FFFF  }
0xac: {  	[dreg:$0x1] =	wrdreg $0xFFFFFFFF  }
0xad: {  	[dreg:$0x0] =	wrdreg $0x60  }
0xae: {  	[dreg:$0x2] =	wrdreg s2  }
0xaf: {  	[dreg:$0x3] =	wrdreg s24  }
0xb0: {  	[dreg:$0x4] =	wrdreg $0x9  }
0xb1: {  	_ =	task.clear_ibuf [dreg:s7], $0x5FFFF;
	_ =	strace $0x90000049  }
0xb2: {  	s29 =	simm.s32 $0x9;
	_ =	strace $0x8000004B  }
0xb3: {  	_ =	swait.ge [sflag:s29], $0x1  }
0xb4: {  	[sflag:s29] =	ssyncadd.s32 $0xFFFFFFFF  }
0xb5: {  	_ =	strace $0x9000004B  }
0xb6: {  	_ =	sfence  }
0xb7: {  	s30 =	sld [smem:$0x0];
	_ =	sdelay $0x2  }
0xb8: {  	s31 =	sshll.u32 s1, $0xD;
	s1 =	sshrl.u32 s1, $0x2  }
0xb9: {  	s3 =	sand.u32 $0x4000, s31;
	s1 =	sadd.s32 s1, s30  }
0xba: {  	s0 =	sor.u32 s3, s0;
	s1 =	sshll.u32 s1, $0x11  }
0xbb: {  	s0 =	sor.u32 s1, s0  }
0xbc: {  	s0 =	sadd.s32 $0x8F2B, s0  }
0xbd: {  	[sflag:s0] =	ssyncadd.remote.s32 $0x1  }
0xbe: {  	_ =	sfence.sel $0xFFFF  }
0xbf: {  	[dreg:$0x0] =	wrdreg $0xFFFFFFFF;
	(pc) =	sbr.abs _section_cstart, $3  }
0xc0: {  	[dreg:$0x1] =	wrdreg $0xFFFFFFFF  }
0xc1: {  	_ =	task.clear_ibuf [dreg:s7], $0x2FFFF;
	_ =	strace $0x9FFFFFFF  }
0xc2: {  	(tm) =	ssettm $0x7FFFFFFF  }
0xc3: {  	_ =	shalt  }
tec
execute0_lowered:
.L_overlay_start_1:
0x0: {  	(tag) =	ssettag $0x1  }
0x1: {  	s1 =	srdreg.scid  }
0x2: {  	s0 =	stileid.u32;
	s4 =	rddreg [dreg:$0x0]  }
0x3: {  	s6 =	rddreg [dreg:$0x1];
	s3 =	sand.u32 $0x1, s1;
	s31 =	sshll.u32 s0, $0x1  }
0x4: {  	s2 =	simm.s32 $0x0;
	s12 =	simm.s32 $0x1;
	s5 =	sor.u32 s3, s31  }
0x5: {  	s13 =	simm.s32 $0x8C00;
	s14 =	simm.s32 $0x5A00;
	s7 =	smul.u32 $0x14, s5  }
0x6: {  	s15 =	simm.s32 $0x2;
	s1 =	rddreg [dreg:$0x2];
	s5 =	smul.u32 $0x140, s5  }
0x7: {  	s16 =	simm.s32 $0x8D40;
	s17 =	simm.s32 $0x0;
	[smem:$0x7FF] =	sst s2  }
0x8: {  	_ =	strace $0x8000004A;
	s3 =	ssub.s32 $0x2, s3;
	s5 =	smin.u32 s5, $0x25D0  }
0x9: {  	s9 =	sshrl.u32 s3, $0x1;
	s7 =	smin.u32 s7, $0x25D;
	s8 =	smul.u32 $0x5, s5  }
0xa: {  	s9 =	ssub.s32 s3, s9;
	s7 =	sshll.u32 s7, $0x1;
	s5 =	sshrl.u32 s5, $0x3  }
0xb: {  	s7 =	sadd.s32 s7, s6;
	s11 =	sadd.s32 s5, s6;
	s10 =	sadd.s32 s8, s6  }
0xc: {  	s3 =	sadd.s32 $0x16200, s7;
	s4 =	sadd.s32 s4, s8;
	s6 =	sadd.s32 $0x2CA00, s11  }
0xd: {  	s7 =	sadd.s32 $0x2C400, s11;
	s8 =	smax.u32 s9, $0x1;
	s9 =	simm.s32 $0x140  }
0xe: {  	s11 =	simm.s32 $0x3200;
	s5 =	sadd.s32 $0x20000, s10;
	s10 =	simm.s32 $0x2710  }
.LBB2_1:
0xf: {  	[tilespmem:s11], [sflag:$0x1] =	stream.strided.gather [hbm4b:s3+s9], $0x2800, s10, s9, $0x38;
	[tilespmem:$0x8E80] =	vst v63  }
0x10: {  	_ = 	snop  }
0x11: {  	[tilespmem:s2], [sflag:$0x1] =	stream.linear.gather [hbm4b:s4+s2], $0x3200, $0x38;
	[tilespmem:$0x8E80] =	vst v63  }
0x12: {  	_ =	swait.ge [sflag:s12], $0x2800  }
0x13: {  	[sflag:s12] =	ssyncset.done $0x0  }
0x14: {  	[sflag:s12] =	ssyncadd.s32 $0xFFFFD800  }
0x15: {  	_ =	swait.ge [sflag:s12], $0x3200  }
0x16: {  	[sflag:s12] =	ssyncset.done $0x0  }
0x17: {  	s20 =	simm.s32 $0x0;
	[sflag:s12] =	ssyncadd.s32 $0xFFFFCE00  }
0x18: {  	v0 =	vld [tilespmem:s20+$0x3200]  }
0x19: {  	v1 =	vld [tilespmem:s20+$0x3340];
	_ =	sdelay $0x1  }
0x1a: {  	v2 =	vld [tilespmem:s20+$0x3480];
	_ =	sdelay $0x1  }
0x1b: {  	v3 =	vld [tilespmem:s20+$0x35C0]  }
0x1c: {  	v0 =	vadd.f32 v1, v0  }
0x1d: {  	v1 =	vld [tilespmem:s20+$0x3700]  }
0x1e: {  	v0 =	vadd.f32 v2, v0  }
0x1f: {  	v2 =	vld [tilespmem:s20+$0x3840]  }
0x20: {  	v0 =	vadd.f32 v3, v0  }
0x21: {  	v3 =	vld [tilespmem:s20+$0x3980]  }
0x22: {  	v0 =	vadd.f32 v1, v0  }
0x23: {  	v1 =	vld [tilespmem:s20+$0x3AC0]  }
0x24: {  	v0 =	vadd.f32 v2, v0  }
0x25: {  	v2 =	vld [tilespmem:s20+$0x3C00]  }
0x26: {  	v0 =	vadd.f32 v3, v0  }
0x27: {  	v3 =	vld [tilespmem:s20+$0x3D40]  }
0x28: {  	v0 =	vadd.f32 v1, v0  }
0x29: {  	v1 =	vld [tilespmem:s20+$0x3E80]  }
0x2a: {  	v0 =	vadd.f32 v2, v0  }
0x2b: {  	v2 =	vld [tilespmem:s20+$0x3FC0]  }
0x2c: {  	v0 =	vadd.f32 v3, v0  }
0x2d: {  	v3 =	vld [tilespmem:s20+$0x4100]  }
0x2e: {  	v0 =	vadd.f32 v1, v0  }
0x2f: {  	v1 =	vld [tilespmem:s20+$0x4240]  }
0x30: {  	v0 =	vadd.f32 v2, v0  }
0x31: {  	v2 =	vld [tilespmem:s20+$0x4380]  }
0x32: {  	v0 =	vadd.f32 v3, v0  }
0x33: {  	v3 =	vld [tilespmem:s20+$0x44C0]  }
0x34: {  	s19 =	simm.s32 $0x10;
	v4 =	vld [tilespmem:s20+$0x4600];
	v0 =	vadd.f32 v1, v0  }
0x35: {  	v5 =	vld [tilespmem:s19+$0x3340]  }
0x36: {  	v1 =	vld [tilespmem:s19+$0x3200];
	v0 =	vadd.f32 v2, v0  }
0x37: {  	v2 =	vld [tilespmem:s20+$0x4740]  }
0x38: {  	v6 =	vld [tilespmem:s19+$0x3480];
	v0 =	vadd.f32 v3, v0  }
0x39: {  	v3 =	vld [tilespmem:s20+$0x4880]  }
0x3a: {  	v7 =	vld [tilespmem:s19+$0x35C0];
	v0 =	vadd.f32 v4, v0  }
0x3b: {  	v4 =	vld [tilespmem:s20+$0x49C0]  }
0x3c: {  	v8 =	vld [tilespmem:s19+$0x3700];
	v1 =	vadd.f32 v5, v1;
	v0 =	vadd.f32 v2, v0  }
0x3d: {  	v2 =	vld [tilespmem:s20+$0x4B00]  }
0x3e: {  	v5 =	vld [tilespmem:s19+$0x3840];
	v1 =	vadd.f32 v6, v1;
	v0 =	vadd.f32 v3, v0  }
0x3f: {  	v3 =	vld [tilespmem:s20+$0x4C40]  }
0x40: {  	v6 =	vld [tilespmem:s19+$0x3980];
	v1 =	vadd.f32 v7, v1;
	v0 =	vadd.f32 v4, v0  }
0x41: {  	v4 =	vld [tilespmem:s20+$0x4D80]  }
0x42: {  	v7 =	vld [tilespmem:s19+$0x3AC0];
	v1 =	vadd.f32 v8, v1;
	v0 =	vadd.f32 v2, v0  }
0x43: {  	v2 =	vld [tilespmem:s20+$0x4EC0]  }
0x44: {  	v8 =	vld [tilespmem:s19+$0x3C00];
	v1 =	vadd.f32 v5, v1;
	v0 =	vadd.f32 v3, v0  }
0x45: {  	v3 =	vld [tilespmem:s20+$0x5000]  }
0x46: {  	v5 =	vld [tilespmem:s19+$0x3D40];
	v1 =	vadd.f32 v6, v1;
	v0 =	vadd.f32 v4, v0  }
0x47: {  	v4 =	vld [tilespmem:s20+$0x5140]  }
0x48: {  	v6 =	vld [tilespmem:s19+$0x3E80];
	v1 =	vadd.f32 v7, v1;
	v0 =	vadd.f32 v2, v0  }
0x49: {  	v2 =	vld [tilespmem:s20+$0x5280]  }
0x4a: {  	v7 =	vld [tilespmem:s19+$0x3FC0];
	v1 =	vadd.f32 v8, v1;
	v0 =	vadd.f32 v3, v0  }
0x4b: {  	v3 =	vld [tilespmem:s20+$0x53C0]  }
0x4c: {  	v8 =	vld [tilespmem:s19+$0x4100];
	v1 =	vadd.f32 v5, v1;
	v0 =	vadd.f32 v4, v0  }
0x4d: {  	v4 =	vld [tilespmem:s20+$0x5500]  }
0x4e: {  	v5 =	vld [tilespmem:s20+$0x5640];
	v1 =	vadd.f32 v6, v1;
	v0 =	vadd.f32 v2, v0  }
0x4f: {  	v2 =	vld [tilespmem:s19+$0x4240]  }
0x50: {  	v6 =	vld [tilespmem:s20+$0x5780];
	v1 =	vadd.f32 v7, v1;
	v0 =	vadd.f32 v3, v0  }
0x51: {  	v3 =	vld [tilespmem:s19+$0x4380]  }
0x52: {  	v7 =	vld [tilespmem:s20+$0x58C0];
	v1 =	vadd.f32 v8, v1;
	v0 =	vadd.f32 v4, v0  }
0x53: {  	v4 =	vld [tilespmem:s19+$0x44C0]  }
0x54: {  	s18 =	simm.s32 $0x20;
	v8 =	vld [tilespmem:s19+$0x4600];
	v1 =	vadd.f32 v2, v1;
	v0 =	vadd.f32 v5, v0  }
0x55: {  	v2 =	vld [tilespmem:s18+$0x3200]  }
0x56: {  	v5 =	vld [tilespmem:s18+$0x3340];
	v1 =	vadd.f32 v3, v1;
	v0 =	vadd.f32 v6, v0  }
0x57: {  	v3 =	vld [tilespmem:s19+$0x4740]  }
0x58: {  	v6 =	vld [tilespmem:s18+$0x3480];
	v1 =	vadd.f32 v4, v1;
	v0 =	vadd.f32 v7, v0  }
0x59: {  	v4 =	vld [tilespmem:s19+$0x4880]  }
0x5a: {  	v7 =	vld [tilespmem:s18+$0x35C0];
	v1 =	vadd.f32 v8, v1;
	v0 =	vadd.f32 $1.000000000e+00, v0  }
0x5b: {  	v8 =	vld [tilespmem:s19+$0x49C0];
	v2 =	vadd.f32 v5, v2  }
0x5c: {  	v5 =	vld [tilespmem:s18+$0x3700];
	v1 =	vadd.f32 v3, v1;
	v3 =	vshra.s32 v0, $0x1;
	v0 =	vmul.f32 $5.000000000e-01, v0  }
0x5d: {  	v9 =	vld [tilespmem:s19+$0x4B00];
	v2 =	vadd.f32 v6, v2;
	v3 =	vsub.s32 $0x5F3759DF, v3  }
0x5e: {  	v6 =	vld [tilespmem:s18+$0x3840];
	v1 =	vadd.f32 v4, v1;
	v4 =	vmul.f32 v3, v0  }
0x5f: {  	v10 =	vld [tilespmem:s19+$0x4C40];
	v2 =	vadd.f32 v7, v2  }
0x60: {  	v7 =	vld [tilespmem:s18+$0x3980];
	v1 =	vadd.f32 v8, v1;
	v4 =	vmul.f32 v3, v4  }
0x61: {  	v8 =	vld [tilespmem:s19+$0x4D80];
	v2 =	vadd.f32 v5, v2  }
0x62: {  	v5 =	vld [tilespmem:s18+$0x3AC0];
	v1 =	vadd.f32 v9, v1;
	v4 =	vsub.f32 $1.500000000e+00, v4  }
0x63: {  	v57 =	vld [tilespmem:s19+$0x4EC0];
	v2 =	vadd.f32 v6, v2  }
0x64: {  	v6 =	vld [tilespmem:s18+$0x3C00];
	v1 =	vadd.f32 v10, v1;
	v3 =	vmul.f32 v3, v4  }
0x65: {  	v2 =	vadd.f32 v7, v2;
	v4 =	vld [tilespmem:s19+$0x5000]  }
0x66: {  	v7 =	vld [tilespmem:s18+$0x3D40];
	v1 =	vadd.f32 v8, v1;
	v8 =	vmul.f32 v3, v0  }
0x67: {  	v58 =	vld [tilespmem:s19+$0x5140];
	v2 =	vadd.f32 v5, v2  }
0x68: {  	v5 =	vld [tilespmem:s18+$0x3E80];
	v1 =	vadd.f32 v57, v1;
	v8 =	vmul.f32 v8, v3  }
0x69: {  	v59 =	vld [tilespmem:s19+$0x5280];
	v2 =	vadd.f32 v6, v2  }
0x6a: {  	v6 =	vld [tilespmem:s18+$0x3FC0];
	v1 =	vadd.f32 v4, v1;
	v4 =	vsub.f32 $1.500000000e+00, v8  }
0x6b: {  	v2 =	vadd.f32 v7, v2;
	v8 =	vld [tilespmem:s19+$0x53C0]  }
0x6c: {  	v7 =	vld [tilespmem:s18+$0x4100];
	v1 =	vadd.f32 v58, v1;
	v4 =	vmul.f32 v4, v3  }
0x6d: {  	v60 =	vld [tilespmem:s19+$0x5500];
	v2 =	vadd.f32 v5, v2  }
0x6e: {  	v61 =	vld [tilespmem:s18+$0x4240];
	v1 =	vadd.f32 v59, v1;
	v0 =	vmul.f32 v4, v0  }
0x6f: {  	v5 =	vld [tilespmem:s19+$0x5640];
	v2 =	vadd.f32 v6, v2  }
0x70: {  	v6 =	vld [tilespmem:s19+$0x5780];
	v1 =	vadd.f32 v8, v1;
	v0 =	vmul.f32 v0, v4  }
0x71: {  	v8 =	vld [tilespmem:s18+$0x4380];
	v2 =	vadd.f32 v7, v2  }
0x72: {  	v3 =	vld [tilespmem:s19+$0x58C0];
	v7 =	vadd.f32 v60, v1;
	v62 =	vsub.f32 $1.500000000e+00, v0  }
0x73: {  	v1 =	vld [tilespmem:s18+$0x44C0]  }
0x74: {  	s21 =	simm.s32 $0x30;
	v2 =	vadd.f32 v61, v2;
	v0 =	vld [tilespmem:s18+$0x4600];
	v7 =	vadd.f32 v5, v7;
	v63 =	vmul.f32 v62, v4  }
0x75: {  	v5 =	vld [tilespmem:s21+$0x3340]  }
0x76: {  	s22 =	simm.s32 $0x100;
	v4 =	vld [tilespmem:s21+$0x3200];
	v2 =	vadd.f32 v8, v2;
	v6 =	vadd.f32 v6, v7;
	[tilespmem:s20+$0x8C00] =	vst v63;
	v7 =	vmul.f32 v63, v63  }
.LBB2_2:
0x77: {  	p0 =	sne.s32 s22, $0x4C0;
	v8 =	vld [tilespmem:s18+$0x4740]  }
0x78: {  	v9 =	vld [tilespmem:s21+$0x3480];
	v1 =	vadd.f32 v1, v2;
	v2 =	vadd.f32 v3, v6;
	[tilespmem:s20+$0x8D40] =	vst v7;
	s20 =	smov.u32 s19;
	s19 =	smov.u32 s18;
	s18 =	smov.u32 s21  }
0x79: {  	v3 =	vld [tilespmem:s19+$0x4880]  }
0x7a: {  	v6 =	vld [tilespmem:s18+$0x35C0];
	v0 =	vadd.f32 v0, v1;
	v1 =	vadd.f32 $1.000000000e+00, v2  }
0x7b: {  	v2 =	vadd.f32 v5, v4;
	v4 =	vld [tilespmem:s19+$0x49C0]  }
0x7c: {  	v5 =	vld [tilespmem:s18+$0x3700];
	v0 =	vadd.f32 v8, v0;
	v7 =	vshra.s32 v1, $0x1;
	v1 =	vmul.f32 $5.000000000e-01, v1  }
0x7d: {  	v2 =	vadd.f32 v9, v2;
	v8 =	vld [tilespmem:s19+$0x4B00];
	v7 =	vsub.s32 $0x5F3759DF, v7  }
0x7e: {  	v9 =	vld [tilespmem:s18+$0x3840];
	v0 =	vadd.f32 v3, v0;
	v3 =	vmul.f32 v7, v1  }
0x7f: {  	v2 =	vadd.f32 v6, v2;
	v6 =	vld [tilespmem:s19+$0x4C40]  }
0x80: {  	v10 =	vld [tilespmem:s18+$0x3980];
	v0 =	vadd.f32 v4, v0;
	v3 =	vmul.f32 v7, v3  }
0x81: {  	v2 =	vadd.f32 v5, v2;
	v4 =	vld [tilespmem:s19+$0x4D80]  }
0x82: {  	v5 =	vld [tilespmem:s18+$0x3AC0];
	v0 =	vadd.f32 v8, v0;
	v3 =	vsub.f32 $1.500000000e+00, v3  }
0x83: {  	v2 =	vadd.f32 v9, v2;
	v8 =	vld [tilespmem:s19+$0x4EC0]  }
0x84: {  	v9 =	vld [tilespmem:s18+$0x3C00];
	v0 =	vadd.f32 v6, v0;
	v3 =	vmul.f32 v7, v3  }
0x85: {  	v2 =	vadd.f32 v10, v2;
	v6 =	vld [tilespmem:s19+$0x5000]  }
0x86: {  	v7 =	vld [tilespmem:s18+$0x3D40];
	v0 =	vadd.f32 v4, v0;
	v4 =	vmul.f32 v3, v1  }
0x87: {  	v2 =	vadd.f32 v5, v2;
	v5 =	vld [tilespmem:s19+$0x5140]  }
0x88: {  	v10 =	vld [tilespmem:s18+$0x3E80];
	v0 =	vadd.f32 v8, v0;
	v4 =	vmul.f32 v4, v3  }
0x89: {  	v2 =	vadd.f32 v9, v2;
	v8 =	vld [tilespmem:s19+$0x5280]  }
0x8a: {  	v9 =	vld [tilespmem:s18+$0x3FC0];
	v0 =	vadd.f32 v6, v0;
	v4 =	vsub.f32 $1.500000000e+00, v4  }
0x8b: {  	v2 =	vadd.f32 v7, v2;
	v6 =	vld [tilespmem:s19+$0x53C0]  }
0x8c: {  	v7 =	vld [tilespmem:s18+$0x4100];
	v0 =	vadd.f32 v5, v0;
	v4 =	vmul.f32 v4, v3  }
0x8d: {  	v2 =	vadd.f32 v10, v2;
	v3 =	vld [tilespmem:s19+$0x5500]  }
0x8e: {  	v0 =	vadd.f32 v8, v0;
	v5 =	vld [tilespmem:s19+$0x5640];
	v1 =	vmul.f32 v4, v1  }
0x8f: {  	v2 =	vadd.f32 v9, v2;
	v8 =	vld [tilespmem:s18+$0x4240]  }
0x90: {  	v0 =	vadd.f32 v6, v0;
	v6 =	vld [tilespmem:s19+$0x5780];
	v1 =	vmul.f32 v1, v4  }
0x91: {  	v2 =	vadd.f32 v7, v2;
	v7 =	vld [tilespmem:s18+$0x4380]  }
.Ltmp0:
0x92: {  	v9 =	vadd.f32 v3, v0;
	v3 =	vld [tilespmem:s19+$0x58C0];
	v10 =	vsub.f32 $1.500000000e+00, v1;
	(pc) =	sbr.rel @p0 .LBB2_2-.Ltmp0, $4  }
0x93: {  	v1 =	vld [tilespmem:s18+$0x44C0]  }
0x94: {  	s21 =	sshra.s32 s22, $0x2;
	v2 =	vadd.f32 v8, v2;
	v0 =	vld [tilespmem:s18+$0x4600];
	v8 =	vadd.f32 v5, v9;
	v9 =	vmul.f32 v10, v4  }
0x95: {  	v4 =	vld [tilespmem:s21+$0x3200]  }
0x96: {  	s22 =	sadd.s32 $0x40, s22;
	v5 =	vld [tilespmem:s21+$0x3340];
	v2 =	vadd.f32 v7, v2;
	v6 =	vadd.f32 v6, v8;
	[tilespmem:s20+$0x8C00] =	vst v9;
	v7 =	vmul.f32 v9, v9  }
0x97: {  	_ = 	snop  }
0x98: {  	v3 =	vadd.f32 v3, v6  }
0x99: {  	v9 =	vld [tilespmem:s21+$0x3480]  }
0x9a: {  	v8 =	vld [tilespmem:s18+$0x4740];
	[tilespmem:s20+$0x8D40] =	vst v7;
	v3 =	vadd.f32 $1.000000000e+00, v3  }
0x9b: {  	v7 =	vld [tilespmem:s21+$0x35C0]  }
0x9c: {  	v34 =	vld [tilespmem:s18+$0x4880];
	v4 =	vadd.f32 v5, v4;
	v10 =	vshra.s32 v3, $0x1;
	v3 =	vmul.f32 $5.000000000e-01, v3  }
0x9d: {  	v11 =	vld [tilespmem:s21+$0x3700];
	v10 =	vsub.s32 $0x5F3759DF, v10  }
0x9e: {  	v35 =	vld [tilespmem:s18+$0x49C0];
	v4 =	vadd.f32 v9, v4;
	v12 =	vmul.f32 v10, v3  }
0x9f: {  	v13 =	vld [tilespmem:s21+$0x3840]  }
0xa0: {  	v36 =	vld [tilespmem:s18+$0x4B00];
	v4 =	vadd.f32 v7, v4;
	v12 =	vmul.f32 v10, v12  }
0xa1: {  	v14 =	vld [tilespmem:s21+$0x3980]  }
0xa2: {  	v37 =	vld [tilespmem:s18+$0x4C40];
	v4 =	vadd.f32 v11, v4;
	v12 =	vsub.f32 $1.500000000e+00, v12  }
0xa3: {  	v15 =	vld [tilespmem:s21+$0x3AC0]  }
0xa4: {  	v38 =	vld [tilespmem:s18+$0x4D80];
	v4 =	vadd.f32 v13, v4;
	v10 =	vmul.f32 v10, v12  }
0xa5: {  	v40 =	vld [tilespmem:s21+$0x3C00]  }
0xa6: {  	v39 =	vld [tilespmem:s18+$0x4EC0];
	v4 =	vadd.f32 v14, v4;
	v16 =	vmul.f32 v10, v3  }
0xa7: {  	v17 =	vld [tilespmem:s21+$0x3D40]  }
0xa8: {  	v41 =	vld [tilespmem:s18+$0x5000];
	v4 =	vadd.f32 v15, v4;
	v16 =	vmul.f32 v16, v10  }
0xa9: {  	v18 =	vld [tilespmem:s21+$0x3E80]  }
0xaa: {  	v42 =	vld [tilespmem:s18+$0x5140];
	v4 =	vadd.f32 v40, v4;
	v16 =	vsub.f32 $1.500000000e+00, v16  }
0xab: {  	v19 =	vld [tilespmem:s21+$0x3FC0]  }
0xac: {  	v43 =	vld [tilespmem:s18+$0x5280];
	v4 =	vadd.f32 v17, v4;
	v10 =	vmul.f32 v16, v10  }
0xad: {  	v45 =	vld [tilespmem:s21+$0x4100]  }
0xae: {  	v44 =	vld [tilespmem:s18+$0x53C0];
	v4 =	vadd.f32 v18, v4;
	v3 =	vmul.f32 v10, v3  }
0xaf: {  	v20 =	vld [tilespmem:s21+$0x4240]  }
0xb0: {  	v46 =	vld [tilespmem:s18+$0x5500];
	v4 =	vadd.f32 v19, v4;
	v3 =	vmul.f32 v3, v10  }
0xb1: {  	v47 =	vld [tilespmem:s21+$0x4380]  }
0xb2: {  	v21 =	vld [tilespmem:s18+$0x5640];
	v4 =	vadd.f32 v45, v4;
	v3 =	vsub.f32 $1.500000000e+00, v3  }
0xb3: {  	v48 =	vld [tilespmem:s21+$0x44C0]  }
0xb4: {  	v22 =	vld [tilespmem:s18+$0x5780];
	v4 =	vadd.f32 v20, v4;
	v3 =	vmul.f32 v3, v10  }
0xb5: {  	v50 =	vld [tilespmem:s21+$0x4600]  }
0xb6: {  	v1 =	vadd.f32 v1, v2;
	v49 =	vld [tilespmem:s18+$0x58C0];
	v2 =	vadd.f32 v47, v4;
	[tilespmem:s19+$0x8C00] =	vst v3;
	v3 =	vmul.f32 v3, v3  }
0xb7: {  	v51 =	vld [tilespmem:s21+$0x4740]  }
0xb8: {  	v0 =	vadd.f32 v0, v1;
	v1 =	vadd.f32 v48, v2;
	[tilespmem:s19+$0x8D40] =	vst v3  }
0xb9: {  	v2 =	vld [tilespmem:s21+$0x4880]  }
0xba: {  	v0 =	vadd.f32 v8, v0;
	v1 =	vadd.f32 v50, v1  }
0xbb: {  	v3 =	vld [tilespmem:s21+$0x49C0]  }
0xbc: {  	v0 =	vadd.f32 v34, v0;
	v1 =	vadd.f32 v51, v1  }
0xbd: {  	v52 =	vld [tilespmem:s21+$0x4B00]  }
0xbe: {  	v0 =	vadd.f32 v35, v0;
	v1 =	vadd.f32 v2, v1  }
0xbf: {  	v2 =	vld [tilespmem:s21+$0x4C40]  }
0xc0: {  	v0 =	vadd.f32 v36, v0;
	v1 =	vadd.f32 v3, v1  }
0xc1: {  	v3 =	vld [tilespmem:s21+$0x4D80]  }
0xc2: {  	v0 =	vadd.f32 v37, v0;
	v1 =	vadd.f32 v52, v1  }
0xc3: {  	v53 =	vld [tilespmem:s21+$0x4EC0]  }
0xc4: {  	v0 =	vadd.f32 v38, v0;
	v1 =	vadd.f32 v2, v1  }
0xc5: {  	v2 =	vld [tilespmem:s21+$0x5000]  }
0xc6: {  	v0 =	vadd.f32 v39, v0;
	v1 =	vadd.f32 v3, v1  }
0xc7: {  	v3 =	vld [tilespmem:s21+$0x5140]  }
0xc8: {  	v0 =	vadd.f32 v41, v0;
	v1 =	vadd.f32 v53, v1  }
0xc9: {  	v54 =	vld [tilespmem:s21+$0x5280]  }
0xca: {  	v0 =	vadd.f32 v42, v0;
	v1 =	vadd.f32 v2, v1  }
0xcb: {  	v2 =	vld [tilespmem:s21+$0x53C0]  }
0xcc: {  	v0 =	vadd.f32 v43, v0;
	v1 =	vadd.f32 v3, v1  }
0xcd: {  	v3 =	vld [tilespmem:s21+$0x5500]  }
0xce: {  	v0 =	vadd.f32 v44, v0;
	v1 =	vadd.f32 v54, v1  }
0xcf: {  	v55 =	vld [tilespmem:s21+$0x5640]  }
0xd0: {  	v0 =	vadd.f32 v46, v0;
	v1 =	vadd.f32 v2, v1  }
0xd1: {  	v2 =	vld [tilespmem:s21+$0x5780]  }
0xd2: {  	v0 =	vadd.f32 v21, v0;
	v1 =	vadd.f32 v3, v1  }
0xd3: {  	v3 =	vld [tilespmem:s21+$0x58C0]  }
0xd4: {  	v0 =	vadd.f32 v22, v0;
	v1 =	vadd.f32 v55, v1;
	_ =	sdelay $0x1  }
0xd5: {  	v0 =	vadd.f32 v49, v0;
	v1 =	vadd.f32 v2, v1;
	_ =	sdelay $0x1  }
0xd6: {  	v0 =	vadd.f32 $1.000000000e+00, v0;
	v1 =	vadd.f32 v3, v1;
	_ =	sdelay $0x1  }
0xd7: {  	v2 =	vshra.s32 v0, $0x1;
	v0 =	vmul.f32 $5.000000000e-01, v0;
	v1 =	vadd.f32 $1.000000000e+00, v1  }
0xd8: {  	v2 =	vsub.s32 $0x5F3759DF, v2  }
0xd9: {  	v3 =	vmul.f32 v2, v0;
	v56 =	vshra.s32 v1, $0x1;
	v1 =	vmul.f32 $5.000000000e-01, v1  }
0xda: {  	v4 =	vsub.s32 $0x5F3759DF, v56  }
0xdb: {  	v3 =	vmul.f32 v2, v3;
	v57 =	vmul.f32 v4, v1;
	_ =	sdelay $0x1  }
0xdc: {  	v3 =	vsub.f32 $1.500000000e+00, v3;
	v5 =	vmul.f32 v4, v57;
	_ =	sdelay $0x1  }
0xdd: {  	v2 =	vmul.f32 v2, v3;
	v3 =	vsub.f32 $1.500000000e+00, v5;
	_ =	sdelay $0x1  }
0xde: {  	v58 =	vmul.f32 v2, v0;
	v3 =	vmul.f32 v4, v3;
	_ =	sdelay $0x1  }
0xdf: {  	v59 =	vmul.f32 v58, v2;
	v60 =	vmul.f32 v3, v1;
	_ =	sdelay $0x1  }
0xe0: {  	v4 =	vsub.f32 $1.500000000e+00, v59;
	v5 =	vmul.f32 v60, v3;
	_ =	sdelay $0x1  }
0xe1: {  	v2 =	vmul.f32 v4, v2;
	v61 =	vsub.f32 $1.500000000e+00, v5;
	_ =	sdelay $0x1  }
0xe2: {  	v0 =	vmul.f32 v2, v0;
	v3 =	vmul.f32 v61, v3;
	_ =	sdelay $0x1  }
0xe3: {  	v0 =	vmul.f32 v0, v2;
	v1 =	vmul.f32 v3, v1;
	_ =	sdelay $0x1  }
0xe4: {  	s28 =	simm.s32 $0x0;
	v0 =	vsub.f32 $1.500000000e+00, v0;
	v1 =	vmul.f32 v1, v3  }
0xe5: {  	v62 =	vmov s28  }
0xe6: {  	v0 =	vmul.f32 v0, v2;
	v2 =	vand.u32 $0xFFFFFFFC, v62;
	v1 =	vsub.f32 $1.500000000e+00, v1  }
0xe7: {  	v2 =	vbroadcast v2, $0x0  }
0xe8: {  	v63 =	vmul.f32 v0, v0;
	v1 =	vmul.f32 v1, v3  }
0xe9: {  	[tilespmem:s18+$0x8C00] =	vst v0  }
0xea: {  	[tilespmem:s18+$0x8D40] =	vst v63;
	v0 =	vmul.f32 v1, v1  }
0xeb: {  	[tilespmem:s21+$0x8C00] =	vst v1  }
0xec: {  	[tilespmem:s21+$0x8D40] =	vst v0  }
0xed: {  	s18 =	simm.s32 $0x50;
	v0 =	vld.idx.msk [tilespmem:v2+s13+$0x0], $0xffff  }
0xee: {  	v1 =	vld [tilespmem:s18+$0xFFFFFFB0];
	_ =	sdelay $0x4  }
0xef: {  	v1 =	vmul.f32 v1, v0  }
0xf0: {  	s19 =	simm.s32 $0x5A50  }
0xf1: {  	[tilespmem:s19+$0xFFFFFFB0] =	vst v1  }
0xf2: {  	v1 =	vld [tilespmem:s18+$0xFFFFFFC0];
	_ =	sdelay $0x4  }
0xf3: {  	v1 =	vmul.f32 v1, v0;
	_ =	sdelay $0x1  }
0xf4: {  	s29 =	simm.s32 $0x1;
	[tilespmem:s19+$0xFFFFFFC0] =	vst v1  }
0xf5: {  	v2 =	vmov s29;
	v1 =	vld [tilespmem:s18+$0xFFFFFFC8]  }
0xf6: {  	v2 =	vand.u32 $0xFFFFFFFD, v2  }
0xf7: {  	v2 =	vbroadcast v2, $0x0;
	_ =	sdelay $0x2  }
0xf8: {  	v0 =	vmul.f32 v1, v0;
	_ =	sdelay $0x1  }
0xf9: {  	[tilespmem:s19+$0xFFFFFFC8] =	vst v0  }
0xfa: {  	v0 =	vld.idx.msk [tilespmem:v2+s13+$0x0], $0xffff  }
0xfb: {  	v1 =	vld [tilespmem:s18+$0xFFFFFFD8];
	_ =	sdelay $0x4  }
0xfc: {  	v1 =	vmul.f32 v1, v0;
	_ =	sdelay $0x1  }
0xfd: {  	[tilespmem:s19+$0xFFFFFFD8] =	vst v1  }
0xfe: {  	v1 =	vld [tilespmem:s18+$0xFFFFFFE8];
	_ =	sdelay $0x4  }
0xff: {  	v1 =	vmul.f32 v1, v0;
	_ =	sdelay $0x1  }
0x100: {  	s30 =	simm.s32 $0x2;
	[tilespmem:s19+$0xFFFFFFE8] =	vst v1  }
0x101: {  	v2 =	vmov s30;
	v1 =	vld [tilespmem:s18+$0xFFFFFFF0]  }
0x102: {  	v2 =	vand.u32 $0xFFFFFFFE, v2  }
0x103: {  	v2 =	vbroadcast v2, $0x0;
	_ =	sdelay $0x2  }
0x104: {  	v0 =	vmul.f32 v1, v0;
	_ =	sdelay $0x1  }
0x105: {  	[tilespmem:s19+$0xFFFFFFF0] =	vst v0  }
0x106: {  	v0 =	vld.idx.msk [tilespmem:v2+s13+$0x0], $0xffff  }
0x107: {  	v1 =	vld [tilespmem:s18+$0x0];
	_ =	sdelay $0x4  }
0x108: {  	v1 =	vmul.f32 v1, v0;
	_ =	sdelay $0x1  }
0x109: {  	[tilespmem:s19+$0x0] =	vst v1  }
0x10a: {  	v1 =	vld [tilespmem:s18+$0x10];
	_ =	sdelay $0x4  }
0x10b: {  	v1 =	vmul.f32 v1, v0;
	_ =	sdelay $0x1  }
0x10c: {  	[tilespmem:s19+$0x10] =	vst v1  }
0x10d: {  	v1 =	vld [tilespmem:s18+$0x18];
	_ =	sdelay $0x1  }
0x10e: {  	s31 =	simm.s32 $0x3  }
0x10f: {  	v2 =	vmov s31;
	_ =	sdelay $0x1  }
0x110: {  	v0 =	vmul.f32 v1, v0;
	_ =	sdelay $0x1  }
0x111: {  	[tilespmem:s19+$0x18] =	vst v0  }
0x112: {  	v0 =	vld.idx.msk [tilespmem:v2+s13+$0x0], $0xffff  }
0x113: {  	v1 =	vld [tilespmem:s18+$0x28];
	_ =	sdelay $0x4  }
0x114: {  	v1 =	vmul.f32 v1, v0;
	_ =	sdelay $0x1  }
0x115: {  	[tilespmem:s19+$0x28] =	vst v1  }
0x116: {  	v1 =	vld [tilespmem:s18+$0x38];
	_ =	sdelay $0x4  }
0x117: {  	v1 =	vmul.f32 v1, v0;
	_ =	sdelay $0x1  }
0x118: {  	s22 =	simm.s32 $0x4;
	s20 =	simm.s32 $0x7;
	s21 =	simm.s32 $0xB;
	[tilespmem:s19+$0x38] =	vst v1  }
.LBB2_4:
0x119: {  	p0 =	sne.s32 s21, $0x13F;
	v1 =	vmov s22;
	v2 =	vld [tilespmem:s18+$0x40]  }
0x11a: {  	v1 =	vand.u32 $0xFFFFFFFC, v1  }
0x11b: {  	v1 =	vbroadcast v1, $0x0;
	_ =	sdelay $0x2  }
0x11c: {  	v0 =	vmul.f32 v2, v0;
	_ =	sdelay $0x1  }
0x11d: {  	[tilespmem:s19+$0x40] =	vst v0  }
0x11e: {  	s18 =	sadd.s32 $0xA0, s18;
	v0 =	vld.idx.msk [tilespmem:v1+s13+$0x0], $0xffff  }
0x11f: {  	v1 =	vld [tilespmem:s18+$0xFFFFFFB0];
	_ =	sdelay $0x4  }
0x120: {  	v1 =	vmul.f32 v1, v0  }
0x121: {  	s19 =	sadd.s32 $0xA0, s19  }
0x122: {  	[tilespmem:s19+$0xFFFFFFB0] =	vst v1  }
0x123: {  	v1 =	vld [tilespmem:s18+$0xFFFFFFC0];
	_ =	sdelay $0x4  }
0x124: {  	v1 =	vmul.f32 v1, v0;
	_ =	sdelay $0x1  }
0x125: {  	s22 =	sadd.s32 $0xFFFFFFFE, s20;
	[tilespmem:s19+$0xFFFFFFC0] =	vst v1  }
0x126: {  	v2 =	vmov s22;
	v1 =	vld [tilespmem:s18+$0xFFFFFFC8]  }
0x127: {  	v2 =	vand.u32 $0xFFFFFFFD, v2  }
0x128: {  	v2 =	vbroadcast v2, $0x0;
	_ =	sdelay $0x2  }
0x129: {  	v0 =	vmul.f32 v1, v0;
	_ =	sdelay $0x1  }
0x12a: {  	[tilespmem:s19+$0xFFFFFFC8] =	vst v0  }
0x12b: {  	v0 =	vld.idx.msk [tilespmem:v2+s13+$0x0], $0xffff  }
0x12c: {  	v1 =	vld [tilespmem:s18+$0xFFFFFFD8];
	_ =	sdelay $0x4  }
0x12d: {  	v1 =	vmul.f32 v1, v0;
	_ =	sdelay $0x1  }
0x12e: {  	[tilespmem:s19+$0xFFFFFFD8] =	vst v1  }
0x12f: {  	v1 =	vld [tilespmem:s18+$0xFFFFFFE8];
	_ =	sdelay $0x4  }
0x130: {  	v1 =	vmul.f32 v1, v0;
	_ =	sdelay $0x1  }
0x131: {  	s22 =	sadd.s32 $0xFFFFFFFF, s20;
	[tilespmem:s19+$0xFFFFFFE8] =	vst v1  }
0x132: {  	v2 =	vmov s22;
	v1 =	vld [tilespmem:s18+$0xFFFFFFF0]  }
0x133: {  	v2 =	vand.u32 $0xFFFFFFFE, v2  }
0x134: {  	v2 =	vbroadcast v2, $0x0;
	_ =	sdelay $0x2  }
0x135: {  	v0 =	vmul.f32 v1, v0;
	_ =	sdelay $0x1  }
0x136: {  	[tilespmem:s19+$0xFFFFFFF0] =	vst v0  }
0x137: {  	v0 =	vld.idx.msk [tilespmem:v2+s13+$0x0], $0xffff  }
0x138: {  	v1 =	vld [tilespmem:s18+$0x0];
	_ =	sdelay $0x4  }
0x139: {  	v1 =	vmul.f32 v1, v0;
	_ =	sdelay $0x1  }
0x13a: {  	[tilespmem:s19+$0x0] =	vst v1  }
0x13b: {  	v1 =	vld [tilespmem:s18+$0x10];
	_ =	sdelay $0x4  }
0x13c: {  	v1 =	vmul.f32 v1, v0;
	_ =	sdelay $0x1  }
0x13d: {  	[tilespmem:s19+$0x10] =	vst v1  }
0x13e: {  	v1 =	vld [tilespmem:s18+$0x18];
	_ =	sdelay $0x2  }
0x13f: {  	v2 =	vmov s20;
	s20 =	smov.u32 s21;
	_ =	sdelay $0x1  }
0x140: {  	v0 =	vmul.f32 v1, v0;
	_ =	sdelay $0x1  }
0x141: {  	[tilespmem:s19+$0x18] =	vst v0  }
0x142: {  	v0 =	vld.idx.msk [tilespmem:v2+s13+$0x0], $0xffff  }
0x143: {  	v1 =	vld [tilespmem:s18+$0x28];
	_ =	sdelay $0x4  }
0x144: {  	v1 =	vmul.f32 v1, v0;
	_ =	sdelay $0x1  }
0x145: {  	[tilespmem:s19+$0x28] =	vst v1  }
0x146: {  	v1 =	vld [tilespmem:s18+$0x38];
	_ =	sdelay $0x2  }
.Ltmp1:
0x147: {  	(pc) =	sbr.rel @p0 .LBB2_4-.Ltmp1, $3  }
0x148: {  	_ = 	snop  }
0x149: {  	v1 =	vmul.f32 v1, v0;
	_ =	sdelay $0x1  }
0x14a: {  	s21 =	sadd.s32 $0x4, s21;
	s22 =	sadd.s32 $0xFFFFFFFD, s20;
	[tilespmem:s19+$0x38] =	vst v1  }
0x14b: {  	v1 =	vmov s22;
	v2 =	vld [tilespmem:s18+$0x40]  }
0x14c: {  	v1 =	vand.u32 $0xFFFFFFFC, v1  }
0x14d: {  	v1 =	vbroadcast v1, $0x0;
	_ =	sdelay $0x2  }
0x14e: {  	v0 =	vmul.f32 v2, v0;
	_ =	sdelay $0x1  }
0x14f: {  	[tilespmem:s19+$0x40] =	vst v0  }
0x150: {  	s29 =	sadd.s32 $0xA0, s18;
	v0 =	vld.idx.msk [tilespmem:v1+s13+$0x0], $0xffff  }
0x151: {  	v57 =	vld [tilespmem:s29+$0xFFFFFFB0];
	_ =	sdelay $0x4  }
0x152: {  	v1 =	vmul.f32 v57, v0  }
0x153: {  	s30 =	sadd.s32 $0xA0, s19  }
0x154: {  	[tilespmem:s30+$0xFFFFFFB0] =	vst v1  }
0x155: {  	v1 =	vld [tilespmem:s29+$0xFFFFFFC0];
	_ =	sdelay $0x4  }
0x156: {  	v1 =	vmul.f32 v1, v0;
	_ =	sdelay $0x1  }
0x157: {  	s21 =	sadd.s32 $0xFFFFFFFE, s20;
	[tilespmem:s30+$0xFFFFFFC0] =	vst v1  }
0x158: {  	v58 =	vmov s21;
	v1 =	vld [tilespmem:s29+$0xFFFFFFC8]  }
0x159: {  	v2 =	vand.u32 $0xFFFFFFFD, v58  }
0x15a: {  	v2 =	vbroadcast v2, $0x0;
	_ =	sdelay $0x2  }
0x15b: {  	v0 =	vmul.f32 v1, v0;
	_ =	sdelay $0x1  }
0x15c: {  	[tilespmem:s30+$0xFFFFFFC8] =	vst v0  }
0x15d: {  	v0 =	vld.idx.msk [tilespmem:v2+s13+$0x0], $0xffff  }
0x15e: {  	v59 =	vld [tilespmem:s29+$0xFFFFFFD8];
	_ =	sdelay $0x4  }
0x15f: {  	v1 =	vmul.f32 v59, v0;
	_ =	sdelay $0x1  }
0x160: {  	[tilespmem:s30+$0xFFFFFFD8] =	vst v1  }
0x161: {  	v1 =	vld [tilespmem:s29+$0xFFFFFFE8];
	_ =	sdelay $0x4  }
0x162: {  	v1 =	vmul.f32 v1, v0;
	_ =	sdelay $0x1  }
0x163: {  	s31 =	sadd.s32 $0xFFFFFFFF, s20;
	[tilespmem:s30+$0xFFFFFFE8] =	vst v1  }
0x164: {  	v60 =	vmov s31;
	v1 =	vld [tilespmem:s29+$0xFFFFFFF0]  }
0x165: {  	v2 =	vand.u32 $0xFFFFFFFE, v60  }
0x166: {  	v2 =	vbroadcast v2, $0x0;
	_ =	sdelay $0x2  }
0x167: {  	v0 =	vmul.f32 v1, v0;
	_ =	sdelay $0x1  }
0x168: {  	[tilespmem:s30+$0xFFFFFFF0] =	vst v0  }
0x169: {  	v0 =	vld.idx.msk [tilespmem:v2+s13+$0x0], $0xffff  }
0x16a: {  	v61 =	vld [tilespmem:s29+$0x0];
	_ =	sdelay $0x4  }
0x16b: {  	v1 =	vmul.f32 v61, v0;
	_ =	sdelay $0x1  }
0x16c: {  	[tilespmem:s30+$0x0] =	vst v1  }
0x16d: {  	v1 =	vld [tilespmem:s29+$0x10];
	_ =	sdelay $0x4  }
0x16e: {  	v1 =	vmul.f32 v1, v0;
	_ =	sdelay $0x1  }
0x16f: {  	[tilespmem:s30+$0x10] =	vst v1  }
0x170: {  	v1 =	vld [tilespmem:s29+$0x18];
	_ =	sdelay $0x2  }
0x171: {  	v62 =	vmov s20;
	_ =	sdelay $0x1  }
0x172: {  	v0 =	vmul.f32 v1, v0;
	_ =	sdelay $0x1  }
0x173: {  	[tilespmem:s30+$0x18] =	vst v0  }
0x174: {  	v0 =	vld.idx.msk [tilespmem:v62+s13+$0x0], $0xffff  }
0x175: {  	v63 =	vld [tilespmem:s29+$0x28];
	_ =	sdelay $0x4  }
0x176: {  	v1 =	vmul.f32 v63, v0;
	_ =	sdelay $0x1  }
0x177: {  	[tilespmem:s30+$0x28] =	vst v1  }
0x178: {  	v1 =	vld [tilespmem:s29+$0x38];
	_ =	sdelay $0x4  }
0x179: {  	v1 =	vmul.f32 v1, v0;
	_ =	sdelay $0x1  }
0x17a: {  	[tilespmem:s30+$0x38] =	vst v1  }
0x17b: {  	v1 =	vld [tilespmem:s29+$0x40];
	_ =	sdelay $0x4  }
0x17c: {  	v0 =	vmul.f32 v1, v0;
	_ =	sdelay $0x1  }
0x17d: {  	[tilespmem:s30+$0x40] =	vst v0  }
0x17e: {  	[hbm4b:s5+s2] =	stream.linear.scatter [tilespmem:s14], [sflag:$0x2], $0x3200, $0x38;
	[tilespmem:$0x8E80] =	vst v63  }
0x17f: {  	_ =	swait.ge [sflag:s15], $0x3200  }
0x180: {  	[sflag:s15] =	ssyncset.done $0x0  }
0x181: {  	[sflag:s15] =	ssyncadd.s32 $0xFFFFCE00  }
0x182: {  	[hbm4b:s6+s2] =	stream.linear.scatter [tilespmem:s13], [sflag:$0x2], $0x140, $0x38;
	[tilespmem:$0x8E80] =	vst v63  }
0x183: {  	s17 =	sadd.s32 $0x1, s17;
	_ =	swait.ge [sflag:s15], $0x140  }
0x184: {  	p0 =	sne.s32 s17, s8;
	[sflag:s15] =	ssyncset.done $0x0  }
.Ltmp2:
0x185: {  	[sflag:s15] =	ssyncadd.s32 $0xFFFFFEC0;
	(pc) =	sbr.rel @p0 .LBB2_1-.Ltmp2, $4  }
0x186: {  	[hbm4b:s7+s2] =	stream.linear.scatter [tilespmem:s16], [sflag:$0x2], $0x140, $0x38;
	[tilespmem:$0x8E80] =	vst v63  }
0x187: {  	_ =	swait.ge [sflag:s15], $0x140  }
0x188: {  	[sflag:s15] =	ssyncset.done $0x0  }
0x189: {  	[sflag:s15] =	ssyncadd.s32 $0xFFFFFEC0  }
0x18a: {  	_ =	sfence.sel $0x180000  }
0x18b: {  	[bflag:$0x0] =	sbarrier.arrive $0xFFFF  }
0x18c: {  	p0 =	sne.s32 s0, $0x0;
	_ =	strace $0x9000004A  }
0x18d: {  	s0 =	sadd.s32 @!p0 $0x100000, s1;
	[bflag:$0x2] =	sbarrier.arrive $0xFFFF  }
0x18e: {  	[sflag:s0] =	ssyncadd.tile.s32 @!p0 $0x1;
	_ =	shalt  }
.Lfunc_end2:
_tile_overlayer_lowered:
.L_overlay_start_2:
0x18f: {  	(tag) =	ssettag $0x2  }
0x190: {  	s0 =	rddreg [dreg:$0x0];
	s2 =	stileid.u32  }
0x191: {  	s1 =	rddreg [dreg:$0x1];
	p0 =	sne.s32 s2, $0x0  }
0x192: {  	s3 =	rddreg [dreg:$0x2];
	[bflag:$0x3] =	sbarrier.arrive $0xFFFF;
	s2 =	simm.s32 @!p0 $0x1C02  }
0x193: {  	[timem:s3], [sflag:s2] =	dma.local @!p0 [hbm:s0], s1  }
0x194: {  	s0 =	simm.s32 @!p0 $0x2  }
0x195: {  	_ =	swait.ge @!p0 [sflag:s0], s1  }
0x196: {  	s1 =	ssub.s32 @!p0 $0x0, s1;
	[sflag:s0] =	ssyncset.done @!p0 $0x0  }
0x197: {  	[sflag:s0] =	ssyncadd.s32 @!p0 s1  }
0x198: {  	[bflag:$0x3] =	sbarrier.arrive $0xFFFF  }
0x199: {  	_ =	shalt  }

// kernel: kernel.15.cloned.1.call-start
scs
__scs_entry_jumppad:
0x0: {  	(pc) =	sbr.rel $0x88, $3  }
0x1: {  	(tag) =	ssettag $0x0;
	lr =	simm.s32 $0x1  }
0x2: {  	[smem:$0x3F9D] =	sst lr;
	_ =	strace $0xD0000000  }
0x3: {  	_ = 	snop  }
0x4: {  	_ = 	snop  }
0x5: {  	_ = 	snop  }
0x6: {  	_ = 	snop  }
0x7: {  	_ = 	snop  }
__scs_overlays_trampoline_lowered:
0x8: {  	[smem:$0x3FAC] =	sst s0  }
0x9: {  	[smem:$0x3FAD] =	sst s1  }
0xa: {  	[smem:$0x3FAE] =	sst s2  }
0xb: {  	[smem:$0x3FAF] =	sst s3  }
0xc: {  	[smem:$0x3FB0] =	sst s4  }
0xd: {  	[smem:$0x3FB1] =	sst s5  }
0xe: {  	[smem:$0x3FB2] =	sst s6  }
0xf: {  	[smem:$0x3FB3] =	sst s7  }
0x10: {  	[smem:$0x3FB4] =	sst s8  }
0x11: {  	[smem:$0x3FB5] =	sst s9;
	s0 =	simm.s32 @!p0 $0x0  }
0x12: {  	s1 =	sld [smem:$0x3F9B];
	s0 =	simm.s32 @p0 $0x1  }
0x13: {  	[smem:$0x3FB6] =	sst s0;
	s0 =	simm.s32 @!p1 $0x0  }
0x14: {  	s2 =	sld [smem:$0x3F9A];
	s0 =	simm.s32 @p1 $0x1  }
0x15: {  	[smem:$0x3FB7] =	sst s0;
	s0 =	simm.s32 @!p2 $0x0  }
0x16: {  	s3 =	sld [smem:$0x3FDB];
	s0 =	simm.s32 @p2 $0x1  }
0x17: {  	s4 =	simm.s32 $0x1BF5;
	[smem:$0x3FB9] =	sst s0  }
0x18: {  	s0 =	sld [smem:$0x3F9C];
	_ =	swait.ge [sflag:s4], $0x0  }
0x19: {  	s7 =	sld [smem:$0x3F9D]  }
0x1a: {  	s8 =	sadd.s32 $0xFFFFE003, lr  }
0x1b: {  	s9 =	sadd.s32 $0xFFFFFEF7, lr;
	s5 =	simm.s32 $0xFFFFFFFF;
	p2 =	slt.u32 s8, $0xFFFFF086  }
0x1c: {  	p1 =	slt.u32 s9, $0xF7A;
	s5 =	simm.s32 @!p2 $0x0  }
0x1d: {  	s5 =	simm.s32 @p1 $0x1;
	p0 =	seq.s32 s7, s2  }
0x1e: {  	s7 =	smul.u32 @!p0 $0xF7A, s2;
	p2 =	seq.s32 @!p0 s5, $0x0  }
0x1f: {  	s9 =	smul.u32 $0xF7A, s1;
	s8 =	simm.s32 @!p0 $0x1BF5;
	p2 =	por !p2, p0  }
0x20: {  	[sflag:s8] =	ssyncset.s32 @!p0 $0xFFFFF086;
	s6 =	sadd.s32 @!p0 s3, s7;
	s7 =	simm.s32 @!p0 $0x108  }
0x21: {  	s3 =	sadd.s32 s3, s9;
	s6 =	sadd.s32 @!p0 $0x88, s6;
	s7 =	simm.s32 @p2 $0x1082  }
0x22: {  	[simem:s7], [sflag:s8] =	dma.local @!p0 [hbm:s6], $0xF7A  }
0x23: {  	s9 =	sor.u32 $0xD0000000, s2;
	s6 =	simm.s32 $0x108;
	_ =	swait.ge @!p0 [sflag:s8], $0x0  }
0x24: {  	s3 =	sadd.s32 $0x88, s3;
	s6 =	simm.s32 @!p1 $0x1082;
	[sflag:s4] =	ssyncset.s32 $0xFFFFF086  }
0x25: {  	[simem:s6], [sflag:s4] =	dma.local [hbm:s3], $0xF7A  }
0x26: {  	[smem:$0x3F9D] =	sst s1;
	(tag) =	ssettag s2;
	_ =	strace s9  }
0x27: {  	s1 =	sld [smem:$0x3FAD]  }
0x28: {  	s2 =	sld [smem:$0x3FAE]  }
0x29: {  	s4 =	sld [smem:$0x3FB0]  }
0x2a: {  	p0 =	seq.s32 s5, $0x0;
	s5 =	sld [smem:$0x3FB1]  }
0x2b: {  	s6 =	sld [smem:$0x3FB2]  }
0x2c: {  	s7 =	sld [smem:$0x3FB3]  }
0x2d: {  	s3 =	simm.s32 $0x108;
	s8 =	sld [smem:$0x3FB4]  }
0x2e: {  	s3 =	simm.s32 @!p0 $0x1082;
	s9 =	sld [smem:$0x3FB5]  }
0x2f: {  	lr =	sadd.s32 s0, s3;
	s0 =	sld [smem:$0x3FAC]  }
0x30: {  	s3 =	sld [smem:$0x3FAF]  }
0x31: {  	[smem:$0x3FB8] =	sst s10  }
0x32: {  	s10 =	sld [smem:$0x3FB6];
	_ =	sdelay $0x3  }
0x33: {  	p0 =	seq.s32 s10, $0x1;
	s10 =	sld [smem:$0x3FB8];
	_ =	sdelay $0x3  }
0x34: {  	[smem:$0x3FB8] =	sst s10  }
0x35: {  	s10 =	sld [smem:$0x3FB7];
	_ =	sdelay $0x3  }
0x36: {  	p1 =	seq.s32 s10, $0x1;
	s10 =	sld [smem:$0x3FB8];
	_ =	sdelay $0x3  }
0x37: {  	[smem:$0x3FB8] =	sst s10  }
0x38: {  	s10 =	sld [smem:$0x3FB9]  }
0x39: {  	_ = 	snop;
	(pc) =	sbr.ind lr, $3  }
0x3a: {  	_ = 	snop  }
0x3b: {  	_ = 	snop  }
0x3c: {  	p2 =	seq.s32 s10, $0x1;
	s10 =	sld [smem:$0x3FB8]  }
0x3d: {  	_ =	shalt  }
0x3e: {  	_ =	shalt  }
0x3f: {  	_ =	shalt  }
0x40: {  	_ =	shalt  }
0x41: {  	_ =	shalt  }
0x42: {  	_ =	shalt  }
0x43: {  	_ =	shalt  }
0x44: {  	_ =	shalt  }
0x45: {  	_ =	shalt  }
0x46: {  	_ =	shalt  }
0x47: {  	_ =	shalt  }
0x48: {  	_ =	shalt  }
0x49: {  	_ =	shalt  }
0x4a: {  	_ =	shalt  }
0x4b: {  	_ =	shalt  }
0x4c: {  	_ =	shalt  }
0x4d: {  	_ =	shalt  }
0x4e: {  	_ =	shalt  }
0x4f: {  	_ =	shalt  }
0x50: {  	_ =	shalt  }
0x51: {  	_ =	shalt  }
0x52: {  	_ =	shalt  }
0x53: {  	_ =	shalt  }
0x54: {  	_ =	shalt  }
0x55: {  	_ =	shalt  }
0x56: {  	_ =	shalt  }
0x57: {  	_ =	shalt  }
0x58: {  	_ =	shalt  }
0x59: {  	_ =	shalt  }
0x5a: {  	_ =	shalt  }
0x5b: {  	_ =	shalt  }
0x5c: {  	_ =	shalt  }
0x5d: {  	_ =	shalt  }
0x5e: {  	_ =	shalt  }
0x5f: {  	_ =	shalt  }
0x60: {  	_ =	shalt  }
0x61: {  	_ =	shalt  }
0x62: {  	_ =	shalt  }
0x63: {  	_ =	shalt  }
0x64: {  	_ =	shalt  }
0x65: {  	_ =	shalt  }
0x66: {  	_ =	shalt  }
0x67: {  	_ =	shalt  }
0x68: {  	_ =	shalt  }
0x69: {  	_ =	shalt  }
0x6a: {  	_ =	shalt  }
0x6b: {  	_ =	shalt  }
0x6c: {  	_ =	shalt  }
0x6d: {  	_ =	shalt  }
0x6e: {  	_ =	shalt  }
0x6f: {  	_ =	shalt  }
0x70: {  	_ =	shalt  }
0x71: {  	_ =	shalt  }
0x72: {  	_ =	shalt  }
0x73: {  	_ =	shalt  }
0x74: {  	_ =	shalt  }
0x75: {  	_ =	shalt  }
0x76: {  	_ =	shalt  }
0x77: {  	_ =	shalt  }
0x78: {  	_ =	shalt  }
0x79: {  	_ =	shalt  }
0x7a: {  	_ =	shalt  }
0x7b: {  	_ =	shalt  }
0x7c: {  	_ =	shalt  }
0x7d: {  	_ =	shalt  }
0x7e: {  	_ =	shalt  }
0x7f: {  	_ =	shalt  }
0x80: {  	_ =	shalt  }
0x81: {  	_ =	shalt  }
0x82: {  	_ =	shalt  }
0x83: {  	_ =	shalt  }
0x84: {  	_ =	shalt  }
0x85: {  	_ =	shalt  }
0x86: {  	_ =	shalt  }
0x87: {  	_ =	shalt  }
.Lfunc_end0:
.L_simem_size_0:
called_computation.2_lowered:
.L_overlay_start_0:
0x88: {  	s2 =	sld [smem:$0x3FD9]  }
0x89: {  	s3 =	sld [smem:$0x3FFE];
	_ =	sdelay $0x1  }
0x8a: {  	s1 =	srdreg.scid  }
0x8b: {  	s0 =	sand.u32 $0x1, s1  }
0x8c: {  	s16 =	sshll.u32 s0, $0xA;
	s2 =	sadd.s32 s3, s2  }
0x8d: {  	s2 =	sadd.s32 s2, s16  }
0x8e: {  	[smem:$0x3FC4] =	sst s2  }
0x8f: {  	_ = 	snop  }
0x90: {  	(tm) =	ssettm $0x1  }
0x91: {  	s17 =	sld [smem:$0x3FFB];
	_ =	sdelay $0x3  }
0x92: {  	_ =	strace s17  }
0x93: {  	s2 =	sld [smem:$0x3FFC];
	_ =	sdelay $0x3  }
0x94: {  	_ =	strace s2  }
0x95: {  	s2 =	sld [smem:$0x3FFD];
	_ =	sdelay $0x3  }
0x96: {  	_ =	strace s2  }
0x97: {  	_ =	strace $0x8FFFFFFF  }
0x98: {  	s18 =	sld [smem:$0x3FDB];
	_ =	sdelay $0x1  }
0x99: {  	s19 =	simm.s32 $_scs_section_size  }
0x9a: {  	s4 =	simm.s32 $_size__tile_overlayer_lowered;
	s5 =	simm.s32 $_tile_overlayer_lowered  }
0x9b: {  	s22 =	simm.s32 $0x1BFF;
	s21 =	sshll.u32 s5, $0x1;
	s2 =	sadd.s32 s19, s18  }
0x9c: {  	s6 =	simm.s32 $0x0;
	s20 =	sshll.u32 s4, $0x1;
	s4 =	sadd.s32 s21, s2  }
0x9d: {  	[timem:s6], [sflag:s22] =	dma.local [hbm:s4], s20  }
0x9e: {  	_ =	swait.ge [sflag:s22], s20  }
0x9f: {  	s3 =	ssub.s32 $0x0, s20;
	[sflag:s22] =	ssyncset.done $0x0  }
0xa0: {  	[sflag:s22] =	ssyncadd.s32 s3;
	_ =	sdelay $0x1  }
0xa1: {  	s23 =	simm.s32 $0x1B8B  }
0xa2: {  	_ =	swait.ge [sflag:s23], $0x1  }
0xa3: {  	[sflag:s23] =	ssyncset.done $0x0  }
0xa4: {  	s25 =	simm.s32 $0x1B8E;
	s24 =	sld [smem:$0x3FFE];
	[sflag:s23] =	ssyncadd.s32 $0xFFFFFFFF  }
0xa5: {  	s26 =	simm.s32 $execute0_lowered;
	[smem:$0x3FD2] =	sst s25  }
0xa6: {  	s4 =	sshll.u32 s26, $0x1;
	_ =	strace $0x8000004C;
	[dreg:$0x1] =	wrdreg $0xFFFFFFFF  }
0xa7: {  	s28 =	simm.s32 $_size_execute0_lowered;
	s2 =	sadd.s32 s2, s4;
	[dreg:$0x0] =	wrdreg $0x0  }
0xa8: {  	s4 =	sshll.u32 s28, $0x1;
	[dreg:$0x2] =	wrdreg s2  }
0xa9: {  	[dreg:$0x3] =	wrdreg s4  }
0xaa: {  	[dreg:$0x4] =	wrdreg $0xC0  }
0xab: {  	_ =	task [dreg:s6], $0x5FFFF  }
0xac: {  	[dreg:$0x1] =	wrdreg $0xFFFFFFFF  }
0xad: {  	[dreg:$0x0] =	wrdreg $0x60  }
0xae: {  	[dreg:$0x2] =	wrdreg s24  }
0xaf: {  	[dreg:$0x3] =	wrdreg $0xC6000  }
0xb0: {  	[dreg:$0x4] =	wrdreg $0x9  }
0xb1: {  	_ =	task.clear_ibuf [dreg:s6], $0x5FFFF;
	_ =	strace $0x9000004C  }
0xb2: {  	s29 =	simm.s32 $0x9;
	_ =	strace $0x80000052  }
0xb3: {  	_ =	swait.ge [sflag:s29], $0x1  }
0xb4: {  	[sflag:s29] =	ssyncadd.s32 $0xFFFFFFFF  }
0xb5: {  	_ =	strace $0x90000052  }
0xb6: {  	_ =	sfence  }
0xb7: {  	s30 =	sld [smem:$0x0];
	_ =	sdelay $0x2  }
0xb8: {  	s31 =	sshll.u32 s1, $0xD;
	s1 =	sshrl.u32 s1, $0x2  }
0xb9: {  	s3 =	sand.u32 $0x4000, s31;
	s1 =	sadd.s32 s1, s30  }
0xba: {  	s0 =	sor.u32 s3, s0;
	s1 =	sshll.u32 s1, $0x11  }
0xbb: {  	s0 =	sor.u32 s1, s0  }
0xbc: {  	s0 =	sadd.s32 $0x8F2B, s0  }
0xbd: {  	[sflag:s0] =	ssyncadd.remote.s32 $0x1  }
0xbe: {  	_ =	sfence.sel $0xFFFF  }
0xbf: {  	[dreg:$0x0] =	wrdreg $0xFFFFFFFF;
	(pc) =	sbr.abs _section_cstart, $3  }
0xc0: {  	[dreg:$0x1] =	wrdreg $0xFFFFFFFF  }
0xc1: {  	_ =	task.clear_ibuf [dreg:s6], $0x2FFFF;
	_ =	strace $0x9FFFFFFF  }
0xc2: {  	(tm) =	ssettm $0x7FFFFFFF  }
0xc3: {  	_ =	shalt  }
tec
execute0_lowered:
.L_overlay_start_1:
0x0: {  	(tag) =	ssettag $0x1  }
0x1: {  	s0 =	rddreg [dreg:$0x0]  }
0x2: {  	s1 =	srdreg.scid;
	s2 =	rddreg [dreg:$0x1]  }
0x3: {  	s16 =	stileid.u32;
	s4 =	simm.s32 $0x0;
	s17 =	simm.s32 $0x4E00  }
0x4: {  	s18 =	simm.s32 $0x5;
	s19 =	simm.s32 $0x1;
	s20 =	simm.s32 $0x2  }
0x5: {  	s21 =	simm.s32 $0x80;
	s28 =	simm.s32 $0x9E00;
	s29 =	simm.s32 $0xB200  }
0x6: {  	s30 =	simm.s32 $0x3;
	s31 =	simm.s32 $0x4;
	s1 =	sand.u32 $0x1, s1  }
0x7: {  	s10 =	smul.u32 $0x61A8, s16;
	[smem:$0x7FF] =	sst s4;
	s22 =	sshll.u32 s16, $0x1  }
0x8: {  	s4 =	sadd.s32 $0x20000, s0;
	s7 =	sadd.s32 $0x2800, s0;
	s11 =	smul.u32 $0x186A0, s16  }
0x9: {  	p0 =	sgt.u32 s16, $0x1;
	s3 =	smul.u32 $0x61A80, s1;
	_ =	strace $0x8000004D  }
0xa: {  	s5 =	sor.u32 s1, s22;
	s1 =	ssub.s32 $0x2, s1;
	s22 =	simm.s32 $0x6200  }
0xb: {  	s6 =	smul.u32 $0x2700, s5;
	s23 =	sshrl.u32 s1, $0x1;
	s8 =	sshll.u32 s5, $0x4  }
0xc: {  	s25 =	sshrl.u32 s11, $0x2;
	s26 =	sadd.s32 s10, s2;
	s3 =	sadd.s32 s10, s3  }
0xd: {  	s8 =	sadd.s32 s8, s7;
	s1 =	ssub.s32 s1, s23;
	s11 =	sadd.s32 s25, s2  }
0xe: {  	s25 =	sshrl.u32 s26, $0x3;
	s26 =	simm.s32 $0x8A00;
	s3 =	sshrl.u32 s3, $0x3  }
0xf: {  	s6 =	sshrl.u32 s6, $0x3;
	s10 =	smax.u32 s1, $0x1;
	s12 =	sadd.s32 $0x1388, s11  }
0x10: {  	s13 =	sadd.s32 $0x2710, s11;
	s14 =	sadd.s32 $0x3A98, s11;
	s15 =	sadd.s32 $0x4E20, s11  }
0x11: {  	s0 =	sadd.s32 s3, s0;
	s5 =	sadd.s32 s7, s6;
	s7 =	sadd.s32 $0x9C00, s8  }
0x12: {  	s8 =	sadd.s32 $0x13840, s8;
	s24 =	sadd.s32 $0x9C40, s5;
	s9 =	sadd.s32 $0x2D000, s0  }
0x13: {  	v0 =	vimm.f32 $0.0e+00;
	s0 =	simm.s32 $0x0;
	[dreg:$0x3] =	wrdreg s24;
	s24 =	simm.s32 $0x7600  }
.LBB2_1:
0x14: {  	_ =	strace $0x8000004E;
	s1 =	simm.s32 $0x0  }
0x15: {  	[tilespmem:s1], [sflag:$0x1] =	stream.linear.gather [hbm4b:s5+s1], $0x2700, $0x200038;
	[tilespmem:$0x127A8] =	vst v63  }
0x16: {  	s6 =	simm.s32 $0x2700;
	s16 =	simm.s32 $0x0;
	s3 =	rddreg [dreg:$0x3]  }
0x17: {  	[tilespmem:s6], [sflag:$0x2] =	stream.linear.gather [hbm4b:s3+s1], $0x2700, $0x200038;
	[tilespmem:$0x127A8] =	vst v63  }
0x18: {  	s1 =	simm.s32 $0xA0;
	_ =	strace $0x9000004E;
	[tilespmem:s16+$0x4E10] =	vst v0  }
.LBB2_2:
0x19: {  	p1 =	sne.s32 s1, $0x4F60;
	[tilespmem:s16+$0x4E18] =	vst v0;
	s3 =	smov.u32 s1;
	s1 =	sadd.s32 $0xA0, s1  }
.Ltmp0:
0x1a: {  	[tilespmem:s16+$0x4E00] =	vst v0;
	(pc) =	sbr.rel @p1 .LBB2_2-.Ltmp0, $3  }
0x1b: {  	_ =	sdelay $0x1  }
0x1c: {  	s16 =	sshra.s32 s3, $0x2  }
0x1d: {  	[tilespmem:s16+$0x4E10] =	vst v0  }
0x1e: {  	[tilespmem:s16+$0x4E18] =	vst v0  }
0x1f: {  	[tilespmem:s16+$0x4E00] =	vst v0  }
0x20: {  	_ =	strace $0x8000004F  }
0x21: {  	[spmem:s11] =	stream.linear.scatter [tilespmem:s17], [sflag:$0x5], $0x1388, $0x200038;
	[tilespmem:$0x127A8] =	vst v63  }
0x22: {  	_ =	swait.ge [sflag:s18], $0x1388  }
0x23: {  	[sflag:s18] =	ssyncset.done $0x0  }
0x24: {  	[sflag:s18] =	ssyncadd.s32 $0xFFFFEC78  }
0x25: {  	[spmem:s12] =	stream.linear.scatter [tilespmem:s17], [sflag:$0x5], $0x1388, $0x200038;
	[tilespmem:$0x127A8] =	vst v63  }
0x26: {  	_ =	swait.ge [sflag:s18], $0x1388  }
0x27: {  	[sflag:s18] =	ssyncset.done $0x0  }
0x28: {  	[sflag:s18] =	ssyncadd.s32 $0xFFFFEC78  }
0x29: {  	[spmem:s13] =	stream.linear.scatter [tilespmem:s17], [sflag:$0x5], $0x1388, $0x200038;
	[tilespmem:$0x127A8] =	vst v63  }
0x2a: {  	_ =	swait.ge [sflag:s18], $0x1388  }
0x2b: {  	[sflag:s18] =	ssyncset.done $0x0  }
0x2c: {  	[sflag:s18] =	ssyncadd.s32 $0xFFFFEC78  }
0x2d: {  	[spmem:s14] =	stream.linear.scatter [tilespmem:s17], [sflag:$0x5], $0x1388, $0x200038;
	[tilespmem:$0x127A8] =	vst v63  }
0x2e: {  	_ =	swait.ge [sflag:s18], $0x1388  }
0x2f: {  	[sflag:s18] =	ssyncset.done $0x0  }
0x30: {  	[sflag:s18] =	ssyncadd.s32 $0xFFFFEC78  }
0x31: {  	[spmem:s15] =	stream.linear.scatter [tilespmem:s17], [sflag:$0x5], $0x1388, $0x200038;
	[tilespmem:$0x127A8] =	vst v63  }
0x32: {  	_ =	swait.ge [sflag:s18], $0x1388  }
0x33: {  	[sflag:s18] =	ssyncset.done $0x0  }
0x34: {  	[sflag:s18] =	ssyncadd.s32 $0xFFFFEC78  }
0x35: {  	_ =	strace $0x9000004F  }
0x36: {  	_ =	swait.ge [sflag:s19], $0x2700  }
0x37: {  	[sflag:s19] =	ssyncset.done $0x0  }
0x38: {  	[sflag:s19] =	ssyncadd.s32 $0xFFFFD900  }
0x39: {  	_ =	swait.ge [sflag:s20], $0x2700  }
0x3a: {  	[sflag:s20] =	ssyncset.done $0x0  }
0x3b: {  	s1 =	simm.s32 $0x0;
	[sflag:s20] =	ssyncadd.s32 $0xFFFFD900  }
0x3c: {  	[tilespmem:s17], [sflag:$0x1] =	stream.indirect.gather [hbm4b:s4+s21], $0x28, s1, s21, $0xb8;
	[tilespmem:$0x127A8] =	vst v63  }
0x3d: {  	_ = 	snop  }
0x3e: {  	[tilespmem:s22], [sflag:$0x1] =	stream.indirect.gather [hbm4b:s4+s21], $0x28, s21, s21, $0xb8;
	[tilespmem:$0x127A8] =	vst v63  }
0x3f: {  	s23 =	simm.s32 $0x100  }
0x40: {  	[tilespmem:s24], [sflag:$0x1] =	stream.indirect.gather [hbm4b:s4+s21], $0x28, s23, s21, $0xb8;
	[tilespmem:$0x127A8] =	vst v63  }
0x41: {  	[bflag:$0x0] =	sbarrier.arrive $0xFFFF  }
0x42: {  	s3 =	simm.s32 $0x180;
	_ =	strace $0x80000050  }
0x43: {  	[tilespmem:s26], [sflag:$0x2] =	stream.indirect.gather [hbm4b:s4+s21], $0x28, s3, s21, $0x2000b8;
	[tilespmem:$0x127A8] =	vst v63  }
0x44: {  	s6 =	simm.s32 $0x200  }
0x45: {  	[tilespmem:s28], [sflag:$0x2] =	stream.indirect.gather [hbm4b:s4+s21], $0x28, s6, s21, $0x2000b8;
	[tilespmem:$0x127A8] =	vst v63  }
0x46: {  	s16 =	simm.s32 $0x280  }
0x47: {  	[tilespmem:s29], [sflag:$0x2] =	stream.indirect.gather [hbm4b:s4+s21], $0x28, s16, s21, $0x2000b8;
	[tilespmem:$0x127A8] =	vst v63  }
0x48: {  	_ =	swait.ge [sflag:s19], $0x1400  }
0x49: {  	[sflag:s19] =	ssyncset.done $0x0  }
0x4a: {  	[sflag:s19] =	ssyncadd.s32 $0xFFFFEC00  }
0x4b: {  	_ =	swait.ge [sflag:s19], $0x1400  }
0x4c: {  	[sflag:s19] =	ssyncset.done $0x0  }
0x4d: {  	[sflag:s19] =	ssyncadd.s32 $0xFFFFEC00  }
0x4e: {  	_ =	swait.ge [sflag:s19], $0x1400  }
0x4f: {  	[sflag:s19] =	ssyncset.done $0x0  }
0x50: {  	s23 =	simm.s32 $0x2700;
	[sflag:s19] =	ssyncadd.s32 $0xFFFFEC00  }
0x51: {  	[spmem:s2] =	stream.indirect.scatter.add.f32 [tilespmem:s17], [sflag:$0x3], $0x28, s23, s21, $0x2000b8;
	[tilespmem:$0x127A8] =	vst v63  }
0x52: {  	s3 =	simm.s32 $0x2780  }
0x53: {  	[spmem:s2] =	stream.indirect.scatter.add.f32 [tilespmem:s22], [sflag:$0x3], $0x28, s3, s21, $0x2000b8;
	[tilespmem:$0x127A8] =	vst v63  }
0x54: {  	s6 =	simm.s32 $0x2800  }
0x55: {  	[spmem:s2] =	stream.indirect.scatter.add.f32 [tilespmem:s24], [sflag:$0x3], $0x28, s6, s21, $0x2000b8;
	[tilespmem:$0x127A8] =	vst v63  }
0x56: {  	_ =	swait.ge [sflag:s30], $0x1400  }
0x57: {  	[sflag:s30] =	ssyncset.done $0x0  }
0x58: {  	[sflag:s30] =	ssyncadd.s32 $0xFFFFEC00  }
0x59: {  	_ =	swait.ge [sflag:s30], $0x1400  }
0x5a: {  	[sflag:s30] =	ssyncset.done $0x0  }
0x5b: {  	[sflag:s30] =	ssyncadd.s32 $0xFFFFEC00  }
0x5c: {  	_ =	swait.ge [sflag:s30], $0x1400  }
0x5d: {  	[sflag:s30] =	ssyncset.done $0x0  }
0x5e: {  	s16 =	simm.s32 $0x300;
	[sflag:s30] =	ssyncadd.s32 $0xFFFFEC00  }
0x5f: {  	[tilespmem:s17], [sflag:$0x1] =	stream.indirect.gather [hbm4b:s4+s21], $0x28, s16, s21, $0x2000b8;
	[tilespmem:$0x127A8] =	vst v63  }
0x60: {  	s23 =	simm.s32 $0x380  }
0x61: {  	[tilespmem:s22], [sflag:$0x1] =	stream.indirect.gather [hbm4b:s4+s21], $0x28, s23, s21, $0x2000b8;
	[tilespmem:$0x127A8] =	vst v63  }
0x62: {  	s3 =	simm.s32 $0x400  }
0x63: {  	[tilespmem:s24], [sflag:$0x1] =	stream.indirect.gather [hbm4b:s4+s21], $0x28, s3, s21, $0x2000b8;
	[tilespmem:$0x127A8] =	vst v63  }
0x64: {  	_ =	swait.ge [sflag:s20], $0x1400  }
0x65: {  	[sflag:s20] =	ssyncset.done $0x0  }
0x66: {  	[sflag:s20] =	ssyncadd.s32 $0xFFFFEC00  }
0x67: {  	_ =	swait.ge [sflag:s20], $0x1400  }
0x68: {  	[sflag:s20] =	ssyncset.done $0x0  }
0x69: {  	[sflag:s20] =	ssyncadd.s32 $0xFFFFEC00  }
0x6a: {  	_ =	swait.ge [sflag:s20], $0x1400  }
0x6b: {  	[sflag:s20] =	ssyncset.done $0x0  }
0x6c: {  	s6 =	simm.s32 $0x2880;
	[sflag:s20] =	ssyncadd.s32 $0xFFFFEC00  }
0x6d: {  	[spmem:s2] =	stream.indirect.scatter.add.f32 [tilespmem:s26], [sflag:$0x4], $0x28, s6, s21, $0x2000b8;
	[tilespmem:$0x127A8] =	vst v63  }
0x6e: {  	s16 =	simm.s32 $0x2900  }
0x6f: {  	[spmem:s2] =	stream.indirect.scatter.add.f32 [tilespmem:s28], [sflag:$0x4], $0x28, s16, s21, $0x2000b8;
	[tilespmem:$0x127A8] =	vst v63  }
0x70: {  	s23 =	simm.s32 $0x2980  }
0x71: {  	[spmem:s2] =	stream.indirect.scatter.add.f32 [tilespmem:s29], [sflag:$0x4], $0x28, s23, s21, $0x2000b8;
	[tilespmem:$0x127A8] =	vst v63  }
0x72: {  	_ =	swait.ge [sflag:s31], $0x1400  }
0x73: {  	[sflag:s31] =	ssyncset.done $0x0  }
0x74: {  	[sflag:s31] =	ssyncadd.s32 $0xFFFFEC00  }
0x75: {  	_ =	swait.ge [sflag:s31], $0x1400  }
0x76: {  	[sflag:s31] =	ssyncset.done $0x0  }
0x77: {  	[sflag:s31] =	ssyncadd.s32 $0xFFFFEC00  }
0x78: {  	_ =	swait.ge [sflag:s31], $0x1400  }
0x79: {  	s1 =	simm.s32 $0x1800;
	s16 =	simm.s32 $0x300;
	[sflag:s31] =	ssyncset.done $0x0  }
.LBB2_4:
0x7a: {  	s6 =	sadd.s32 $0x180, s16  }
0x7b: {  	[sflag:s31] =	ssyncadd.s32 $0xFFFFEC00;
	s23 =	smov.u32 s1;
	s3 =	sadd.s32 $0xC00, s1  }
0x7c: {  	[tilespmem:s26], [sflag:$0x2] =	stream.indirect.gather [hbm4b:s4+s21], $0x28, s6, s21, $0x2000b8;
	[tilespmem:$0x127A8] =	vst v63  }
0x7d: {  	p1 =	sne.s32 s1, $0x8400;
	s1 =	sadd.s32 $0x200, s16  }
0x7e: {  	[tilespmem:s28], [sflag:$0x2] =	stream.indirect.gather [hbm4b:s4+s21], $0x28, s1, s21, $0x2000b8;
	[tilespmem:$0x127A8] =	vst v63  }
0x7f: {  	s1 =	sadd.s32 $0x280, s16  }
0x80: {  	[tilespmem:s29], [sflag:$0x2] =	stream.indirect.gather [hbm4b:s4+s21], $0x28, s1, s21, $0x2000b8;
	[tilespmem:$0x127A8] =	vst v63  }
0x81: {  	_ =	swait.ge [sflag:s19], $0x1400  }
0x82: {  	[sflag:s19] =	ssyncset.done $0x0  }
0x83: {  	[sflag:s19] =	ssyncadd.s32 $0xFFFFEC00  }
0x84: {  	_ =	swait.ge [sflag:s19], $0x1400  }
0x85: {  	[sflag:s19] =	ssyncset.done $0x0  }
0x86: {  	[sflag:s19] =	ssyncadd.s32 $0xFFFFEC00  }
0x87: {  	_ =	swait.ge [sflag:s19], $0x1400  }
0x88: {  	[sflag:s19] =	ssyncset.done $0x0  }
0x89: {  	s1 =	sadd.s32 $0x2700, s16;
	[sflag:s19] =	ssyncadd.s32 $0xFFFFEC00  }
0x8a: {  	[spmem:s2] =	stream.indirect.scatter.add.f32 [tilespmem:s17], [sflag:$0x3], $0x28, s1, s21, $0x2000b8;
	[tilespmem:$0x127A8] =	vst v63  }
0x8b: {  	s1 =	sadd.s32 $0x2780, s16  }
0x8c: {  	[spmem:s2] =	stream.indirect.scatter.add.f32 [tilespmem:s22], [sflag:$0x3], $0x28, s1, s21, $0x2000b8;
	[tilespmem:$0x127A8] =	vst v63  }
0x8d: {  	s1 =	sadd.s32 $0x2800, s16  }
0x8e: {  	[spmem:s2] =	stream.indirect.scatter.add.f32 [tilespmem:s24], [sflag:$0x3], $0x28, s1, s21, $0x2000b8;
	[tilespmem:$0x127A8] =	vst v63  }
0x8f: {  	_ =	swait.ge [sflag:s30], $0x1400  }
0x90: {  	[sflag:s30] =	ssyncset.done $0x0  }
0x91: {  	[sflag:s30] =	ssyncadd.s32 $0xFFFFEC00  }
0x92: {  	_ =	swait.ge [sflag:s30], $0x1400  }
0x93: {  	[sflag:s30] =	ssyncset.done $0x0  }
0x94: {  	[sflag:s30] =	ssyncadd.s32 $0xFFFFEC00  }
0x95: {  	_ =	swait.ge [sflag:s30], $0x1400  }
0x96: {  	[sflag:s30] =	ssyncset.done $0x0  }
0x97: {  	s1 =	sadd.s32 $0x300, s16;
	[sflag:s30] =	ssyncadd.s32 $0xFFFFEC00  }
0x98: {  	[tilespmem:s17], [sflag:$0x1] =	stream.indirect.gather [hbm4b:s4+s21], $0x28, s1, s21, $0x2000b8;
	[tilespmem:$0x127A8] =	vst v63  }
0x99: {  	s1 =	sadd.s32 $0x380, s16  }
0x9a: {  	[tilespmem:s22], [sflag:$0x1] =	stream.indirect.gather [hbm4b:s4+s21], $0x28, s1, s21, $0x2000b8;
	[tilespmem:$0x127A8] =	vst v63  }
0x9b: {  	s1 =	sadd.s32 $0x400, s16  }
0x9c: {  	[tilespmem:s24], [sflag:$0x1] =	stream.indirect.gather [hbm4b:s4+s21], $0x28, s1, s21, $0x2000b8;
	[tilespmem:$0x127A8] =	vst v63  }
0x9d: {  	_ =	swait.ge [sflag:s20], $0x1400  }
0x9e: {  	[sflag:s20] =	ssyncset.done $0x0  }
0x9f: {  	[sflag:s20] =	ssyncadd.s32 $0xFFFFEC00  }
0xa0: {  	_ =	swait.ge [sflag:s20], $0x1400  }
0xa1: {  	[sflag:s20] =	ssyncset.done $0x0  }
0xa2: {  	[sflag:s20] =	ssyncadd.s32 $0xFFFFEC00  }
0xa3: {  	_ =	swait.ge [sflag:s20], $0x1400  }
0xa4: {  	[sflag:s20] =	ssyncset.done $0x0  }
0xa5: {  	s1 =	sadd.s32 $0x2880, s16;
	[sflag:s20] =	ssyncadd.s32 $0xFFFFEC00  }
0xa6: {  	[spmem:s2] =	stream.indirect.scatter.add.f32 [tilespmem:s26], [sflag:$0x4], $0x28, s1, s21, $0x2000b8;
	[tilespmem:$0x127A8] =	vst v63  }
0xa7: {  	s1 =	sadd.s32 $0x2900, s16  }
0xa8: {  	[spmem:s2] =	stream.indirect.scatter.add.f32 [tilespmem:s28], [sflag:$0x4], $0x28, s1, s21, $0x2000b8;
	[tilespmem:$0x127A8] =	vst v63  }
0xa9: {  	s1 =	sadd.s32 $0x2980, s16  }
0xaa: {  	[spmem:s2] =	stream.indirect.scatter.add.f32 [tilespmem:s29], [sflag:$0x4], $0x28, s1, s21, $0x2000b8;
	[tilespmem:$0x127A8] =	vst v63  }
0xab: {  	_ =	swait.ge [sflag:s31], $0x1400  }
0xac: {  	[sflag:s31] =	ssyncset.done $0x0  }
0xad: {  	[sflag:s31] =	ssyncadd.s32 $0xFFFFEC00  }
.Ltmp1:
0xae: {  	_ =	swait.ge [sflag:s31], $0x1400;
	(pc) =	sbr.rel @p1 .LBB2_4-.Ltmp1, $4  }
0xaf: {  	[sflag:s31] =	ssyncset.done $0x0  }
0xb0: {  	[sflag:s31] =	ssyncadd.s32 $0xFFFFEC00  }
0xb1: {  	_ =	swait.ge [sflag:s31], $0x1400  }
0xb2: {  	s16 =	sshra.s32 s23, $0x2;
	s1 =	smov.u32 s3;
	[sflag:s31] =	ssyncset.done $0x0  }
0xb3: {  	s1 =	sadd.s32 $0x180, s16;
	[sflag:s31] =	ssyncadd.s32 $0xFFFFEC00  }
0xb4: {  	[tilespmem:s26], [sflag:$0x2] =	stream.indirect.gather [hbm4b:s4+s21], $0x28, s1, s21, $0x2000b8;
	[tilespmem:$0x127A8] =	vst v63  }
0xb5: {  	s3 =	sadd.s32 $0x200, s16  }
0xb6: {  	[tilespmem:s28], [sflag:$0x2] =	stream.indirect.gather [hbm4b:s4+s21], $0x28, s3, s21, $0x2000b8;
	[tilespmem:$0x127A8] =	vst v63  }
0xb7: {  	s6 =	sadd.s32 $0x280, s16  }
0xb8: {  	[tilespmem:s29], [sflag:$0x2] =	stream.indirect.gather [hbm4b:s4+s21], $0x28, s6, s21, $0x2000b8;
	[tilespmem:$0x127A8] =	vst v63  }
0xb9: {  	_ =	swait.ge [sflag:s19], $0x1400  }
0xba: {  	[sflag:s19] =	ssyncset.done $0x0  }
0xbb: {  	[sflag:s19] =	ssyncadd.s32 $0xFFFFEC00  }
0xbc: {  	_ =	swait.ge [sflag:s19], $0x1400  }
0xbd: {  	[sflag:s19] =	ssyncset.done $0x0  }
0xbe: {  	[sflag:s19] =	ssyncadd.s32 $0xFFFFEC00  }
0xbf: {  	_ =	swait.ge [sflag:s19], $0x1400  }
0xc0: {  	[sflag:s19] =	ssyncset.done $0x0  }
0xc1: {  	s23 =	sadd.s32 $0x2700, s16;
	[sflag:s19] =	ssyncadd.s32 $0xFFFFEC00  }
0xc2: {  	[spmem:s2] =	stream.indirect.scatter.add.f32 [tilespmem:s17], [sflag:$0x3], $0x28, s23, s21, $0x2000b8;
	[tilespmem:$0x127A8] =	vst v63  }
0xc3: {  	s3 =	sadd.s32 $0x2780, s16  }
0xc4: {  	[spmem:s2] =	stream.indirect.scatter.add.f32 [tilespmem:s22], [sflag:$0x3], $0x28, s3, s21, $0x2000b8;
	[tilespmem:$0x127A8] =	vst v63  }
0xc5: {  	s6 =	sadd.s32 $0x2800, s16  }
0xc6: {  	[spmem:s2] =	stream.indirect.scatter.add.f32 [tilespmem:s24], [sflag:$0x3], $0x28, s6, s21, $0x2000b8;
	[tilespmem:$0x127A8] =	vst v63  }
0xc7: {  	_ =	swait.ge [sflag:s30], $0x1400  }
0xc8: {  	[sflag:s30] =	ssyncset.done $0x0  }
0xc9: {  	[sflag:s30] =	ssyncadd.s32 $0xFFFFEC00  }
0xca: {  	_ =	swait.ge [sflag:s30], $0x1400  }
0xcb: {  	[sflag:s30] =	ssyncset.done $0x0  }
0xcc: {  	[sflag:s30] =	ssyncadd.s32 $0xFFFFEC00  }
0xcd: {  	_ =	swait.ge [sflag:s30], $0x1400  }
0xce: {  	[sflag:s30] =	ssyncset.done $0x0  }
0xcf: {  	s23 =	sadd.s32 $0x300, s16;
	[sflag:s30] =	ssyncadd.s32 $0xFFFFEC00  }
0xd0: {  	[tilespmem:s17], [sflag:$0x1] =	stream.indirect.gather [hbm4b:s4+s21], $0x28, s23, s21, $0x2000b8;
	[tilespmem:$0x127A8] =	vst v63  }
0xd1: {  	s3 =	sadd.s32 $0x380, s16  }
0xd2: {  	[tilespmem:s22], [sflag:$0x1] =	stream.indirect.gather [hbm4b:s4+s21], $0x28, s3, s21, $0x2000b8;
	[tilespmem:$0x127A8] =	vst v63  }
0xd3: {  	s6 =	sadd.s32 $0x400, s16  }
0xd4: {  	[tilespmem:s24], [sflag:$0x1] =	stream.indirect.gather [hbm4b:s4+s21], $0x28, s6, s21, $0x2000b8;
	[tilespmem:$0x127A8] =	vst v63  }
0xd5: {  	_ =	swait.ge [sflag:s20], $0x1400  }
0xd6: {  	[sflag:s20] =	ssyncset.done $0x0  }
0xd7: {  	[sflag:s20] =	ssyncadd.s32 $0xFFFFEC00  }
0xd8: {  	_ =	swait.ge [sflag:s20], $0x1400  }
0xd9: {  	[sflag:s20] =	ssyncset.done $0x0  }
0xda: {  	[sflag:s20] =	ssyncadd.s32 $0xFFFFEC00  }
0xdb: {  	_ =	swait.ge [sflag:s20], $0x1400  }
0xdc: {  	[sflag:s20] =	ssyncset.done $0x0  }
0xdd: {  	s23 =	sadd.s32 $0x2880, s16;
	[sflag:s20] =	ssyncadd.s32 $0xFFFFEC00  }
0xde: {  	[spmem:s2] =	stream.indirect.scatter.add.f32 [tilespmem:s26], [sflag:$0x4], $0x28, s23, s21, $0x2000b8;
	[tilespmem:$0x127A8] =	vst v63  }
0xdf: {  	s3 =	sadd.s32 $0x2900, s16  }
0xe0: {  	[spmem:s2] =	stream.indirect.scatter.add.f32 [tilespmem:s28], [sflag:$0x4], $0x28, s3, s21, $0x2000b8;
	[tilespmem:$0x127A8] =	vst v63  }
0xe1: {  	s6 =	sadd.s32 $0x2980, s16  }
0xe2: {  	[spmem:s2] =	stream.indirect.scatter.add.f32 [tilespmem:s29], [sflag:$0x4], $0x28, s6, s21, $0x2000b8;
	[tilespmem:$0x127A8] =	vst v63  }
0xe3: {  	_ =	swait.ge [sflag:s31], $0x1400  }
0xe4: {  	[sflag:s31] =	ssyncset.done $0x0  }
0xe5: {  	[sflag:s31] =	ssyncadd.s32 $0xFFFFEC00  }
0xe6: {  	_ =	swait.ge [sflag:s31], $0x1400  }
0xe7: {  	[sflag:s31] =	ssyncset.done $0x0  }
0xe8: {  	[sflag:s31] =	ssyncadd.s32 $0xFFFFEC00  }
0xe9: {  	_ =	swait.ge [sflag:s31], $0x1400  }
0xea: {  	[sflag:s31] =	ssyncset.done $0x0  }
0xeb: {  	s16 =	simm.s32 $0x2580;
	[sflag:s31] =	ssyncadd.s32 $0xFFFFEC00  }
0xec: {  	[tilespmem:s26], [sflag:$0x2] =	stream.indirect.gather [hbm4b:s4+s21], $0x28, s16, s21, $0x2000b8;
	[tilespmem:$0x127A8] =	vst v63  }
0xed: {  	s23 =	simm.s32 $0x2600  }
0xee: {  	[tilespmem:s28], [sflag:$0x2] =	stream.indirect.gather [hbm4b:s4+s21], $0x28, s23, s21, $0x2000b8;
	[tilespmem:$0x127A8] =	vst v63  }
0xef: {  	s3 =	simm.s32 $0x2680  }
0xf0: {  	[tilespmem:s29], [sflag:$0x2] =	stream.indirect.gather [hbm4b:s4+s21], $0x28, s3, s21, $0x2000b8;
	[tilespmem:$0x127A8] =	vst v63  }
0xf1: {  	_ =	swait.ge [sflag:s19], $0x1400  }
0xf2: {  	[sflag:s19] =	ssyncset.done $0x0  }
0xf3: {  	[sflag:s19] =	ssyncadd.s32 $0xFFFFEC00  }
0xf4: {  	_ =	swait.ge [sflag:s19], $0x1400  }
0xf5: {  	[sflag:s19] =	ssyncset.done $0x0  }
0xf6: {  	[sflag:s19] =	ssyncadd.s32 $0xFFFFEC00  }
0xf7: {  	_ =	swait.ge [sflag:s19], $0x1400  }
0xf8: {  	[sflag:s19] =	ssyncset.done $0x0  }
0xf9: {  	s6 =	simm.s32 $0x4B00;
	[sflag:s19] =	ssyncadd.s32 $0xFFFFEC00  }
0xfa: {  	[spmem:s2] =	stream.indirect.scatter.add.f32 [tilespmem:s17], [sflag:$0x3], $0x28, s6, s21, $0x2000b8;
	[tilespmem:$0x127A8] =	vst v63  }
0xfb: {  	s16 =	simm.s32 $0x4B80  }
0xfc: {  	[spmem:s2] =	stream.indirect.scatter.add.f32 [tilespmem:s22], [sflag:$0x3], $0x28, s16, s21, $0x2000b8;
	[tilespmem:$0x127A8] =	vst v63  }
0xfd: {  	s23 =	simm.s32 $0x4C00  }
0xfe: {  	[spmem:s2] =	stream.indirect.scatter.add.f32 [tilespmem:s24], [sflag:$0x3], $0x28, s23, s21, $0x2000b8;
	[tilespmem:$0x127A8] =	vst v63  }
0xff: {  	_ =	swait.ge [sflag:s20], $0x1400  }
0x100: {  	[sflag:s20] =	ssyncset.done $0x0  }
0x101: {  	[sflag:s20] =	ssyncadd.s32 $0xFFFFEC00  }
0x102: {  	_ =	swait.ge [sflag:s20], $0x1400  }
0x103: {  	[sflag:s20] =	ssyncset.done $0x0  }
0x104: {  	[sflag:s20] =	ssyncadd.s32 $0xFFFFEC00  }
0x105: {  	_ =	swait.ge [sflag:s20], $0x1400  }
0x106: {  	[sflag:s20] =	ssyncset.done $0x0  }
0x107: {  	s3 =	simm.s32 $0x4C80;
	[sflag:s20] =	ssyncadd.s32 $0xFFFFEC00  }
0x108: {  	[spmem:s2] =	stream.indirect.scatter.add.f32 [tilespmem:s26], [sflag:$0x4], $0x28, s3, s21, $0x2000b8;
	[tilespmem:$0x127A8] =	vst v63  }
0x109: {  	s6 =	simm.s32 $0x4D00  }
0x10a: {  	[spmem:s2] =	stream.indirect.scatter.add.f32 [tilespmem:s28], [sflag:$0x4], $0x28, s6, s21, $0x2000b8;
	[tilespmem:$0x127A8] =	vst v63  }
0x10b: {  	s16 =	simm.s32 $0x4D80  }
0x10c: {  	[spmem:s2] =	stream.indirect.scatter.add.f32 [tilespmem:s29], [sflag:$0x4], $0x28, s16, s21, $0x2000b8;
	[tilespmem:$0x127A8] =	vst v63  }
0x10d: {  	_ =	swait.ge [sflag:s31], $0x1400  }
0x10e: {  	[sflag:s31] =	ssyncset.done $0x0  }
0x10f: {  	[sflag:s31] =	ssyncadd.s32 $0xFFFFEC00  }
0x110: {  	_ =	swait.ge [sflag:s31], $0x1400  }
0x111: {  	[sflag:s31] =	ssyncset.done $0x0  }
0x112: {  	[sflag:s31] =	ssyncadd.s32 $0xFFFFEC00  }
0x113: {  	_ =	swait.ge [sflag:s31], $0x1400  }
0x114: {  	[sflag:s31] =	ssyncset.done $0x0  }
0x115: {  	[sflag:s31] =	ssyncadd.s32 $0xFFFFEC00  }
0x116: {  	_ =	swait.ge [sflag:s30], $0x1400  }
0x117: {  	[sflag:s30] =	ssyncset.done $0x0  }
0x118: {  	[sflag:s30] =	ssyncadd.s32 $0xFFFFEC00  }
0x119: {  	_ =	swait.ge [sflag:s30], $0x1400  }
0x11a: {  	[sflag:s30] =	ssyncset.done $0x0  }
0x11b: {  	[sflag:s30] =	ssyncadd.s32 $0xFFFFEC00  }
0x11c: {  	_ =	swait.ge [sflag:s30], $0x1400  }
0x11d: {  	[sflag:s30] =	ssyncset.done $0x0  }
0x11e: {  	s1 =	simm.s32 @!p0 $0x0;
	s3 =	simm.s32 @!p0 $0x5;
	[sflag:s30] =	ssyncadd.s32 $0xFFFFEC00  }
0x11f: {  	[tilespmem:s1], [sflag:$0x5] =	stream.linear.gather @!p0 [hbm4b:s7+s1], $0x80, $0x200038;
	[tilespmem:$0x127A8] =	vst v63  }
0x120: {  	_ =	swait.ge @!p0 [sflag:s3], $0x80  }
0x121: {  	[sflag:s3] =	ssyncset.done @!p0 $0x0  }
0x122: {  	s6 =	simm.s32 @!p0 $0x2700;
	[sflag:s3] =	ssyncadd.s32 @!p0 $0xFFFFFF80  }
0x123: {  	[tilespmem:s6], [sflag:$0x5] =	stream.linear.gather @!p0 [hbm4b:s8+s1], $0x80, $0x200038;
	[tilespmem:$0x127A8] =	vst v63  }
0x124: {  	_ =	swait.ge @!p0 [sflag:s3], $0x80  }
0x125: {  	[sflag:s3] =	ssyncset.done @!p0 $0x0  }
0x126: {  	s16 =	simm.s32 @!p0 $0x4E00;
	[sflag:s3] =	ssyncadd.s32 @!p0 $0xFFFFFF80;
	s3 =	simm.s32 @!p0 $0x80  }
0x127: {  	[tilespmem:s16], [sflag:$0x1] =	stream.indirect.gather @!p0 [hbm4b:s4+s3], $0x28, s1, s3, $0x2000b8;
	[tilespmem:$0x127A8] =	vst v63  }
0x128: {  	s1 =	simm.s32 @!p0 $0x1  }
0x129: {  	_ =	swait.ge @!p0 [sflag:s1], $0x1400  }
0x12a: {  	[sflag:s1] =	ssyncset.done @!p0 $0x0  }
0x12b: {  	[sflag:s1] =	ssyncadd.s32 @!p0 $0xFFFFEC00;
	s1 =	simm.s32 @!p0 $0x3  }
0x12c: {  	[spmem:s2] =	stream.indirect.scatter.add.f32 @!p0 [tilespmem:s16], [sflag:$0x3], $0x28, s6, s3, $0x2000b8;
	[tilespmem:$0x127A8] =	vst v63  }
0x12d: {  	_ =	swait.ge @!p0 [sflag:s1], $0x1400  }
0x12e: {  	[sflag:s1] =	ssyncset.done @!p0 $0x0  }
0x12f: {  	[sflag:s1] =	ssyncadd.s32 @!p0 $0xFFFFEC00  }
0x130: {  	s23 =	stileid.u32;
	_ =	strace $0x90000050  }
0x131: {  	s0 =	sadd.s32 $0x1, s0;
	s1 =	sshll.u32 s23, $0x6;
	[bflag:$0x0] =	sbarrier.arrive $0xFFFF  }
0x132: {  	p1 =	sne.s32 s0, s10;
	s1 =	sor.u32 $0x1C05, s1;
	_ =	strace $0x80000051  }
0x133: {  	[hbm:s9], [sflag:s1] =	dma.local [spmem:s25], $0xC35  }
.Ltmp2:
0x134: {  	_ = 	snop;
	(pc) =	sbr.rel @p1 .LBB2_1-.Ltmp2, $4  }
0x135: {  	_ =	swait.ge [sflag:s18], $0xC35  }
0x136: {  	[sflag:s18] =	ssyncset.done $0x0  }
0x137: {  	[sflag:s18] =	ssyncadd.s32 $0xFFFFF3CB  }
0x138: {  	_ =	strace $0x90000051  }
0x139: {  	_ =	sfence.sel $0x180000  }
0x13a: {  	[bflag:$0x0] =	sbarrier.arrive $0xFFFF  }
0x13b: {  	_ =	strace $0x9000004D  }
0x13c: {  	s0 =	stileid.u32;
	[bflag:$0x2] =	sbarrier.arrive $0xFFFF  }
0x13d: {  	p0 =	sne.s32 s0, $0x0;
	s0 =	rddreg [dreg:$0x2]  }
0x13e: {  	s0 =	sadd.s32 @!p0 $0x100000, s0  }
0x13f: {  	[sflag:s0] =	ssyncadd.tile.s32 @!p0 $0x1;
	_ =	shalt  }
.Lfunc_end2:
_tile_overlayer_lowered:
.L_overlay_start_2:
0x140: {  	(tag) =	ssettag $0x2  }
0x141: {  	s0 =	rddreg [dreg:$0x0];
	s2 =	stileid.u32  }
0x142: {  	s1 =	rddreg [dreg:$0x1];
	p0 =	sne.s32 s2, $0x0  }
0x143: {  	s3 =	rddreg [dreg:$0x2];
	[bflag:$0x3] =	sbarrier.arrive $0xFFFF;
	s2 =	simm.s32 @!p0 $0x1C05  }
0x144: {  	[timem:s3], [sflag:s2] =	dma.local @!p0 [hbm:s0], s1  }
0x145: {  	s0 =	simm.s32 @!p0 $0x5  }
0x146: {  	_ =	swait.ge @!p0 [sflag:s0], s1  }
0x147: {  	s1 =	ssub.s32 @!p0 $0x0, s1;
	[sflag:s0] =	ssyncset.done @!p0 $0x0  }
0x148: {  	[sflag:s0] =	ssyncadd.s32 @!p0 s1  }
0x149: {  	[bflag:$0x3] =	sbarrier.arrive $0xFFFF  }
0x14a: {  	_ =	shalt  }

// kernel: kernel.18.cloned.1.call-start
scs
__scs_entry_jumppad:
0x0: {  	(pc) =	sbr.rel $0x88, $3  }
0x1: {  	(tag) =	ssettag $0x0;
	lr =	simm.s32 $0x1  }
0x2: {  	[smem:$0x3F9D] =	sst lr;
	_ =	strace $0xD0000000  }
0x3: {  	_ = 	snop  }
0x4: {  	_ = 	snop  }
0x5: {  	_ = 	snop  }
0x6: {  	_ = 	snop  }
0x7: {  	_ = 	snop  }
__scs_overlays_trampoline_lowered:
0x8: {  	[smem:$0x3FAC] =	sst s0  }
0x9: {  	[smem:$0x3FAD] =	sst s1  }
0xa: {  	[smem:$0x3FAE] =	sst s2  }
0xb: {  	[smem:$0x3FAF] =	sst s3  }
0xc: {  	[smem:$0x3FB0] =	sst s4  }
0xd: {  	[smem:$0x3FB1] =	sst s5  }
0xe: {  	[smem:$0x3FB2] =	sst s6  }
0xf: {  	[smem:$0x3FB3] =	sst s7  }
0x10: {  	[smem:$0x3FB4] =	sst s8  }
0x11: {  	[smem:$0x3FB5] =	sst s9;
	s0 =	simm.s32 @!p0 $0x0  }
0x12: {  	s1 =	sld [smem:$0x3F9B];
	s0 =	simm.s32 @p0 $0x1  }
0x13: {  	[smem:$0x3FB6] =	sst s0;
	s0 =	simm.s32 @!p1 $0x0  }
0x14: {  	s2 =	sld [smem:$0x3F9A];
	s0 =	simm.s32 @p1 $0x1  }
0x15: {  	[smem:$0x3FB7] =	sst s0;
	s0 =	simm.s32 @!p2 $0x0  }
0x16: {  	s3 =	sld [smem:$0x3FDB];
	s0 =	simm.s32 @p2 $0x1  }
0x17: {  	s4 =	simm.s32 $0x1BF5;
	[smem:$0x3FB9] =	sst s0  }
0x18: {  	s0 =	sld [smem:$0x3F9C];
	_ =	swait.ge [sflag:s4], $0x0  }
0x19: {  	s7 =	sld [smem:$0x3F9D]  }
0x1a: {  	s8 =	sadd.s32 $0xFFFFE003, lr  }
0x1b: {  	s9 =	sadd.s32 $0xFFFFFEF7, lr;
	s5 =	simm.s32 $0xFFFFFFFF;
	p2 =	slt.u32 s8, $0xFFFFF086  }
0x1c: {  	p1 =	slt.u32 s9, $0xF7A;
	s5 =	simm.s32 @!p2 $0x0  }
0x1d: {  	s5 =	simm.s32 @p1 $0x1;
	p0 =	seq.s32 s7, s2  }
0x1e: {  	s7 =	smul.u32 @!p0 $0xF7A, s2;
	p2 =	seq.s32 @!p0 s5, $0x0  }
0x1f: {  	s9 =	smul.u32 $0xF7A, s1;
	s8 =	simm.s32 @!p0 $0x1BF5;
	p2 =	por !p2, p0  }
0x20: {  	[sflag:s8] =	ssyncset.s32 @!p0 $0xFFFFF086;
	s6 =	sadd.s32 @!p0 s3, s7;
	s7 =	simm.s32 @!p0 $0x108  }
0x21: {  	s3 =	sadd.s32 s3, s9;
	s6 =	sadd.s32 @!p0 $0x88, s6;
	s7 =	simm.s32 @p2 $0x1082  }
0x22: {  	[simem:s7], [sflag:s8] =	dma.local @!p0 [hbm:s6], $0xF7A  }
0x23: {  	s9 =	sor.u32 $0xD0000000, s2;
	s6 =	simm.s32 $0x108;
	_ =	swait.ge @!p0 [sflag:s8], $0x0  }
0x24: {  	s3 =	sadd.s32 $0x88, s3;
	s6 =	simm.s32 @!p1 $0x1082;
	[sflag:s4] =	ssyncset.s32 $0xFFFFF086  }
0x25: {  	[simem:s6], [sflag:s4] =	dma.local [hbm:s3], $0xF7A  }
0x26: {  	[smem:$0x3F9D] =	sst s1;
	(tag) =	ssettag s2;
	_ =	strace s9  }
0x27: {  	s1 =	sld [smem:$0x3FAD]  }
0x28: {  	s2 =	sld [smem:$0x3FAE]  }
0x29: {  	s4 =	sld [smem:$0x3FB0]  }
0x2a: {  	p0 =	seq.s32 s5, $0x0;
	s5 =	sld [smem:$0x3FB1]  }
0x2b: {  	s6 =	sld [smem:$0x3FB2]  }
0x2c: {  	s7 =	sld [smem:$0x3FB3]  }
0x2d: {  	s3 =	simm.s32 $0x108;
	s8 =	sld [smem:$0x3FB4]  }
0x2e: {  	s3 =	simm.s32 @!p0 $0x1082;
	s9 =	sld [smem:$0x3FB5]  }
0x2f: {  	lr =	sadd.s32 s0, s3;
	s0 =	sld [smem:$0x3FAC]  }
0x30: {  	s3 =	sld [smem:$0x3FAF]  }
0x31: {  	[smem:$0x3FB8] =	sst s10  }
0x32: {  	s10 =	sld [smem:$0x3FB6];
	_ =	sdelay $0x3  }
0x33: {  	p0 =	seq.s32 s10, $0x1;
	s10 =	sld [smem:$0x3FB8];
	_ =	sdelay $0x3  }
0x34: {  	[smem:$0x3FB8] =	sst s10  }
0x35: {  	s10 =	sld [smem:$0x3FB7];
	_ =	sdelay $0x3  }
0x36: {  	p1 =	seq.s32 s10, $0x1;
	s10 =	sld [smem:$0x3FB8];
	_ =	sdelay $0x3  }
0x37: {  	[smem:$0x3FB8] =	sst s10  }
0x38: {  	s10 =	sld [smem:$0x3FB9]  }
0x39: {  	_ = 	snop;
	(pc) =	sbr.ind lr, $3  }
0x3a: {  	_ = 	snop  }
0x3b: {  	_ = 	snop  }
0x3c: {  	p2 =	seq.s32 s10, $0x1;
	s10 =	sld [smem:$0x3FB8]  }
0x3d: {  	_ =	shalt  }
0x3e: {  	_ =	shalt  }
0x3f: {  	_ =	shalt  }
0x40: {  	_ =	shalt  }
0x41: {  	_ =	shalt  }
0x42: {  	_ =	shalt  }
0x43: {  	_ =	shalt  }
0x44: {  	_ =	shalt  }
0x45: {  	_ =	shalt  }
0x46: {  	_ =	shalt  }
0x47: {  	_ =	shalt  }
0x48: {  	_ =	shalt  }
0x49: {  	_ =	shalt  }
0x4a: {  	_ =	shalt  }
0x4b: {  	_ =	shalt  }
0x4c: {  	_ =	shalt  }
0x4d: {  	_ =	shalt  }
0x4e: {  	_ =	shalt  }
0x4f: {  	_ =	shalt  }
0x50: {  	_ =	shalt  }
0x51: {  	_ =	shalt  }
0x52: {  	_ =	shalt  }
0x53: {  	_ =	shalt  }
0x54: {  	_ =	shalt  }
0x55: {  	_ =	shalt  }
0x56: {  	_ =	shalt  }
0x57: {  	_ =	shalt  }
0x58: {  	_ =	shalt  }
0x59: {  	_ =	shalt  }
0x5a: {  	_ =	shalt  }
0x5b: {  	_ =	shalt  }
0x5c: {  	_ =	shalt  }
0x5d: {  	_ =	shalt  }
0x5e: {  	_ =	shalt  }
0x5f: {  	_ =	shalt  }
0x60: {  	_ =	shalt  }
0x61: {  	_ =	shalt  }
0x62: {  	_ =	shalt  }
0x63: {  	_ =	shalt  }
0x64: {  	_ =	shalt  }
0x65: {  	_ =	shalt  }
0x66: {  	_ =	shalt  }
0x67: {  	_ =	shalt  }
0x68: {  	_ =	shalt  }
0x69: {  	_ =	shalt  }
0x6a: {  	_ =	shalt  }
0x6b: {  	_ =	shalt  }
0x6c: {  	_ =	shalt  }
0x6d: {  	_ =	shalt  }
0x6e: {  	_ =	shalt  }
0x6f: {  	_ =	shalt  }
0x70: {  	_ =	shalt  }
0x71: {  	_ =	shalt  }
0x72: {  	_ =	shalt  }
0x73: {  	_ =	shalt  }
0x74: {  	_ =	shalt  }
0x75: {  	_ =	shalt  }
0x76: {  	_ =	shalt  }
0x77: {  	_ =	shalt  }
0x78: {  	_ =	shalt  }
0x79: {  	_ =	shalt  }
0x7a: {  	_ =	shalt  }
0x7b: {  	_ =	shalt  }
0x7c: {  	_ =	shalt  }
0x7d: {  	_ =	shalt  }
0x7e: {  	_ =	shalt  }
0x7f: {  	_ =	shalt  }
0x80: {  	_ =	shalt  }
0x81: {  	_ =	shalt  }
0x82: {  	_ =	shalt  }
0x83: {  	_ =	shalt  }
0x84: {  	_ =	shalt  }
0x85: {  	_ =	shalt  }
0x86: {  	_ =	shalt  }
0x87: {  	_ =	shalt  }
.Lfunc_end0:
.L_simem_size_0:
called_computation.3_lowered:
.L_overlay_start_0:
0x88: {  	s2 =	sld [smem:$0x3FD9]  }
0x89: {  	s3 =	sld [smem:$0x3FFE];
	_ =	sdelay $0x1  }
0x8a: {  	s1 =	srdreg.scid  }
0x8b: {  	s0 =	sand.u32 $0x1, s1  }
0x8c: {  	s17 =	sshll.u32 s0, $0xA;
	s2 =	sadd.s32 s3, s2  }
0x8d: {  	s2 =	sadd.s32 s2, s17  }
0x8e: {  	[smem:$0x3FC4] =	sst s2  }
0x8f: {  	_ = 	snop  }
0x90: {  	s2 =	sld [smem:$0x3FD0];
	(tm) =	ssettm $0x1  }
0x91: {  	s18 =	sld [smem:$0x3FFB];
	_ =	sdelay $0x3  }
0x92: {  	_ =	strace s18  }
0x93: {  	s3 =	sld [smem:$0x3FFC];
	_ =	sdelay $0x3  }
0x94: {  	_ =	strace s3  }
0x95: {  	s3 =	sld [smem:$0x3FFD];
	_ =	sdelay $0x3  }
0x96: {  	_ =	strace s3  }
0x97: {  	_ =	strace $0x8FFFFFFF  }
0x98: {  	s19 =	sld [smem:$0x3FDB];
	_ =	sdelay $0x1  }
0x99: {  	s4 =	simm.s32 $_scs_section_size  }
0x9a: {  	s5 =	simm.s32 $_size__tile_overlayer_lowered;
	s6 =	simm.s32 $_tile_overlayer_lowered  }
0x9b: {  	s22 =	simm.s32 $0x1BFF;
	s21 =	sshll.u32 s6, $0x1;
	s3 =	sadd.s32 s4, s19  }
0x9c: {  	s7 =	simm.s32 $0x0;
	s20 =	sshll.u32 s5, $0x1;
	s5 =	sadd.s32 s21, s3  }
0x9d: {  	[timem:s7], [sflag:s22] =	dma.local [hbm:s5], s20  }
0x9e: {  	_ =	swait.ge [sflag:s22], s20  }
0x9f: {  	s4 =	ssub.s32 $0x0, s20;
	[sflag:s22] =	ssyncset.done $0x0  }
0xa0: {  	[sflag:s22] =	ssyncadd.s32 s4;
	_ =	sdelay $0x1  }
0xa1: {  	s23 =	simm.s32 $0x1B8B  }
0xa2: {  	_ =	swait.ge [sflag:s23], $0x1  }
0xa3: {  	[sflag:s23] =	ssyncset.done $0x0  }
0xa4: {  	s25 =	simm.s32 $0x1B8E;
	s24 =	sld [smem:$0x3FFE];
	[sflag:s23] =	ssyncadd.s32 $0xFFFFFFFF  }
0xa5: {  	s26 =	simm.s32 $execute0_lowered;
	[smem:$0x3FD2] =	sst s25  }
0xa6: {  	s5 =	sshll.u32 s26, $0x1;
	_ =	strace $0x80000053;
	[dreg:$0x1] =	wrdreg $0xFFFFFFFF  }
0xa7: {  	s28 =	simm.s32 $_size_execute0_lowered;
	s3 =	sadd.s32 s3, s5;
	[dreg:$0x0] =	wrdreg $0x0  }
0xa8: {  	s5 =	sshll.u32 s28, $0x1;
	[dreg:$0x2] =	wrdreg s3  }
0xa9: {  	[dreg:$0x3] =	wrdreg s5  }
0xaa: {  	[dreg:$0x4] =	wrdreg $0xC0  }
0xab: {  	_ =	task [dreg:s7], $0x5FFFF  }
0xac: {  	[dreg:$0x1] =	wrdreg $0xFFFFFFFF  }
0xad: {  	[dreg:$0x0] =	wrdreg $0x60  }
0xae: {  	[dreg:$0x2] =	wrdreg s24  }
0xaf: {  	[dreg:$0x3] =	wrdreg s2  }
0xb0: {  	[dreg:$0x4] =	wrdreg $0x9  }
0xb1: {  	_ =	task.clear_ibuf [dreg:s7], $0x5FFFF;
	_ =	strace $0x90000053  }
0xb2: {  	s29 =	simm.s32 $0x9;
	_ =	strace $0x80000055  }
0xb3: {  	_ =	swait.ge [sflag:s29], $0x1  }
0xb4: {  	[sflag:s29] =	ssyncadd.s32 $0xFFFFFFFF  }
0xb5: {  	_ =	strace $0x90000055  }
0xb6: {  	_ =	sfence  }
0xb7: {  	s30 =	sld [smem:$0x0];
	_ =	sdelay $0x2  }
0xb8: {  	s31 =	sshll.u32 s1, $0xD;
	s1 =	sshrl.u32 s1, $0x2  }
0xb9: {  	s3 =	sand.u32 $0x4000, s31;
	s1 =	sadd.s32 s1, s30  }
0xba: {  	s0 =	sor.u32 s3, s0;
	s1 =	sshll.u32 s1, $0x11  }
0xbb: {  	s0 =	sor.u32 s1, s0  }
0xbc: {  	s0 =	sadd.s32 $0x8F2B, s0  }
0xbd: {  	[sflag:s0] =	ssyncadd.remote.s32 $0x1  }
0xbe: {  	_ =	sfence.sel $0xFFFF  }
0xbf: {  	[dreg:$0x0] =	wrdreg $0xFFFFFFFF;
	(pc) =	sbr.abs _section_cstart, $3  }
0xc0: {  	[dreg:$0x1] =	wrdreg $0xFFFFFFFF  }
0xc1: {  	_ =	task.clear_ibuf [dreg:s7], $0x2FFFF;
	_ =	strace $0x9FFFFFFF  }
0xc2: {  	(tm) =	ssettm $0x7FFFFFFF  }
0xc3: {  	_ =	shalt  }
tec
execute0_lowered:
.L_overlay_start_1:
0x0: {  	(tag) =	ssettag $0x1  }
0x1: {  	s1 =	srdreg.scid;
	s0 =	stileid.u32  }
0x2: {  	s4 =	rddreg [dreg:$0x0];
	s3 =	sand.u32 $0x1, s1;
	s31 =	sshll.u32 s0, $0x1  }
0x3: {  	s7 =	rddreg [dreg:$0x1];
	s1 =	sor.u32 s3, s31  }
0x4: {  	s2 =	simm.s32 $0x0;
	s11 =	simm.s32 $0x9600;
	s1 =	smul.u32 $0x140, s1  }
0x5: {  	s12 =	simm.s32 $0x1;
	s13 =	simm.s32 $0x9740;
	s14 =	simm.s32 $0x2  }
0x6: {  	s15 =	simm.s32 $0x0;
	s3 =	ssub.s32 $0x2, s3;
	s5 =	smin.u32 s1, $0x25D0  }
0x7: {  	[smem:$0x7FF] =	sst s2;
	s9 =	sshrl.u32 s3, $0x1;
	s6 =	smul.u32 $0x28, s5  }
0x8: {  	s9 =	ssub.s32 s3, s9;
	s1 =	rddreg [dreg:$0x2];
	s5 =	sshrl.u32 s5, $0x3  }
0x9: {  	_ =	strace $0x80000054;
	s10 =	sadd.s32 s5, s4;
	s8 =	sshrl.u32 s6, $0x3  }
0xa: {  	s6 =	sadd.s32 s8, s4;
	s7 =	sadd.s32 s7, s8;
	s8 =	smax.u32 s9, $0x1  }
0xb: {  	s9 =	simm.s32 $0x3200;
	s3 =	sadd.s32 $0x20000, s6;
	s4 =	sadd.s32 $0x2D000, s6  }
0xc: {  	s5 =	sadd.s32 $0x39350, s6;
	s6 =	sadd.s32 $0x2C400, s10;
	s10 =	simm.s32 $0x6400  }
.LBB2_1:
0xd: {  	[tilespmem:s2], [sflag:$0x1] =	stream.linear.gather [hbm4b:s3+s2], $0x3200, $0x38;
	[tilespmem:$0xC940] =	vst v63  }
0xe: {  	_ = 	snop  }
0xf: {  	[tilespmem:s9], [sflag:$0x1] =	stream.linear.gather [hbm4b:s4+s2], $0x3200, $0x38;
	[tilespmem:$0xC940] =	vst v63  }
0x10: {  	_ = 	snop  }
0x11: {  	[tilespmem:s10], [sflag:$0x1] =	stream.linear.gather [hbm4b:s5+s2], $0x3200, $0x38;
	[tilespmem:$0xC940] =	vst v63  }
0x12: {  	_ = 	snop  }
0x13: {  	[tilespmem:s11], [sflag:$0x1] =	stream.linear.gather [hbm4b:s6+s2], $0x140, $0x38;
	[tilespmem:$0xC940] =	vst v63  }
0x14: {  	_ =	swait.ge [sflag:s12], $0x3200  }
0x15: {  	[sflag:s12] =	ssyncset.done $0x0  }
0x16: {  	[sflag:s12] =	ssyncadd.s32 $0xFFFFCE00  }
0x17: {  	_ =	swait.ge [sflag:s12], $0x3200  }
0x18: {  	[sflag:s12] =	ssyncset.done $0x0  }
0x19: {  	[sflag:s12] =	ssyncadd.s32 $0xFFFFCE00  }
0x1a: {  	_ =	swait.ge [sflag:s12], $0x3200  }
0x1b: {  	[sflag:s12] =	ssyncset.done $0x0  }
0x1c: {  	s16 =	simm.s32 $0x0;
	[sflag:s12] =	ssyncadd.s32 $0xFFFFCE00  }
0x1d: {  	v0 =	vmov s16;
	_ =	swait.ge [sflag:s12], $0x140  }
0x1e: {  	v0 =	vand.u32 $0xFFFFFFFC, v0;
	[sflag:s12] =	ssyncset.done $0x0  }
0x1f: {  	s17 =	simm.s32 $0x50;
	v0 =	vbroadcast v0, $0x0;
	[sflag:s12] =	ssyncadd.s32 $0xFFFFFEC0  }
0x20: {  	s16 =	simm.s32 $0x3250;
	v1 =	vld [tilespmem:s17+$0xFFFFFFB0]  }
0x21: {  	v2 =	vld [tilespmem:s16+$0xFFFFFFB0]  }
0x22: {  	s18 =	simm.s32 $0x6450  }
0x23: {  	v3 =	vld [tilespmem:s18+$0xFFFFFFB0];
	_ =	sdelay $0x1  }
0x24: {  	v0 =	vld.idx.msk [tilespmem:v0+s11+$0x0], $0xffff  }
0x25: {  	v1 =	vadd.f32 v2, v1;
	_ =	sdelay $0x1  }
0x26: {  	v1 =	vadd.f32 v3, v1;
	_ =	sdelay $0x1  }
0x27: {  	v1 =	vmul.f32 v1, v0  }
0x28: {  	s19 =	simm.s32 $0x9790  }
0x29: {  	[tilespmem:s19+$0xFFFFFFB0] =	vst v1  }
0x2a: {  	v1 =	vld [tilespmem:s17+$0xFFFFFFC0]  }
0x2b: {  	v2 =	vld [tilespmem:s16+$0xFFFFFFC0];
	_ =	sdelay $0x1  }
0x2c: {  	v3 =	vld [tilespmem:s18+$0xFFFFFFC0];
	_ =	sdelay $0x2  }
0x2d: {  	v1 =	vadd.f32 v2, v1;
	_ =	sdelay $0x1  }
0x2e: {  	v1 =	vadd.f32 v3, v1;
	_ =	sdelay $0x1  }
0x2f: {  	v1 =	vmul.f32 v1, v0;
	_ =	sdelay $0x1  }
0x30: {  	[tilespmem:s19+$0xFFFFFFC0] =	vst v1  }
0x31: {  	v1 =	vld [tilespmem:s17+$0xFFFFFFC8]  }
0x32: {  	v2 =	vld [tilespmem:s16+$0xFFFFFFC8];
	_ =	sdelay $0x1  }
0x33: {  	v3 =	vld [tilespmem:s18+$0xFFFFFFC8];
	_ =	sdelay $0x2  }
0x34: {  	v1 =	vadd.f32 v2, v1;
	_ =	sdelay $0x1  }
0x35: {  	v1 =	vadd.f32 v3, v1  }
0x36: {  	s20 =	simm.s32 $0x1  }
0x37: {  	v2 =	vmov s20;
	v0 =	vmul.f32 v1, v0  }
0x38: {  	v1 =	vand.u32 $0xFFFFFFFD, v2  }
0x39: {  	v1 =	vbroadcast v1, $0x0;
	[tilespmem:s19+$0xFFFFFFC8] =	vst v0  }
0x3a: {  	v0 =	vld [tilespmem:s17+$0xFFFFFFD8]  }
0x3b: {  	v2 =	vld [tilespmem:s16+$0xFFFFFFD8];
	_ =	sdelay $0x1  }
0x3c: {  	v3 =	vld [tilespmem:s18+$0xFFFFFFD8];
	_ =	sdelay $0x1  }
0x3d: {  	v1 =	vld.idx.msk [tilespmem:v1+s11+$0x0], $0xffff  }
0x3e: {  	v0 =	vadd.f32 v2, v0;
	_ =	sdelay $0x1  }
0x3f: {  	v0 =	vadd.f32 v3, v0;
	_ =	sdelay $0x1  }
0x40: {  	v0 =	vmul.f32 v0, v1;
	_ =	sdelay $0x1  }
0x41: {  	[tilespmem:s19+$0xFFFFFFD8] =	vst v0  }
0x42: {  	v0 =	vld [tilespmem:s17+$0xFFFFFFE8]  }
0x43: {  	v2 =	vld [tilespmem:s16+$0xFFFFFFE8];
	_ =	sdelay $0x1  }
0x44: {  	v3 =	vld [tilespmem:s18+$0xFFFFFFE8];
	_ =	sdelay $0x2  }
0x45: {  	v0 =	vadd.f32 v2, v0;
	_ =	sdelay $0x1  }
0x46: {  	v0 =	vadd.f32 v3, v0;
	_ =	sdelay $0x1  }
0x47: {  	v0 =	vmul.f32 v0, v1;
	_ =	sdelay $0x1  }
0x48: {  	[tilespmem:s19+$0xFFFFFFE8] =	vst v0  }
0x49: {  	v0 =	vld [tilespmem:s17+$0xFFFFFFF0]  }
0x4a: {  	v2 =	vld [tilespmem:s16+$0xFFFFFFF0];
	_ =	sdelay $0x1  }
0x4b: {  	v3 =	vld [tilespmem:s18+$0xFFFFFFF0];
	_ =	sdelay $0x2  }
0x4c: {  	v0 =	vadd.f32 v2, v0;
	_ =	sdelay $0x1  }
0x4d: {  	v0 =	vadd.f32 v3, v0  }
0x4e: {  	s30 =	simm.s32 $0x2  }
0x4f: {  	v2 =	vmov s30;
	v0 =	vmul.f32 v0, v1  }
0x50: {  	v1 =	vand.u32 $0xFFFFFFFE, v2  }
0x51: {  	v1 =	vbroadcast v1, $0x0;
	[tilespmem:s19+$0xFFFFFFF0] =	vst v0  }
0x52: {  	v0 =	vld [tilespmem:s17+$0x0]  }
0x53: {  	v2 =	vld [tilespmem:s16+$0x0];
	_ =	sdelay $0x1  }
0x54: {  	v3 =	vld [tilespmem:s18+$0x0];
	_ =	sdelay $0x1  }
0x55: {  	v1 =	vld.idx.msk [tilespmem:v1+s11+$0x0], $0xffff  }
0x56: {  	v0 =	vadd.f32 v2, v0;
	_ =	sdelay $0x1  }
0x57: {  	v0 =	vadd.f32 v3, v0;
	_ =	sdelay $0x1  }
0x58: {  	v0 =	vmul.f32 v0, v1;
	_ =	sdelay $0x1  }
0x59: {  	[tilespmem:s19+$0x0] =	vst v0  }
0x5a: {  	v0 =	vld [tilespmem:s17+$0x10]  }
0x5b: {  	v2 =	vld [tilespmem:s16+$0x10];
	_ =	sdelay $0x1  }
0x5c: {  	v3 =	vld [tilespmem:s18+$0x10];
	_ =	sdelay $0x2  }
0x5d: {  	v0 =	vadd.f32 v2, v0;
	_ =	sdelay $0x1  }
0x5e: {  	v0 =	vadd.f32 v3, v0;
	_ =	sdelay $0x1  }
0x5f: {  	v0 =	vmul.f32 v0, v1;
	_ =	sdelay $0x1  }
0x60: {  	[tilespmem:s19+$0x10] =	vst v0  }
0x61: {  	v0 =	vld [tilespmem:s17+$0x18]  }
0x62: {  	v2 =	vld [tilespmem:s16+$0x18];
	_ =	sdelay $0x1  }
0x63: {  	v3 =	vld [tilespmem:s18+$0x18];
	_ =	sdelay $0x2  }
0x64: {  	v0 =	vadd.f32 v2, v0;
	_ =	sdelay $0x1  }
0x65: {  	v0 =	vadd.f32 v3, v0;
	_ =	sdelay $0x1  }
0x66: {  	v0 =	vmul.f32 v0, v1;
	_ =	sdelay $0x1  }
0x67: {  	s31 =	simm.s32 $0x3;
	[tilespmem:s19+$0x18] =	vst v0  }
0x68: {  	v0 =	vmov s31;
	v1 =	vld [tilespmem:s17+$0x28]  }
0x69: {  	v2 =	vld [tilespmem:s16+$0x28];
	_ =	sdelay $0x1  }
0x6a: {  	v3 =	vld [tilespmem:s18+$0x28];
	_ =	sdelay $0x1  }
0x6b: {  	v0 =	vld.idx.msk [tilespmem:v0+s11+$0x0], $0xffff  }
0x6c: {  	v1 =	vadd.f32 v2, v1;
	_ =	sdelay $0x1  }
0x6d: {  	v1 =	vadd.f32 v3, v1;
	_ =	sdelay $0x1  }
0x6e: {  	v1 =	vmul.f32 v1, v0;
	_ =	sdelay $0x1  }
0x6f: {  	[tilespmem:s19+$0x28] =	vst v1  }
0x70: {  	v1 =	vld [tilespmem:s17+$0x38]  }
0x71: {  	v2 =	vld [tilespmem:s16+$0x38];
	_ =	sdelay $0x1  }
0x72: {  	v3 =	vld [tilespmem:s18+$0x38];
	_ =	sdelay $0x2  }
0x73: {  	v1 =	vadd.f32 v2, v1;
	_ =	sdelay $0x1  }
0x74: {  	v1 =	vadd.f32 v3, v1;
	_ =	sdelay $0x1  }
0x75: {  	v1 =	vmul.f32 v1, v0  }
0x76: {  	s21 =	simm.s32 $0x7  }
0x77: {  	s23 =	simm.s32 $0xF0;
	s22 =	simm.s32 $0x6450;
	s20 =	simm.s32 $0x9790;
	[tilespmem:s19+$0x38] =	vst v1  }
.LBB2_2:
0x78: {  	v1 =	vld [tilespmem:s16+$0x40];
	s19 =	sadd.s32 $0xA0, s19;
	s18 =	sadd.s32 $0xA0, s18;
	s16 =	sadd.s32 $0xA0, s16  }
0x79: {  	p0 =	sne.s32 s21, $0x13F;
	s24 =	smov.u32 s21;
	s21 =	sadd.s32 $0x4, s21;
	v2 =	vld [tilespmem:s17+$0x40]  }
0x7a: {  	s17 =	smov.u32 s23;
	v3 =	vld [tilespmem:s22+$0x40];
	s22 =	smov.u32 s18;
	_ =	sdelay $0x3  }
0x7b: {  	v1 =	vadd.f32 v1, v2  }
0x7c: {  	s25 =	sadd.s32 $0xFFFFFFFD, s24  }
0x7d: {  	v2 =	vmov s25;
	v1 =	vadd.f32 v3, v1  }
0x7e: {  	v2 =	vand.u32 $0xFFFFFFFC, v2  }
0x7f: {  	v2 =	vbroadcast v2, $0x0;
	v0 =	vmul.f32 v1, v0;
	_ =	sdelay $0x1  }
0x80: {  	[tilespmem:s20+$0x40] =	vst v0;
	s20 =	smov.u32 s19  }
0x81: {  	v0 =	vld [tilespmem:s23+$0xFFFFFFB0]  }
0x82: {  	v1 =	vld [tilespmem:s16+$0xFFFFFFB0]  }
0x83: {  	v3 =	vld [tilespmem:s18+$0xFFFFFFB0]  }
0x84: {  	v2 =	vld.idx.msk [tilespmem:v2+s11+$0x0], $0xffff;
	_ =	sdelay $0x2  }
0x85: {  	v0 =	vadd.f32 v1, v0;
	_ =	sdelay $0x1  }
0x86: {  	v0 =	vadd.f32 v3, v0;
	_ =	sdelay $0x1  }
0x87: {  	v0 =	vmul.f32 v0, v2;
	_ =	sdelay $0x1  }
0x88: {  	[tilespmem:s19+$0xFFFFFFB0] =	vst v0  }
0x89: {  	v0 =	vld [tilespmem:s23+$0xFFFFFFC0]  }
0x8a: {  	v1 =	vld [tilespmem:s16+$0xFFFFFFC0];
	_ =	sdelay $0x1  }
0x8b: {  	v3 =	vld [tilespmem:s18+$0xFFFFFFC0];
	_ =	sdelay $0x2  }
0x8c: {  	v0 =	vadd.f32 v1, v0;
	_ =	sdelay $0x1  }
0x8d: {  	v0 =	vadd.f32 v3, v0;
	_ =	sdelay $0x1  }
0x8e: {  	v0 =	vmul.f32 v0, v2;
	_ =	sdelay $0x1  }
0x8f: {  	[tilespmem:s19+$0xFFFFFFC0] =	vst v0  }
0x90: {  	v0 =	vld [tilespmem:s23+$0xFFFFFFC8]  }
0x91: {  	v1 =	vld [tilespmem:s16+$0xFFFFFFC8];
	_ =	sdelay $0x1  }
0x92: {  	v3 =	vld [tilespmem:s18+$0xFFFFFFC8];
	_ =	sdelay $0x2  }
0x93: {  	v0 =	vadd.f32 v1, v0;
	_ =	sdelay $0x1  }
0x94: {  	s25 =	sadd.s32 $0xFFFFFFFE, s24;
	v0 =	vadd.f32 v3, v0  }
0x95: {  	v1 =	vmov s25  }
0x96: {  	v1 =	vand.u32 $0xFFFFFFFD, v1;
	v0 =	vmul.f32 v0, v2  }
0x97: {  	v1 =	vbroadcast v1, $0x0  }
0x98: {  	[tilespmem:s19+$0xFFFFFFC8] =	vst v0  }
0x99: {  	v0 =	vld [tilespmem:s23+$0xFFFFFFD8]  }
0x9a: {  	v2 =	vld [tilespmem:s16+$0xFFFFFFD8];
	_ =	sdelay $0x1  }
0x9b: {  	v3 =	vld [tilespmem:s18+$0xFFFFFFD8]  }
0x9c: {  	v1 =	vld.idx.msk [tilespmem:v1+s11+$0x0], $0xffff;
	_ =	sdelay $0x1  }
0x9d: {  	v0 =	vadd.f32 v2, v0;
	_ =	sdelay $0x1  }
0x9e: {  	v0 =	vadd.f32 v3, v0;
	_ =	sdelay $0x1  }
0x9f: {  	v0 =	vmul.f32 v0, v1;
	_ =	sdelay $0x1  }
0xa0: {  	[tilespmem:s19+$0xFFFFFFD8] =	vst v0  }
0xa1: {  	v0 =	vld [tilespmem:s23+$0xFFFFFFE8]  }
0xa2: {  	v2 =	vld [tilespmem:s16+$0xFFFFFFE8]  }
0xa3: {  	v3 =	vld [tilespmem:s18+$0xFFFFFFE8];
	_ =	sdelay $0x3  }
0xa4: {  	v0 =	vadd.f32 v2, v0;
	_ =	sdelay $0x1  }
0xa5: {  	v0 =	vadd.f32 v3, v0;
	_ =	sdelay $0x1  }
0xa6: {  	v0 =	vmul.f32 v0, v1;
	_ =	sdelay $0x1  }
0xa7: {  	[tilespmem:s19+$0xFFFFFFE8] =	vst v0  }
0xa8: {  	v0 =	vld [tilespmem:s23+$0xFFFFFFF0]  }
0xa9: {  	v2 =	vld [tilespmem:s16+$0xFFFFFFF0];
	_ =	sdelay $0x1  }
0xaa: {  	v3 =	vld [tilespmem:s18+$0xFFFFFFF0];
	_ =	sdelay $0x2  }
0xab: {  	v0 =	vadd.f32 v2, v0;
	_ =	sdelay $0x1  }
0xac: {  	s25 =	sadd.s32 $0xFFFFFFFF, s24;
	v0 =	vadd.f32 v3, v0  }
0xad: {  	v2 =	vmov s25  }
0xae: {  	v0 =	vmul.f32 v0, v1;
	v1 =	vand.u32 $0xFFFFFFFE, v2  }
0xaf: {  	v1 =	vbroadcast v1, $0x0  }
0xb0: {  	[tilespmem:s19+$0xFFFFFFF0] =	vst v0  }
0xb1: {  	v0 =	vld [tilespmem:s23+$0x0]  }
0xb2: {  	v2 =	vld [tilespmem:s16+$0x0]  }
0xb3: {  	v3 =	vld [tilespmem:s18+$0x0];
	_ =	sdelay $0x1  }
0xb4: {  	v1 =	vld.idx.msk [tilespmem:v1+s11+$0x0], $0xffff;
	_ =	sdelay $0x1  }
0xb5: {  	v0 =	vadd.f32 v2, v0;
	_ =	sdelay $0x1  }
0xb6: {  	v0 =	vadd.f32 v3, v0;
	_ =	sdelay $0x1  }
0xb7: {  	v0 =	vmul.f32 v0, v1;
	_ =	sdelay $0x1  }
0xb8: {  	[tilespmem:s19+$0x0] =	vst v0  }
0xb9: {  	v0 =	vld [tilespmem:s23+$0x10]  }
0xba: {  	v2 =	vld [tilespmem:s16+$0x10]  }
0xbb: {  	v3 =	vld [tilespmem:s18+$0x10];
	_ =	sdelay $0x3  }
0xbc: {  	v0 =	vadd.f32 v2, v0;
	_ =	sdelay $0x1  }
0xbd: {  	v0 =	vadd.f32 v3, v0;
	_ =	sdelay $0x1  }
0xbe: {  	v0 =	vmul.f32 v0, v1;
	_ =	sdelay $0x1  }
0xbf: {  	[tilespmem:s19+$0x10] =	vst v0  }
0xc0: {  	v0 =	vld [tilespmem:s23+$0x18]  }
0xc1: {  	v2 =	vld [tilespmem:s16+$0x18]  }
0xc2: {  	v3 =	vld [tilespmem:s18+$0x18];
	_ =	sdelay $0x3  }
0xc3: {  	v0 =	vadd.f32 v2, v0;
	_ =	sdelay $0x1  }
0xc4: {  	v0 =	vadd.f32 v3, v0;
	_ =	sdelay $0x1  }
0xc5: {  	v0 =	vmul.f32 v0, v1  }
0xc6: {  	v1 =	vmov s24  }
0xc7: {  	[tilespmem:s19+$0x18] =	vst v0  }
0xc8: {  	v2 =	vld [tilespmem:s23+$0x28]  }
0xc9: {  	v3 =	vld [tilespmem:s16+$0x28]  }
0xca: {  	v4 =	vld [tilespmem:s18+$0x28]  }
0xcb: {  	v0 =	vld.idx.msk [tilespmem:v1+s11+$0x0], $0xffff;
	_ =	sdelay $0x2  }
0xcc: {  	v1 =	vadd.f32 v3, v2;
	_ =	sdelay $0x1  }
0xcd: {  	v1 =	vadd.f32 v4, v1;
	_ =	sdelay $0x1  }
0xce: {  	v1 =	vmul.f32 v1, v0;
	_ =	sdelay $0x1  }
0xcf: {  	[tilespmem:s19+$0x28] =	vst v1  }
0xd0: {  	v1 =	vld [tilespmem:s23+$0x38]  }
0xd1: {  	v2 =	vld [tilespmem:s16+$0x38]  }
0xd2: {  	v3 =	vld [tilespmem:s18+$0x38];
	_ =	sdelay $0x3  }
0xd3: {  	v1 =	vadd.f32 v2, v1;
	_ =	sdelay $0x1  }
.Ltmp0:
0xd4: {  	v1 =	vadd.f32 v3, v1;
	(pc) =	sbr.rel @p0 .LBB2_2-.Ltmp0, $3  }
0xd5: {  	_ = 	snop  }
0xd6: {  	v1 =	vmul.f32 v1, v0;
	_ =	sdelay $0x1  }
0xd7: {  	s23 =	sadd.s32 $0xA0, s23;
	[tilespmem:s19+$0x38] =	vst v1  }
0xd8: {  	v1 =	vld [tilespmem:s16+$0x40]  }
0xd9: {  	v2 =	vld [tilespmem:s17+$0x40];
	_ =	sdelay $0x1  }
0xda: {  	v3 =	vld [tilespmem:s22+$0x40];
	_ =	sdelay $0x2  }
0xdb: {  	v1 =	vadd.f32 v1, v2;
	_ =	sdelay $0x1  }
0xdc: {  	v1 =	vadd.f32 v3, v1;
	_ =	sdelay $0x1  }
0xdd: {  	s15 =	sadd.s32 $0x1, s15;
	v0 =	vmul.f32 v1, v0  }
0xde: {  	p0 =	sne.s32 s15, s8  }
.Ltmp1:
0xdf: {  	[tilespmem:s20+$0x40] =	vst v0;
	(pc) =	sbr.rel @p0 .LBB2_1-.Ltmp1, $4  }
0xe0: {  	[hbm4b:s7+s2] =	stream.linear.scatter [tilespmem:s13], [sflag:$0x2], $0x3200, $0x38;
	[tilespmem:$0xC940] =	vst v63  }
0xe1: {  	_ =	swait.ge [sflag:s14], $0x3200  }
0xe2: {  	[sflag:s14] =	ssyncset.done $0x0  }
0xe3: {  	[sflag:s14] =	ssyncadd.s32 $0xFFFFCE00  }
0xe4: {  	_ =	sfence.sel $0x180000  }
0xe5: {  	[bflag:$0x0] =	sbarrier.arrive $0xFFFF  }
0xe6: {  	p0 =	sne.s32 s0, $0x0;
	_ =	strace $0x90000054  }
0xe7: {  	s0 =	sadd.s32 @!p0 $0x100000, s1;
	[bflag:$0x2] =	sbarrier.arrive $0xFFFF  }
0xe8: {  	[sflag:s0] =	ssyncadd.tile.s32 @!p0 $0x1;
	_ =	shalt  }
.Lfunc_end2:
_tile_overlayer_lowered:
.L_overlay_start_2:
0xe9: {  	(tag) =	ssettag $0x2  }
0xea: {  	s0 =	rddreg [dreg:$0x0];
	s2 =	stileid.u32  }
0xeb: {  	s1 =	rddreg [dreg:$0x1];
	p0 =	sne.s32 s2, $0x0  }
0xec: {  	s3 =	rddreg [dreg:$0x2];
	[bflag:$0x3] =	sbarrier.arrive $0xFFFF;
	s2 =	simm.s32 @!p0 $0x1C02  }
0xed: {  	[timem:s3], [sflag:s2] =	dma.local @!p0 [hbm:s0], s1  }
0xee: {  	s0 =	simm.s32 @!p0 $0x2  }
0xef: {  	_ =	swait.ge @!p0 [sflag:s0], s1  }
0xf0: {  	s1 =	ssub.s32 @!p0 $0x0, s1;
	[sflag:s0] =	ssyncset.done @!p0 $0x0  }
0xf1: {  	[sflag:s0] =	ssyncadd.s32 @!p0 s1  }
0xf2: {  	[bflag:$0x3] =	sbarrier.arrive $0xFFFF  }
0xf3: {  	_ =	shalt  }

// kernel: kernel.21.cloned.1.call-start
scs
__scs_entry_jumppad:
0x0: {  	(pc) =	sbr.rel $0x88, $3  }
0x1: {  	(tag) =	ssettag $0x0;
	lr =	simm.s32 $0x1  }
0x2: {  	[smem:$0x3F9D] =	sst lr;
	_ =	strace $0xD0000000  }
0x3: {  	_ = 	snop  }
0x4: {  	_ = 	snop  }
0x5: {  	_ = 	snop  }
0x6: {  	_ = 	snop  }
0x7: {  	_ = 	snop  }
__scs_overlays_trampoline_lowered:
0x8: {  	[smem:$0x3FAC] =	sst s0  }
0x9: {  	[smem:$0x3FAD] =	sst s1  }
0xa: {  	[smem:$0x3FAE] =	sst s2  }
0xb: {  	[smem:$0x3FAF] =	sst s3  }
0xc: {  	[smem:$0x3FB0] =	sst s4  }
0xd: {  	[smem:$0x3FB1] =	sst s5  }
0xe: {  	[smem:$0x3FB2] =	sst s6  }
0xf: {  	[smem:$0x3FB3] =	sst s7  }
0x10: {  	[smem:$0x3FB4] =	sst s8  }
0x11: {  	[smem:$0x3FB5] =	sst s9;
	s0 =	simm.s32 @!p0 $0x0  }
0x12: {  	s1 =	sld [smem:$0x3F9B];
	s0 =	simm.s32 @p0 $0x1  }
0x13: {  	[smem:$0x3FB6] =	sst s0;
	s0 =	simm.s32 @!p1 $0x0  }
0x14: {  	s2 =	sld [smem:$0x3F9A];
	s0 =	simm.s32 @p1 $0x1  }
0x15: {  	[smem:$0x3FB7] =	sst s0;
	s0 =	simm.s32 @!p2 $0x0  }
0x16: {  	s3 =	sld [smem:$0x3FDB];
	s0 =	simm.s32 @p2 $0x1  }
0x17: {  	s4 =	simm.s32 $0x1BF5;
	[smem:$0x3FB9] =	sst s0  }
0x18: {  	s0 =	sld [smem:$0x3F9C];
	_ =	swait.ge [sflag:s4], $0x0  }
0x19: {  	s7 =	sld [smem:$0x3F9D]  }
0x1a: {  	s8 =	sadd.s32 $0xFFFFE003, lr  }
0x1b: {  	s9 =	sadd.s32 $0xFFFFFEF7, lr;
	s5 =	simm.s32 $0xFFFFFFFF;
	p2 =	slt.u32 s8, $0xFFFFF086  }
0x1c: {  	p1 =	slt.u32 s9, $0xF7A;
	s5 =	simm.s32 @!p2 $0x0  }
0x1d: {  	s5 =	simm.s32 @p1 $0x1;
	p0 =	seq.s32 s7, s2  }
0x1e: {  	s7 =	smul.u32 @!p0 $0xF7A, s2;
	p2 =	seq.s32 @!p0 s5, $0x0  }
0x1f: {  	s9 =	smul.u32 $0xF7A, s1;
	s8 =	simm.s32 @!p0 $0x1BF5;
	p2 =	por !p2, p0  }
0x20: {  	[sflag:s8] =	ssyncset.s32 @!p0 $0xFFFFF086;
	s6 =	sadd.s32 @!p0 s3, s7;
	s7 =	simm.s32 @!p0 $0x108  }
0x21: {  	s3 =	sadd.s32 s3, s9;
	s6 =	sadd.s32 @!p0 $0x88, s6;
	s7 =	simm.s32 @p2 $0x1082  }
0x22: {  	[simem:s7], [sflag:s8] =	dma.local @!p0 [hbm:s6], $0xF7A  }
0x23: {  	s9 =	sor.u32 $0xD0000000, s2;
	s6 =	simm.s32 $0x108;
	_ =	swait.ge @!p0 [sflag:s8], $0x0  }
0x24: {  	s3 =	sadd.s32 $0x88, s3;
	s6 =	simm.s32 @!p1 $0x1082;
	[sflag:s4] =	ssyncset.s32 $0xFFFFF086  }
0x25: {  	[simem:s6], [sflag:s4] =	dma.local [hbm:s3], $0xF7A  }
0x26: {  	[smem:$0x3F9D] =	sst s1;
	(tag) =	ssettag s2;
	_ =	strace s9  }
0x27: {  	s1 =	sld [smem:$0x3FAD]  }
0x28: {  	s2 =	sld [smem:$0x3FAE]  }
0x29: {  	s4 =	sld [smem:$0x3FB0]  }
0x2a: {  	p0 =	seq.s32 s5, $0x0;
	s5 =	sld [smem:$0x3FB1]  }
0x2b: {  	s6 =	sld [smem:$0x3FB2]  }
0x2c: {  	s7 =	sld [smem:$0x3FB3]  }
0x2d: {  	s3 =	simm.s32 $0x108;
	s8 =	sld [smem:$0x3FB4]  }
0x2e: {  	s3 =	simm.s32 @!p0 $0x1082;
	s9 =	sld [smem:$0x3FB5]  }
0x2f: {  	lr =	sadd.s32 s0, s3;
	s0 =	sld [smem:$0x3FAC]  }
0x30: {  	s3 =	sld [smem:$0x3FAF]  }
0x31: {  	[smem:$0x3FB8] =	sst s10  }
0x32: {  	s10 =	sld [smem:$0x3FB6];
	_ =	sdelay $0x3  }
0x33: {  	p0 =	seq.s32 s10, $0x1;
	s10 =	sld [smem:$0x3FB8];
	_ =	sdelay $0x3  }
0x34: {  	[smem:$0x3FB8] =	sst s10  }
0x35: {  	s10 =	sld [smem:$0x3FB7];
	_ =	sdelay $0x3  }
0x36: {  	p1 =	seq.s32 s10, $0x1;
	s10 =	sld [smem:$0x3FB8];
	_ =	sdelay $0x3  }
0x37: {  	[smem:$0x3FB8] =	sst s10  }
0x38: {  	s10 =	sld [smem:$0x3FB9]  }
0x39: {  	_ = 	snop;
	(pc) =	sbr.ind lr, $3  }
0x3a: {  	_ = 	snop  }
0x3b: {  	_ = 	snop  }
0x3c: {  	p2 =	seq.s32 s10, $0x1;
	s10 =	sld [smem:$0x3FB8]  }
0x3d: {  	_ =	shalt  }
0x3e: {  	_ =	shalt  }
0x3f: {  	_ =	shalt  }
0x40: {  	_ =	shalt  }
0x41: {  	_ =	shalt  }
0x42: {  	_ =	shalt  }
0x43: {  	_ =	shalt  }
0x44: {  	_ =	shalt  }
0x45: {  	_ =	shalt  }
0x46: {  	_ =	shalt  }
0x47: {  	_ =	shalt  }
0x48: {  	_ =	shalt  }
0x49: {  	_ =	shalt  }
0x4a: {  	_ =	shalt  }
0x4b: {  	_ =	shalt  }
0x4c: {  	_ =	shalt  }
0x4d: {  	_ =	shalt  }
0x4e: {  	_ =	shalt  }
0x4f: {  	_ =	shalt  }
0x50: {  	_ =	shalt  }
0x51: {  	_ =	shalt  }
0x52: {  	_ =	shalt  }
0x53: {  	_ =	shalt  }
0x54: {  	_ =	shalt  }
0x55: {  	_ =	shalt  }
0x56: {  	_ =	shalt  }
0x57: {  	_ =	shalt  }
0x58: {  	_ =	shalt  }
0x59: {  	_ =	shalt  }
0x5a: {  	_ =	shalt  }
0x5b: {  	_ =	shalt  }
0x5c: {  	_ =	shalt  }
0x5d: {  	_ =	shalt  }
0x5e: {  	_ =	shalt  }
0x5f: {  	_ =	shalt  }
0x60: {  	_ =	shalt  }
0x61: {  	_ =	shalt  }
0x62: {  	_ =	shalt  }
0x63: {  	_ =	shalt  }
0x64: {  	_ =	shalt  }
0x65: {  	_ =	shalt  }
0x66: {  	_ =	shalt  }
0x67: {  	_ =	shalt  }
0x68: {  	_ =	shalt  }
0x69: {  	_ =	shalt  }
0x6a: {  	_ =	shalt  }
0x6b: {  	_ =	shalt  }
0x6c: {  	_ =	shalt  }
0x6d: {  	_ =	shalt  }
0x6e: {  	_ =	shalt  }
0x6f: {  	_ =	shalt  }
0x70: {  	_ =	shalt  }
0x71: {  	_ =	shalt  }
0x72: {  	_ =	shalt  }
0x73: {  	_ =	shalt  }
0x74: {  	_ =	shalt  }
0x75: {  	_ =	shalt  }
0x76: {  	_ =	shalt  }
0x77: {  	_ =	shalt  }
0x78: {  	_ =	shalt  }
0x79: {  	_ =	shalt  }
0x7a: {  	_ =	shalt  }
0x7b: {  	_ =	shalt  }
0x7c: {  	_ =	shalt  }
0x7d: {  	_ =	shalt  }
0x7e: {  	_ =	shalt  }
0x7f: {  	_ =	shalt  }
0x80: {  	_ =	shalt  }
0x81: {  	_ =	shalt  }
0x82: {  	_ =	shalt  }
0x83: {  	_ =	shalt  }
0x84: {  	_ =	shalt  }
0x85: {  	_ =	shalt  }
0x86: {  	_ =	shalt  }
0x87: {  	_ =	shalt  }
.Lfunc_end0:
.L_simem_size_0:
called_computation.4_lowered:
.L_overlay_start_0:
0x88: {  	s2 =	sld [smem:$0x3FD9]  }
0x89: {  	s3 =	sld [smem:$0x3FFE];
	_ =	sdelay $0x1  }
0x8a: {  	s1 =	srdreg.scid  }
0x8b: {  	s0 =	sand.u32 $0x1, s1  }
0x8c: {  	s17 =	sshll.u32 s0, $0xA;
	s2 =	sadd.s32 s3, s2  }
0x8d: {  	s2 =	sadd.s32 s2, s17  }
0x8e: {  	[smem:$0x3FC4] =	sst s2  }
0x8f: {  	_ = 	snop  }
0x90: {  	s2 =	sld [smem:$0x3FD0];
	(tm) =	ssettm $0x1  }
0x91: {  	s18 =	sld [smem:$0x3FFB];
	_ =	sdelay $0x3  }
0x92: {  	_ =	strace s18  }
0x93: {  	s3 =	sld [smem:$0x3FFC];
	_ =	sdelay $0x3  }
0x94: {  	_ =	strace s3  }
0x95: {  	s3 =	sld [smem:$0x3FFD];
	_ =	sdelay $0x3  }
0x96: {  	_ =	strace s3  }
0x97: {  	_ =	strace $0x8FFFFFFF  }
0x98: {  	s19 =	sld [smem:$0x3FDB];
	_ =	sdelay $0x1  }
0x99: {  	s4 =	simm.s32 $_scs_section_size  }
0x9a: {  	s5 =	simm.s32 $_size__tile_overlayer_lowered;
	s6 =	simm.s32 $_tile_overlayer_lowered  }
0x9b: {  	s22 =	simm.s32 $0x1BFF;
	s21 =	sshll.u32 s6, $0x1;
	s3 =	sadd.s32 s4, s19  }
0x9c: {  	s7 =	simm.s32 $0x0;
	s20 =	sshll.u32 s5, $0x1;
	s5 =	sadd.s32 s21, s3  }
0x9d: {  	[timem:s7], [sflag:s22] =	dma.local [hbm:s5], s20  }
0x9e: {  	_ =	swait.ge [sflag:s22], s20  }
0x9f: {  	s4 =	ssub.s32 $0x0, s20;
	[sflag:s22] =	ssyncset.done $0x0  }
0xa0: {  	[sflag:s22] =	ssyncadd.s32 s4;
	_ =	sdelay $0x1  }
0xa1: {  	s23 =	simm.s32 $0x1B8B  }
0xa2: {  	_ =	swait.ge [sflag:s23], $0x1  }
0xa3: {  	[sflag:s23] =	ssyncset.done $0x0  }
0xa4: {  	s25 =	simm.s32 $0x1B8E;
	s24 =	sld [smem:$0x3FFE];
	[sflag:s23] =	ssyncadd.s32 $0xFFFFFFFF  }
0xa5: {  	s26 =	simm.s32 $execute0_lowered;
	[smem:$0x3FD2] =	sst s25  }
0xa6: {  	s5 =	sshll.u32 s26, $0x1;
	_ =	strace $0x80000056;
	[dreg:$0x1] =	wrdreg $0xFFFFFFFF  }
0xa7: {  	s28 =	simm.s32 $_size_execute0_lowered;
	s3 =	sadd.s32 s3, s5;
	[dreg:$0x0] =	wrdreg $0x0  }
0xa8: {  	s5 =	sshll.u32 s28, $0x1;
	[dreg:$0x2] =	wrdreg s3  }
0xa9: {  	[dreg:$0x3] =	wrdreg s5  }
0xaa: {  	[dreg:$0x4] =	wrdreg $0xC0  }
0xab: {  	_ =	task [dreg:s7], $0x5FFFF  }
0xac: {  	[dreg:$0x1] =	wrdreg $0xFFFFFFFF  }
0xad: {  	[dreg:$0x0] =	wrdreg $0x60  }
0xae: {  	[dreg:$0x2] =	wrdreg s2  }
0xaf: {  	[dreg:$0x3] =	wrdreg s24  }
0xb0: {  	[dreg:$0x4] =	wrdreg $0xC6000  }
0xb1: {  	[dreg:$0x5] =	wrdreg $0x9  }
0xb2: {  	_ =	task.clear_ibuf [dreg:s7], $0x6FFFF;
	_ =	strace $0x90000056  }
0xb3: {  	s29 =	simm.s32 $0x9;
	_ =	strace $0x8000005C  }
0xb4: {  	_ =	swait.ge [sflag:s29], $0x1  }
0xb5: {  	[sflag:s29] =	ssyncadd.s32 $0xFFFFFFFF  }
0xb6: {  	_ =	strace $0x9000005C  }
0xb7: {  	_ =	sfence  }
0xb8: {  	s30 =	sld [smem:$0x0];
	_ =	sdelay $0x2  }
0xb9: {  	s31 =	sshll.u32 s1, $0xD;
	s1 =	sshrl.u32 s1, $0x2  }
0xba: {  	s3 =	sand.u32 $0x4000, s31;
	s1 =	sadd.s32 s1, s30  }
0xbb: {  	s0 =	sor.u32 s3, s0;
	s1 =	sshll.u32 s1, $0x11  }
0xbc: {  	s0 =	sor.u32 s1, s0  }
0xbd: {  	s0 =	sadd.s32 $0x8F2B, s0  }
0xbe: {  	[sflag:s0] =	ssyncadd.remote.s32 $0x1  }
0xbf: {  	_ =	sfence.sel $0xFFFF  }
0xc0: {  	[dreg:$0x0] =	wrdreg $0xFFFFFFFF;
	(pc) =	sbr.abs _section_cstart, $3  }
0xc1: {  	[dreg:$0x1] =	wrdreg $0xFFFFFFFF  }
0xc2: {  	_ =	task.clear_ibuf [dreg:s7], $0x2FFFF;
	_ =	strace $0x9FFFFFFF  }
0xc3: {  	(tm) =	ssettm $0x7FFFFFFF  }
tec
execute0_lowered:
.L_overlay_start_1:
0x0: {  	(tag) =	ssettag $0x1  }
0x1: {  	s1 =	rddreg [dreg:$0x0]  }
0x2: {  	s0 =	srdreg.scid;
	s2 =	rddreg [dreg:$0x1]  }
0x3: {  	s16 =	stileid.u32;
	s3 =	rddreg [dreg:$0x2];
	s6 =	simm.s32 $0x0  }
0x4: {  	s17 =	simm.s32 $0x4E00;
	s18 =	simm.s32 $0x5;
	s19 =	simm.s32 $0x1  }
0x5: {  	s20 =	simm.s32 $0x2;
	s21 =	simm.s32 $0x80;
	s28 =	simm.s32 $0x9E00  }
0x6: {  	s29 =	simm.s32 $0xB200;
	s30 =	simm.s32 $0x3;
	s31 =	simm.s32 $0x4  }
0x7: {  	s0 =	sand.u32 $0x1, s0;
	s10 =	smul.u32 $0x61A8, s16;
	s5 =	sshll.u32 s16, $0x1  }
0x8: {  	[smem:$0x7FF] =	sst s6;
	s7 =	sadd.s32 $0x2800, s2;
	s11 =	smul.u32 $0x186A0, s16  }
0x9: {  	p0 =	sgt.u32 s16, $0x1;
	s4 =	smul.u32 $0x61A80, s0;
	s5 =	sor.u32 s0, s5  }
0xa: {  	_ =	strace $0x80000057;
	s0 =	ssub.s32 $0x2, s0;
	s22 =	smul.u32 $0x2700, s5  }
0xb: {  	s23 =	sshrl.u32 s0, $0x1;
	s8 =	sshll.u32 s5, $0x4;
	s25 =	sshrl.u32 s11, $0x2  }
0xc: {  	s26 =	sadd.s32 s10, s3;
	s4 =	sadd.s32 s10, s4;
	s8 =	sadd.s32 s8, s7  }
0xd: {  	s0 =	ssub.s32 s0, s23;
	s11 =	sadd.s32 s25, s3;
	s25 =	sshrl.u32 s26, $0x3  }
0xe: {  	s26 =	simm.s32 $0x8A00;
	s4 =	sshrl.u32 s4, $0x3;
	s6 =	sshrl.u32 s22, $0x3  }
0xf: {  	s10 =	smax.u32 s0, $0x1;
	s12 =	sadd.s32 $0x1388, s11;
	s13 =	sadd.s32 $0x2710, s11  }
0x10: {  	s14 =	sadd.s32 $0x3A98, s11;
	s15 =	sadd.s32 $0x4E20, s11;
	s22 =	simm.s32 $0x6200  }
0x11: {  	s2 =	sadd.s32 s4, s2;
	s5 =	sadd.s32 s7, s6;
	s7 =	sadd.s32 $0x9C00, s8  }
0x12: {  	s8 =	sadd.s32 $0x13840, s8;
	s24 =	sadd.s32 $0x9C40, s5;
	s9 =	sadd.s32 $0x2D000, s2  }
0x13: {  	v0 =	vimm.f32 $0.0e+00;
	s2 =	simm.s32 $0x0;
	[dreg:$0x4] =	wrdreg s24;
	s24 =	simm.s32 $0x7600  }
.LBB2_1:
0x14: {  	_ =	strace $0x80000058;
	s0 =	simm.s32 $0x0  }
0x15: {  	[tilespmem:s0], [sflag:$0x1] =	stream.linear.gather [hbm4b:s5+s0], $0x2700, $0x200038;
	[tilespmem:$0x127A8] =	vst v63  }
0x16: {  	s6 =	simm.s32 $0x2700;
	s16 =	simm.s32 $0x0;
	s4 =	rddreg [dreg:$0x4]  }
0x17: {  	[tilespmem:s6], [sflag:$0x2] =	stream.linear.gather [hbm4b:s4+s0], $0x2700, $0x200038;
	[tilespmem:$0x127A8] =	vst v63  }
0x18: {  	s0 =	simm.s32 $0xA0;
	_ =	strace $0x90000058;
	[tilespmem:s16+$0x4E10] =	vst v0  }
.LBB2_2:
0x19: {  	p1 =	sne.s32 s0, $0x4F60;
	[tilespmem:s16+$0x4E18] =	vst v0;
	s4 =	smov.u32 s0;
	s0 =	sadd.s32 $0xA0, s0  }
.Ltmp0:
0x1a: {  	[tilespmem:s16+$0x4E00] =	vst v0;
	(pc) =	sbr.rel @p1 .LBB2_2-.Ltmp0, $3  }
0x1b: {  	_ =	sdelay $0x1  }
0x1c: {  	s16 =	sshra.s32 s4, $0x2  }
0x1d: {  	[tilespmem:s16+$0x4E10] =	vst v0  }
0x1e: {  	[tilespmem:s16+$0x4E18] =	vst v0  }
0x1f: {  	[tilespmem:s16+$0x4E00] =	vst v0  }
0x20: {  	_ =	strace $0x80000059  }
0x21: {  	[spmem:s11] =	stream.linear.scatter [tilespmem:s17], [sflag:$0x5], $0x1388, $0x200038;
	[tilespmem:$0x127A8] =	vst v63  }
0x22: {  	_ =	swait.ge [sflag:s18], $0x1388  }
0x23: {  	[sflag:s18] =	ssyncset.done $0x0  }
0x24: {  	[sflag:s18] =	ssyncadd.s32 $0xFFFFEC78  }
0x25: {  	[spmem:s12] =	stream.linear.scatter [tilespmem:s17], [sflag:$0x5], $0x1388, $0x200038;
	[tilespmem:$0x127A8] =	vst v63  }
0x26: {  	_ =	swait.ge [sflag:s18], $0x1388  }
0x27: {  	[sflag:s18] =	ssyncset.done $0x0  }
0x28: {  	[sflag:s18] =	ssyncadd.s32 $0xFFFFEC78  }
0x29: {  	[spmem:s13] =	stream.linear.scatter [tilespmem:s17], [sflag:$0x5], $0x1388, $0x200038;
	[tilespmem:$0x127A8] =	vst v63  }
0x2a: {  	_ =	swait.ge [sflag:s18], $0x1388  }
0x2b: {  	[sflag:s18] =	ssyncset.done $0x0  }
0x2c: {  	[sflag:s18] =	ssyncadd.s32 $0xFFFFEC78  }
0x2d: {  	[spmem:s14] =	stream.linear.scatter [tilespmem:s17], [sflag:$0x5], $0x1388, $0x200038;
	[tilespmem:$0x127A8] =	vst v63  }
0x2e: {  	_ =	swait.ge [sflag:s18], $0x1388  }
0x2f: {  	[sflag:s18] =	ssyncset.done $0x0  }
0x30: {  	[sflag:s18] =	ssyncadd.s32 $0xFFFFEC78  }
0x31: {  	[spmem:s15] =	stream.linear.scatter [tilespmem:s17], [sflag:$0x5], $0x1388, $0x200038;
	[tilespmem:$0x127A8] =	vst v63  }
0x32: {  	_ =	swait.ge [sflag:s18], $0x1388  }
0x33: {  	[sflag:s18] =	ssyncset.done $0x0  }
0x34: {  	[sflag:s18] =	ssyncadd.s32 $0xFFFFEC78  }
0x35: {  	_ =	strace $0x90000059  }
0x36: {  	_ =	swait.ge [sflag:s19], $0x2700  }
0x37: {  	[sflag:s19] =	ssyncset.done $0x0  }
0x38: {  	[sflag:s19] =	ssyncadd.s32 $0xFFFFD900  }
0x39: {  	_ =	swait.ge [sflag:s20], $0x2700  }
0x3a: {  	[sflag:s20] =	ssyncset.done $0x0  }
0x3b: {  	s0 =	simm.s32 $0x0;
	[sflag:s20] =	ssyncadd.s32 $0xFFFFD900  }
0x3c: {  	[tilespmem:s17], [sflag:$0x1] =	stream.indirect.gather [hbm4b:s1+s21], $0x28, s0, s21, $0xb8;
	[tilespmem:$0x127A8] =	vst v63  }
0x3d: {  	_ = 	snop  }
0x3e: {  	[tilespmem:s22], [sflag:$0x1] =	stream.indirect.gather [hbm4b:s1+s21], $0x28, s21, s21, $0xb8;
	[tilespmem:$0x127A8] =	vst v63  }
0x3f: {  	s23 =	simm.s32 $0x100  }
0x40: {  	[tilespmem:s24], [sflag:$0x1] =	stream.indirect.gather [hbm4b:s1+s21], $0x28, s23, s21, $0xb8;
	[tilespmem:$0x127A8] =	vst v63  }
0x41: {  	[bflag:$0x0] =	sbarrier.arrive $0xFFFF  }
0x42: {  	s4 =	simm.s32 $0x180;
	_ =	strace $0x8000005A  }
0x43: {  	[tilespmem:s26], [sflag:$0x2] =	stream.indirect.gather [hbm4b:s1+s21], $0x28, s4, s21, $0x2000b8;
	[tilespmem:$0x127A8] =	vst v63  }
0x44: {  	s6 =	simm.s32 $0x200  }
0x45: {  	[tilespmem:s28], [sflag:$0x2] =	stream.indirect.gather [hbm4b:s1+s21], $0x28, s6, s21, $0x2000b8;
	[tilespmem:$0x127A8] =	vst v63  }
0x46: {  	s16 =	simm.s32 $0x280  }
0x47: {  	[tilespmem:s29], [sflag:$0x2] =	stream.indirect.gather [hbm4b:s1+s21], $0x28, s16, s21, $0x2000b8;
	[tilespmem:$0x127A8] =	vst v63  }
0x48: {  	_ =	swait.ge [sflag:s19], $0x1400  }
0x49: {  	[sflag:s19] =	ssyncset.done $0x0  }
0x4a: {  	[sflag:s19] =	ssyncadd.s32 $0xFFFFEC00  }
0x4b: {  	_ =	swait.ge [sflag:s19], $0x1400  }
0x4c: {  	[sflag:s19] =	ssyncset.done $0x0  }
0x4d: {  	[sflag:s19] =	ssyncadd.s32 $0xFFFFEC00  }
0x4e: {  	_ =	swait.ge [sflag:s19], $0x1400  }
0x4f: {  	[sflag:s19] =	ssyncset.done $0x0  }
0x50: {  	s23 =	simm.s32 $0x2700;
	[sflag:s19] =	ssyncadd.s32 $0xFFFFEC00  }
0x51: {  	[spmem:s3] =	stream.indirect.scatter.add.f32 [tilespmem:s17], [sflag:$0x3], $0x28, s23, s21, $0x2000b8;
	[tilespmem:$0x127A8] =	vst v63  }
0x52: {  	s4 =	simm.s32 $0x2780  }
0x53: {  	[spmem:s3] =	stream.indirect.scatter.add.f32 [tilespmem:s22], [sflag:$0x3], $0x28, s4, s21, $0x2000b8;
	[tilespmem:$0x127A8] =	vst v63  }
0x54: {  	s6 =	simm.s32 $0x2800  }
0x55: {  	[spmem:s3] =	stream.indirect.scatter.add.f32 [tilespmem:s24], [sflag:$0x3], $0x28, s6, s21, $0x2000b8;
	[tilespmem:$0x127A8] =	vst v63  }
0x56: {  	_ =	swait.ge [sflag:s30], $0x1400  }
0x57: {  	[sflag:s30] =	ssyncset.done $0x0  }
0x58: {  	[sflag:s30] =	ssyncadd.s32 $0xFFFFEC00  }
0x59: {  	_ =	swait.ge [sflag:s30], $0x1400  }
0x5a: {  	[sflag:s30] =	ssyncset.done $0x0  }
0x5b: {  	[sflag:s30] =	ssyncadd.s32 $0xFFFFEC00  }
0x5c: {  	_ =	swait.ge [sflag:s30], $0x1400  }
0x5d: {  	[sflag:s30] =	ssyncset.done $0x0  }
0x5e: {  	s16 =	simm.s32 $0x300;
	[sflag:s30] =	ssyncadd.s32 $0xFFFFEC00  }
0x5f: {  	[tilespmem:s17], [sflag:$0x1] =	stream.indirect.gather [hbm4b:s1+s21], $0x28, s16, s21, $0x2000b8;
	[tilespmem:$0x127A8] =	vst v63  }
0x60: {  	s23 =	simm.s32 $0x380  }
0x61: {  	[tilespmem:s22], [sflag:$0x1] =	stream.indirect.gather [hbm4b:s1+s21], $0x28, s23, s21, $0x2000b8;
	[tilespmem:$0x127A8] =	vst v63  }
0x62: {  	s4 =	simm.s32 $0x400  }
0x63: {  	[tilespmem:s24], [sflag:$0x1] =	stream.indirect.gather [hbm4b:s1+s21], $0x28, s4, s21, $0x2000b8;
	[tilespmem:$0x127A8] =	vst v63  }
0x64: {  	_ =	swait.ge [sflag:s20], $0x1400  }
0x65: {  	[sflag:s20] =	ssyncset.done $0x0  }
0x66: {  	[sflag:s20] =	ssyncadd.s32 $0xFFFFEC00  }
0x67: {  	_ =	swait.ge [sflag:s20], $0x1400  }
0x68: {  	[sflag:s20] =	ssyncset.done $0x0  }
0x69: {  	[sflag:s20] =	ssyncadd.s32 $0xFFFFEC00  }
0x6a: {  	_ =	swait.ge [sflag:s20], $0x1400  }
0x6b: {  	[sflag:s20] =	ssyncset.done $0x0  }
0x6c: {  	s6 =	simm.s32 $0x2880;
	[sflag:s20] =	ssyncadd.s32 $0xFFFFEC00  }
0x6d: {  	[spmem:s3] =	stream.indirect.scatter.add.f32 [tilespmem:s26], [sflag:$0x4], $0x28, s6, s21, $0x2000b8;
	[tilespmem:$0x127A8] =	vst v63  }
0x6e: {  	s16 =	simm.s32 $0x2900  }
0x6f: {  	[spmem:s3] =	stream.indirect.scatter.add.f32 [tilespmem:s28], [sflag:$0x4], $0x28, s16, s21, $0x2000b8;
	[tilespmem:$0x127A8] =	vst v63  }
0x70: {  	s23 =	simm.s32 $0x2980  }
0x71: {  	[spmem:s3] =	stream.indirect.scatter.add.f32 [tilespmem:s29], [sflag:$0x4], $0x28, s23, s21, $0x2000b8;
	[tilespmem:$0x127A8] =	vst v63  }
0x72: {  	_ =	swait.ge [sflag:s31], $0x1400  }
0x73: {  	[sflag:s31] =	ssyncset.done $0x0  }
0x74: {  	[sflag:s31] =	ssyncadd.s32 $0xFFFFEC00  }
0x75: {  	_ =	swait.ge [sflag:s31], $0x1400  }
0x76: {  	[sflag:s31] =	ssyncset.done $0x0  }
0x77: {  	[sflag:s31] =	ssyncadd.s32 $0xFFFFEC00  }
0x78: {  	_ =	swait.ge [sflag:s31], $0x1400  }
0x79: {  	s0 =	simm.s32 $0x1800;
	s16 =	simm.s32 $0x300;
	[sflag:s31] =	ssyncset.done $0x0  }
.LBB2_4:
0x7a: {  	s6 =	sadd.s32 $0x180, s16  }
0x7b: {  	[sflag:s31] =	ssyncadd.s32 $0xFFFFEC00;
	s23 =	smov.u32 s0;
	s4 =	sadd.s32 $0xC00, s0  }
0x7c: {  	[tilespmem:s26], [sflag:$0x2] =	stream.indirect.gather [hbm4b:s1+s21], $0x28, s6, s21, $0x2000b8;
	[tilespmem:$0x127A8] =	vst v63  }
0x7d: {  	p1 =	sne.s32 s0, $0x8400;
	s0 =	sadd.s32 $0x200, s16  }
0x7e: {  	[tilespmem:s28], [sflag:$0x2] =	stream.indirect.gather [hbm4b:s1+s21], $0x28, s0, s21, $0x2000b8;
	[tilespmem:$0x127A8] =	vst v63  }
0x7f: {  	s0 =	sadd.s32 $0x280, s16  }
0x80: {  	[tilespmem:s29], [sflag:$0x2] =	stream.indirect.gather [hbm4b:s1+s21], $0x28, s0, s21, $0x2000b8;
	[tilespmem:$0x127A8] =	vst v63  }
0x81: {  	_ =	swait.ge [sflag:s19], $0x1400  }
0x82: {  	[sflag:s19] =	ssyncset.done $0x0  }
0x83: {  	[sflag:s19] =	ssyncadd.s32 $0xFFFFEC00  }
0x84: {  	_ =	swait.ge [sflag:s19], $0x1400  }
0x85: {  	[sflag:s19] =	ssyncset.done $0x0  }
0x86: {  	[sflag:s19] =	ssyncadd.s32 $0xFFFFEC00  }
0x87: {  	_ =	swait.ge [sflag:s19], $0x1400  }
0x88: {  	[sflag:s19] =	ssyncset.done $0x0  }
0x89: {  	s0 =	sadd.s32 $0x2700, s16;
	[sflag:s19] =	ssyncadd.s32 $0xFFFFEC00  }
0x8a: {  	[spmem:s3] =	stream.indirect.scatter.add.f32 [tilespmem:s17], [sflag:$0x3], $0x28, s0, s21, $0x2000b8;
	[tilespmem:$0x127A8] =	vst v63  }
0x8b: {  	s0 =	sadd.s32 $0x2780, s16  }
0x8c: {  	[spmem:s3] =	stream.indirect.scatter.add.f32 [tilespmem:s22], [sflag:$0x3], $0x28, s0, s21, $0x2000b8;
	[tilespmem:$0x127A8] =	vst v63  }
0x8d: {  	s0 =	sadd.s32 $0x2800, s16  }
0x8e: {  	[spmem:s3] =	stream.indirect.scatter.add.f32 [tilespmem:s24], [sflag:$0x3], $0x28, s0, s21, $0x2000b8;
	[tilespmem:$0x127A8] =	vst v63  }
0x8f: {  	_ =	swait.ge [sflag:s30], $0x1400  }
0x90: {  	[sflag:s30] =	ssyncset.done $0x0  }
0x91: {  	[sflag:s30] =	ssyncadd.s32 $0xFFFFEC00  }
0x92: {  	_ =	swait.ge [sflag:s30], $0x1400  }
0x93: {  	[sflag:s30] =	ssyncset.done $0x0  }
0x94: {  	[sflag:s30] =	ssyncadd.s32 $0xFFFFEC00  }
0x95: {  	_ =	swait.ge [sflag:s30], $0x1400  }
0x96: {  	[sflag:s30] =	ssyncset.done $0x0  }
0x97: {  	s0 =	sadd.s32 $0x300, s16;
	[sflag:s30] =	ssyncadd.s32 $0xFFFFEC00  }
0x98: {  	[tilespmem:s17], [sflag:$0x1] =	stream.indirect.gather [hbm4b:s1+s21], $0x28, s0, s21, $0x2000b8;
	[tilespmem:$0x127A8] =	vst v63  }
0x99: {  	s0 =	sadd.s32 $0x380, s16  }
0x9a: {  	[tilespmem:s22], [sflag:$0x1] =	stream.indirect.gather [hbm4b:s1+s21], $0x28, s0, s21, $0x2000b8;
	[tilespmem:$0x127A8] =	vst v63  }
0x9b: {  	s0 =	sadd.s32 $0x400, s16  }
0x9c: {  	[tilespmem:s24], [sflag:$0x1] =	stream.indirect.gather [hbm4b:s1+s21], $0x28, s0, s21, $0x2000b8;
	[tilespmem:$0x127A8] =	vst v63  }
0x9d: {  	_ =	swait.ge [sflag:s20], $0x1400  }
0x9e: {  	[sflag:s20] =	ssyncset.done $0x0  }
0x9f: {  	[sflag:s20] =	ssyncadd.s32 $0xFFFFEC00  }
0xa0: {  	_ =	swait.ge [sflag:s20], $0x1400  }
0xa1: {  	[sflag:s20] =	ssyncset.done $0x0  }
0xa2: {  	[sflag:s20] =	ssyncadd.s32 $0xFFFFEC00  }
0xa3: {  	_ =	swait.ge [sflag:s20], $0x1400  }
0xa4: {  	[sflag:s20] =	ssyncset.done $0x0  }
0xa5: {  	s0 =	sadd.s32 $0x2880, s16;
	[sflag:s20] =	ssyncadd.s32 $0xFFFFEC00  }
0xa6: {  	[spmem:s3] =	stream.indirect.scatter.add.f32 [tilespmem:s26], [sflag:$0x4], $0x28, s0, s21, $0x2000b8;
	[tilespmem:$0x127A8] =	vst v63  }
0xa7: {  	s0 =	sadd.s32 $0x2900, s16  }
0xa8: {  	[spmem:s3] =	stream.indirect.scatter.add.f32 [tilespmem:s28], [sflag:$0x4], $0x28, s0, s21, $0x2000b8;
	[tilespmem:$0x127A8] =	vst v63  }
0xa9: {  	s0 =	sadd.s32 $0x2980, s16  }
0xaa: {  	[spmem:s3] =	stream.indirect.scatter.add.f32 [tilespmem:s29], [sflag:$0x4], $0x28, s0, s21, $0x2000b8;
	[tilespmem:$0x127A8] =	vst v63  }
0xab: {  	_ =	swait.ge [sflag:s31], $0x1400  }
0xac: {  	[sflag:s31] =	ssyncset.done $0x0  }
0xad: {  	[sflag:s31] =	ssyncadd.s32 $0xFFFFEC00  }
.Ltmp1:
0xae: {  	_ =	swait.ge [sflag:s31], $0x1400;
	(pc) =	sbr.rel @p1 .LBB2_4-.Ltmp1, $4  }
0xaf: {  	[sflag:s31] =	ssyncset.done $0x0  }
0xb0: {  	[sflag:s31] =	ssyncadd.s32 $0xFFFFEC00  }
0xb1: {  	_ =	swait.ge [sflag:s31], $0x1400  }
0xb2: {  	s16 =	sshra.s32 s23, $0x2;
	s0 =	smov.u32 s4;
	[sflag:s31] =	ssyncset.done $0x0  }
0xb3: {  	s0 =	sadd.s32 $0x180, s16;
	[sflag:s31] =	ssyncadd.s32 $0xFFFFEC00  }
0xb4: {  	[tilespmem:s26], [sflag:$0x2] =	stream.indirect.gather [hbm4b:s1+s21], $0x28, s0, s21, $0x2000b8;
	[tilespmem:$0x127A8] =	vst v63  }
0xb5: {  	s4 =	sadd.s32 $0x200, s16  }
0xb6: {  	[tilespmem:s28], [sflag:$0x2] =	stream.indirect.gather [hbm4b:s1+s21], $0x28, s4, s21, $0x2000b8;
	[tilespmem:$0x127A8] =	vst v63  }
0xb7: {  	s6 =	sadd.s32 $0x280, s16  }
0xb8: {  	[tilespmem:s29], [sflag:$0x2] =	stream.indirect.gather [hbm4b:s1+s21], $0x28, s6, s21, $0x2000b8;
	[tilespmem:$0x127A8] =	vst v63  }
0xb9: {  	_ =	swait.ge [sflag:s19], $0x1400  }
0xba: {  	[sflag:s19] =	ssyncset.done $0x0  }
0xbb: {  	[sflag:s19] =	ssyncadd.s32 $0xFFFFEC00  }
0xbc: {  	_ =	swait.ge [sflag:s19], $0x1400  }
0xbd: {  	[sflag:s19] =	ssyncset.done $0x0  }
0xbe: {  	[sflag:s19] =	ssyncadd.s32 $0xFFFFEC00  }
0xbf: {  	_ =	swait.ge [sflag:s19], $0x1400  }
0xc0: {  	[sflag:s19] =	ssyncset.done $0x0  }
0xc1: {  	s23 =	sadd.s32 $0x2700, s16;
	[sflag:s19] =	ssyncadd.s32 $0xFFFFEC00  }
0xc2: {  	[spmem:s3] =	stream.indirect.scatter.add.f32 [tilespmem:s17], [sflag:$0x3], $0x28, s23, s21, $0x2000b8;
	[tilespmem:$0x127A8] =	vst v63  }
0xc3: {  	s4 =	sadd.s32 $0x2780, s16  }
0xc4: {  	[spmem:s3] =	stream.indirect.scatter.add.f32 [tilespmem:s22], [sflag:$0x3], $0x28, s4, s21, $0x2000b8;
	[tilespmem:$0x127A8] =	vst v63  }
0xc5: {  	s6 =	sadd.s32 $0x2800, s16  }
0xc6: {  	[spmem:s3] =	stream.indirect.scatter.add.f32 [tilespmem:s24], [sflag:$0x3], $0x28, s6, s21, $0x2000b8;
	[tilespmem:$0x127A8] =	vst v63  }
0xc7: {  	_ =	swait.ge [sflag:s30], $0x1400  }
0xc8: {  	[sflag:s30] =	ssyncset.done $0x0  }
0xc9: {  	[sflag:s30] =	ssyncadd.s32 $0xFFFFEC00  }
0xca: {  	_ =	swait.ge [sflag:s30], $0x1400  }
0xcb: {  	[sflag:s30] =	ssyncset.done $0x0  }
0xcc: {  	[sflag:s30] =	ssyncadd.s32 $0xFFFFEC00  }
0xcd: {  	_ =	swait.ge [sflag:s30], $0x1400  }
0xce: {  	[sflag:s30] =	ssyncset.done $0x0  }
0xcf: {  	s23 =	sadd.s32 $0x300, s16;
	[sflag:s30] =	ssyncadd.s32 $0xFFFFEC00  }
0xd0: {  	[tilespmem:s17], [sflag:$0x1] =	stream.indirect.gather [hbm4b:s1+s21], $0x28, s23, s21, $0x2000b8;
	[tilespmem:$0x127A8] =	vst v63  }
0xd1: {  	s4 =	sadd.s32 $0x380, s16  }
0xd2: {  	[tilespmem:s22], [sflag:$0x1] =	stream.indirect.gather [hbm4b:s1+s21], $0x28, s4, s21, $0x2000b8;
	[tilespmem:$0x127A8] =	vst v63  }
0xd3: {  	s6 =	sadd.s32 $0x400, s16  }
0xd4: {  	[tilespmem:s24], [sflag:$0x1] =	stream.indirect.gather [hbm4b:s1+s21], $0x28, s6, s21, $0x2000b8;
	[tilespmem:$0x127A8] =	vst v63  }
0xd5: {  	_ =	swait.ge [sflag:s20], $0x1400  }
0xd6: {  	[sflag:s20] =	ssyncset.done $0x0  }
0xd7: {  	[sflag:s20] =	ssyncadd.s32 $0xFFFFEC00  }
0xd8: {  	_ =	swait.ge [sflag:s20], $0x1400  }
0xd9: {  	[sflag:s20] =	ssyncset.done $0x0  }
0xda: {  	[sflag:s20] =	ssyncadd.s32 $0xFFFFEC00  }
0xdb: {  	_ =	swait.ge [sflag:s20], $0x1400  }
0xdc: {  	[sflag:s20] =	ssyncset.done $0x0  }
0xdd: {  	s23 =	sadd.s32 $0x2880, s16;
	[sflag:s20] =	ssyncadd.s32 $0xFFFFEC00  }
0xde: {  	[spmem:s3] =	stream.indirect.scatter.add.f32 [tilespmem:s26], [sflag:$0x4], $0x28, s23, s21, $0x2000b8;
	[tilespmem:$0x127A8] =	vst v63  }
0xdf: {  	s4 =	sadd.s32 $0x2900, s16  }
0xe0: {  	[spmem:s3] =	stream.indirect.scatter.add.f32 [tilespmem:s28], [sflag:$0x4], $0x28, s4, s21, $0x2000b8;
	[tilespmem:$0x127A8] =	vst v63  }
0xe1: {  	s6 =	sadd.s32 $0x2980, s16  }
0xe2: {  	[spmem:s3] =	stream.indirect.scatter.add.f32 [tilespmem:s29], [sflag:$0x4], $0x28, s6, s21, $0x2000b8;
	[tilespmem:$0x127A8] =	vst v63  }
0xe3: {  	_ =	swait.ge [sflag:s31], $0x1400  }
0xe4: {  	[sflag:s31] =	ssyncset.done $0x0  }
0xe5: {  	[sflag:s31] =	ssyncadd.s32 $0xFFFFEC00  }
0xe6: {  	_ =	swait.ge [sflag:s31], $0x1400  }
0xe7: {  	[sflag:s31] =	ssyncset.done $0x0  }
0xe8: {  	[sflag:s31] =	ssyncadd.s32 $0xFFFFEC00  }
0xe9: {  	_ =	swait.ge [sflag:s31], $0x1400  }
0xea: {  	[sflag:s31] =	ssyncset.done $0x0  }
0xeb: {  	s16 =	simm.s32 $0x2580;
	[sflag:s31] =	ssyncadd.s32 $0xFFFFEC00  }
0xec: {  	[tilespmem:s26], [sflag:$0x2] =	stream.indirect.gather [hbm4b:s1+s21], $0x28, s16, s21, $0x2000b8;
	[tilespmem:$0x127A8] =	vst v63  }
0xed: {  	s23 =	simm.s32 $0x2600  }
0xee: {  	[tilespmem:s28], [sflag:$0x2] =	stream.indirect.gather [hbm4b:s1+s21], $0x28, s23, s21, $0x2000b8;
	[tilespmem:$0x127A8] =	vst v63  }
0xef: {  	s4 =	simm.s32 $0x2680  }
0xf0: {  	[tilespmem:s29], [sflag:$0x2] =	stream.indirect.gather [hbm4b:s1+s21], $0x28, s4, s21, $0x2000b8;
	[tilespmem:$0x127A8] =	vst v63  }
0xf1: {  	_ =	swait.ge [sflag:s19], $0x1400  }
0xf2: {  	[sflag:s19] =	ssyncset.done $0x0  }
0xf3: {  	[sflag:s19] =	ssyncadd.s32 $0xFFFFEC00  }
0xf4: {  	_ =	swait.ge [sflag:s19], $0x1400  }
0xf5: {  	[sflag:s19] =	ssyncset.done $0x0  }
0xf6: {  	[sflag:s19] =	ssyncadd.s32 $0xFFFFEC00  }
0xf7: {  	_ =	swait.ge [sflag:s19], $0x1400  }
0xf8: {  	[sflag:s19] =	ssyncset.done $0x0  }
0xf9: {  	s6 =	simm.s32 $0x4B00;
	[sflag:s19] =	ssyncadd.s32 $0xFFFFEC00  }
0xfa: {  	[spmem:s3] =	stream.indirect.scatter.add.f32 [tilespmem:s17], [sflag:$0x3], $0x28, s6, s21, $0x2000b8;
	[tilespmem:$0x127A8] =	vst v63  }
0xfb: {  	s16 =	simm.s32 $0x4B80  }
0xfc: {  	[spmem:s3] =	stream.indirect.scatter.add.f32 [tilespmem:s22], [sflag:$0x3], $0x28, s16, s21, $0x2000b8;
	[tilespmem:$0x127A8] =	vst v63  }
0xfd: {  	s23 =	simm.s32 $0x4C00  }
0xfe: {  	[spmem:s3] =	stream.indirect.scatter.add.f32 [tilespmem:s24], [sflag:$0x3], $0x28, s23, s21, $0x2000b8;
	[tilespmem:$0x127A8] =	vst v63  }
0xff: {  	_ =	swait.ge [sflag:s20], $0x1400  }
0x100: {  	[sflag:s20] =	ssyncset.done $0x0  }
0x101: {  	[sflag:s20] =	ssyncadd.s32 $0xFFFFEC00  }
0x102: {  	_ =	swait.ge [sflag:s20], $0x1400  }
0x103: {  	[sflag:s20] =	ssyncset.done $0x0  }
0x104: {  	[sflag:s20] =	ssyncadd.s32 $0xFFFFEC00  }
0x105: {  	_ =	swait.ge [sflag:s20], $0x1400  }
0x106: {  	[sflag:s20] =	ssyncset.done $0x0  }
0x107: {  	s4 =	simm.s32 $0x4C80;
	[sflag:s20] =	ssyncadd.s32 $0xFFFFEC00  }
0x108: {  	[spmem:s3] =	stream.indirect.scatter.add.f32 [tilespmem:s26], [sflag:$0x4], $0x28, s4, s21, $0x2000b8;
	[tilespmem:$0x127A8] =	vst v63  }
0x109: {  	s6 =	simm.s32 $0x4D00  }
0x10a: {  	[spmem:s3] =	stream.indirect.scatter.add.f32 [tilespmem:s28], [sflag:$0x4], $0x28, s6, s21, $0x2000b8;
	[tilespmem:$0x127A8] =	vst v63  }
0x10b: {  	s16 =	simm.s32 $0x4D80  }
0x10c: {  	[spmem:s3] =	stream.indirect.scatter.add.f32 [tilespmem:s29], [sflag:$0x4], $0x28, s16, s21, $0x2000b8;
	[tilespmem:$0x127A8] =	vst v63  }
0x10d: {  	_ =	swait.ge [sflag:s31], $0x1400  }
0x10e: {  	[sflag:s31] =	ssyncset.done $0x0  }
0x10f: {  	[sflag:s31] =	ssyncadd.s32 $0xFFFFEC00  }
0x110: {  	_ =	swait.ge [sflag:s31], $0x1400  }
0x111: {  	[sflag:s31] =	ssyncset.done $0x0  }
0x112: {  	[sflag:s31] =	ssyncadd.s32 $0xFFFFEC00  }
0x113: {  	_ =	swait.ge [sflag:s31], $0x1400  }
0x114: {  	[sflag:s31] =	ssyncset.done $0x0  }
0x115: {  	[sflag:s31] =	ssyncadd.s32 $0xFFFFEC00  }
0x116: {  	_ =	swait.ge [sflag:s30], $0x1400  }
0x117: {  	[sflag:s30] =	ssyncset.done $0x0  }
0x118: {  	[sflag:s30] =	ssyncadd.s32 $0xFFFFEC00  }
0x119: {  	_ =	swait.ge [sflag:s30], $0x1400  }
0x11a: {  	[sflag:s30] =	ssyncset.done $0x0  }
0x11b: {  	[sflag:s30] =	ssyncadd.s32 $0xFFFFEC00  }
0x11c: {  	_ =	swait.ge [sflag:s30], $0x1400  }
0x11d: {  	[sflag:s30] =	ssyncset.done $0x0  }
0x11e: {  	s0 =	simm.s32 @!p0 $0x0;
	s4 =	simm.s32 @!p0 $0x5;
	[sflag:s30] =	ssyncadd.s32 $0xFFFFEC00  }
0x11f: {  	[tilespmem:s0], [sflag:$0x5] =	stream.linear.gather @!p0 [hbm4b:s7+s0], $0x80, $0x200038;
	[tilespmem:$0x127A8] =	vst v63  }
0x120: {  	_ =	swait.ge @!p0 [sflag:s4], $0x80  }
0x121: {  	[sflag:s4] =	ssyncset.done @!p0 $0x0  }
0x122: {  	s6 =	simm.s32 @!p0 $0x2700;
	[sflag:s4] =	ssyncadd.s32 @!p0 $0xFFFFFF80  }
0x123: {  	[tilespmem:s6], [sflag:$0x5] =	stream.linear.gather @!p0 [hbm4b:s8+s0], $0x80, $0x200038;
	[tilespmem:$0x127A8] =	vst v63  }
0x124: {  	_ =	swait.ge @!p0 [sflag:s4], $0x80  }
0x125: {  	[sflag:s4] =	ssyncset.done @!p0 $0x0  }
0x126: {  	s16 =	simm.s32 @!p0 $0x4E00;
	[sflag:s4] =	ssyncadd.s32 @!p0 $0xFFFFFF80;
	s4 =	simm.s32 @!p0 $0x80  }
0x127: {  	[tilespmem:s16], [sflag:$0x1] =	stream.indirect.gather @!p0 [hbm4b:s1+s4], $0x28, s0, s4, $0x2000b8;
	[tilespmem:$0x127A8] =	vst v63  }
0x128: {  	s0 =	simm.s32 @!p0 $0x1  }
0x129: {  	_ =	swait.ge @!p0 [sflag:s0], $0x1400  }
0x12a: {  	[sflag:s0] =	ssyncset.done @!p0 $0x0  }
0x12b: {  	[sflag:s0] =	ssyncadd.s32 @!p0 $0xFFFFEC00;
	s0 =	simm.s32 @!p0 $0x3  }
0x12c: {  	[spmem:s3] =	stream.indirect.scatter.add.f32 @!p0 [tilespmem:s16], [sflag:$0x3], $0x28, s6, s4, $0x2000b8;
	[tilespmem:$0x127A8] =	vst v63  }
0x12d: {  	_ =	swait.ge @!p0 [sflag:s0], $0x1400  }
0x12e: {  	[sflag:s0] =	ssyncset.done @!p0 $0x0  }
0x12f: {  	[sflag:s0] =	ssyncadd.s32 @!p0 $0xFFFFEC00  }
0x130: {  	s23 =	stileid.u32;
	_ =	strace $0x9000005A  }
0x131: {  	s2 =	sadd.s32 $0x1, s2;
	s0 =	sshll.u32 s23, $0x6;
	[bflag:$0x0] =	sbarrier.arrive $0xFFFF  }
0x132: {  	p1 =	sne.s32 s2, s10;
	s0 =	sor.u32 $0x1C05, s0;
	_ =	strace $0x8000005B  }
0x133: {  	[hbm:s9], [sflag:s0] =	dma.local [spmem:s25], $0xC35  }
.Ltmp2:
0x134: {  	_ = 	snop;
	(pc) =	sbr.rel @p1 .LBB2_1-.Ltmp2, $4  }
0x135: {  	_ =	swait.ge [sflag:s18], $0xC35  }
0x136: {  	[sflag:s18] =	ssyncset.done $0x0  }
0x137: {  	[sflag:s18] =	ssyncadd.s32 $0xFFFFF3CB  }
0x138: {  	_ =	strace $0x9000005B  }
0x139: {  	_ =	sfence.sel $0x180000  }
0x13a: {  	[bflag:$0x0] =	sbarrier.arrive $0xFFFF  }
0x13b: {  	_ =	strace $0x90000057  }
0x13c: {  	s0 =	stileid.u32;
	[bflag:$0x2] =	sbarrier.arrive $0xFFFF  }
0x13d: {  	p0 =	sne.s32 s0, $0x0;
	s0 =	rddreg [dreg:$0x3]  }
0x13e: {  	s0 =	sadd.s32 @!p0 $0x100000, s0  }
0x13f: {  	[sflag:s0] =	ssyncadd.tile.s32 @!p0 $0x1;
	_ =	shalt  }
.Lfunc_end2:
_tile_overlayer_lowered:
.L_overlay_start_2:
0x140: {  	(tag) =	ssettag $0x2  }
0x141: {  	s0 =	rddreg [dreg:$0x0];
	s2 =	stileid.u32  }
0x142: {  	s1 =	rddreg [dreg:$0x1];
	p0 =	sne.s32 s2, $0x0  }
0x143: {  	s3 =	rddreg [dreg:$0x2];
	[bflag:$0x3] =	sbarrier.arrive $0xFFFF;
	s2 =	simm.s32 @!p0 $0x1C05  }
0x144: {  	[timem:s3], [sflag:s2] =	dma.local @!p0 [hbm:s0], s1  }
0x145: {  	s0 =	simm.s32 @!p0 $0x5  }
0x146: {  	_ =	swait.ge @!p0 [sflag:s0], s1  }
0x147: {  	s1 =	ssub.s32 @!p0 $0x0, s1;
	[sflag:s0] =	ssyncset.done @!p0 $0x0  }
0x148: {  	[sflag:s0] =	ssyncadd.s32 @!p0 s1  }
0x149: {  	[bflag:$0x3] =	sbarrier.arrive $0xFFFF  }
0x14a: {  	_ =	shalt  }

// kernel: kernel.9.cloned.1.call-start
scs
__scs_entry_jumppad:
0x0: {  	(pc) =	sbr.rel $0x88, $3  }
0x1: {  	(tag) =	ssettag $0x0;
	lr =	simm.s32 $0x1  }
0x2: {  	[smem:$0x3F9D] =	sst lr;
	_ =	strace $0xD0000000  }
0x3: {  	_ = 	snop  }
0x4: {  	_ = 	snop  }
0x5: {  	_ = 	snop  }
0x6: {  	_ = 	snop  }
0x7: {  	_ = 	snop  }
__scs_overlays_trampoline_lowered:
0x8: {  	[smem:$0x3FAC] =	sst s0  }
0x9: {  	[smem:$0x3FAD] =	sst s1  }
0xa: {  	[smem:$0x3FAE] =	sst s2  }
0xb: {  	[smem:$0x3FAF] =	sst s3  }
0xc: {  	[smem:$0x3FB0] =	sst s4  }
0xd: {  	[smem:$0x3FB1] =	sst s5  }
0xe: {  	[smem:$0x3FB2] =	sst s6  }
0xf: {  	[smem:$0x3FB3] =	sst s7  }
0x10: {  	[smem:$0x3FB4] =	sst s8  }
0x11: {  	[smem:$0x3FB5] =	sst s9;
	s0 =	simm.s32 @!p0 $0x0  }
0x12: {  	s1 =	sld [smem:$0x3F9B];
	s0 =	simm.s32 @p0 $0x1  }
0x13: {  	[smem:$0x3FB6] =	sst s0;
	s0 =	simm.s32 @!p1 $0x0  }
0x14: {  	s2 =	sld [smem:$0x3F9A];
	s0 =	simm.s32 @p1 $0x1  }
0x15: {  	[smem:$0x3FB7] =	sst s0;
	s0 =	simm.s32 @!p2 $0x0  }
0x16: {  	s3 =	sld [smem:$0x3FDB];
	s0 =	simm.s32 @p2 $0x1  }
0x17: {  	s4 =	simm.s32 $0x1BF5;
	[smem:$0x3FB9] =	sst s0  }
0x18: {  	s0 =	sld [smem:$0x3F9C];
	_ =	swait.ge [sflag:s4], $0x0  }
0x19: {  	s7 =	sld [smem:$0x3F9D]  }
0x1a: {  	s8 =	sadd.s32 $0xFFFFE003, lr  }
0x1b: {  	s9 =	sadd.s32 $0xFFFFFEF7, lr;
	s5 =	simm.s32 $0xFFFFFFFF;
	p2 =	slt.u32 s8, $0xFFFFF086  }
0x1c: {  	p1 =	slt.u32 s9, $0xF7A;
	s5 =	simm.s32 @!p2 $0x0  }
0x1d: {  	s5 =	simm.s32 @p1 $0x1;
	p0 =	seq.s32 s7, s2  }
0x1e: {  	s7 =	smul.u32 @!p0 $0xF7A, s2;
	p2 =	seq.s32 @!p0 s5, $0x0  }
0x1f: {  	s9 =	smul.u32 $0xF7A, s1;
	s8 =	simm.s32 @!p0 $0x1BF5;
	p2 =	por !p2, p0  }
0x20: {  	[sflag:s8] =	ssyncset.s32 @!p0 $0xFFFFF086;
	s6 =	sadd.s32 @!p0 s3, s7;
	s7 =	simm.s32 @!p0 $0x108  }
0x21: {  	s3 =	sadd.s32 s3, s9;
	s6 =	sadd.s32 @!p0 $0x88, s6;
	s7 =	simm.s32 @p2 $0x1082  }
0x22: {  	[simem:s7], [sflag:s8] =	dma.local @!p0 [hbm:s6], $0xF7A  }
0x23: {  	s9 =	sor.u32 $0xD0000000, s2;
	s6 =	simm.s32 $0x108;
	_ =	swait.ge @!p0 [sflag:s8], $0x0  }
0x24: {  	s3 =	sadd.s32 $0x88, s3;
	s6 =	simm.s32 @!p1 $0x1082;
	[sflag:s4] =	ssyncset.s32 $0xFFFFF086  }
0x25: {  	[simem:s6], [sflag:s4] =	dma.local [hbm:s3], $0xF7A  }
0x26: {  	[smem:$0x3F9D] =	sst s1;
	(tag) =	ssettag s2;
	_ =	strace s9  }
0x27: {  	s1 =	sld [smem:$0x3FAD]  }
0x28: {  	s2 =	sld [smem:$0x3FAE]  }
0x29: {  	s4 =	sld [smem:$0x3FB0]  }
0x2a: {  	p0 =	seq.s32 s5, $0x0;
	s5 =	sld [smem:$0x3FB1]  }
0x2b: {  	s6 =	sld [smem:$0x3FB2]  }
0x2c: {  	s7 =	sld [smem:$0x3FB3]  }
0x2d: {  	s3 =	simm.s32 $0x108;
	s8 =	sld [smem:$0x3FB4]  }
0x2e: {  	s3 =	simm.s32 @!p0 $0x1082;
	s9 =	sld [smem:$0x3FB5]  }
0x2f: {  	lr =	sadd.s32 s0, s3;
	s0 =	sld [smem:$0x3FAC]  }
0x30: {  	s3 =	sld [smem:$0x3FAF]  }
0x31: {  	[smem:$0x3FB8] =	sst s10  }
0x32: {  	s10 =	sld [smem:$0x3FB6];
	_ =	sdelay $0x3  }
0x33: {  	p0 =	seq.s32 s10, $0x1;
	s10 =	sld [smem:$0x3FB8];
	_ =	sdelay $0x3  }
0x34: {  	[smem:$0x3FB8] =	sst s10  }
0x35: {  	s10 =	sld [smem:$0x3FB7];
	_ =	sdelay $0x3  }
0x36: {  	p1 =	seq.s32 s10, $0x1;
	s10 =	sld [smem:$0x3FB8];
	_ =	sdelay $0x3  }
0x37: {  	[smem:$0x3FB8] =	sst s10  }
0x38: {  	s10 =	sld [smem:$0x3FB9]  }
0x39: {  	_ = 	snop;
	(pc) =	sbr.ind lr, $3  }
0x3a: {  	_ = 	snop  }
0x3b: {  	_ = 	snop  }
0x3c: {  	p2 =	seq.s32 s10, $0x1;
	s10 =	sld [smem:$0x3FB8]  }
0x3d: {  	_ =	shalt  }
0x3e: {  	_ =	shalt  }
0x3f: {  	_ =	shalt  }
0x40: {  	_ =	shalt  }
0x41: {  	_ =	shalt  }
0x42: {  	_ =	shalt  }
0x43: {  	_ =	shalt  }
0x44: {  	_ =	shalt  }
0x45: {  	_ =	shalt  }
0x46: {  	_ =	shalt  }
0x47: {  	_ =	shalt  }
0x48: {  	_ =	shalt  }
0x49: {  	_ =	shalt  }
0x4a: {  	_ =	shalt  }
0x4b: {  	_ =	shalt  }
0x4c: {  	_ =	shalt  }
0x4d: {  	_ =	shalt  }
0x4e: {  	_ =	shalt  }
0x4f: {  	_ =	shalt  }
0x50: {  	_ =	shalt  }
0x51: {  	_ =	shalt  }
0x52: {  	_ =	shalt  }
0x53: {  	_ =	shalt  }
0x54: {  	_ =	shalt  }
0x55: {  	_ =	shalt  }
0x56: {  	_ =	shalt  }
0x57: {  	_ =	shalt  }
0x58: {  	_ =	shalt  }
0x59: {  	_ =	shalt  }
0x5a: {  	_ =	shalt  }
0x5b: {  	_ =	shalt  }
0x5c: {  	_ =	shalt  }
0x5d: {  	_ =	shalt  }
0x5e: {  	_ =	shalt  }
0x5f: {  	_ =	shalt  }
0x60: {  	_ =	shalt  }
0x61: {  	_ =	shalt  }
0x62: {  	_ =	shalt  }
0x63: {  	_ =	shalt  }
0x64: {  	_ =	shalt  }
0x65: {  	_ =	shalt  }
0x66: {  	_ =	shalt  }
0x67: {  	_ =	shalt  }
0x68: {  	_ =	shalt  }
0x69: {  	_ =	shalt  }
0x6a: {  	_ =	shalt  }
0x6b: {  	_ =	shalt  }
0x6c: {  	_ =	shalt  }
0x6d: {  	_ =	shalt  }
0x6e: {  	_ =	shalt  }
0x6f: {  	_ =	shalt  }
0x70: {  	_ =	shalt  }
0x71: {  	_ =	shalt  }
0x72: {  	_ =	shalt  }
0x73: {  	_ =	shalt  }
0x74: {  	_ =	shalt  }
0x75: {  	_ =	shalt  }
0x76: {  	_ =	shalt  }
0x77: {  	_ =	shalt  }
0x78: {  	_ =	shalt  }
0x79: {  	_ =	shalt  }
0x7a: {  	_ =	shalt  }
0x7b: {  	_ =	shalt  }
0x7c: {  	_ =	shalt  }
0x7d: {  	_ =	shalt  }
0x7e: {  	_ =	shalt  }
0x7f: {  	_ =	shalt  }
0x80: {  	_ =	shalt  }
0x81: {  	_ =	shalt  }
0x82: {  	_ =	shalt  }
0x83: {  	_ =	shalt  }
0x84: {  	_ =	shalt  }
0x85: {  	_ =	shalt  }
0x86: {  	_ =	shalt  }
0x87: {  	_ =	shalt  }
.Lfunc_end0:
.L_simem_size_0:
called_computation_lowered:
.L_overlay_start_0:
0x88: {  	s2 =	sld [smem:$0x3FD9]  }
0x89: {  	s3 =	sld [smem:$0x3FFE];
	_ =	sdelay $0x1  }
0x8a: {  	s1 =	srdreg.scid  }
0x8b: {  	s0 =	sand.u32 $0x1, s1  }
0x8c: {  	s16 =	sshll.u32 s0, $0xA;
	s2 =	sadd.s32 s3, s2  }
0x8d: {  	s2 =	sadd.s32 s2, s16  }
0x8e: {  	[smem:$0x3FC4] =	sst s2  }
0x8f: {  	_ = 	snop  }
0x90: {  	(tm) =	ssettm $0x1  }
0x91: {  	s17 =	sld [smem:$0x3FFB];
	_ =	sdelay $0x3  }
0x92: {  	_ =	strace s17  }
0x93: {  	s2 =	sld [smem:$0x3FFC];
	_ =	sdelay $0x3  }
0x94: {  	_ =	strace s2  }
0x95: {  	s2 =	sld [smem:$0x3FFD];
	_ =	sdelay $0x3  }
0x96: {  	_ =	strace s2  }
0x97: {  	_ =	strace $0x8FFFFFFF  }
0x98: {  	s18 =	sld [smem:$0x3FDB];
	_ =	sdelay $0x1  }
0x99: {  	s19 =	simm.s32 $_scs_section_size  }
0x9a: {  	s4 =	simm.s32 $_size__tile_overlayer_lowered;
	s5 =	simm.s32 $_tile_overlayer_lowered  }
0x9b: {  	s22 =	simm.s32 $0x1BFF;
	s21 =	sshll.u32 s5, $0x1;
	s2 =	sadd.s32 s19, s18  }
0x9c: {  	s6 =	simm.s32 $0x0;
	s20 =	sshll.u32 s4, $0x1;
	s4 =	sadd.s32 s21, s2  }
0x9d: {  	[timem:s6], [sflag:s22] =	dma.local [hbm:s4], s20  }
0x9e: {  	_ =	swait.ge [sflag:s22], s20  }
0x9f: {  	s3 =	ssub.s32 $0x0, s20;
	[sflag:s22] =	ssyncset.done $0x0  }
0xa0: {  	[sflag:s22] =	ssyncadd.s32 s3;
	_ =	sdelay $0x1  }
0xa1: {  	s23 =	simm.s32 $0x1B8B  }
0xa2: {  	_ =	swait.ge [sflag:s23], $0x1  }
0xa3: {  	[sflag:s23] =	ssyncset.done $0x0  }
0xa4: {  	s25 =	simm.s32 $0x1B8E;
	s24 =	sld [smem:$0x3FFE];
	[sflag:s23] =	ssyncadd.s32 $0xFFFFFFFF  }
0xa5: {  	s26 =	simm.s32 $execute0_lowered;
	[smem:$0x3FD2] =	sst s25  }
0xa6: {  	s4 =	sshll.u32 s26, $0x1;
	_ =	strace $0x80000046;
	[dreg:$0x1] =	wrdreg $0xFFFFFFFF  }
0xa7: {  	s28 =	simm.s32 $_size_execute0_lowered;
	s2 =	sadd.s32 s2, s4;
	[dreg:$0x0] =	wrdreg $0x0  }
0xa8: {  	s4 =	sshll.u32 s28, $0x1;
	[dreg:$0x2] =	wrdreg s2  }
0xa9: {  	[dreg:$0x3] =	wrdreg s4  }
0xaa: {  	[dreg:$0x4] =	wrdreg $0xC0  }
0xab: {  	_ =	task [dreg:s6], $0x5FFFF  }
0xac: {  	[dreg:$0x1] =	wrdreg $0xFFFFFFFF  }
0xad: {  	[dreg:$0x0] =	wrdreg $0x60  }
0xae: {  	[dreg:$0x2] =	wrdreg s24  }
0xaf: {  	[dreg:$0x3] =	wrdreg $0x9  }
0xb0: {  	_ =	task.clear_ibuf [dreg:s6], $0x4FFFF;
	_ =	strace $0x90000046  }
0xb1: {  	s29 =	simm.s32 $0x9;
	_ =	strace $0x80000048  }
0xb2: {  	_ =	swait.ge [sflag:s29], $0x1  }
0xb3: {  	[sflag:s29] =	ssyncadd.s32 $0xFFFFFFFF  }
0xb4: {  	_ =	strace $0x90000048  }
0xb5: {  	_ =	sfence  }
0xb6: {  	s30 =	sld [smem:$0x0];
	_ =	sdelay $0x2  }
0xb7: {  	s31 =	sshll.u32 s1, $0xD;
	s1 =	sshrl.u32 s1, $0x2  }
0xb8: {  	s3 =	sand.u32 $0x4000, s31;
	s1 =	sadd.s32 s1, s30  }
0xb9: {  	s0 =	sor.u32 s3, s0;
	s1 =	sshll.u32 s1, $0x11  }
0xba: {  	s0 =	sor.u32 s1, s0  }
0xbb: {  	s0 =	sadd.s32 $0x8F2B, s0  }
0xbc: {  	[sflag:s0] =	ssyncadd.remote.s32 $0x1  }
0xbd: {  	_ =	sfence.sel $0xFFFF  }
0xbe: {  	[dreg:$0x0] =	wrdreg $0xFFFFFFFF;
	(pc) =	sbr.abs _section_cstart, $3  }
0xbf: {  	[dreg:$0x1] =	wrdreg $0xFFFFFFFF  }
0xc0: {  	_ =	task.clear_ibuf [dreg:s6], $0x2FFFF;
	_ =	strace $0x9FFFFFFF  }
0xc1: {  	(tm) =	ssettm $0x7FFFFFFF  }
tec
execute0_lowered:
.L_overlay_start_1:
0x0: {  	(tag) =	ssettag $0x1  }
0x1: {  	s1 =	srdreg.scid;
	s0 =	stileid.u32  }
0x2: {  	s4 =	rddreg [dreg:$0x0];
	s2 =	simm.s32 $0x0;
	s9 =	simm.s32 $0x0  }
0x3: {  	s3 =	sand.u32 $0x1, s1;
	s29 =	sshll.u32 s0, $0x1;
	s1 =	rddreg [dreg:$0x1]  }
0x4: {  	[smem:$0x7FF] =	sst s2;
	s8 =	sadd.s32 $0x2800, s4;
	s5 =	sor.u32 s3, s29  }
0x5: {  	p0 =	sgt.u32 s0, $0x1;
	_ =	strace $0x80000047;
	s7 =	smul.u32 $0x2700, s5  }
0x6: {  	s3 =	ssub.s32 $0x2, s3;
	s6 =	smul.u32 $0x4E2, s5;
	s5 =	sshll.u32 s5, $0x4  }
0x7: {  	s31 =	sshrl.u32 s3, $0x1;
	s5 =	sadd.s32 s5, s8;
	s30 =	sshrl.u32 s7, $0x3  }
0x8: {  	s6 =	sadd.s32 s6, s4;
	s7 =	ssub.s32 s3, s31;
	s4 =	sadd.s32 s8, s30  }
0x9: {  	s8 =	simm.s32 $0x2700;
	s3 =	sadd.s32 $0x9C40, s4;
	s4 =	sadd.s32 $0x13840, s5  }
0xa: {  	v0 =	vimm.f32 $0.0e+00;
	v1 =	vimm.f32 $1.000000000e+00;
	s5 =	sadd.s32 $0x16200, s6;
	s6 =	smax.u32 s7, $0x1;
	s7 =	simm.s32 $0x1  }
.LBB2_1:
0xb: {  	s10 =	simm.s32 $0x40;
	s11 =	simm.s32 $0x0  }
.LBB2_2:
0xc: {  	p1 =	sne.s32 s10, $0x9C00;
	[tilespmem:s11+$0x2700] =	vst v0;
	s11 =	smov.u32 s10;
	s10 =	sadd.s32 $0x40, s10  }
.Ltmp0:
0xd: {  	(pc) =	sbr.rel @p1 .LBB2_2-.Ltmp0, $2  }
0xe: {  	_ =	sdelay $0x2  }
0xf: {  	s11 =	sshra.s32 s11, $0x2  }
0x10: {  	[tilespmem:s11+$0x2700] =	vst v0;
	s10 =	simm.s32 $0x0  }
0x11: {  	[tilespmem:s10], [sflag:$0x1] =	stream.linear.gather [hbm4b:s3+s10], $0x2700, $0x38;
	[tilespmem:$0x4E10] =	vst v63  }
0x12: {  	s31 =	sand.u32 $0xFE00, s10;
	_ =	swait.ge [sflag:s7], $0x2700  }
0x13: {  	s10 =	sand.u32 $0x70, s10;
	s11 =	sshrl.u32 s31, $0x2;
	[sflag:s7] =	ssyncset.done $0x0  }
0x14: {  	s10 =	sor.u32 s10, s11;
	[sflag:s7] =	ssyncadd.s32 $0xFFFFD900  }
0x15: {  	v2 =	vld [tilespmem:s10+$0x0];
	_ =	sdelay $0x4  }
0x16: {  	s12 =	simm.s32 $0x40  }
0x17: {  	s12 =	sand.u32 $0xFE00, s12;
	s11 =	simm.s32 $0x80;
	s10 =	simm.s32 $0x10  }
.LBB2_4:
0x18: {  	p1 =	sne.s32 s11, $0x9BC0;
	s13 =	sand.u32 $0x70, s10;
	s12 =	sshrl.u32 s12, $0x2  }
0x19: {  	s12 =	sor.u32 s13, s12;
	[tilespmem:v2+s8+$0x0] =	vst.idx.add.f32.msk $0xffff, v1  }
0x1a: {  	v2 =	vld [tilespmem:s12+$0x0];
	_ =	sdelay $0x1  }
.Ltmp1:
0x1b: {  	(pc) =	sbr.rel @p1 .LBB2_4-.Ltmp1, $2  }
0x1c: {  	_ =	sdelay $0x2  }
0x1d: {  	s10 =	sadd.s32 $0x10, s10;
	s12 =	sand.u32 $0xFE00, s11;
	s11 =	sadd.s32 $0x40, s11  }
0x1e: {  	_ =	sdelay $0x2  }
0x1f: {  	s10 =	sand.u32 $0x70, s10;
	s11 =	sshrl.u32 s12, $0x2  }
0x20: {  	[tilespmem:v2+s8+$0x0] =	vst.idx.add.f32.msk $0xffff, v1;
	s10 =	sor.u32 s10, s11  }
0x21: {  	v2 =	vld [tilespmem:s10+$0x0];
	_ =	sdelay $0x7  }
0x22: {  	s10 =	simm.s32 @!p0 $0x0;
	[tilespmem:v2+s8+$0x0] =	vst.idx.add.f32.msk $0xffff, v1  }
0x23: {  	[tilespmem:s10], [sflag:$0x1] =	stream.linear.gather @!p0 [hbm4b:s4+s10], $0x80, $0x38;
	[tilespmem:$0x4E10] =	vst v63  }
0x24: {  	s10 =	simm.s32 @!p0 $0x1  }
0x25: {  	_ =	swait.ge @!p0 [sflag:s10], $0x80  }
0x26: {  	[sflag:s10] =	ssyncset.done @!p0 $0x0  }
0x27: {  	[sflag:s10] =	ssyncadd.s32 @!p0 $0xFFFFFF80  }
0x28: {  	v2 =	vld @!p0 [tilespmem:$0x0];
	_ =	sdelay $0x6  }
0x29: {  	v3 =	vimm.f32 @!p0 $1.000000000e+00;
	s10 =	simm.s32 @!p0 $0x2700  }
0x2a: {  	[tilespmem:v2+s10+$0x0] =	vst.idx.add.f32.msk @!p0 $0xffff, v3  }
0x2b: {  	v2 =	vld @!p0 [tilespmem:$0x10];
	_ =	sdelay $0x7  }
0x2c: {  	[tilespmem:v2+s10+$0x0] =	vst.idx.add.f32.msk @!p0 $0xffff, v3  }
0x2d: {  	v2 =	vld @!p0 [tilespmem:$0x20];
	_ =	sdelay $0x7  }
0x2e: {  	[tilespmem:v2+s10+$0x0] =	vst.idx.add.f32.msk @!p0 $0xffff, v3  }
0x2f: {  	v2 =	vld @!p0 [tilespmem:$0x30];
	_ =	sdelay $0x7  }
0x30: {  	[tilespmem:v2+s10+$0x0] =	vst.idx.add.f32.msk @!p0 $0xffff, v3  }
0x31: {  	v2 =	vld @!p0 [tilespmem:$0x40];
	_ =	sdelay $0x7  }
0x32: {  	[tilespmem:v2+s10+$0x0] =	vst.idx.add.f32.msk @!p0 $0xffff, v3  }
0x33: {  	v2 =	vld @!p0 [tilespmem:$0x50];
	_ =	sdelay $0x7  }
0x34: {  	[tilespmem:v2+s10+$0x0] =	vst.idx.add.f32.msk @!p0 $0xffff, v3  }
0x35: {  	v2 =	vld @!p0 [tilespmem:$0x60];
	_ =	sdelay $0x7  }
0x36: {  	[tilespmem:v2+s10+$0x0] =	vst.idx.add.f32.msk @!p0 $0xffff, v3  }
0x37: {  	v2 =	vld @!p0 [tilespmem:$0x70];
	_ =	sdelay $0x5  }
0x38: {  	s9 =	sadd.s32 $0x1, s9  }
0x39: {  	p1 =	sne.s32 s9, s6  }
.Ltmp2:
0x3a: {  	[tilespmem:v2+s10+$0x0] =	vst.idx.add.f32.msk @!p0 $0xffff, v3;
	(pc) =	sbr.rel @p1 .LBB2_1-.Ltmp2, $4  }
0x3b: {  	[hbm4b:s5+s2] =	stream.linear.scatter [tilespmem:s8], [sflag:$0x1], $0x2710, $0x38;
	[tilespmem:$0x4E10] =	vst v63  }
0x3c: {  	_ =	swait.ge [sflag:s7], $0x2710  }
0x3d: {  	[sflag:s7] =	ssyncset.done $0x0  }
0x3e: {  	[sflag:s7] =	ssyncadd.s32 $0xFFFFD8F0  }
0x3f: {  	_ =	sfence.sel $0x180000  }
0x40: {  	[bflag:$0x0] =	sbarrier.arrive $0xFFFF  }
0x41: {  	p0 =	sne.s32 s0, $0x0;
	_ =	strace $0x90000047  }
0x42: {  	s0 =	sadd.s32 @!p0 $0x100000, s1;
	[bflag:$0x2] =	sbarrier.arrive $0xFFFF  }
0x43: {  	[sflag:s0] =	ssyncadd.tile.s32 @!p0 $0x1;
	_ =	shalt  }
.Lfunc_end2:
_tile_overlayer_lowered:
.L_overlay_start_2:
0x44: {  	(tag) =	ssettag $0x2  }
0x45: {  	s0 =	rddreg [dreg:$0x0];
	s2 =	stileid.u32  }
0x46: {  	s1 =	rddreg [dreg:$0x1];
	p0 =	sne.s32 s2, $0x0  }
0x47: {  	s3 =	rddreg [dreg:$0x2];
	[bflag:$0x3] =	sbarrier.arrive $0xFFFF;
	s2 =	simm.s32 @!p0 $0x1C01  }
0x48: {  	[timem:s3], [sflag:s2] =	dma.local @!p0 [hbm:s0], s1  }
0x49: {  	s0 =	simm.s32 @!p0 $0x1  }
0x4a: {  	_ =	swait.ge @!p0 [sflag:s0], s1  }
0x4b: {  	s1 =	ssub.s32 @!p0 $0x0, s1;
	[sflag:s0] =	ssyncset.done @!p0 $0x0  }
0x4c: {  	[sflag:s0] =	ssyncadd.s32 @!p0 s1  }
0x4d: {  	[bflag:$0x3] =	sbarrier.arrive $0xFFFF  }
0x4e: {  	_ =	shalt  }

</sc_bundles>
